<compile_context>
chip_gen: v7x
topology: tpu7x:2x2x1
jax: 0.10.2.dev20260603
libtpu: 0.0.44.dev20260713+nightly
codegen_flags: <defaults>
</compile_context>

<pallas_src>
import functools

import numpy as np

import jax
import jax.numpy as jnp
from jax import lax
from jax.experimental import pallas as pl
from jax.experimental.pallas import tpu as pltpu
from jax.experimental.pallas import tpu_sc as plsc

N_NODES = 10000
N_EDGES = 320000
D = 128
NC = 2
NS = 16
NW = NC * NS
EPT = N_EDGES // NW
CHUNK = 80
NCHUNK = EPT // CHUNK
NBUF = 4
N_PAD = 10240
ROWS_PT = N_PAD // NS

_mesh = plsc.VectorSubcoreMesh(core_axis_name="c", subcore_axis_name="s")

_ZEROS128 = np.zeros((ROWS_PT, D), np.float32)
_ONES128 = np.ones((CHUNK, D), np.float32)


def _edge_body(h_hbm, ei_hbm, zeros_hbm, out_hbm,
               is0, is1, is2, is3, id0, id1, id2, id3,
               rw0, rw1, rw2, rw3, acc, sem_g, sem_s, sem_is, sem_id):
    cid = lax.axis_index("c")
    sid = lax.axis_index("s")
    r0 = sid * ROWS_PT
    pltpu.sync_copy(zeros_hbm, acc.at[pl.ds(r0, ROWS_PT)])
    base = (cid * NS + sid) * EPT

    isb = [is0, is1, is2, is3]
    idb = [id0, id1, id2, id3]
    rows = [rw0, rw1, rw2, rw3]

    def load_idx_sync(doff, buf, i):
        pltpu.sync_copy(ei_hbm.at[pl.ds(doff + base + i * CHUNK, CHUNK)], buf)

    def load_idx_async(doff, buf, sem, i, b):
        pltpu.async_copy(ei_hbm.at[pl.ds(doff + base + i * CHUNK, CHUNK)],
                         buf[b], sem.at[b])

    def wait_idx(doff, buf, sem, b):
        pltpu.make_async_copy(ei_hbm.at[pl.ds(base, CHUNK)], buf[b], sem.at[b]).wait()

    def issue_gather(i, b):
        pltpu.async_copy(h_hbm.at[isb[b]], rows[b], sem_g.at[b])

    def wait_gather(b):
        pltpu.make_async_copy(h_hbm.at[isb[b]], rows[b], sem_g.at[b]).wait()

    def issue_scatter(i, b):
        pltpu.async_copy(rows[b], acc.at[idb[b]], sem_s.at[b], add=True)

    def wait_scatter(b):
        pltpu.make_async_copy(rows[b], acc.at[idb[b]], sem_s.at[b]).wait()

    for b in range(NBUF):
        load_idx_sync(0, isb[b], b)
    load_idx_sync(N_EDGES, idb[0], 0)
    load_idx_sync(N_EDGES, idb[1], 1)
    plsc.subcore_barrier()

    issue_gather(0, 0)
    issue_gather(1, 1)
    load_idx_async(N_EDGES, idb, sem_id, 2, 2)
    issue_gather(2, 2)
    wait_gather(0)
    load_idx_async(0, isb, sem_is, 4, 0)
    issue_scatter(0, 0)
    load_idx_async(N_EDGES, idb, sem_id, 3, 3)
    issue_gather(3, 3)
    wait_gather(1)
    load_idx_async(0, isb, sem_is, 5, 1)
    issue_scatter(1, 1)

    def steady(i, carry):
        for m in range(NBUF):
            ci = i + m
            p = (2 + m) % NBUF
            wait_scatter(m)
            load_idx_async(N_EDGES, idb, sem_id, ci + 2, m)
            wait_idx(0, isb, sem_is, m)
            issue_gather(ci + 2, m)
            wait_gather(p)
            load_idx_async(0, isb, sem_is, ci + 4, p)
            wait_idx(N_EDGES, idb, sem_id, p)
            issue_scatter(ci, p)
        return carry

    lax.fori_loop(0, 30, lambda j, c: steady(4 * j + 2, c), 0)

    wait_scatter(0)
    load_idx_async(N_EDGES, idb, sem_id, 124, 0)
    wait_idx(0, isb, sem_is, 0)
    issue_gather(124, 0)
    wait_gather(2)
    wait_idx(N_EDGES, idb, sem_id, 2)
    issue_scatter(122, 2)
    wait_gather(3)
    wait_idx(N_EDGES, idb, sem_id, 3)
    issue_scatter(123, 3)
    wait_gather(0)
    wait_idx(N_EDGES, idb, sem_id, 0)
    issue_scatter(124, 0)
    wait_idx(0, isb, sem_is, 1)
    wait_scatter(1)
    wait_scatter(2)
    wait_scatter(3)
    wait_scatter(0)

    plsc.subcore_barrier()
    pltpu.sync_copy(acc.at[pl.ds(r0, ROWS_PT)],
                    out_hbm.at[pl.ds(cid * N_PAD + r0, ROWS_PT)])


_edge_pass = functools.partial(
    pl.kernel,
    mesh=_mesh,
    out_type=jax.ShapeDtypeStruct((NC * N_PAD, D), jnp.float32),
    scratch_types=(
        [pltpu.VMEM((CHUNK,), jnp.int32)] * 8
        + [pltpu.VMEM((CHUNK, D), jnp.float32)] * 4
        + [
            pltpu.VMEM_SHARED((N_PAD, D), jnp.float32),
            pltpu.SemaphoreType.DMA((NBUF,)),
            pltpu.SemaphoreType.DMA((NBUF,)),
            pltpu.SemaphoreType.DMA((NBUF,)),
            pltpu.SemaphoreType.DMA((NBUF,)),
        ]
    ),
)(_edge_body)


def _deg_body(ei_hbm, ones_hbm, zeros_hbm, out_hbm,
              id0, id1, id2, id3, id4, id5, id6, id7, ones_v, acc, sem_s, sem_i):
    cid = lax.axis_index("c")
    sid = lax.axis_index("s")
    r0 = sid * ROWS_PT
    pltpu.sync_copy(zeros_hbm, acc.at[pl.ds(r0, ROWS_PT)])
    pltpu.sync_copy(ones_hbm, ones_v)
    base = (cid * NS + sid) * EPT
    plsc.subcore_barrier()

    idb = [id0, id1, id2, id3, id4, id5, id6, id7]

    def load_idx(i, b8):
        pltpu.async_copy(ei_hbm.at[pl.ds(N_EDGES + base + i * CHUNK, CHUNK)],
                         idb[b8], sem_i.at[b8])

    def issue_scatter(i, b8, bs):
        pltpu.make_async_copy(ei_hbm.at[pl.ds(base, CHUNK)],
                              idb[b8], sem_i.at[b8]).wait()
        pltpu.async_copy(ones_v, acc.at[idb[b8]], sem_s.at[bs], add=True)

    def wait_scatter(b):
        pltpu.make_async_copy(ones_v, acc.at[idb[0]], sem_s.at[b]).wait()

    for b in range(NBUF):
        load_idx(b, b)
    for b in range(NBUF):
        load_idx(b + 4, b + 4)
        issue_scatter(b, b, b)

    def steady(i, carry):
        for m in range(8):
            ci = i + m
            b8 = (4 + m) % 8
            wait_scatter(m % NBUF)
            load_idx(ci + 4, (b8 + 4) % 8)
            issue_scatter(ci, b8, m % NBUF)
        return carry

    lax.fori_loop(0, 14, lambda j, c: steady(8 * j + 4, c), 0)

    for ci in range(116, 125):
        wait_scatter(ci % NBUF)
        if ci + 4 <= 124:
            load_idx(ci + 4, (ci + 4) % 8)
        issue_scatter(ci, ci % 8, ci % NBUF)
    wait_scatter(1)
    wait_scatter(2)
    wait_scatter(3)
    wait_scatter(0)

    plsc.subcore_barrier()
    pltpu.sync_copy(acc.at[pl.ds(r0, ROWS_PT)],
                    out_hbm.at[pl.ds(cid * N_PAD + r0, ROWS_PT)])


_deg_pass = functools.partial(
    pl.kernel,
    mesh=_mesh,
    out_type=jax.ShapeDtypeStruct((NC * N_PAD, D), jnp.float32),
    scratch_types=(
        [pltpu.VMEM((CHUNK,), jnp.int32)] * 8
        + [
            pltpu.VMEM((CHUNK, D), jnp.float32),
            pltpu.VMEM_SHARED((N_PAD, D), jnp.float32),
            pltpu.SemaphoreType.DMA((NBUF,)),
            pltpu.SemaphoreType.DMA((8,)),
        ]
    ),
)(_deg_body)


def _dinv_of(deg_ref):
    deg = deg_ref[0:N_NODES] + deg_ref[N_PAD:N_PAD + N_NODES]
    degt = jnp.max(deg, axis=1, keepdims=True) + 1.0
    return lax.rsqrt(degt)


def _tc1_body(x_ref, w_ref, deg_ref, o_ref, dinv_ref):
    dinv = _dinv_of(deg_ref)
    h = jnp.dot(x_ref[...], w_ref[...], preferred_element_type=jnp.float32)
    o_ref[...] = h * dinv
    dinv_ref[...] = dinv


def _tc2_body(agg_ref, hhat_ref, dinv_ref, b_ref, w_ref, o_ref):
    dinv = dinv_ref[...]
    s = agg_ref[0:N_NODES] + agg_ref[N_PAD:N_PAD + N_NODES] + hhat_ref[...]
    a = jnp.maximum(s * dinv + b_ref[...], 0.0)
    h2 = jnp.dot(a, w_ref[...], preferred_element_type=jnp.float32)
    o_ref[...] = h2 * dinv


def _tc3_body(agg_ref, hhat_ref, dinv_ref, b_ref, wr_ref, br_ref, o_ref):
    dinv = dinv_ref[...]
    s = agg_ref[0:N_NODES] + agg_ref[N_PAD:N_PAD + N_NODES] + hhat_ref[...]
    a = jnp.maximum(s * dinv + b_ref[...], 0.0)
    z = jnp.dot(a, wr_ref[...], preferred_element_type=jnp.float32) + br_ref[...]
    o_ref[...] = jax.nn.sigmoid(z) * 0.8 + 0.1


_f32 = jnp.float32
_tc1 = pl.pallas_call(
    _tc1_body, out_shape=(jax.ShapeDtypeStruct((N_NODES, D), _f32),
                          jax.ShapeDtypeStruct((N_NODES, 1), _f32)))
_tc2 = pl.pallas_call(
    _tc2_body, out_shape=jax.ShapeDtypeStruct((N_NODES, D), _f32))
_tc3 = pl.pallas_call(
    _tc3_body, out_shape=jax.ShapeDtypeStruct((N_NODES, D), _f32))


@jax.jit
def kernel(x, edge_index, W1, b1, W2, b2, Wr, br):
    ei_flat = edge_index.astype(jnp.int32).reshape(2 * N_EDGES)
    zeros128 = jnp.asarray(_ZEROS128)
    ones128 = jnp.asarray(_ONES128)

    degp = _deg_pass(ei_flat, ones128, zeros128)
    hhat, dinv = _tc1(x, W1, degp)
    agg1 = _edge_pass(hhat, ei_flat, zeros128)
    hhat2 = _tc2(agg1, hhat, dinv, b1.reshape(1, D), W2)
    agg2 = _edge_pass(hhat2, ei_flat, zeros128)
    out = _tc3(agg2, hhat2, dinv, b2.reshape(1, D), Wr, br.reshape(1, D))
    return out

# --- scband reference (transcript-rebuilt; emitter-appended) ---
"""Pipeline reference for scband-nbe-gnn-88639535055016 (READ-ONLY COPY).

The authoritative reference and input builder live on the scoring server;
editing this copy changes nothing except your own understanding.
"""

import jax, jax.numpy as jnp
import numpy as np

N_NODES = 10000
N_EDGES = 320000
D_IN = 128
D_HID = 128
D_OUT = 128


def setup_inputs(seed: int = 0) -> dict:
    key = jax.random.key(seed)
    ks = jax.random.split(key, 9)
    x = jax.random.normal(ks[0], (N_NODES, D_IN), dtype=jnp.float32)
    edge_index = jax.random.randint(ks[1], (2, N_EDGES), 0, N_NODES, dtype=jnp.int64) if jax.config.jax_enable_x64 else jax.random.randint(ks[1], (2, N_EDGES), 0, N_NODES).astype(jnp.int32)
    s1 = 1.0 / np.sqrt(D_IN)
    s2 = 1.0 / np.sqrt(D_HID)
    W1 = jax.random.uniform(ks[2], (D_IN, D_HID), dtype=jnp.float32, minval=-s1, maxval=s1)
    b1 = jnp.zeros((D_HID,), dtype=jnp.float32)
    W2 = jax.random.uniform(ks[3], (D_HID, D_HID), dtype=jnp.float32, minval=-s2, maxval=s2)
    b2 = jnp.zeros((D_HID,), dtype=jnp.float32)
    Wr = jax.random.uniform(ks[4], (D_HID, D_OUT), dtype=jnp.float32, minval=-s2, maxval=s2)
    br = jax.random.uniform(ks[5], (D_OUT,), dtype=jnp.float32, minval=-s2, maxval=s2)
    return {"x": x, "edge_index": edge_index, "W1": W1, "b1": b1, "W2": W2, "b2": b2, "Wr": Wr, "br": br}


def gcn_conv(x, src, dst, W, b, num_nodes):
    # PyG GCNConv: add self-loops, symmetric normalization, x' = norm-agg(xW) + b
    loop = jnp.arange(num_nodes, dtype=src.dtype)
    src_f = jnp.concatenate([src, loop])
    dst_f = jnp.concatenate([dst, loop])
    deg = jnp.zeros((num_nodes,), dtype=x.dtype).at[dst_f].add(1.0)
    dinv = jnp.where(deg > 0, jax.lax.rsqrt(deg), 0.0)
    norm = dinv[src_f] * dinv[dst_f]
    h = x @ W
    msg = h[src_f] * norm[:, None]
    out = jnp.zeros((num_nodes, h.shape[1]), dtype=x.dtype).at[dst_f].add(msg)
    return out + b


def reference(x, edge_index, W1, b1, W2, b2, Wr, br):
    src = edge_index[0]
    dst = edge_index[1]
    n = x.shape[0]
    h = gcn_conv(x, src, dst, W1, b1, n)
    h = jax.nn.relu(h)
    # dropout skipped (eval mode)
    h = gcn_conv(h, src, dst, W2, b2, n)
    h = jax.nn.relu(h)
    out = h @ Wr + br
    out = jax.nn.sigmoid(out) * 0.8 + 0.1
    return out

if __name__ == "__main__":
    import jax
    _d = setup_inputs()
    print(jax.jit(kernel)(*tuple(_d.values())))

</pallas_src>

<mosaic_0001>
#map = affine_map<(d0, d1) -> (0, 0)>
#map1 = affine_map<(d0, d1) -> (0)>
module attributes {stable_mosaic.version = 14 : i64} {
  func.func @_edge_body(%arg0: i32, %arg1: i32, %arg2: memref<10000x128xf32, #tpu.memory_space<hbm>>, %arg3: memref<640000xi32, #tpu.memory_space<hbm>>, %arg4: memref<640x128xf32, #tpu.memory_space<hbm>>, %arg5: memref<20480x128xf32, #tpu.memory_space<hbm>>, %arg6: memref<80xi32, #tpu.memory_space<vmem>>, %arg7: memref<80xi32, #tpu.memory_space<vmem>>, %arg8: memref<80xi32, #tpu.memory_space<vmem>>, %arg9: memref<80xi32, #tpu.memory_space<vmem>>, %arg10: memref<80xi32, #tpu.memory_space<vmem>>, %arg11: memref<80xi32, #tpu.memory_space<vmem>>, %arg12: memref<80xi32, #tpu.memory_space<vmem>>, %arg13: memref<80xi32, #tpu.memory_space<vmem>>, %arg14: memref<80x128xf32, #tpu.memory_space<vmem>>, %arg15: memref<80x128xf32, #tpu.memory_space<vmem>>, %arg16: memref<80x128xf32, #tpu.memory_space<vmem>>, %arg17: memref<80x128xf32, #tpu.memory_space<vmem>>, %arg18: memref<10240x128xf32, #tpu.memory_space<vmem_shared>>, %arg19: memref<4x!tpu.dma_semaphore, #tpu.memory_space<semaphore_mem>>, %arg20: memref<4x!tpu.dma_semaphore, #tpu.memory_space<semaphore_mem>>, %arg21: memref<4x!tpu.dma_semaphore, #tpu.memory_space<semaphore_mem>>, %arg22: memref<4x!tpu.dma_semaphore, #tpu.memory_space<semaphore_mem>>) attributes {dimension_semantics = [#tpu.dimension_semantics<core_parallel>, #tpu.dimension_semantics<subcore_parallel>], iteration_bounds = array<i64: 2, 16>, scalar_prefetch = 0 : i64, scratch_operands = 17 : i64, tpu.core_type = #tpu.core_type<sc_vector_subcore>, window_params = [{transform_indices = #map}, {transform_indices = #map1}, {transform_indices = #map}, {transform_indices = #map}]} {
    %mul3A = arith.constant 640 : i32
    %mul3A_0 = arith.muli %arg1, %mul3A : i32
    "tpu.region"() ({
      %run_scoped3A = tpu.sem_alloc : memref<!tpu.dma_semaphore, #tpu.memory_space<semaphore_mem>>
      %dma_start3A_226 = arith.constant 0 : i32
      %dma_start3A_227 = tpu.memref_slice %arg18[%mul3A_0, %dma_start3A_226] : memref<10240x128xf32, #tpu.memory_space<vmem_shared>> -> memref<640x128xf32, #tpu.memory_space<vmem_shared>>
      tpu.enqueue_dma source(%arg4 : memref<640x128xf32, #tpu.memory_space<hbm>>) target(%dma_start3A_227 : memref<640x128xf32, #tpu.memory_space<vmem_shared>>) target_semaphore(%run_scoped3A : memref<!tpu.dma_semaphore, #tpu.memory_space<semaphore_mem>>)
      %dma_wait3A_228 = arith.constant 0 : i32
      %dma_wait3A_229 = tpu.memref_slice %arg18[%mul3A_0, %dma_wait3A_228] : memref<10240x128xf32, #tpu.memory_space<vmem_shared>> -> memref<640x128xf32, #tpu.memory_space<vmem_shared>>
      tpu.wait_dma2 semaphore(%run_scoped3A : memref<!tpu.dma_semaphore, #tpu.memory_space<semaphore_mem>>) src(%arg4 : memref<640x128xf32, #tpu.memory_space<hbm>>) dst(%dma_wait3A_229 : memref<640x128xf32, #tpu.memory_space<vmem_shared>>)
      tpu.yield
    }) : () -> ()
    %mul3A_1 = arith.constant 16 : i32
    %mul3A_2 = arith.muli %arg0, %mul3A_1 : i32
    %add3A = arith.addi %mul3A_2, %arg1 : i32
    %mul3A_3 = arith.constant 10000 : i32
    %mul3A_4 = arith.muli %add3A, %mul3A_3 : i32
    %add3A_5 = arith.constant 0 : i32
    %add3A_6 = arith.addi %add3A_5, %mul3A_4 : i32
    %add3A_7 = arith.constant 0 : i32
    %add3A_8 = arith.addi %add3A_6, %add3A_7 : i32
    "tpu.region"() ({
      %run_scoped3A = tpu.sem_alloc : memref<!tpu.dma_semaphore, #tpu.memory_space<semaphore_mem>>
      %dma_start3A_226 = tpu.memref_slice %arg3[%add3A_8] : memref<640000xi32, #tpu.memory_space<hbm>> -> memref<80xi32, #tpu.memory_space<hbm>>
      %dma_start3A_227 = tpu.memref_slice %arg3[%add3A_8] : memref<640000xi32, #tpu.memory_space<hbm>> -> memref<80xi32, #tpu.memory_space<hbm>>
      tpu.enqueue_dma source(%dma_start3A_227 : memref<80xi32, #tpu.memory_space<hbm>>) target(%arg6 : memref<80xi32, #tpu.memory_space<vmem>>) target_semaphore(%run_scoped3A : memref<!tpu.dma_semaphore, #tpu.memory_space<semaphore_mem>>)
      %dma_wait3A_228 = tpu.memref_slice %arg3[%add3A_8] : memref<640000xi32, #tpu.memory_space<hbm>> -> memref<80xi32, #tpu.memory_space<hbm>>
      %dma_wait3A_229 = tpu.memref_slice %arg3[%add3A_8] : memref<640000xi32, #tpu.memory_space<hbm>> -> memref<80xi32, #tpu.memory_space<hbm>>
      tpu.wait_dma2 semaphore(%run_scoped3A : memref<!tpu.dma_semaphore, #tpu.memory_space<semaphore_mem>>) src(%dma_wait3A_229 : memref<80xi32, #tpu.memory_space<hbm>>) dst(%arg6 : memref<80xi32, #tpu.memory_space<vmem>>)
      tpu.yield
    }) : () -> ()
    %add3A_9 = arith.constant 0 : i32
    %add3A_10 = arith.addi %add3A_9, %mul3A_4 : i32
    %add3A_11 = arith.constant 80 : i32
    %add3A_12 = arith.addi %add3A_10, %add3A_11 : i32
    "tpu.region"() ({
      %run_scoped3A = tpu.sem_alloc : memref<!tpu.dma_semaphore, #tpu.memory_space<semaphore_mem>>
      %dma_start3A_226 = tpu.memref_slice %arg3[%add3A_12] : memref<640000xi32, #tpu.memory_space<hbm>> -> memref<80xi32, #tpu.memory_space<hbm>>
      %dma_start3A_227 = tpu.memref_slice %arg3[%add3A_12] : memref<640000xi32, #tpu.memory_space<hbm>> -> memref<80xi32, #tpu.memory_space<hbm>>
      tpu.enqueue_dma source(%dma_start3A_227 : memref<80xi32, #tpu.memory_space<hbm>>) target(%arg7 : memref<80xi32, #tpu.memory_space<vmem>>) target_semaphore(%run_scoped3A : memref<!tpu.dma_semaphore, #tpu.memory_space<semaphore_mem>>)
      %dma_wait3A_228 = tpu.memref_slice %arg3[%add3A_12] : memref<640000xi32, #tpu.memory_space<hbm>> -> memref<80xi32, #tpu.memory_space<hbm>>
      %dma_wait3A_229 = tpu.memref_slice %arg3[%add3A_12] : memref<640000xi32, #tpu.memory_space<hbm>> -> memref<80xi32, #tpu.memory_space<hbm>>
      tpu.wait_dma2 semaphore(%run_scoped3A : memref<!tpu.dma_semaphore, #tpu.memory_space<semaphore_mem>>) src(%dma_wait3A_229 : memref<80xi32, #tpu.memory_space<hbm>>) dst(%arg7 : memref<80xi32, #tpu.memory_space<vmem>>)
      tpu.yield
    }) : () -> ()
    %add3A_13 = arith.constant 0 : i32
    %add3A_14 = arith.addi %add3A_13, %mul3A_4 : i32
    %add3A_15 = arith.constant 160 : i32
    %add3A_16 = arith.addi %add3A_14, %add3A_15 : i32
    "tpu.region"() ({
      %run_scoped3A = tpu.sem_alloc : memref<!tpu.dma_semaphore, #tpu.memory_space<semaphore_mem>>
      %dma_start3A_226 = tpu.memref_slice %arg3[%add3A_16] : memref<640000xi32, #tpu.memory_space<hbm>> -> memref<80xi32, #tpu.memory_space<hbm>>
      %dma_start3A_227 = tpu.memref_slice %arg3[%add3A_16] : memref<640000xi32, #tpu.memory_space<hbm>> -> memref<80xi32, #tpu.memory_space<hbm>>
      tpu.enqueue_dma source(%dma_start3A_227 : memref<80xi32, #tpu.memory_space<hbm>>) target(%arg8 : memref<80xi32, #tpu.memory_space<vmem>>) target_semaphore(%run_scoped3A : memref<!tpu.dma_semaphore, #tpu.memory_space<semaphore_mem>>)
      %dma_wait3A_228 = tpu.memref_slice %arg3[%add3A_16] : memref<640000xi32, #tpu.memory_space<hbm>> -> memref<80xi32, #tpu.memory_space<hbm>>
      %dma_wait3A_229 = tpu.memref_slice %arg3[%add3A_16] : memref<640000xi32, #tpu.memory_space<hbm>> -> memref<80xi32, #tpu.memory_space<hbm>>
      tpu.wait_dma2 semaphore(%run_scoped3A : memref<!tpu.dma_semaphore, #tpu.memory_space<semaphore_mem>>) src(%dma_wait3A_229 : memref<80xi32, #tpu.memory_space<hbm>>) dst(%arg8 : memref<80xi32, #tpu.memory_space<vmem>>)
      tpu.yield
    }) : () -> ()
    %add3A_17 = arith.constant 0 : i32
    %add3A_18 = arith.addi %add3A_17, %mul3A_4 : i32
    %add3A_19 = arith.constant 240 : i32
    %add3A_20 = arith.addi %add3A_18, %add3A_19 : i32
    "tpu.region"() ({
      %run_scoped3A = tpu.sem_alloc : memref<!tpu.dma_semaphore, #tpu.memory_space<semaphore_mem>>
      %dma_start3A_226 = tpu.memref_slice %arg3[%add3A_20] : memref<640000xi32, #tpu.memory_space<hbm>> -> memref<80xi32, #tpu.memory_space<hbm>>
      %dma_start3A_227 = tpu.memref_slice %arg3[%add3A_20] : memref<640000xi32, #tpu.memory_space<hbm>> -> memref<80xi32, #tpu.memory_space<hbm>>
      tpu.enqueue_dma source(%dma_start3A_227 : memref<80xi32, #tpu.memory_space<hbm>>) target(%arg9 : memref<80xi32, #tpu.memory_space<vmem>>) target_semaphore(%run_scoped3A : memref<!tpu.dma_semaphore, #tpu.memory_space<semaphore_mem>>)
      %dma_wait3A_228 = tpu.memref_slice %arg3[%add3A_20] : memref<640000xi32, #tpu.memory_space<hbm>> -> memref<80xi32, #tpu.memory_space<hbm>>
      %dma_wait3A_229 = tpu.memref_slice %arg3[%add3A_20] : memref<640000xi32, #tpu.memory_space<hbm>> -> memref<80xi32, #tpu.memory_space<hbm>>
      tpu.wait_dma2 semaphore(%run_scoped3A : memref<!tpu.dma_semaphore, #tpu.memory_space<semaphore_mem>>) src(%dma_wait3A_229 : memref<80xi32, #tpu.memory_space<hbm>>) dst(%arg9 : memref<80xi32, #tpu.memory_space<vmem>>)
      tpu.yield
    }) : () -> ()
    %add3A_21 = arith.constant 320000 : i32
    %add3A_22 = arith.addi %add3A_21, %mul3A_4 : i32
    %add3A_23 = arith.constant 0 : i32
    %add3A_24 = arith.addi %add3A_22, %add3A_23 : i32
    "tpu.region"() ({
      %run_scoped3A = tpu.sem_alloc : memref<!tpu.dma_semaphore, #tpu.memory_space<semaphore_mem>>
      %dma_start3A_226 = tpu.memref_slice %arg3[%add3A_24] : memref<640000xi32, #tpu.memory_space<hbm>> -> memref<80xi32, #tpu.memory_space<hbm>>
      %dma_start3A_227 = tpu.memref_slice %arg3[%add3A_24] : memref<640000xi32, #tpu.memory_space<hbm>> -> memref<80xi32, #tpu.memory_space<hbm>>
      tpu.enqueue_dma source(%dma_start3A_227 : memref<80xi32, #tpu.memory_space<hbm>>) target(%arg10 : memref<80xi32, #tpu.memory_space<vmem>>) target_semaphore(%run_scoped3A : memref<!tpu.dma_semaphore, #tpu.memory_space<semaphore_mem>>)
      %dma_wait3A_228 = tpu.memref_slice %arg3[%add3A_24] : memref<640000xi32, #tpu.memory_space<hbm>> -> memref<80xi32, #tpu.memory_space<hbm>>
      %dma_wait3A_229 = tpu.memref_slice %arg3[%add3A_24] : memref<640000xi32, #tpu.memory_space<hbm>> -> memref<80xi32, #tpu.memory_space<hbm>>
      tpu.wait_dma2 semaphore(%run_scoped3A : memref<!tpu.dma_semaphore, #tpu.memory_space<semaphore_mem>>) src(%dma_wait3A_229 : memref<80xi32, #tpu.memory_space<hbm>>) dst(%arg10 : memref<80xi32, #tpu.memory_space<vmem>>)
      tpu.yield
    }) : () -> ()
    %add3A_25 = arith.constant 320000 : i32
    %add3A_26 = arith.addi %add3A_25, %mul3A_4 : i32
    %add3A_27 = arith.constant 80 : i32
    %add3A_28 = arith.addi %add3A_26, %add3A_27 : i32
    "tpu.region"() ({
      %run_scoped3A = tpu.sem_alloc : memref<!tpu.dma_semaphore, #tpu.memory_space<semaphore_mem>>
      %dma_start3A_226 = tpu.memref_slice %arg3[%add3A_28] : memref<640000xi32, #tpu.memory_space<hbm>> -> memref<80xi32, #tpu.memory_space<hbm>>
      %dma_start3A_227 = tpu.memref_slice %arg3[%add3A_28] : memref<640000xi32, #tpu.memory_space<hbm>> -> memref<80xi32, #tpu.memory_space<hbm>>
      tpu.enqueue_dma source(%dma_start3A_227 : memref<80xi32, #tpu.memory_space<hbm>>) target(%arg11 : memref<80xi32, #tpu.memory_space<vmem>>) target_semaphore(%run_scoped3A : memref<!tpu.dma_semaphore, #tpu.memory_space<semaphore_mem>>)
      %dma_wait3A_228 = tpu.memref_slice %arg3[%add3A_28] : memref<640000xi32, #tpu.memory_space<hbm>> -> memref<80xi32, #tpu.memory_space<hbm>>
      %dma_wait3A_229 = tpu.memref_slice %arg3[%add3A_28] : memref<640000xi32, #tpu.memory_space<hbm>> -> memref<80xi32, #tpu.memory_space<hbm>>
      tpu.wait_dma2 semaphore(%run_scoped3A : memref<!tpu.dma_semaphore, #tpu.memory_space<semaphore_mem>>) src(%dma_wait3A_229 : memref<80xi32, #tpu.memory_space<hbm>>) dst(%arg11 : memref<80xi32, #tpu.memory_space<vmem>>)
      tpu.yield
    }) : () -> ()
    %barrier3A = arith.constant 0 : index
    tpu.barrier barrier_id(%barrier3A)
    %dma_start3A = arith.constant 0 : i32
    %dma_start3A_29 = arith.constant 0 : i32
    %dma_start3A_30 = arith.constant 0 : i32
    %dma_start3A_31 = tpu.memref_slice %arg2[%dma_start3A_29, %dma_start3A_30] : memref<10000x128xf32, #tpu.memory_space<hbm>> -> memref<10000x128xf32, #tpu.memory_space<hbm>>
    %dma_start3A_32 = tpu.memref_slice %arg19[%dma_start3A] : memref<4x!tpu.dma_semaphore, #tpu.memory_space<semaphore_mem>> -> memref<1x!tpu.dma_semaphore, #tpu.memory_space<semaphore_mem>>
    %dma_start3A_33 = tpu.memref_squeeze %dma_start3A_32 : memref<1x!tpu.dma_semaphore, #tpu.memory_space<semaphore_mem>> -> memref<!tpu.dma_semaphore, #tpu.memory_space<semaphore_mem>>
    tpu.enqueue_indirect_dma source(%dma_start3A_31 : memref<10000x128xf32, #tpu.memory_space<hbm>>) target(%arg14 : memref<80x128xf32, #tpu.memory_space<vmem>>) offsets(%arg6 : memref<80xi32, #tpu.memory_space<vmem>>) semaphore(%dma_start3A_33 : memref<!tpu.dma_semaphore, #tpu.memory_space<semaphore_mem>>)
    %dma_start3A_34 = arith.constant 1 : i32
    %dma_start3A_35 = arith.constant 0 : i32
    %dma_start3A_36 = arith.constant 0 : i32
    %dma_start3A_37 = tpu.memref_slice %arg2[%dma_start3A_35, %dma_start3A_36] : memref<10000x128xf32, #tpu.memory_space<hbm>> -> memref<10000x128xf32, #tpu.memory_space<hbm>>
    %dma_start3A_38 = tpu.memref_slice %arg19[%dma_start3A_34] : memref<4x!tpu.dma_semaphore, #tpu.memory_space<semaphore_mem>> -> memref<1x!tpu.dma_semaphore, #tpu.memory_space<semaphore_mem>>
    %dma_start3A_39 = tpu.memref_squeeze %dma_start3A_38 : memref<1x!tpu.dma_semaphore, #tpu.memory_space<semaphore_mem>> -> memref<!tpu.dma_semaphore, #tpu.memory_space<semaphore_mem>>
    tpu.enqueue_indirect_dma source(%dma_start3A_37 : memref<10000x128xf32, #tpu.memory_space<hbm>>) target(%arg15 : memref<80x128xf32, #tpu.memory_space<vmem>>) offsets(%arg7 : memref<80xi32, #tpu.memory_space<vmem>>) semaphore(%dma_start3A_39 : memref<!tpu.dma_semaphore, #tpu.memory_space<semaphore_mem>>)
    %add3A_40 = arith.constant 320000 : i32
    %add3A_41 = arith.addi %add3A_40, %mul3A_4 : i32
    %add3A_42 = arith.constant 160 : i32
    %add3A_43 = arith.addi %add3A_41, %add3A_42 : i32
    %dma_start3A_44 = arith.constant 2 : i32
    %dma_start3A_45 = tpu.memref_slice %arg3[%add3A_43] : memref<640000xi32, #tpu.memory_space<hbm>> -> memref<80xi32, #tpu.memory_space<hbm>>
    %dma_start3A_46 = tpu.memref_slice %arg22[%dma_start3A_44] : memref<4x!tpu.dma_semaphore, #tpu.memory_space<semaphore_mem>> -> memref<1x!tpu.dma_semaphore, #tpu.memory_space<semaphore_mem>>
    %dma_start3A_47 = tpu.memref_squeeze %dma_start3A_46 : memref<1x!tpu.dma_semaphore, #tpu.memory_space<semaphore_mem>> -> memref<!tpu.dma_semaphore, #tpu.memory_space<semaphore_mem>>
    %dma_start3A_48 = tpu.memref_slice %arg3[%add3A_43] : memref<640000xi32, #tpu.memory_space<hbm>> -> memref<80xi32, #tpu.memory_space<hbm>>
    tpu.enqueue_dma source(%dma_start3A_48 : memref<80xi32, #tpu.memory_space<hbm>>) target(%arg12 : memref<80xi32, #tpu.memory_space<vmem>>) target_semaphore(%dma_start3A_47 : memref<!tpu.dma_semaphore, #tpu.memory_space<semaphore_mem>>)
    %dma_start3A_49 = arith.constant 2 : i32
    %dma_start3A_50 = arith.constant 0 : i32
    %dma_start3A_51 = arith.constant 0 : i32
    %dma_start3A_52 = tpu.memref_slice %arg2[%dma_start3A_50, %dma_start3A_51] : memref<10000x128xf32, #tpu.memory_space<hbm>> -> memref<10000x128xf32, #tpu.memory_space<hbm>>
    %dma_start3A_53 = tpu.memref_slice %arg19[%dma_start3A_49] : memref<4x!tpu.dma_semaphore, #tpu.memory_space<semaphore_mem>> -> memref<1x!tpu.dma_semaphore, #tpu.memory_space<semaphore_mem>>
    %dma_start3A_54 = tpu.memref_squeeze %dma_start3A_53 : memref<1x!tpu.dma_semaphore, #tpu.memory_space<semaphore_mem>> -> memref<!tpu.dma_semaphore, #tpu.memory_space<semaphore_mem>>
    tpu.enqueue_indirect_dma source(%dma_start3A_52 : memref<10000x128xf32, #tpu.memory_space<hbm>>) target(%arg16 : memref<80x128xf32, #tpu.memory_space<vmem>>) offsets(%arg8 : memref<80xi32, #tpu.memory_space<vmem>>) semaphore(%dma_start3A_54 : memref<!tpu.dma_semaphore, #tpu.memory_space<semaphore_mem>>)
    %dma_wait3A = arith.constant 0 : i32
    %dma_wait3A_55 = arith.constant 0 : i32
    %dma_wait3A_56 = arith.constant 0 : i32
    %dma_wait3A_57 = tpu.memref_slice %arg2[%dma_wait3A_55, %dma_wait3A_56] : memref<10000x128xf32, #tpu.memory_space<hbm>> -> memref<10000x128xf32, #tpu.memory_space<hbm>>
    %dma_wait3A_58 = tpu.memref_slice %arg19[%dma_wait3A] : memref<4x!tpu.dma_semaphore, #tpu.memory_space<semaphore_mem>> -> memref<1x!tpu.dma_semaphore, #tpu.memory_space<semaphore_mem>>
    %dma_wait3A_59 = tpu.memref_squeeze %dma_wait3A_58 : memref<1x!tpu.dma_semaphore, #tpu.memory_space<semaphore_mem>> -> memref<!tpu.dma_semaphore, #tpu.memory_space<semaphore_mem>>
    tpu.wait_indirect_dma semaphore(%dma_wait3A_59 : memref<!tpu.dma_semaphore, #tpu.memory_space<semaphore_mem>>) src(%dma_wait3A_57 : memref<10000x128xf32, #tpu.memory_space<hbm>>) dst(%arg14 : memref<80x128xf32, #tpu.memory_space<vmem>>)
    %add3A_60 = arith.constant 0 : i32
    %add3A_61 = arith.addi %add3A_60, %mul3A_4 : i32
    %add3A_62 = arith.constant 320 : i32
    %add3A_63 = arith.addi %add3A_61, %add3A_62 : i32
    %dma_start3A_64 = arith.constant 0 : i32
    %dma_start3A_65 = tpu.memref_slice %arg3[%add3A_63] : memref<640000xi32, #tpu.memory_space<hbm>> -> memref<80xi32, #tpu.memory_space<hbm>>
    %dma_start3A_66 = tpu.memref_slice %arg21[%dma_start3A_64] : memref<4x!tpu.dma_semaphore, #tpu.memory_space<semaphore_mem>> -> memref<1x!tpu.dma_semaphore, #tpu.memory_space<semaphore_mem>>
    %dma_start3A_67 = tpu.memref_squeeze %dma_start3A_66 : memref<1x!tpu.dma_semaphore, #tpu.memory_space<semaphore_mem>> -> memref<!tpu.dma_semaphore, #tpu.memory_space<semaphore_mem>>
    %dma_start3A_68 = tpu.memref_slice %arg3[%add3A_63] : memref<640000xi32, #tpu.memory_space<hbm>> -> memref<80xi32, #tpu.memory_space<hbm>>
    tpu.enqueue_dma source(%dma_start3A_68 : memref<80xi32, #tpu.memory_space<hbm>>) target(%arg6 : memref<80xi32, #tpu.memory_space<vmem>>) target_semaphore(%dma_start3A_67 : memref<!tpu.dma_semaphore, #tpu.memory_space<semaphore_mem>>)
    %dma_start3A_69 = arith.constant 0 : i32
    %dma_start3A_70 = arith.constant 0 : i32
    %dma_start3A_71 = arith.constant 0 : i32
    %dma_start3A_72 = tpu.memref_slice %arg18[%dma_start3A_70, %dma_start3A_71] : memref<10240x128xf32, #tpu.memory_space<vmem_shared>> -> memref<10240x128xf32, #tpu.memory_space<vmem_shared>>
    %dma_start3A_73 = tpu.memref_slice %arg20[%dma_start3A_69] : memref<4x!tpu.dma_semaphore, #tpu.memory_space<semaphore_mem>> -> memref<1x!tpu.dma_semaphore, #tpu.memory_space<semaphore_mem>>
    %dma_start3A_74 = tpu.memref_squeeze %dma_start3A_73 : memref<1x!tpu.dma_semaphore, #tpu.memory_space<semaphore_mem>> -> memref<!tpu.dma_semaphore, #tpu.memory_space<semaphore_mem>>
    tpu.enqueue_indirect_dma source(%arg14 : memref<80x128xf32, #tpu.memory_space<vmem>>) target(%dma_start3A_72 : memref<10240x128xf32, #tpu.memory_space<vmem_shared>>) offsets(%arg10 : memref<80xi32, #tpu.memory_space<vmem>>) semaphore(%dma_start3A_74 : memref<!tpu.dma_semaphore, #tpu.memory_space<semaphore_mem>>) {add = true}
    %add3A_75 = arith.constant 320000 : i32
    %add3A_76 = arith.addi %add3A_75, %mul3A_4 : i32
    %add3A_77 = arith.constant 240 : i32
    %add3A_78 = arith.addi %add3A_76, %add3A_77 : i32
    %dma_start3A_79 = arith.constant 3 : i32
    %dma_start3A_80 = tpu.memref_slice %arg3[%add3A_78] : memref<640000xi32, #tpu.memory_space<hbm>> -> memref<80xi32, #tpu.memory_space<hbm>>
    %dma_start3A_81 = tpu.memref_slice %arg22[%dma_start3A_79] : memref<4x!tpu.dma_semaphore, #tpu.memory_space<semaphore_mem>> -> memref<1x!tpu.dma_semaphore, #tpu.memory_space<semaphore_mem>>
    %dma_start3A_82 = tpu.memref_squeeze %dma_start3A_81 : memref<1x!tpu.dma_semaphore, #tpu.memory_space<semaphore_mem>> -> memref<!tpu.dma_semaphore, #tpu.memory_space<semaphore_mem>>
    %dma_start3A_83 = tpu.memref_slice %arg3[%add3A_78] : memref<640000xi32, #tpu.memory_space<hbm>> -> memref<80xi32, #tpu.memory_space<hbm>>
    tpu.enqueue_dma source(%dma_start3A_83 : memref<80xi32, #tpu.memory_space<hbm>>) target(%arg13 : memref<80xi32, #tpu.memory_space<vmem>>) target_semaphore(%dma_start3A_82 : memref<!tpu.dma_semaphore, #tpu.memory_space<semaphore_mem>>)
    %dma_start3A_84 = arith.constant 3 : i32
    %dma_start3A_85 = arith.constant 0 : i32
    %dma_start3A_86 = arith.constant 0 : i32
    %dma_start3A_87 = tpu.memref_slice %arg2[%dma_start3A_85, %dma_start3A_86] : memref<10000x128xf32, #tpu.memory_space<hbm>> -> memref<10000x128xf32, #tpu.memory_space<hbm>>
    %dma_start3A_88 = tpu.memref_slice %arg19[%dma_start3A_84] : memref<4x!tpu.dma_semaphore, #tpu.memory_space<semaphore_mem>> -> memref<1x!tpu.dma_semaphore, #tpu.memory_space<semaphore_mem>>
    %dma_start3A_89 = tpu.memref_squeeze %dma_start3A_88 : memref<1x!tpu.dma_semaphore, #tpu.memory_space<semaphore_mem>> -> memref<!tpu.dma_semaphore, #tpu.memory_space<semaphore_mem>>
    tpu.enqueue_indirect_dma source(%dma_start3A_87 : memref<10000x128xf32, #tpu.memory_space<hbm>>) target(%arg17 : memref<80x128xf32, #tpu.memory_space<vmem>>) offsets(%arg9 : memref<80xi32, #tpu.memory_space<vmem>>) semaphore(%dma_start3A_89 : memref<!tpu.dma_semaphore, #tpu.memory_space<semaphore_mem>>)
    %dma_wait3A_90 = arith.constant 1 : i32
    %dma_wait3A_91 = arith.constant 0 : i32
    %dma_wait3A_92 = arith.constant 0 : i32
    %dma_wait3A_93 = tpu.memref_slice %arg2[%dma_wait3A_91, %dma_wait3A_92] : memref<10000x128xf32, #tpu.memory_space<hbm>> -> memref<10000x128xf32, #tpu.memory_space<hbm>>
    %dma_wait3A_94 = tpu.memref_slice %arg19[%dma_wait3A_90] : memref<4x!tpu.dma_semaphore, #tpu.memory_space<semaphore_mem>> -> memref<1x!tpu.dma_semaphore, #tpu.memory_space<semaphore_mem>>
    %dma_wait3A_95 = tpu.memref_squeeze %dma_wait3A_94 : memref<1x!tpu.dma_semaphore, #tpu.memory_space<semaphore_mem>> -> memref<!tpu.dma_semaphore, #tpu.memory_space<semaphore_mem>>
    tpu.wait_indirect_dma semaphore(%dma_wait3A_95 : memref<!tpu.dma_semaphore, #tpu.memory_space<semaphore_mem>>) src(%dma_wait3A_93 : memref<10000x128xf32, #tpu.memory_space<hbm>>) dst(%arg15 : memref<80x128xf32, #tpu.memory_space<vmem>>)
    %add3A_96 = arith.constant 0 : i32
    %add3A_97 = arith.addi %add3A_96, %mul3A_4 : i32
    %add3A_98 = arith.constant 400 : i32
    %add3A_99 = arith.addi %add3A_97, %add3A_98 : i32
    %dma_start3A_100 = arith.constant 1 : i32
    %dma_start3A_101 = tpu.memref_slice %arg3[%add3A_99] : memref<640000xi32, #tpu.memory_space<hbm>> -> memref<80xi32, #tpu.memory_space<hbm>>
    %dma_start3A_102 = tpu.memref_slice %arg21[%dma_start3A_100] : memref<4x!tpu.dma_semaphore, #tpu.memory_space<semaphore_mem>> -> memref<1x!tpu.dma_semaphore, #tpu.memory_space<semaphore_mem>>
    %dma_start3A_103 = tpu.memref_squeeze %dma_start3A_102 : memref<1x!tpu.dma_semaphore, #tpu.memory_space<semaphore_mem>> -> memref<!tpu.dma_semaphore, #tpu.memory_space<semaphore_mem>>
    %dma_start3A_104 = tpu.memref_slice %arg3[%add3A_99] : memref<640000xi32, #tpu.memory_space<hbm>> -> memref<80xi32, #tpu.memory_space<hbm>>
    tpu.enqueue_dma source(%dma_start3A_104 : memref<80xi32, #tpu.memory_space<hbm>>) target(%arg7 : memref<80xi32, #tpu.memory_space<vmem>>) target_semaphore(%dma_start3A_103 : memref<!tpu.dma_semaphore, #tpu.memory_space<semaphore_mem>>)
    %dma_start3A_105 = arith.constant 1 : i32
    %dma_start3A_106 = arith.constant 0 : i32
    %dma_start3A_107 = arith.constant 0 : i32
    %dma_start3A_108 = tpu.memref_slice %arg18[%dma_start3A_106, %dma_start3A_107] : memref<10240x128xf32, #tpu.memory_space<vmem_shared>> -> memref<10240x128xf32, #tpu.memory_space<vmem_shared>>
    %dma_start3A_109 = tpu.memref_slice %arg20[%dma_start3A_105] : memref<4x!tpu.dma_semaphore, #tpu.memory_space<semaphore_mem>> -> memref<1x!tpu.dma_semaphore, #tpu.memory_space<semaphore_mem>>
    %dma_start3A_110 = tpu.memref_squeeze %dma_start3A_109 : memref<1x!tpu.dma_semaphore, #tpu.memory_space<semaphore_mem>> -> memref<!tpu.dma_semaphore, #tpu.memory_space<semaphore_mem>>
    tpu.enqueue_indirect_dma source(%arg15 : memref<80x128xf32, #tpu.memory_space<vmem>>) target(%dma_start3A_108 : memref<10240x128xf32, #tpu.memory_space<vmem_shared>>) offsets(%arg11 : memref<80xi32, #tpu.memory_space<vmem>>) semaphore(%dma_start3A_110 : memref<!tpu.dma_semaphore, #tpu.memory_space<semaphore_mem>>) {add = true}
    %scan3A = arith.constant 0 : i32
    %scan3A_111 = arith.constant 0 : i32
    %scan3A_112 = arith.constant 30 : i32
    %scan3A_113 = arith.addi %scan3A_111, %scan3A_112 : i32
    %scan3A_114 = arith.constant 1 : i32
    scf.for %scan3A_226 = %scan3A_111 to %scan3A_113 step %scan3A_114  : i32 {
      %mul3A_227 = arith.constant 4 : i32
      %mul3A_228 = arith.muli %mul3A_227, %scan3A_226 : i32
      %add3A_229 = arith.constant 2 : i32
      %add3A_230 = arith.addi %mul3A_228, %add3A_229 : i32
      %add3A_231 = arith.constant 0 : i32
      %add3A_232 = arith.addi %add3A_230, %add3A_231 : i32
      %dma_wait3A_233 = arith.constant 0 : i32
      %dma_wait3A_234 = arith.constant 0 : i32
      %dma_wait3A_235 = arith.constant 0 : i32
      %dma_wait3A_236 = tpu.memref_slice %arg18[%dma_wait3A_234, %dma_wait3A_235] : memref<10240x128xf32, #tpu.memory_space<vmem_shared>> -> memref<10240x128xf32, #tpu.memory_space<vmem_shared>>
      %dma_wait3A_237 = tpu.memref_slice %arg20[%dma_wait3A_233] : memref<4x!tpu.dma_semaphore, #tpu.memory_space<semaphore_mem>> -> memref<1x!tpu.dma_semaphore, #tpu.memory_space<semaphore_mem>>
      %dma_wait3A_238 = tpu.memref_squeeze %dma_wait3A_237 : memref<1x!tpu.dma_semaphore, #tpu.memory_space<semaphore_mem>> -> memref<!tpu.dma_semaphore, #tpu.memory_space<semaphore_mem>>
      tpu.wait_indirect_dma semaphore(%dma_wait3A_238 : memref<!tpu.dma_semaphore, #tpu.memory_space<semaphore_mem>>) src(%arg14 : memref<80x128xf32, #tpu.memory_space<vmem>>) dst(%dma_wait3A_236 : memref<10240x128xf32, #tpu.memory_space<vmem_shared>>)
      %add3A_239 = arith.constant 2 : i32
      %add3A_240 = arith.addi %add3A_232, %add3A_239 : i32
      %add3A_241 = arith.constant 320000 : i32
      %add3A_242 = arith.addi %add3A_241, %mul3A_4 : i32
      %mul3A_243 = arith.constant 80 : i32
      %mul3A_244 = arith.muli %add3A_240, %mul3A_243 : i32
      %add3A_245 = arith.addi %add3A_242, %mul3A_244 : i32
      %dma_start3A_246 = arith.constant 0 : i32
      %dma_start3A_247 = tpu.memref_slice %arg3[%add3A_245] : memref<640000xi32, #tpu.memory_space<hbm>> -> memref<80xi32, #tpu.memory_space<hbm>>
      %dma_start3A_248 = tpu.memref_slice %arg22[%dma_start3A_246] : memref<4x!tpu.dma_semaphore, #tpu.memory_space<semaphore_mem>> -> memref<1x!tpu.dma_semaphore, #tpu.memory_space<semaphore_mem>>
      %dma_start3A_249 = tpu.memref_squeeze %dma_start3A_248 : memref<1x!tpu.dma_semaphore, #tpu.memory_space<semaphore_mem>> -> memref<!tpu.dma_semaphore, #tpu.memory_space<semaphore_mem>>
      %dma_start3A_250 = tpu.memref_slice %arg3[%add3A_245] : memref<640000xi32, #tpu.memory_space<hbm>> -> memref<80xi32, #tpu.memory_space<hbm>>
      tpu.enqueue_dma source(%dma_start3A_250 : memref<80xi32, #tpu.memory_space<hbm>>) target(%arg10 : memref<80xi32, #tpu.memory_space<vmem>>) target_semaphore(%dma_start3A_249 : memref<!tpu.dma_semaphore, #tpu.memory_space<semaphore_mem>>)
      %dma_wait3A_251 = arith.constant 0 : i32
      %dma_wait3A_252 = tpu.memref_slice %arg3[%mul3A_4] : memref<640000xi32, #tpu.memory_space<hbm>> -> memref<80xi32, #tpu.memory_space<hbm>>
      %dma_wait3A_253 = tpu.memref_slice %arg21[%dma_wait3A_251] : memref<4x!tpu.dma_semaphore, #tpu.memory_space<semaphore_mem>> -> memref<1x!tpu.dma_semaphore, #tpu.memory_space<semaphore_mem>>
      %dma_wait3A_254 = tpu.memref_squeeze %dma_wait3A_253 : memref<1x!tpu.dma_semaphore, #tpu.memory_space<semaphore_mem>> -> memref<!tpu.dma_semaphore, #tpu.memory_space<semaphore_mem>>
      %dma_wait3A_255 = tpu.memref_slice %arg3[%mul3A_4] : memref<640000xi32, #tpu.memory_space<hbm>> -> memref<80xi32, #tpu.memory_space<hbm>>
      tpu.wait_dma2 semaphore(%dma_wait3A_254 : memref<!tpu.dma_semaphore, #tpu.memory_space<semaphore_mem>>) src(%dma_wait3A_255 : memref<80xi32, #tpu.memory_space<hbm>>) dst(%arg6 : memref<80xi32, #tpu.memory_space<vmem>>)
      %add3A_256 = arith.constant 2 : i32
      %add3A_257 = arith.addi %add3A_232, %add3A_256 : i32
      %dma_start3A_258 = arith.constant 0 : i32
      %dma_start3A_259 = arith.constant 0 : i32
      %dma_start3A_260 = arith.constant 0 : i32
      %dma_start3A_261 = tpu.memref_slice %arg2[%dma_start3A_259, %dma_start3A_260] : memref<10000x128xf32, #tpu.memory_space<hbm>> -> memref<10000x128xf32, #tpu.memory_space<hbm>>
      %dma_start3A_262 = tpu.memref_slice %arg19[%dma_start3A_258] : memref<4x!tpu.dma_semaphore, #tpu.memory_space<semaphore_mem>> -> memref<1x!tpu.dma_semaphore, #tpu.memory_space<semaphore_mem>>
      %dma_start3A_263 = tpu.memref_squeeze %dma_start3A_262 : memref<1x!tpu.dma_semaphore, #tpu.memory_space<semaphore_mem>> -> memref<!tpu.dma_semaphore, #tpu.memory_space<semaphore_mem>>
      tpu.enqueue_indirect_dma source(%dma_start3A_261 : memref<10000x128xf32, #tpu.memory_space<hbm>>) target(%arg14 : memref<80x128xf32, #tpu.memory_space<vmem>>) offsets(%arg6 : memref<80xi32, #tpu.memory_space<vmem>>) semaphore(%dma_start3A_263 : memref<!tpu.dma_semaphore, #tpu.memory_space<semaphore_mem>>)
      %dma_wait3A_264 = arith.constant 2 : i32
      %dma_wait3A_265 = arith.constant 0 : i32
      %dma_wait3A_266 = arith.constant 0 : i32
      %dma_wait3A_267 = tpu.memref_slice %arg2[%dma_wait3A_265, %dma_wait3A_266] : memref<10000x128xf32, #tpu.memory_space<hbm>> -> memref<10000x128xf32, #tpu.memory_space<hbm>>
      %dma_wait3A_268 = tpu.memref_slice %arg19[%dma_wait3A_264] : memref<4x!tpu.dma_semaphore, #tpu.memory_space<semaphore_mem>> -> memref<1x!tpu.dma_semaphore, #tpu.memory_space<semaphore_mem>>
      %dma_wait3A_269 = tpu.memref_squeeze %dma_wait3A_268 : memref<1x!tpu.dma_semaphore, #tpu.memory_space<semaphore_mem>> -> memref<!tpu.dma_semaphore, #tpu.memory_space<semaphore_mem>>
      tpu.wait_indirect_dma semaphore(%dma_wait3A_269 : memref<!tpu.dma_semaphore, #tpu.memory_space<semaphore_mem>>) src(%dma_wait3A_267 : memref<10000x128xf32, #tpu.memory_space<hbm>>) dst(%arg16 : memref<80x128xf32, #tpu.memory_space<vmem>>)
      %add3A_270 = arith.constant 4 : i32
      %add3A_271 = arith.addi %add3A_232, %add3A_270 : i32
      %add3A_272 = arith.constant 0 : i32
      %add3A_273 = arith.addi %add3A_272, %mul3A_4 : i32
      %mul3A_274 = arith.constant 80 : i32
      %mul3A_275 = arith.muli %add3A_271, %mul3A_274 : i32
      %add3A_276 = arith.addi %add3A_273, %mul3A_275 : i32
      %dma_start3A_277 = arith.constant 2 : i32
      %dma_start3A_278 = tpu.memref_slice %arg3[%add3A_276] : memref<640000xi32, #tpu.memory_space<hbm>> -> memref<80xi32, #tpu.memory_space<hbm>>
      %dma_start3A_279 = tpu.memref_slice %arg21[%dma_start3A_277] : memref<4x!tpu.dma_semaphore, #tpu.memory_space<semaphore_mem>> -> memref<1x!tpu.dma_semaphore, #tpu.memory_space<semaphore_mem>>
      %dma_start3A_280 = tpu.memref_squeeze %dma_start3A_279 : memref<1x!tpu.dma_semaphore, #tpu.memory_space<semaphore_mem>> -> memref<!tpu.dma_semaphore, #tpu.memory_space<semaphore_mem>>
      %dma_start3A_281 = tpu.memref_slice %arg3[%add3A_276] : memref<640000xi32, #tpu.memory_space<hbm>> -> memref<80xi32, #tpu.memory_space<hbm>>
      tpu.enqueue_dma source(%dma_start3A_281 : memref<80xi32, #tpu.memory_space<hbm>>) target(%arg8 : memref<80xi32, #tpu.memory_space<vmem>>) target_semaphore(%dma_start3A_280 : memref<!tpu.dma_semaphore, #tpu.memory_space<semaphore_mem>>)
      %dma_wait3A_282 = arith.constant 2 : i32
      %dma_wait3A_283 = tpu.memref_slice %arg3[%mul3A_4] : memref<640000xi32, #tpu.memory_space<hbm>> -> memref<80xi32, #tpu.memory_space<hbm>>
      %dma_wait3A_284 = tpu.memref_slice %arg22[%dma_wait3A_282] : memref<4x!tpu.dma_semaphore, #tpu.memory_space<semaphore_mem>> -> memref<1x!tpu.dma_semaphore, #tpu.memory_space<semaphore_mem>>
      %dma_wait3A_285 = tpu.memref_squeeze %dma_wait3A_284 : memref<1x!tpu.dma_semaphore, #tpu.memory_space<semaphore_mem>> -> memref<!tpu.dma_semaphore, #tpu.memory_space<semaphore_mem>>
      %dma_wait3A_286 = tpu.memref_slice %arg3[%mul3A_4] : memref<640000xi32, #tpu.memory_space<hbm>> -> memref<80xi32, #tpu.memory_space<hbm>>
      tpu.wait_dma2 semaphore(%dma_wait3A_285 : memref<!tpu.dma_semaphore, #tpu.memory_space<semaphore_mem>>) src(%dma_wait3A_286 : memref<80xi32, #tpu.memory_space<hbm>>) dst(%arg12 : memref<80xi32, #tpu.memory_space<vmem>>)
      %dma_start3A_287 = arith.constant 2 : i32
      %dma_start3A_288 = arith.constant 0 : i32
      %dma_start3A_289 = arith.constant 0 : i32
      %dma_start3A_290 = tpu.memref_slice %arg18[%dma_start3A_288, %dma_start3A_289] : memref<10240x128xf32, #tpu.memory_space<vmem_shared>> -> memref<10240x128xf32, #tpu.memory_space<vmem_shared>>
      %dma_start3A_291 = tpu.memref_slice %arg20[%dma_start3A_287] : memref<4x!tpu.dma_semaphore, #tpu.memory_space<semaphore_mem>> -> memref<1x!tpu.dma_semaphore, #tpu.memory_space<semaphore_mem>>
      %dma_start3A_292 = tpu.memref_squeeze %dma_start3A_291 : memref<1x!tpu.dma_semaphore, #tpu.memory_space<semaphore_mem>> -> memref<!tpu.dma_semaphore, #tpu.memory_space<semaphore_mem>>
      tpu.enqueue_indirect_dma source(%arg16 : memref<80x128xf32, #tpu.memory_space<vmem>>) target(%dma_start3A_290 : memref<10240x128xf32, #tpu.memory_space<vmem_shared>>) offsets(%arg12 : memref<80xi32, #tpu.memory_space<vmem>>) semaphore(%dma_start3A_292 : memref<!tpu.dma_semaphore, #tpu.memory_space<semaphore_mem>>) {add = true}
      %add3A_293 = arith.constant 1 : i32
      %add3A_294 = arith.addi %add3A_230, %add3A_293 : i32
      %dma_wait3A_295 = arith.constant 1 : i32
      %dma_wait3A_296 = arith.constant 0 : i32
      %dma_wait3A_297 = arith.constant 0 : i32
      %dma_wait3A_298 = tpu.memref_slice %arg18[%dma_wait3A_296, %dma_wait3A_297] : memref<10240x128xf32, #tpu.memory_space<vmem_shared>> -> memref<10240x128xf32, #tpu.memory_space<vmem_shared>>
      %dma_wait3A_299 = tpu.memref_slice %arg20[%dma_wait3A_295] : memref<4x!tpu.dma_semaphore, #tpu.memory_space<semaphore_mem>> -> memref<1x!tpu.dma_semaphore, #tpu.memory_space<semaphore_mem>>
      %dma_wait3A_300 = tpu.memref_squeeze %dma_wait3A_299 : memref<1x!tpu.dma_semaphore, #tpu.memory_space<semaphore_mem>> -> memref<!tpu.dma_semaphore, #tpu.memory_space<semaphore_mem>>
      tpu.wait_indirect_dma semaphore(%dma_wait3A_300 : memref<!tpu.dma_semaphore, #tpu.memory_space<semaphore_mem>>) src(%arg15 : memref<80x128xf32, #tpu.memory_space<vmem>>) dst(%dma_wait3A_298 : memref<10240x128xf32, #tpu.memory_space<vmem_shared>>)
      %add3A_301 = arith.constant 2 : i32
      %add3A_302 = arith.addi %add3A_294, %add3A_301 : i32
      %add3A_303 = arith.constant 320000 : i32
      %add3A_304 = arith.addi %add3A_303, %mul3A_4 : i32
      %mul3A_305 = arith.constant 80 : i32
      %mul3A_306 = arith.muli %add3A_302, %mul3A_305 : i32
      %add3A_307 = arith.addi %add3A_304, %mul3A_306 : i32
      %dma_start3A_308 = arith.constant 1 : i32
      %dma_start3A_309 = tpu.memref_slice %arg3[%add3A_307] : memref<640000xi32, #tpu.memory_space<hbm>> -> memref<80xi32, #tpu.memory_space<hbm>>
      %dma_start3A_310 = tpu.memref_slice %arg22[%dma_start3A_308] : memref<4x!tpu.dma_semaphore, #tpu.memory_space<semaphore_mem>> -> memref<1x!tpu.dma_semaphore, #tpu.memory_space<semaphore_mem>>
      %dma_start3A_311 = tpu.memref_squeeze %dma_start3A_310 : memref<1x!tpu.dma_semaphore, #tpu.memory_space<semaphore_mem>> -> memref<!tpu.dma_semaphore, #tpu.memory_space<semaphore_mem>>
      %dma_start3A_312 = tpu.memref_slice %arg3[%add3A_307] : memref<640000xi32, #tpu.memory_space<hbm>> -> memref<80xi32, #tpu.memory_space<hbm>>
      tpu.enqueue_dma source(%dma_start3A_312 : memref<80xi32, #tpu.memory_space<hbm>>) target(%arg11 : memref<80xi32, #tpu.memory_space<vmem>>) target_semaphore(%dma_start3A_311 : memref<!tpu.dma_semaphore, #tpu.memory_space<semaphore_mem>>)
      %dma_wait3A_313 = arith.constant 1 : i32
      %dma_wait3A_314 = tpu.memref_slice %arg3[%mul3A_4] : memref<640000xi32, #tpu.memory_space<hbm>> -> memref<80xi32, #tpu.memory_space<hbm>>
      %dma_wait3A_315 = tpu.memref_slice %arg21[%dma_wait3A_313] : memref<4x!tpu.dma_semaphore, #tpu.memory_space<semaphore_mem>> -> memref<1x!tpu.dma_semaphore, #tpu.memory_space<semaphore_mem>>
      %dma_wait3A_316 = tpu.memref_squeeze %dma_wait3A_315 : memref<1x!tpu.dma_semaphore, #tpu.memory_space<semaphore_mem>> -> memref<!tpu.dma_semaphore, #tpu.memory_space<semaphore_mem>>
      %dma_wait3A_317 = tpu.memref_slice %arg3[%mul3A_4] : memref<640000xi32, #tpu.memory_space<hbm>> -> memref<80xi32, #tpu.memory_space<hbm>>
      tpu.wait_dma2 semaphore(%dma_wait3A_316 : memref<!tpu.dma_semaphore, #tpu.memory_space<semaphore_mem>>) src(%dma_wait3A_317 : memref<80xi32, #tpu.memory_space<hbm>>) dst(%arg7 : memref<80xi32, #tpu.memory_space<vmem>>)
      %add3A_318 = arith.constant 2 : i32
      %add3A_319 = arith.addi %add3A_294, %add3A_318 : i32
      %dma_start3A_320 = arith.constant 1 : i32
      %dma_start3A_321 = arith.constant 0 : i32
      %dma_start3A_322 = arith.constant 0 : i32
      %dma_start3A_323 = tpu.memref_slice %arg2[%dma_start3A_321, %dma_start3A_322] : memref<10000x128xf32, #tpu.memory_space<hbm>> -> memref<10000x128xf32, #tpu.memory_space<hbm>>
      %dma_start3A_324 = tpu.memref_slice %arg19[%dma_start3A_320] : memref<4x!tpu.dma_semaphore, #tpu.memory_space<semaphore_mem>> -> memref<1x!tpu.dma_semaphore, #tpu.memory_space<semaphore_mem>>
      %dma_start3A_325 = tpu.memref_squeeze %dma_start3A_324 : memref<1x!tpu.dma_semaphore, #tpu.memory_space<semaphore_mem>> -> memref<!tpu.dma_semaphore, #tpu.memory_space<semaphore_mem>>
      tpu.enqueue_indirect_dma source(%dma_start3A_323 : memref<10000x128xf32, #tpu.memory_space<hbm>>) target(%arg15 : memref<80x128xf32, #tpu.memory_space<vmem>>) offsets(%arg7 : memref<80xi32, #tpu.memory_space<vmem>>) semaphore(%dma_start3A_325 : memref<!tpu.dma_semaphore, #tpu.memory_space<semaphore_mem>>)
      %dma_wait3A_326 = arith.constant 3 : i32
      %dma_wait3A_327 = arith.constant 0 : i32
      %dma_wait3A_328 = arith.constant 0 : i32
      %dma_wait3A_329 = tpu.memref_slice %arg2[%dma_wait3A_327, %dma_wait3A_328] : memref<10000x128xf32, #tpu.memory_space<hbm>> -> memref<10000x128xf32, #tpu.memory_space<hbm>>
      %dma_wait3A_330 = tpu.memref_slice %arg19[%dma_wait3A_326] : memref<4x!tpu.dma_semaphore, #tpu.memory_space<semaphore_mem>> -> memref<1x!tpu.dma_semaphore, #tpu.memory_space<semaphore_mem>>
      %dma_wait3A_331 = tpu.memref_squeeze %dma_wait3A_330 : memref<1x!tpu.dma_semaphore, #tpu.memory_space<semaphore_mem>> -> memref<!tpu.dma_semaphore, #tpu.memory_space<semaphore_mem>>
      tpu.wait_indirect_dma semaphore(%dma_wait3A_331 : memref<!tpu.dma_semaphore, #tpu.memory_space<semaphore_mem>>) src(%dma_wait3A_329 : memref<10000x128xf32, #tpu.memory_space<hbm>>) dst(%arg17 : memref<80x128xf32, #tpu.memory_space<vmem>>)
      %add3A_332 = arith.constant 4 : i32
      %add3A_333 = arith.addi %add3A_294, %add3A_332 : i32
      %add3A_334 = arith.constant 0 : i32
      %add3A_335 = arith.addi %add3A_334, %mul3A_4 : i32
      %mul3A_336 = arith.constant 80 : i32
      %mul3A_337 = arith.muli %add3A_333, %mul3A_336 : i32
      %add3A_338 = arith.addi %add3A_335, %mul3A_337 : i32
      %dma_start3A_339 = arith.constant 3 : i32
      %dma_start3A_340 = tpu.memref_slice %arg3[%add3A_338] : memref<640000xi32, #tpu.memory_space<hbm>> -> memref<80xi32, #tpu.memory_space<hbm>>
      %dma_start3A_341 = tpu.memref_slice %arg21[%dma_start3A_339] : memref<4x!tpu.dma_semaphore, #tpu.memory_space<semaphore_mem>> -> memref<1x!tpu.dma_semaphore, #tpu.memory_space<semaphore_mem>>
      %dma_start3A_342 = tpu.memref_squeeze %dma_start3A_341 : memref<1x!tpu.dma_semaphore, #tpu.memory_space<semaphore_mem>> -> memref<!tpu.dma_semaphore, #tpu.memory_space<semaphore_mem>>
      %dma_start3A_343 = tpu.memref_slice %arg3[%add3A_338] : memref<640000xi32, #tpu.memory_space<hbm>> -> memref<80xi32, #tpu.memory_space<hbm>>
      tpu.enqueue_dma source(%dma_start3A_343 : memref<80xi32, #tpu.memory_space<hbm>>) target(%arg9 : memref<80xi32, #tpu.memory_space<vmem>>) target_semaphore(%dma_start3A_342 : memref<!tpu.dma_semaphore, #tpu.memory_space<semaphore_mem>>)
      %dma_wait3A_344 = arith.constant 3 : i32
      %dma_wait3A_345 = tpu.memref_slice %arg3[%mul3A_4] : memref<640000xi32, #tpu.memory_space<hbm>> -> memref<80xi32, #tpu.memory_space<hbm>>
      %dma_wait3A_346 = tpu.memref_slice %arg22[%dma_wait3A_344] : memref<4x!tpu.dma_semaphore, #tpu.memory_space<semaphore_mem>> -> memref<1x!tpu.dma_semaphore, #tpu.memory_space<semaphore_mem>>
      %dma_wait3A_347 = tpu.memref_squeeze %dma_wait3A_346 : memref<1x!tpu.dma_semaphore, #tpu.memory_space<semaphore_mem>> -> memref<!tpu.dma_semaphore, #tpu.memory_space<semaphore_mem>>
      %dma_wait3A_348 = tpu.memref_slice %arg3[%mul3A_4] : memref<640000xi32, #tpu.memory_space<hbm>> -> memref<80xi32, #tpu.memory_space<hbm>>
      tpu.wait_dma2 semaphore(%dma_wait3A_347 : memref<!tpu.dma_semaphore, #tpu.memory_space<semaphore_mem>>) src(%dma_wait3A_348 : memref<80xi32, #tpu.memory_space<hbm>>) dst(%arg13 : memref<80xi32, #tpu.memory_space<vmem>>)
      %dma_start3A_349 = arith.constant 3 : i32
      %dma_start3A_350 = arith.constant 0 : i32
      %dma_start3A_351 = arith.constant 0 : i32
      %dma_start3A_352 = tpu.memref_slice %arg18[%dma_start3A_350, %dma_start3A_351] : memref<10240x128xf32, #tpu.memory_space<vmem_shared>> -> memref<10240x128xf32, #tpu.memory_space<vmem_shared>>
      %dma_start3A_353 = tpu.memref_slice %arg20[%dma_start3A_349] : memref<4x!tpu.dma_semaphore, #tpu.memory_space<semaphore_mem>> -> memref<1x!tpu.dma_semaphore, #tpu.memory_space<semaphore_mem>>
      %dma_start3A_354 = tpu.memref_squeeze %dma_start3A_353 : memref<1x!tpu.dma_semaphore, #tpu.memory_space<semaphore_mem>> -> memref<!tpu.dma_semaphore, #tpu.memory_space<semaphore_mem>>
      tpu.enqueue_indirect_dma source(%arg17 : memref<80x128xf32, #tpu.memory_space<vmem>>) target(%dma_start3A_352 : memref<10240x128xf32, #tpu.memory_space<vmem_shared>>) offsets(%arg13 : memref<80xi32, #tpu.memory_space<vmem>>) semaphore(%dma_start3A_354 : memref<!tpu.dma_semaphore, #tpu.memory_space<semaphore_mem>>) {add = true}
      %add3A_355 = arith.constant 2 : i32
      %add3A_356 = arith.addi %add3A_230, %add3A_355 : i32
      %dma_wait3A_357 = arith.constant 2 : i32
      %dma_wait3A_358 = arith.constant 0 : i32
      %dma_wait3A_359 = arith.constant 0 : i32
      %dma_wait3A_360 = tpu.memref_slice %arg18[%dma_wait3A_358, %dma_wait3A_359] : memref<10240x128xf32, #tpu.memory_space<vmem_shared>> -> memref<10240x128xf32, #tpu.memory_space<vmem_shared>>
      %dma_wait3A_361 = tpu.memref_slice %arg20[%dma_wait3A_357] : memref<4x!tpu.dma_semaphore, #tpu.memory_space<semaphore_mem>> -> memref<1x!tpu.dma_semaphore, #tpu.memory_space<semaphore_mem>>
      %dma_wait3A_362 = tpu.memref_squeeze %dma_wait3A_361 : memref<1x!tpu.dma_semaphore, #tpu.memory_space<semaphore_mem>> -> memref<!tpu.dma_semaphore, #tpu.memory_space<semaphore_mem>>
      tpu.wait_indirect_dma semaphore(%dma_wait3A_362 : memref<!tpu.dma_semaphore, #tpu.memory_space<semaphore_mem>>) src(%arg16 : memref<80x128xf32, #tpu.memory_space<vmem>>) dst(%dma_wait3A_360 : memref<10240x128xf32, #tpu.memory_space<vmem_shared>>)
      %add3A_363 = arith.constant 2 : i32
      %add3A_364 = arith.addi %add3A_356, %add3A_363 : i32
      %add3A_365 = arith.constant 320000 : i32
      %add3A_366 = arith.addi %add3A_365, %mul3A_4 : i32
      %mul3A_367 = arith.constant 80 : i32
      %mul3A_368 = arith.muli %add3A_364, %mul3A_367 : i32
      %add3A_369 = arith.addi %add3A_366, %mul3A_368 : i32
      %dma_start3A_370 = arith.constant 2 : i32
      %dma_start3A_371 = tpu.memref_slice %arg3[%add3A_369] : memref<640000xi32, #tpu.memory_space<hbm>> -> memref<80xi32, #tpu.memory_space<hbm>>
      %dma_start3A_372 = tpu.memref_slice %arg22[%dma_start3A_370] : memref<4x!tpu.dma_semaphore, #tpu.memory_space<semaphore_mem>> -> memref<1x!tpu.dma_semaphore, #tpu.memory_space<semaphore_mem>>
      %dma_start3A_373 = tpu.memref_squeeze %dma_start3A_372 : memref<1x!tpu.dma_semaphore, #tpu.memory_space<semaphore_mem>> -> memref<!tpu.dma_semaphore, #tpu.memory_space<semaphore_mem>>
      %dma_start3A_374 = tpu.memref_slice %arg3[%add3A_369] : memref<640000xi32, #tpu.memory_space<hbm>> -> memref<80xi32, #tpu.memory_space<hbm>>
      tpu.enqueue_dma source(%dma_start3A_374 : memref<80xi32, #tpu.memory_space<hbm>>) target(%arg12 : memref<80xi32, #tpu.memory_space<vmem>>) target_semaphore(%dma_start3A_373 : memref<!tpu.dma_semaphore, #tpu.memory_space<semaphore_mem>>)
      %dma_wait3A_375 = arith.constant 2 : i32
      %dma_wait3A_376 = tpu.memref_slice %arg3[%mul3A_4] : memref<640000xi32, #tpu.memory_space<hbm>> -> memref<80xi32, #tpu.memory_space<hbm>>
      %dma_wait3A_377 = tpu.memref_slice %arg21[%dma_wait3A_375] : memref<4x!tpu.dma_semaphore, #tpu.memory_space<semaphore_mem>> -> memref<1x!tpu.dma_semaphore, #tpu.memory_space<semaphore_mem>>
      %dma_wait3A_378 = tpu.memref_squeeze %dma_wait3A_377 : memref<1x!tpu.dma_semaphore, #tpu.memory_space<semaphore_mem>> -> memref<!tpu.dma_semaphore, #tpu.memory_space<semaphore_mem>>
      %dma_wait3A_379 = tpu.memref_slice %arg3[%mul3A_4] : memref<640000xi32, #tpu.memory_space<hbm>> -> memref<80xi32, #tpu.memory_space<hbm>>
      tpu.wait_dma2 semaphore(%dma_wait3A_378 : memref<!tpu.dma_semaphore, #tpu.memory_space<semaphore_mem>>) src(%dma_wait3A_379 : memref<80xi32, #tpu.memory_space<hbm>>) dst(%arg8 : memref<80xi32, #tpu.memory_space<vmem>>)
      %add3A_380 = arith.constant 2 : i32
      %add3A_381 = arith.addi %add3A_356, %add3A_380 : i32
      %dma_start3A_382 = arith.constant 2 : i32
      %dma_start3A_383 = arith.constant 0 : i32
      %dma_start3A_384 = arith.constant 0 : i32
      %dma_start3A_385 = tpu.memref_slice %arg2[%dma_start3A_383, %dma_start3A_384] : memref<10000x128xf32, #tpu.memory_space<hbm>> -> memref<10000x128xf32, #tpu.memory_space<hbm>>
      %dma_start3A_386 = tpu.memref_slice %arg19[%dma_start3A_382] : memref<4x!tpu.dma_semaphore, #tpu.memory_space<semaphore_mem>> -> memref<1x!tpu.dma_semaphore, #tpu.memory_space<semaphore_mem>>
      %dma_start3A_387 = tpu.memref_squeeze %dma_start3A_386 : memref<1x!tpu.dma_semaphore, #tpu.memory_space<semaphore_mem>> -> memref<!tpu.dma_semaphore, #tpu.memory_space<semaphore_mem>>
      tpu.enqueue_indirect_dma source(%dma_start3A_385 : memref<10000x128xf32, #tpu.memory_space<hbm>>) target(%arg16 : memref<80x128xf32, #tpu.memory_space<vmem>>) offsets(%arg8 : memref<80xi32, #tpu.memory_space<vmem>>) semaphore(%dma_start3A_387 : memref<!tpu.dma_semaphore, #tpu.memory_space<semaphore_mem>>)
      %dma_wait3A_388 = arith.constant 0 : i32
      %dma_wait3A_389 = arith.constant 0 : i32
      %dma_wait3A_390 = arith.constant 0 : i32
      %dma_wait3A_391 = tpu.memref_slice %arg2[%dma_wait3A_389, %dma_wait3A_390] : memref<10000x128xf32, #tpu.memory_space<hbm>> -> memref<10000x128xf32, #tpu.memory_space<hbm>>
      %dma_wait3A_392 = tpu.memref_slice %arg19[%dma_wait3A_388] : memref<4x!tpu.dma_semaphore, #tpu.memory_space<semaphore_mem>> -> memref<1x!tpu.dma_semaphore, #tpu.memory_space<semaphore_mem>>
      %dma_wait3A_393 = tpu.memref_squeeze %dma_wait3A_392 : memref<1x!tpu.dma_semaphore, #tpu.memory_space<semaphore_mem>> -> memref<!tpu.dma_semaphore, #tpu.memory_space<semaphore_mem>>
      tpu.wait_indirect_dma semaphore(%dma_wait3A_393 : memref<!tpu.dma_semaphore, #tpu.memory_space<semaphore_mem>>) src(%dma_wait3A_391 : memref<10000x128xf32, #tpu.memory_space<hbm>>) dst(%arg14 : memref<80x128xf32, #tpu.memory_space<vmem>>)
      %add3A_394 = arith.constant 4 : i32
      %add3A_395 = arith.addi %add3A_356, %add3A_394 : i32
      %add3A_396 = arith.constant 0 : i32
      %add3A_397 = arith.addi %add3A_396, %mul3A_4 : i32
      %mul3A_398 = arith.constant 80 : i32
      %mul3A_399 = arith.muli %add3A_395, %mul3A_398 : i32
      %add3A_400 = arith.addi %add3A_397, %mul3A_399 : i32
      %dma_start3A_401 = arith.constant 0 : i32
      %dma_start3A_402 = tpu.memref_slice %arg3[%add3A_400] : memref<640000xi32, #tpu.memory_space<hbm>> -> memref<80xi32, #tpu.memory_space<hbm>>
      %dma_start3A_403 = tpu.memref_slice %arg21[%dma_start3A_401] : memref<4x!tpu.dma_semaphore, #tpu.memory_space<semaphore_mem>> -> memref<1x!tpu.dma_semaphore, #tpu.memory_space<semaphore_mem>>
      %dma_start3A_404 = tpu.memref_squeeze %dma_start3A_403 : memref<1x!tpu.dma_semaphore, #tpu.memory_space<semaphore_mem>> -> memref<!tpu.dma_semaphore, #tpu.memory_space<semaphore_mem>>
      %dma_start3A_405 = tpu.memref_slice %arg3[%add3A_400] : memref<640000xi32, #tpu.memory_space<hbm>> -> memref<80xi32, #tpu.memory_space<hbm>>
      tpu.enqueue_dma source(%dma_start3A_405 : memref<80xi32, #tpu.memory_space<hbm>>) target(%arg6 : memref<80xi32, #tpu.memory_space<vmem>>) target_semaphore(%dma_start3A_404 : memref<!tpu.dma_semaphore, #tpu.memory_space<semaphore_mem>>)
      %dma_wait3A_406 = arith.constant 0 : i32
      %dma_wait3A_407 = tpu.memref_slice %arg3[%mul3A_4] : memref<640000xi32, #tpu.memory_space<hbm>> -> memref<80xi32, #tpu.memory_space<hbm>>
      %dma_wait3A_408 = tpu.memref_slice %arg22[%dma_wait3A_406] : memref<4x!tpu.dma_semaphore, #tpu.memory_space<semaphore_mem>> -> memref<1x!tpu.dma_semaphore, #tpu.memory_space<semaphore_mem>>
      %dma_wait3A_409 = tpu.memref_squeeze %dma_wait3A_408 : memref<1x!tpu.dma_semaphore, #tpu.memory_space<semaphore_mem>> -> memref<!tpu.dma_semaphore, #tpu.memory_space<semaphore_mem>>
      %dma_wait3A_410 = tpu.memref_slice %arg3[%mul3A_4] : memref<640000xi32, #tpu.memory_space<hbm>> -> memref<80xi32, #tpu.memory_space<hbm>>
      tpu.wait_dma2 semaphore(%dma_wait3A_409 : memref<!tpu.dma_semaphore, #tpu.memory_space<semaphore_mem>>) src(%dma_wait3A_410 : memref<80xi32, #tpu.memory_space<hbm>>) dst(%arg10 : memref<80xi32, #tpu.memory_space<vmem>>)
      %dma_start3A_411 = arith.constant 0 : i32
      %dma_start3A_412 = arith.constant 0 : i32
      %dma_start3A_413 = arith.constant 0 : i32
      %dma_start3A_414 = tpu.memref_slice %arg18[%dma_start3A_412, %dma_start3A_413] : memref<10240x128xf32, #tpu.memory_space<vmem_shared>> -> memref<10240x128xf32, #tpu.memory_space<vmem_shared>>
      %dma_start3A_415 = tpu.memref_slice %arg20[%dma_start3A_411] : memref<4x!tpu.dma_semaphore, #tpu.memory_space<semaphore_mem>> -> memref<1x!tpu.dma_semaphore, #tpu.memory_space<semaphore_mem>>
      %dma_start3A_416 = tpu.memref_squeeze %dma_start3A_415 : memref<1x!tpu.dma_semaphore, #tpu.memory_space<semaphore_mem>> -> memref<!tpu.dma_semaphore, #tpu.memory_space<semaphore_mem>>
      tpu.enqueue_indirect_dma source(%arg14 : memref<80x128xf32, #tpu.memory_space<vmem>>) target(%dma_start3A_414 : memref<10240x128xf32, #tpu.memory_space<vmem_shared>>) offsets(%arg10 : memref<80xi32, #tpu.memory_space<vmem>>) semaphore(%dma_start3A_416 : memref<!tpu.dma_semaphore, #tpu.memory_space<semaphore_mem>>) {add = true}
      %add3A_417 = arith.constant 3 : i32
      %add3A_418 = arith.addi %add3A_230, %add3A_417 : i32
      %dma_wait3A_419 = arith.constant 3 : i32
      %dma_wait3A_420 = arith.constant 0 : i32
      %dma_wait3A_421 = arith.constant 0 : i32
      %dma_wait3A_422 = tpu.memref_slice %arg18[%dma_wait3A_420, %dma_wait3A_421] : memref<10240x128xf32, #tpu.memory_space<vmem_shared>> -> memref<10240x128xf32, #tpu.memory_space<vmem_shared>>
      %dma_wait3A_423 = tpu.memref_slice %arg20[%dma_wait3A_419] : memref<4x!tpu.dma_semaphore, #tpu.memory_space<semaphore_mem>> -> memref<1x!tpu.dma_semaphore, #tpu.memory_space<semaphore_mem>>
      %dma_wait3A_424 = tpu.memref_squeeze %dma_wait3A_423 : memref<1x!tpu.dma_semaphore, #tpu.memory_space<semaphore_mem>> -> memref<!tpu.dma_semaphore, #tpu.memory_space<semaphore_mem>>
      tpu.wait_indirect_dma semaphore(%dma_wait3A_424 : memref<!tpu.dma_semaphore, #tpu.memory_space<semaphore_mem>>) src(%arg17 : memref<80x128xf32, #tpu.memory_space<vmem>>) dst(%dma_wait3A_422 : memref<10240x128xf32, #tpu.memory_space<vmem_shared>>)
      %add3A_425 = arith.constant 2 : i32
      %add3A_426 = arith.addi %add3A_418, %add3A_425 : i32
      %add3A_427 = arith.constant 320000 : i32
      %add3A_428 = arith.addi %add3A_427, %mul3A_4 : i32
      %mul3A_429 = arith.constant 80 : i32
      %mul3A_430 = arith.muli %add3A_426, %mul3A_429 : i32
      %add3A_431 = arith.addi %add3A_428, %mul3A_430 : i32
      %dma_start3A_432 = arith.constant 3 : i32
      %dma_start3A_433 = tpu.memref_slice %arg3[%add3A_431] : memref<640000xi32, #tpu.memory_space<hbm>> -> memref<80xi32, #tpu.memory_space<hbm>>
      %dma_start3A_434 = tpu.memref_slice %arg22[%dma_start3A_432] : memref<4x!tpu.dma_semaphore, #tpu.memory_space<semaphore_mem>> -> memref<1x!tpu.dma_semaphore, #tpu.memory_space<semaphore_mem>>
      %dma_start3A_435 = tpu.memref_squeeze %dma_start3A_434 : memref<1x!tpu.dma_semaphore, #tpu.memory_space<semaphore_mem>> -> memref<!tpu.dma_semaphore, #tpu.memory_space<semaphore_mem>>
      %dma_start3A_436 = tpu.memref_slice %arg3[%add3A_431] : memref<640000xi32, #tpu.memory_space<hbm>> -> memref<80xi32, #tpu.memory_space<hbm>>
      tpu.enqueue_dma source(%dma_start3A_436 : memref<80xi32, #tpu.memory_space<hbm>>) target(%arg13 : memref<80xi32, #tpu.memory_space<vmem>>) target_semaphore(%dma_start3A_435 : memref<!tpu.dma_semaphore, #tpu.memory_space<semaphore_mem>>)
      %dma_wait3A_437 = arith.constant 3 : i32
      %dma_wait3A_438 = tpu.memref_slice %arg3[%mul3A_4] : memref<640000xi32, #tpu.memory_space<hbm>> -> memref<80xi32, #tpu.memory_space<hbm>>
      %dma_wait3A_439 = tpu.memref_slice %arg21[%dma_wait3A_437] : memref<4x!tpu.dma_semaphore, #tpu.memory_space<semaphore_mem>> -> memref<1x!tpu.dma_semaphore, #tpu.memory_space<semaphore_mem>>
      %dma_wait3A_440 = tpu.memref_squeeze %dma_wait3A_439 : memref<1x!tpu.dma_semaphore, #tpu.memory_space<semaphore_mem>> -> memref<!tpu.dma_semaphore, #tpu.memory_space<semaphore_mem>>
      %dma_wait3A_441 = tpu.memref_slice %arg3[%mul3A_4] : memref<640000xi32, #tpu.memory_space<hbm>> -> memref<80xi32, #tpu.memory_space<hbm>>
      tpu.wait_dma2 semaphore(%dma_wait3A_440 : memref<!tpu.dma_semaphore, #tpu.memory_space<semaphore_mem>>) src(%dma_wait3A_441 : memref<80xi32, #tpu.memory_space<hbm>>) dst(%arg9 : memref<80xi32, #tpu.memory_space<vmem>>)
      %add3A_442 = arith.constant 2 : i32
      %add3A_443 = arith.addi %add3A_418, %add3A_442 : i32
      %dma_start3A_444 = arith.constant 3 : i32
      %dma_start3A_445 = arith.constant 0 : i32
      %dma_start3A_446 = arith.constant 0 : i32
      %dma_start3A_447 = tpu.memref_slice %arg2[%dma_start3A_445, %dma_start3A_446] : memref<10000x128xf32, #tpu.memory_space<hbm>> -> memref<10000x128xf32, #tpu.memory_space<hbm>>
      %dma_start3A_448 = tpu.memref_slice %arg19[%dma_start3A_444] : memref<4x!tpu.dma_semaphore, #tpu.memory_space<semaphore_mem>> -> memref<1x!tpu.dma_semaphore, #tpu.memory_space<semaphore_mem>>
      %dma_start3A_449 = tpu.memref_squeeze %dma_start3A_448 : memref<1x!tpu.dma_semaphore, #tpu.memory_space<semaphore_mem>> -> memref<!tpu.dma_semaphore, #tpu.memory_space<semaphore_mem>>
      tpu.enqueue_indirect_dma source(%dma_start3A_447 : memref<10000x128xf32, #tpu.memory_space<hbm>>) target(%arg17 : memref<80x128xf32, #tpu.memory_space<vmem>>) offsets(%arg9 : memref<80xi32, #tpu.memory_space<vmem>>) semaphore(%dma_start3A_449 : memref<!tpu.dma_semaphore, #tpu.memory_space<semaphore_mem>>)
      %dma_wait3A_450 = arith.constant 1 : i32
      %dma_wait3A_451 = arith.constant 0 : i32
      %dma_wait3A_452 = arith.constant 0 : i32
      %dma_wait3A_453 = tpu.memref_slice %arg2[%dma_wait3A_451, %dma_wait3A_452] : memref<10000x128xf32, #tpu.memory_space<hbm>> -> memref<10000x128xf32, #tpu.memory_space<hbm>>
      %dma_wait3A_454 = tpu.memref_slice %arg19[%dma_wait3A_450] : memref<4x!tpu.dma_semaphore, #tpu.memory_space<semaphore_mem>> -> memref<1x!tpu.dma_semaphore, #tpu.memory_space<semaphore_mem>>
      %dma_wait3A_455 = tpu.memref_squeeze %dma_wait3A_454 : memref<1x!tpu.dma_semaphore, #tpu.memory_space<semaphore_mem>> -> memref<!tpu.dma_semaphore, #tpu.memory_space<semaphore_mem>>
      tpu.wait_indirect_dma semaphore(%dma_wait3A_455 : memref<!tpu.dma_semaphore, #tpu.memory_space<semaphore_mem>>) src(%dma_wait3A_453 : memref<10000x128xf32, #tpu.memory_space<hbm>>) dst(%arg15 : memref<80x128xf32, #tpu.memory_space<vmem>>)
      %add3A_456 = arith.constant 4 : i32
      %add3A_457 = arith.addi %add3A_418, %add3A_456 : i32
      %add3A_458 = arith.constant 0 : i32
      %add3A_459 = arith.addi %add3A_458, %mul3A_4 : i32
      %mul3A_460 = arith.constant 80 : i32
      %mul3A_461 = arith.muli %add3A_457, %mul3A_460 : i32
      %add3A_462 = arith.addi %add3A_459, %mul3A_461 : i32
      %dma_start3A_463 = arith.constant 1 : i32
      %dma_start3A_464 = tpu.memref_slice %arg3[%add3A_462] : memref<640000xi32, #tpu.memory_space<hbm>> -> memref<80xi32, #tpu.memory_space<hbm>>
      %dma_start3A_465 = tpu.memref_slice %arg21[%dma_start3A_463] : memref<4x!tpu.dma_semaphore, #tpu.memory_space<semaphore_mem>> -> memref<1x!tpu.dma_semaphore, #tpu.memory_space<semaphore_mem>>
      %dma_start3A_466 = tpu.memref_squeeze %dma_start3A_465 : memref<1x!tpu.dma_semaphore, #tpu.memory_space<semaphore_mem>> -> memref<!tpu.dma_semaphore, #tpu.memory_space<semaphore_mem>>
      %dma_start3A_467 = tpu.memref_slice %arg3[%add3A_462] : memref<640000xi32, #tpu.memory_space<hbm>> -> memref<80xi32, #tpu.memory_space<hbm>>
      tpu.enqueue_dma source(%dma_start3A_467 : memref<80xi32, #tpu.memory_space<hbm>>) target(%arg7 : memref<80xi32, #tpu.memory_space<vmem>>) target_semaphore(%dma_start3A_466 : memref<!tpu.dma_semaphore, #tpu.memory_space<semaphore_mem>>)
      %dma_wait3A_468 = arith.constant 1 : i32
      %dma_wait3A_469 = tpu.memref_slice %arg3[%mul3A_4] : memref<640000xi32, #tpu.memory_space<hbm>> -> memref<80xi32, #tpu.memory_space<hbm>>
      %dma_wait3A_470 = tpu.memref_slice %arg22[%dma_wait3A_468] : memref<4x!tpu.dma_semaphore, #tpu.memory_space<semaphore_mem>> -> memref<1x!tpu.dma_semaphore, #tpu.memory_space<semaphore_mem>>
      %dma_wait3A_471 = tpu.memref_squeeze %dma_wait3A_470 : memref<1x!tpu.dma_semaphore, #tpu.memory_space<semaphore_mem>> -> memref<!tpu.dma_semaphore, #tpu.memory_space<semaphore_mem>>
      %dma_wait3A_472 = tpu.memref_slice %arg3[%mul3A_4] : memref<640000xi32, #tpu.memory_space<hbm>> -> memref<80xi32, #tpu.memory_space<hbm>>
      tpu.wait_dma2 semaphore(%dma_wait3A_471 : memref<!tpu.dma_semaphore, #tpu.memory_space<semaphore_mem>>) src(%dma_wait3A_472 : memref<80xi32, #tpu.memory_space<hbm>>) dst(%arg11 : memref<80xi32, #tpu.memory_space<vmem>>)
      %dma_start3A_473 = arith.constant 1 : i32
      %dma_start3A_474 = arith.constant 0 : i32
      %dma_start3A_475 = arith.constant 0 : i32
      %dma_start3A_476 = tpu.memref_slice %arg18[%dma_start3A_474, %dma_start3A_475] : memref<10240x128xf32, #tpu.memory_space<vmem_shared>> -> memref<10240x128xf32, #tpu.memory_space<vmem_shared>>
      %dma_start3A_477 = tpu.memref_slice %arg20[%dma_start3A_473] : memref<4x!tpu.dma_semaphore, #tpu.memory_space<semaphore_mem>> -> memref<1x!tpu.dma_semaphore, #tpu.memory_space<semaphore_mem>>
      %dma_start3A_478 = tpu.memref_squeeze %dma_start3A_477 : memref<1x!tpu.dma_semaphore, #tpu.memory_space<semaphore_mem>> -> memref<!tpu.dma_semaphore, #tpu.memory_space<semaphore_mem>>
      tpu.enqueue_indirect_dma source(%arg15 : memref<80x128xf32, #tpu.memory_space<vmem>>) target(%dma_start3A_476 : memref<10240x128xf32, #tpu.memory_space<vmem_shared>>) offsets(%arg11 : memref<80xi32, #tpu.memory_space<vmem>>) semaphore(%dma_start3A_478 : memref<!tpu.dma_semaphore, #tpu.memory_space<semaphore_mem>>) {add = true}
    }
    %scan3A_115 = arith.constant 30 : i32
    %dma_wait3A_116 = arith.constant 0 : i32
    %dma_wait3A_117 = arith.constant 0 : i32
    %dma_wait3A_118 = arith.constant 0 : i32
    %dma_wait3A_119 = tpu.memref_slice %arg18[%dma_wait3A_117, %dma_wait3A_118] : memref<10240x128xf32, #tpu.memory_space<vmem_shared>> -> memref<10240x128xf32, #tpu.memory_space<vmem_shared>>
    %dma_wait3A_120 = tpu.memref_slice %arg20[%dma_wait3A_116] : memref<4x!tpu.dma_semaphore, #tpu.memory_space<semaphore_mem>> -> memref<1x!tpu.dma_semaphore, #tpu.memory_space<semaphore_mem>>
    %dma_wait3A_121 = tpu.memref_squeeze %dma_wait3A_120 : memref<1x!tpu.dma_semaphore, #tpu.memory_space<semaphore_mem>> -> memref<!tpu.dma_semaphore, #tpu.memory_space<semaphore_mem>>
    tpu.wait_indirect_dma semaphore(%dma_wait3A_121 : memref<!tpu.dma_semaphore, #tpu.memory_space<semaphore_mem>>) src(%arg14 : memref<80x128xf32, #tpu.memory_space<vmem>>) dst(%dma_wait3A_119 : memref<10240x128xf32, #tpu.memory_space<vmem_shared>>)
    %add3A_122 = arith.constant 320000 : i32
    %add3A_123 = arith.addi %add3A_122, %mul3A_4 : i32
    %add3A_124 = arith.constant 9920 : i32
    %add3A_125 = arith.addi %add3A_123, %add3A_124 : i32
    %dma_start3A_126 = arith.constant 0 : i32
    %dma_start3A_127 = tpu.memref_slice %arg3[%add3A_125] : memref<640000xi32, #tpu.memory_space<hbm>> -> memref<80xi32, #tpu.memory_space<hbm>>
    %dma_start3A_128 = tpu.memref_slice %arg22[%dma_start3A_126] : memref<4x!tpu.dma_semaphore, #tpu.memory_space<semaphore_mem>> -> memref<1x!tpu.dma_semaphore, #tpu.memory_space<semaphore_mem>>
    %dma_start3A_129 = tpu.memref_squeeze %dma_start3A_128 : memref<1x!tpu.dma_semaphore, #tpu.memory_space<semaphore_mem>> -> memref<!tpu.dma_semaphore, #tpu.memory_space<semaphore_mem>>
    %dma_start3A_130 = tpu.memref_slice %arg3[%add3A_125] : memref<640000xi32, #tpu.memory_space<hbm>> -> memref<80xi32, #tpu.memory_space<hbm>>
    tpu.enqueue_dma source(%dma_start3A_130 : memref<80xi32, #tpu.memory_space<hbm>>) target(%arg10 : memref<80xi32, #tpu.memory_space<vmem>>) target_semaphore(%dma_start3A_129 : memref<!tpu.dma_semaphore, #tpu.memory_space<semaphore_mem>>)
    %dma_wait3A_131 = arith.constant 0 : i32
    %dma_wait3A_132 = tpu.memref_slice %arg3[%mul3A_4] : memref<640000xi32, #tpu.memory_space<hbm>> -> memref<80xi32, #tpu.memory_space<hbm>>
    %dma_wait3A_133 = tpu.memref_slice %arg21[%dma_wait3A_131] : memref<4x!tpu.dma_semaphore, #tpu.memory_space<semaphore_mem>> -> memref<1x!tpu.dma_semaphore, #tpu.memory_space<semaphore_mem>>
    %dma_wait3A_134 = tpu.memref_squeeze %dma_wait3A_133 : memref<1x!tpu.dma_semaphore, #tpu.memory_space<semaphore_mem>> -> memref<!tpu.dma_semaphore, #tpu.memory_space<semaphore_mem>>
    %dma_wait3A_135 = tpu.memref_slice %arg3[%mul3A_4] : memref<640000xi32, #tpu.memory_space<hbm>> -> memref<80xi32, #tpu.memory_space<hbm>>
    tpu.wait_dma2 semaphore(%dma_wait3A_134 : memref<!tpu.dma_semaphore, #tpu.memory_space<semaphore_mem>>) src(%dma_wait3A_135 : memref<80xi32, #tpu.memory_space<hbm>>) dst(%arg6 : memref<80xi32, #tpu.memory_space<vmem>>)
    %dma_start3A_136 = arith.constant 0 : i32
    %dma_start3A_137 = arith.constant 0 : i32
    %dma_start3A_138 = arith.constant 0 : i32
    %dma_start3A_139 = tpu.memref_slice %arg2[%dma_start3A_137, %dma_start3A_138] : memref<10000x128xf32, #tpu.memory_space<hbm>> -> memref<10000x128xf32, #tpu.memory_space<hbm>>
    %dma_start3A_140 = tpu.memref_slice %arg19[%dma_start3A_136] : memref<4x!tpu.dma_semaphore, #tpu.memory_space<semaphore_mem>> -> memref<1x!tpu.dma_semaphore, #tpu.memory_space<semaphore_mem>>
    %dma_start3A_141 = tpu.memref_squeeze %dma_start3A_140 : memref<1x!tpu.dma_semaphore, #tpu.memory_space<semaphore_mem>> -> memref<!tpu.dma_semaphore, #tpu.memory_space<semaphore_mem>>
    tpu.enqueue_indirect_dma source(%dma_start3A_139 : memref<10000x128xf32, #tpu.memory_space<hbm>>) target(%arg14 : memref<80x128xf32, #tpu.memory_space<vmem>>) offsets(%arg6 : memref<80xi32, #tpu.memory_space<vmem>>) semaphore(%dma_start3A_141 : memref<!tpu.dma_semaphore, #tpu.memory_space<semaphore_mem>>)
    %dma_wait3A_142 = arith.constant 2 : i32
    %dma_wait3A_143 = arith.constant 0 : i32
    %dma_wait3A_144 = arith.constant 0 : i32
    %dma_wait3A_145 = tpu.memref_slice %arg2[%dma_wait3A_143, %dma_wait3A_144] : memref<10000x128xf32, #tpu.memory_space<hbm>> -> memref<10000x128xf32, #tpu.memory_space<hbm>>
    %dma_wait3A_146 = tpu.memref_slice %arg19[%dma_wait3A_142] : memref<4x!tpu.dma_semaphore, #tpu.memory_space<semaphore_mem>> -> memref<1x!tpu.dma_semaphore, #tpu.memory_space<semaphore_mem>>
    %dma_wait3A_147 = tpu.memref_squeeze %dma_wait3A_146 : memref<1x!tpu.dma_semaphore, #tpu.memory_space<semaphore_mem>> -> memref<!tpu.dma_semaphore, #tpu.memory_space<semaphore_mem>>
    tpu.wait_indirect_dma semaphore(%dma_wait3A_147 : memref<!tpu.dma_semaphore, #tpu.memory_space<semaphore_mem>>) src(%dma_wait3A_145 : memref<10000x128xf32, #tpu.memory_space<hbm>>) dst(%arg16 : memref<80x128xf32, #tpu.memory_space<vmem>>)
    %dma_wait3A_148 = arith.constant 2 : i32
    %dma_wait3A_149 = tpu.memref_slice %arg3[%mul3A_4] : memref<640000xi32, #tpu.memory_space<hbm>> -> memref<80xi32, #tpu.memory_space<hbm>>
    %dma_wait3A_150 = tpu.memref_slice %arg22[%dma_wait3A_148] : memref<4x!tpu.dma_semaphore, #tpu.memory_space<semaphore_mem>> -> memref<1x!tpu.dma_semaphore, #tpu.memory_space<semaphore_mem>>
    %dma_wait3A_151 = tpu.memref_squeeze %dma_wait3A_150 : memref<1x!tpu.dma_semaphore, #tpu.memory_space<semaphore_mem>> -> memref<!tpu.dma_semaphore, #tpu.memory_space<semaphore_mem>>
    %dma_wait3A_152 = tpu.memref_slice %arg3[%mul3A_4] : memref<640000xi32, #tpu.memory_space<hbm>> -> memref<80xi32, #tpu.memory_space<hbm>>
    tpu.wait_dma2 semaphore(%dma_wait3A_151 : memref<!tpu.dma_semaphore, #tpu.memory_space<semaphore_mem>>) src(%dma_wait3A_152 : memref<80xi32, #tpu.memory_space<hbm>>) dst(%arg12 : memref<80xi32, #tpu.memory_space<vmem>>)
    %dma_start3A_153 = arith.constant 2 : i32
    %dma_start3A_154 = arith.constant 0 : i32
    %dma_start3A_155 = arith.constant 0 : i32
    %dma_start3A_156 = tpu.memref_slice %arg18[%dma_start3A_154, %dma_start3A_155] : memref<10240x128xf32, #tpu.memory_space<vmem_shared>> -> memref<10240x128xf32, #tpu.memory_space<vmem_shared>>
    %dma_start3A_157 = tpu.memref_slice %arg20[%dma_start3A_153] : memref<4x!tpu.dma_semaphore, #tpu.memory_space<semaphore_mem>> -> memref<1x!tpu.dma_semaphore, #tpu.memory_space<semaphore_mem>>
    %dma_start3A_158 = tpu.memref_squeeze %dma_start3A_157 : memref<1x!tpu.dma_semaphore, #tpu.memory_space<semaphore_mem>> -> memref<!tpu.dma_semaphore, #tpu.memory_space<semaphore_mem>>
    tpu.enqueue_indirect_dma source(%arg16 : memref<80x128xf32, #tpu.memory_space<vmem>>) target(%dma_start3A_156 : memref<10240x128xf32, #tpu.memory_space<vmem_shared>>) offsets(%arg12 : memref<80xi32, #tpu.memory_space<vmem>>) semaphore(%dma_start3A_158 : memref<!tpu.dma_semaphore, #tpu.memory_space<semaphore_mem>>) {add = true}
    %dma_wait3A_159 = arith.constant 3 : i32
    %dma_wait3A_160 = arith.constant 0 : i32
    %dma_wait3A_161 = arith.constant 0 : i32
    %dma_wait3A_162 = tpu.memref_slice %arg2[%dma_wait3A_160, %dma_wait3A_161] : memref<10000x128xf32, #tpu.memory_space<hbm>> -> memref<10000x128xf32, #tpu.memory_space<hbm>>
    %dma_wait3A_163 = tpu.memref_slice %arg19[%dma_wait3A_159] : memref<4x!tpu.dma_semaphore, #tpu.memory_space<semaphore_mem>> -> memref<1x!tpu.dma_semaphore, #tpu.memory_space<semaphore_mem>>
    %dma_wait3A_164 = tpu.memref_squeeze %dma_wait3A_163 : memref<1x!tpu.dma_semaphore, #tpu.memory_space<semaphore_mem>> -> memref<!tpu.dma_semaphore, #tpu.memory_space<semaphore_mem>>
    tpu.wait_indirect_dma semaphore(%dma_wait3A_164 : memref<!tpu.dma_semaphore, #tpu.memory_space<semaphore_mem>>) src(%dma_wait3A_162 : memref<10000x128xf32, #tpu.memory_space<hbm>>) dst(%arg17 : memref<80x128xf32, #tpu.memory_space<vmem>>)
    %dma_wait3A_165 = arith.constant 3 : i32
    %dma_wait3A_166 = tpu.memref_slice %arg3[%mul3A_4] : memref<640000xi32, #tpu.memory_space<hbm>> -> memref<80xi32, #tpu.memory_space<hbm>>
    %dma_wait3A_167 = tpu.memref_slice %arg22[%dma_wait3A_165] : memref<4x!tpu.dma_semaphore, #tpu.memory_space<semaphore_mem>> -> memref<1x!tpu.dma_semaphore, #tpu.memory_space<semaphore_mem>>
    %dma_wait3A_168 = tpu.memref_squeeze %dma_wait3A_167 : memref<1x!tpu.dma_semaphore, #tpu.memory_space<semaphore_mem>> -> memref<!tpu.dma_semaphore, #tpu.memory_space<semaphore_mem>>
    %dma_wait3A_169 = tpu.memref_slice %arg3[%mul3A_4] : memref<640000xi32, #tpu.memory_space<hbm>> -> memref<80xi32, #tpu.memory_space<hbm>>
    tpu.wait_dma2 semaphore(%dma_wait3A_168 : memref<!tpu.dma_semaphore, #tpu.memory_space<semaphore_mem>>) src(%dma_wait3A_169 : memref<80xi32, #tpu.memory_space<hbm>>) dst(%arg13 : memref<80xi32, #tpu.memory_space<vmem>>)
    %dma_start3A_170 = arith.constant 3 : i32
    %dma_start3A_171 = arith.constant 0 : i32
    %dma_start3A_172 = arith.constant 0 : i32
    %dma_start3A_173 = tpu.memref_slice %arg18[%dma_start3A_171, %dma_start3A_172] : memref<10240x128xf32, #tpu.memory_space<vmem_shared>> -> memref<10240x128xf32, #tpu.memory_space<vmem_shared>>
    %dma_start3A_174 = tpu.memref_slice %arg20[%dma_start3A_170] : memref<4x!tpu.dma_semaphore, #tpu.memory_space<semaphore_mem>> -> memref<1x!tpu.dma_semaphore, #tpu.memory_space<semaphore_mem>>
    %dma_start3A_175 = tpu.memref_squeeze %dma_start3A_174 : memref<1x!tpu.dma_semaphore, #tpu.memory_space<semaphore_mem>> -> memref<!tpu.dma_semaphore, #tpu.memory_space<semaphore_mem>>
    tpu.enqueue_indirect_dma source(%arg17 : memref<80x128xf32, #tpu.memory_space<vmem>>) target(%dma_start3A_173 : memref<10240x128xf32, #tpu.memory_space<vmem_shared>>) offsets(%arg13 : memref<80xi32, #tpu.memory_space<vmem>>) semaphore(%dma_start3A_175 : memref<!tpu.dma_semaphore, #tpu.memory_space<semaphore_mem>>) {add = true}
    %dma_wait3A_176 = arith.constant 0 : i32
    %dma_wait3A_177 = arith.constant 0 : i32
    %dma_wait3A_178 = arith.constant 0 : i32
    %dma_wait3A_179 = tpu.memref_slice %arg2[%dma_wait3A_177, %dma_wait3A_178] : memref<10000x128xf32, #tpu.memory_space<hbm>> -> memref<10000x128xf32, #tpu.memory_space<hbm>>
    %dma_wait3A_180 = tpu.memref_slice %arg19[%dma_wait3A_176] : memref<4x!tpu.dma_semaphore, #tpu.memory_space<semaphore_mem>> -> memref<1x!tpu.dma_semaphore, #tpu.memory_space<semaphore_mem>>
    %dma_wait3A_181 = tpu.memref_squeeze %dma_wait3A_180 : memref<1x!tpu.dma_semaphore, #tpu.memory_space<semaphore_mem>> -> memref<!tpu.dma_semaphore, #tpu.memory_space<semaphore_mem>>
    tpu.wait_indirect_dma semaphore(%dma_wait3A_181 : memref<!tpu.dma_semaphore, #tpu.memory_space<semaphore_mem>>) src(%dma_wait3A_179 : memref<10000x128xf32, #tpu.memory_space<hbm>>) dst(%arg14 : memref<80x128xf32, #tpu.memory_space<vmem>>)
    %dma_wait3A_182 = arith.constant 0 : i32
    %dma_wait3A_183 = tpu.memref_slice %arg3[%mul3A_4] : memref<640000xi32, #tpu.memory_space<hbm>> -> memref<80xi32, #tpu.memory_space<hbm>>
    %dma_wait3A_184 = tpu.memref_slice %arg22[%dma_wait3A_182] : memref<4x!tpu.dma_semaphore, #tpu.memory_space<semaphore_mem>> -> memref<1x!tpu.dma_semaphore, #tpu.memory_space<semaphore_mem>>
    %dma_wait3A_185 = tpu.memref_squeeze %dma_wait3A_184 : memref<1x!tpu.dma_semaphore, #tpu.memory_space<semaphore_mem>> -> memref<!tpu.dma_semaphore, #tpu.memory_space<semaphore_mem>>
    %dma_wait3A_186 = tpu.memref_slice %arg3[%mul3A_4] : memref<640000xi32, #tpu.memory_space<hbm>> -> memref<80xi32, #tpu.memory_space<hbm>>
    tpu.wait_dma2 semaphore(%dma_wait3A_185 : memref<!tpu.dma_semaphore, #tpu.memory_space<semaphore_mem>>) src(%dma_wait3A_186 : memref<80xi32, #tpu.memory_space<hbm>>) dst(%arg10 : memref<80xi32, #tpu.memory_space<vmem>>)
    %dma_start3A_187 = arith.constant 0 : i32
    %dma_start3A_188 = arith.constant 0 : i32
    %dma_start3A_189 = arith.constant 0 : i32
    %dma_start3A_190 = tpu.memref_slice %arg18[%dma_start3A_188, %dma_start3A_189] : memref<10240x128xf32, #tpu.memory_space<vmem_shared>> -> memref<10240x128xf32, #tpu.memory_space<vmem_shared>>
    %dma_start3A_191 = tpu.memref_slice %arg20[%dma_start3A_187] : memref<4x!tpu.dma_semaphore, #tpu.memory_space<semaphore_mem>> -> memref<1x!tpu.dma_semaphore, #tpu.memory_space<semaphore_mem>>
    %dma_start3A_192 = tpu.memref_squeeze %dma_start3A_191 : memref<1x!tpu.dma_semaphore, #tpu.memory_space<semaphore_mem>> -> memref<!tpu.dma_semaphore, #tpu.memory_space<semaphore_mem>>
    tpu.enqueue_indirect_dma source(%arg14 : memref<80x128xf32, #tpu.memory_space<vmem>>) target(%dma_start3A_190 : memref<10240x128xf32, #tpu.memory_space<vmem_shared>>) offsets(%arg10 : memref<80xi32, #tpu.memory_space<vmem>>) semaphore(%dma_start3A_192 : memref<!tpu.dma_semaphore, #tpu.memory_space<semaphore_mem>>) {add = true}
    %dma_wait3A_193 = arith.constant 1 : i32
    %dma_wait3A_194 = tpu.memref_slice %arg3[%mul3A_4] : memref<640000xi32, #tpu.memory_space<hbm>> -> memref<80xi32, #tpu.memory_space<hbm>>
    %dma_wait3A_195 = tpu.memref_slice %arg21[%dma_wait3A_193] : memref<4x!tpu.dma_semaphore, #tpu.memory_space<semaphore_mem>> -> memref<1x!tpu.dma_semaphore, #tpu.memory_space<semaphore_mem>>
    %dma_wait3A_196 = tpu.memref_squeeze %dma_wait3A_195 : memref<1x!tpu.dma_semaphore, #tpu.memory_space<semaphore_mem>> -> memref<!tpu.dma_semaphore, #tpu.memory_space<semaphore_mem>>
    %dma_wait3A_197 = tpu.memref_slice %arg3[%mul3A_4] : memref<640000xi32, #tpu.memory_space<hbm>> -> memref<80xi32, #tpu.memory_space<hbm>>
    tpu.wait_dma2 semaphore(%dma_wait3A_196 : memref<!tpu.dma_semaphore, #tpu.memory_space<semaphore_mem>>) src(%dma_wait3A_197 : memref<80xi32, #tpu.memory_space<hbm>>) dst(%arg7 : memref<80xi32, #tpu.memory_space<vmem>>)
    %dma_wait3A_198 = arith.constant 1 : i32
    %dma_wait3A_199 = arith.constant 0 : i32
    %dma_wait3A_200 = arith.constant 0 : i32
    %dma_wait3A_201 = tpu.memref_slice %arg18[%dma_wait3A_199, %dma_wait3A_200] : memref<10240x128xf32, #tpu.memory_space<vmem_shared>> -> memref<10240x128xf32, #tpu.memory_space<vmem_shared>>
    %dma_wait3A_202 = tpu.memref_slice %arg20[%dma_wait3A_198] : memref<4x!tpu.dma_semaphore, #tpu.memory_space<semaphore_mem>> -> memref<1x!tpu.dma_semaphore, #tpu.memory_space<semaphore_mem>>
    %dma_wait3A_203 = tpu.memref_squeeze %dma_wait3A_202 : memref<1x!tpu.dma_semaphore, #tpu.memory_space<semaphore_mem>> -> memref<!tpu.dma_semaphore, #tpu.memory_space<semaphore_mem>>
    tpu.wait_indirect_dma semaphore(%dma_wait3A_203 : memref<!tpu.dma_semaphore, #tpu.memory_space<semaphore_mem>>) src(%arg15 : memref<80x128xf32, #tpu.memory_space<vmem>>) dst(%dma_wait3A_201 : memref<10240x128xf32, #tpu.memory_space<vmem_shared>>)
    %dma_wait3A_204 = arith.constant 2 : i32
    %dma_wait3A_205 = arith.constant 0 : i32
    %dma_wait3A_206 = arith.constant 0 : i32
    %dma_wait3A_207 = tpu.memref_slice %arg18[%dma_wait3A_205, %dma_wait3A_206] : memref<10240x128xf32, #tpu.memory_space<vmem_shared>> -> memref<10240x128xf32, #tpu.memory_space<vmem_shared>>
    %dma_wait3A_208 = tpu.memref_slice %arg20[%dma_wait3A_204] : memref<4x!tpu.dma_semaphore, #tpu.memory_space<semaphore_mem>> -> memref<1x!tpu.dma_semaphore, #tpu.memory_space<semaphore_mem>>
    %dma_wait3A_209 = tpu.memref_squeeze %dma_wait3A_208 : memref<1x!tpu.dma_semaphore, #tpu.memory_space<semaphore_mem>> -> memref<!tpu.dma_semaphore, #tpu.memory_space<semaphore_mem>>
    tpu.wait_indirect_dma semaphore(%dma_wait3A_209 : memref<!tpu.dma_semaphore, #tpu.memory_space<semaphore_mem>>) src(%arg16 : memref<80x128xf32, #tpu.memory_space<vmem>>) dst(%dma_wait3A_207 : memref<10240x128xf32, #tpu.memory_space<vmem_shared>>)
    %dma_wait3A_210 = arith.constant 3 : i32
    %dma_wait3A_211 = arith.constant 0 : i32
    %dma_wait3A_212 = arith.constant 0 : i32
    %dma_wait3A_213 = tpu.memref_slice %arg18[%dma_wait3A_211, %dma_wait3A_212] : memref<10240x128xf32, #tpu.memory_space<vmem_shared>> -> memref<10240x128xf32, #tpu.memory_space<vmem_shared>>
    %dma_wait3A_214 = tpu.memref_slice %arg20[%dma_wait3A_210] : memref<4x!tpu.dma_semaphore, #tpu.memory_space<semaphore_mem>> -> memref<1x!tpu.dma_semaphore, #tpu.memory_space<semaphore_mem>>
    %dma_wait3A_215 = tpu.memref_squeeze %dma_wait3A_214 : memref<1x!tpu.dma_semaphore, #tpu.memory_space<semaphore_mem>> -> memref<!tpu.dma_semaphore, #tpu.memory_space<semaphore_mem>>
    tpu.wait_indirect_dma semaphore(%dma_wait3A_215 : memref<!tpu.dma_semaphore, #tpu.memory_space<semaphore_mem>>) src(%arg17 : memref<80x128xf32, #tpu.memory_space<vmem>>) dst(%dma_wait3A_213 : memref<10240x128xf32, #tpu.memory_space<vmem_shared>>)
    %dma_wait3A_216 = arith.constant 0 : i32
    %dma_wait3A_217 = arith.constant 0 : i32
    %dma_wait3A_218 = arith.constant 0 : i32
    %dma_wait3A_219 = tpu.memref_slice %arg18[%dma_wait3A_217, %dma_wait3A_218] : memref<10240x128xf32, #tpu.memory_space<vmem_shared>> -> memref<10240x128xf32, #tpu.memory_space<vmem_shared>>
    %dma_wait3A_220 = tpu.memref_slice %arg20[%dma_wait3A_216] : memref<4x!tpu.dma_semaphore, #tpu.memory_space<semaphore_mem>> -> memref<1x!tpu.dma_semaphore, #tpu.memory_space<semaphore_mem>>
    %dma_wait3A_221 = tpu.memref_squeeze %dma_wait3A_220 : memref<1x!tpu.dma_semaphore, #tpu.memory_space<semaphore_mem>> -> memref<!tpu.dma_semaphore, #tpu.memory_space<semaphore_mem>>
    tpu.wait_indirect_dma semaphore(%dma_wait3A_221 : memref<!tpu.dma_semaphore, #tpu.memory_space<semaphore_mem>>) src(%arg14 : memref<80x128xf32, #tpu.memory_space<vmem>>) dst(%dma_wait3A_219 : memref<10240x128xf32, #tpu.memory_space<vmem_shared>>)
    %barrier3A_222 = arith.constant 0 : index
    tpu.barrier barrier_id(%barrier3A_222)
    %mul3A_223 = arith.constant 10240 : i32
    %mul3A_224 = arith.muli %arg0, %mul3A_223 : i32
    %add3A_225 = arith.addi %mul3A_224, %mul3A_0 : i32
    "tpu.region"() ({
      %run_scoped3A = tpu.sem_alloc : memref<!tpu.dma_semaphore, #tpu.memory_space<semaphore_mem>>
      %dma_start3A_226 = arith.constant 0 : i32
      %dma_start3A_227 = tpu.memref_slice %arg5[%add3A_225, %dma_start3A_226] : memref<20480x128xf32, #tpu.memory_space<hbm>> -> memref<640x128xf32, #tpu.memory_space<hbm>>
      %dma_start3A_228 = arith.constant 0 : i32
      %dma_start3A_229 = tpu.memref_slice %arg18[%mul3A_0, %dma_start3A_228] : memref<10240x128xf32, #tpu.memory_space<vmem_shared>> -> memref<640x128xf32, #tpu.memory_space<vmem_shared>>
      tpu.enqueue_dma source(%dma_start3A_229 : memref<640x128xf32, #tpu.memory_space<vmem_shared>>) target(%dma_start3A_227 : memref<640x128xf32, #tpu.memory_space<hbm>>) target_semaphore(%run_scoped3A : memref<!tpu.dma_semaphore, #tpu.memory_space<semaphore_mem>>)
      %dma_wait3A_230 = arith.constant 0 : i32
      %dma_wait3A_231 = tpu.memref_slice %arg5[%add3A_225, %dma_wait3A_230] : memref<20480x128xf32, #tpu.memory_space<hbm>> -> memref<640x128xf32, #tpu.memory_space<hbm>>
      %dma_wait3A_232 = arith.constant 0 : i32
      %dma_wait3A_233 = tpu.memref_slice %arg18[%mul3A_0, %dma_wait3A_232] : memref<10240x128xf32, #tpu.memory_space<vmem_shared>> -> memref<640x128xf32, #tpu.memory_space<vmem_shared>>
      tpu.wait_dma2 semaphore(%run_scoped3A : memref<!tpu.dma_semaphore, #tpu.memory_space<semaphore_mem>>) src(%dma_wait3A_233 : memref<640x128xf32, #tpu.memory_space<vmem_shared>>) dst(%dma_wait3A_231 : memref<640x128xf32, #tpu.memory_space<hbm>>)
      tpu.yield
    }) : () -> ()
    return
  }
}

#map = affine_map<(d0, d1) -> (0, 0)>
#map1 = affine_map<(d0, d1) -> (0)>
module attributes {stable_mosaic.version = 14 : i64} {
  func.func @_edge_body(%arg0: i32, %arg1: i32, %arg2: memref<10000x128xf32, #tpu.memory_space<hbm>>, %arg3: memref<640000xi32, #tpu.memory_space<hbm>>, %arg4: memref<640x128xf32, #tpu.memory_space<hbm>>, %arg5: memref<20480x128xf32, #tpu.memory_space<hbm>>, %arg6: memref<80xi32, #tpu.memory_space<vmem>>, %arg7: memref<80xi32, #tpu.memory_space<vmem>>, %arg8: memref<80xi32, #tpu.memory_space<vmem>>, %arg9: memref<80xi32, #tpu.memory_space<vmem>>, %arg10: memref<80xi32, #tpu.memory_space<vmem>>, %arg11: memref<80xi32, #tpu.memory_space<vmem>>, %arg12: memref<80xi32, #tpu.memory_space<vmem>>, %arg13: memref<80xi32, #tpu.memory_space<vmem>>, %arg14: memref<80x128xf32, #tpu.memory_space<vmem>>, %arg15: memref<80x128xf32, #tpu.memory_space<vmem>>, %arg16: memref<80x128xf32, #tpu.memory_space<vmem>>, %arg17: memref<80x128xf32, #tpu.memory_space<vmem>>, %arg18: memref<10240x128xf32, #tpu.memory_space<vmem_shared>>, %arg19: memref<4x!tpu.dma_semaphore, #tpu.memory_space<semaphore_mem>>, %arg20: memref<4x!tpu.dma_semaphore, #tpu.memory_space<semaphore_mem>>, %arg21: memref<4x!tpu.dma_semaphore, #tpu.memory_space<semaphore_mem>>, %arg22: memref<4x!tpu.dma_semaphore, #tpu.memory_space<semaphore_mem>>) attributes {dimension_semantics = [#tpu.dimension_semantics<core_parallel>, #tpu.dimension_semantics<subcore_parallel>], iteration_bounds = array<i64: 2, 16>, scalar_prefetch = 0 : i64, scratch_operands = 17 : i64, tpu.core_type = #tpu.core_type<sc_vector_subcore>, window_params = [{transform_indices = #map}, {transform_indices = #map1}, {transform_indices = #map}, {transform_indices = #map}]} {
    %mul3A = arith.constant 640 : i32
    %mul3A_0 = arith.muli %arg1, %mul3A : i32
    "tpu.region"() ({
      %run_scoped3A = tpu.sem_alloc : memref<!tpu.dma_semaphore, #tpu.memory_space<semaphore_mem>>
      %dma_start3A_226 = arith.constant 0 : i32
      %dma_start3A_227 = tpu.memref_slice %arg18[%mul3A_0, %dma_start3A_226] : memref<10240x128xf32, #tpu.memory_space<vmem_shared>> -> memref<640x128xf32, #tpu.memory_space<vmem_shared>>
      tpu.enqueue_dma source(%arg4 : memref<640x128xf32, #tpu.memory_space<hbm>>) target(%dma_start3A_227 : memref<640x128xf32, #tpu.memory_space<vmem_shared>>) target_semaphore(%run_scoped3A : memref<!tpu.dma_semaphore, #tpu.memory_space<semaphore_mem>>)
      %dma_wait3A_228 = arith.constant 0 : i32
      %dma_wait3A_229 = tpu.memref_slice %arg18[%mul3A_0, %dma_wait3A_228] : memref<10240x128xf32, #tpu.memory_space<vmem_shared>> -> memref<640x128xf32, #tpu.memory_space<vmem_shared>>
      tpu.wait_dma2 semaphore(%run_scoped3A : memref<!tpu.dma_semaphore, #tpu.memory_space<semaphore_mem>>) src(%arg4 : memref<640x128xf32, #tpu.memory_space<hbm>>) dst(%dma_wait3A_229 : memref<640x128xf32, #tpu.memory_space<vmem_shared>>)
      tpu.yield
    }) : () -> ()
    %mul3A_1 = arith.constant 16 : i32
    %mul3A_2 = arith.muli %arg0, %mul3A_1 : i32
    %add3A = arith.addi %mul3A_2, %arg1 : i32
    %mul3A_3 = arith.constant 10000 : i32
    %mul3A_4 = arith.muli %add3A, %mul3A_3 : i32
    %add3A_5 = arith.constant 0 : i32
    %add3A_6 = arith.addi %add3A_5, %mul3A_4 : i32
    %add3A_7 = arith.constant 0 : i32
    %add3A_8 = arith.addi %add3A_6, %add3A_7 : i32
    "tpu.region"() ({
      %run_scoped3A = tpu.sem_alloc : memref<!tpu.dma_semaphore, #tpu.memory_space<semaphore_mem>>
      %dma_start3A_226 = tpu.memref_slice %arg3[%add3A_8] : memref<640000xi32, #tpu.memory_space<hbm>> -> memref<80xi32, #tpu.memory_space<hbm>>
      %dma_start3A_227 = tpu.memref_slice %arg3[%add3A_8] : memref<640000xi32, #tpu.memory_space<hbm>> -> memref<80xi32, #tpu.memory_space<hbm>>
      tpu.enqueue_dma source(%dma_start3A_227 : memref<80xi32, #tpu.memory_space<hbm>>) target(%arg6 : memref<80xi32, #tpu.memory_space<vmem>>) target_semaphore(%run_scoped3A : memref<!tpu.dma_semaphore, #tpu.memory_space<semaphore_mem>>)
      %dma_wait3A_228 = tpu.memref_slice %arg3[%add3A_8] : memref<640000xi32, #tpu.memory_space<hbm>> -> memref<80xi32, #tpu.memory_space<hbm>>
      %dma_wait3A_229 = tpu.memref_slice %arg3[%add3A_8] : memref<640000xi32, #tpu.memory_space<hbm>> -> memref<80xi32, #tpu.memory_space<hbm>>
      tpu.wait_dma2 semaphore(%run_scoped3A : memref<!tpu.dma_semaphore, #tpu.memory_space<semaphore_mem>>) src(%dma_wait3A_229 : memref<80xi32, #tpu.memory_space<hbm>>) dst(%arg6 : memref<80xi32, #tpu.memory_space<vmem>>)
      tpu.yield
    }) : () -> ()
    %add3A_9 = arith.constant 0 : i32
    %add3A_10 = arith.addi %add3A_9, %mul3A_4 : i32
    %add3A_11 = arith.constant 80 : i32
    %add3A_12 = arith.addi %add3A_10, %add3A_11 : i32
    "tpu.region"() ({
      %run_scoped3A = tpu.sem_alloc : memref<!tpu.dma_semaphore, #tpu.memory_space<semaphore_mem>>
      %dma_start3A_226 = tpu.memref_slice %arg3[%add3A_12] : memref<640000xi32, #tpu.memory_space<hbm>> -> memref<80xi32, #tpu.memory_space<hbm>>
      %dma_start3A_227 = tpu.memref_slice %arg3[%add3A_12] : memref<640000xi32, #tpu.memory_space<hbm>> -> memref<80xi32, #tpu.memory_space<hbm>>
      tpu.enqueue_dma source(%dma_start3A_227 : memref<80xi32, #tpu.memory_space<hbm>>) target(%arg7 : memref<80xi32, #tpu.memory_space<vmem>>) target_semaphore(%run_scoped3A : memref<!tpu.dma_semaphore, #tpu.memory_space<semaphore_mem>>)
      %dma_wait3A_228 = tpu.memref_slice %arg3[%add3A_12] : memref<640000xi32, #tpu.memory_space<hbm>> -> memref<80xi32, #tpu.memory_space<hbm>>
      %dma_wait3A_229 = tpu.memref_slice %arg3[%add3A_12] : memref<640000xi32, #tpu.memory_space<hbm>> -> memref<80xi32, #tpu.memory_space<hbm>>
      tpu.wait_dma2 semaphore(%run_scoped3A : memref<!tpu.dma_semaphore, #tpu.memory_space<semaphore_mem>>) src(%dma_wait3A_229 : memref<80xi32, #tpu.memory_space<hbm>>) dst(%arg7 : memref<80xi32, #tpu.memory_space<vmem>>)
      tpu.yield
    }) : () -> ()
    %add3A_13 = arith.constant 0 : i32
    %add3A_14 = arith.addi %add3A_13, %mul3A_4 : i32
    %add3A_15 = arith.constant 160 : i32
    %add3A_16 = arith.addi %add3A_14, %add3A_15 : i32
    "tpu.region"() ({
      %run_scoped3A = tpu.sem_alloc : memref<!tpu.dma_semaphore, #tpu.memory_space<semaphore_mem>>
      %dma_start3A_226 = tpu.memref_slice %arg3[%add3A_16] : memref<640000xi32, #tpu.memory_space<hbm>> -> memref<80xi32, #tpu.memory_space<hbm>>
      %dma_start3A_227 = tpu.memref_slice %arg3[%add3A_16] : memref<640000xi32, #tpu.memory_space<hbm>> -> memref<80xi32, #tpu.memory_space<hbm>>
      tpu.enqueue_dma source(%dma_start3A_227 : memref<80xi32, #tpu.memory_space<hbm>>) target(%arg8 : memref<80xi32, #tpu.memory_space<vmem>>) target_semaphore(%run_scoped3A : memref<!tpu.dma_semaphore, #tpu.memory_space<semaphore_mem>>)
      %dma_wait3A_228 = tpu.memref_slice %arg3[%add3A_16] : memref<640000xi32, #tpu.memory_space<hbm>> -> memref<80xi32, #tpu.memory_space<hbm>>
      %dma_wait3A_229 = tpu.memref_slice %arg3[%add3A_16] : memref<640000xi32, #tpu.memory_space<hbm>> -> memref<80xi32, #tpu.memory_space<hbm>>
      tpu.wait_dma2 semaphore(%run_scoped3A : memref<!tpu.dma_semaphore, #tpu.memory_space<semaphore_mem>>) src(%dma_wait3A_229 : memref<80xi32, #tpu.memory_space<hbm>>) dst(%arg8 : memref<80xi32, #tpu.memory_space<vmem>>)
      tpu.yield
    }) : () -> ()
    %add3A_17 = arith.constant 0 : i32
    %add3A_18 = arith.addi %add3A_17, %mul3A_4 : i32
    %add3A_19 = arith.constant 240 : i32
    %add3A_20 = arith.addi %add3A_18, %add3A_19 : i32
    "tpu.region"() ({
      %run_scoped3A = tpu.sem_alloc : memref<!tpu.dma_semaphore, #tpu.memory_space<semaphore_mem>>
      %dma_start3A_226 = tpu.memref_slice %arg3[%add3A_20] : memref<640000xi32, #tpu.memory_space<hbm>> -> memref<80xi32, #tpu.memory_space<hbm>>
      %dma_start3A_227 = tpu.memref_slice %arg3[%add3A_20] : memref<640000xi32, #tpu.memory_space<hbm>> -> memref<80xi32, #tpu.memory_space<hbm>>
      tpu.enqueue_dma source(%dma_start3A_227 : memref<80xi32, #tpu.memory_space<hbm>>) target(%arg9 : memref<80xi32, #tpu.memory_space<vmem>>) target_semaphore(%run_scoped3A : memref<!tpu.dma_semaphore, #tpu.memory_space<semaphore_mem>>)
      %dma_wait3A_228 = tpu.memref_slice %arg3[%add3A_20] : memref<640000xi32, #tpu.memory_space<hbm>> -> memref<80xi32, #tpu.memory_space<hbm>>
      %dma_wait3A_229 = tpu.memref_slice %arg3[%add3A_20] : memref<640000xi32, #tpu.memory_space<hbm>> -> memref<80xi32, #tpu.memory_space<hbm>>
      tpu.wait_dma2 semaphore(%run_scoped3A : memref<!tpu.dma_semaphore, #tpu.memory_space<semaphore_mem>>) src(%dma_wait3A_229 : memref<80xi32, #tpu.memory_space<hbm>>) dst(%arg9 : memref<80xi32, #tpu.memory_space<vmem>>)
      tpu.yield
    }) : () -> ()
    %add3A_21 = arith.constant 320000 : i32
    %add3A_22 = arith.addi %add3A_21, %mul3A_4 : i32
    %add3A_23 = arith.constant 0 : i32
    %add3A_24 = arith.addi %add3A_22, %add3A_23 : i32
    "tpu.region"() ({
      %run_scoped3A = tpu.sem_alloc : memref<!tpu.dma_semaphore, #tpu.memory_space<semaphore_mem>>
      %dma_start3A_226 = tpu.memref_slice %arg3[%add3A_24] : memref<640000xi32, #tpu.memory_space<hbm>> -> memref<80xi32, #tpu.memory_space<hbm>>
      %dma_start3A_227 = tpu.memref_slice %arg3[%add3A_24] : memref<640000xi32, #tpu.memory_space<hbm>> -> memref<80xi32, #tpu.memory_space<hbm>>
      tpu.enqueue_dma source(%dma_start3A_227 : memref<80xi32, #tpu.memory_space<hbm>>) target(%arg10 : memref<80xi32, #tpu.memory_space<vmem>>) target_semaphore(%run_scoped3A : memref<!tpu.dma_semaphore, #tpu.memory_space<semaphore_mem>>)
      %dma_wait3A_228 = tpu.memref_slice %arg3[%add3A_24] : memref<640000xi32, #tpu.memory_space<hbm>> -> memref<80xi32, #tpu.memory_space<hbm>>
      %dma_wait3A_229 = tpu.memref_slice %arg3[%add3A_24] : memref<640000xi32, #tpu.memory_space<hbm>> -> memref<80xi32, #tpu.memory_space<hbm>>
      tpu.wait_dma2 semaphore(%run_scoped3A : memref<!tpu.dma_semaphore, #tpu.memory_space<semaphore_mem>>) src(%dma_wait3A_229 : memref<80xi32, #tpu.memory_space<hbm>>) dst(%arg10 : memref<80xi32, #tpu.memory_space<vmem>>)
      tpu.yield
    }) : () -> ()
    %add3A_25 = arith.constant 320000 : i32
    %add3A_26 = arith.addi %add3A_25, %mul3A_4 : i32
    %add3A_27 = arith.constant 80 : i32
    %add3A_28 = arith.addi %add3A_26, %add3A_27 : i32
    "tpu.region"() ({
      %run_scoped3A = tpu.sem_alloc : memref<!tpu.dma_semaphore, #tpu.memory_space<semaphore_mem>>
      %dma_start3A_226 = tpu.memref_slice %arg3[%add3A_28] : memref<640000xi32, #tpu.memory_space<hbm>> -> memref<80xi32, #tpu.memory_space<hbm>>
      %dma_start3A_227 = tpu.memref_slice %arg3[%add3A_28] : memref<640000xi32, #tpu.memory_space<hbm>> -> memref<80xi32, #tpu.memory_space<hbm>>
      tpu.enqueue_dma source(%dma_start3A_227 : memref<80xi32, #tpu.memory_space<hbm>>) target(%arg11 : memref<80xi32, #tpu.memory_space<vmem>>) target_semaphore(%run_scoped3A : memref<!tpu.dma_semaphore, #tpu.memory_space<semaphore_mem>>)
      %dma_wait3A_228 = tpu.memref_slice %arg3[%add3A_28] : memref<640000xi32, #tpu.memory_space<hbm>> -> memref<80xi32, #tpu.memory_space<hbm>>
      %dma_wait3A_229 = tpu.memref_slice %arg3[%add3A_28] : memref<640000xi32, #tpu.memory_space<hbm>> -> memref<80xi32, #tpu.memory_space<hbm>>
      tpu.wait_dma2 semaphore(%run_scoped3A : memref<!tpu.dma_semaphore, #tpu.memory_space<semaphore_mem>>) src(%dma_wait3A_229 : memref<80xi32, #tpu.memory_space<hbm>>) dst(%arg11 : memref<80xi32, #tpu.memory_space<vmem>>)
      tpu.yield
    }) : () -> ()
    %barrier3A = arith.constant 0 : index
    tpu.barrier barrier_id(%barrier3A)
    %dma_start3A = arith.constant 0 : i32
    %dma_start3A_29 = arith.constant 0 : i32
    %dma_start3A_30 = arith.constant 0 : i32
    %dma_start3A_31 = tpu.memref_slice %arg2[%dma_start3A_29, %dma_start3A_30] : memref<10000x128xf32, #tpu.memory_space<hbm>> -> memref<10000x128xf32, #tpu.memory_space<hbm>>
    %dma_start3A_32 = tpu.memref_slice %arg19[%dma_start3A] : memref<4x!tpu.dma_semaphore, #tpu.memory_space<semaphore_mem>> -> memref<1x!tpu.dma_semaphore, #tpu.memory_space<semaphore_mem>>
    %dma_start3A_33 = tpu.memref_squeeze %dma_start3A_32 : memref<1x!tpu.dma_semaphore, #tpu.memory_space<semaphore_mem>> -> memref<!tpu.dma_semaphore, #tpu.memory_space<semaphore_mem>>
    tpu.enqueue_indirect_dma source(%dma_start3A_31 : memref<10000x128xf32, #tpu.memory_space<hbm>>) target(%arg14 : memref<80x128xf32, #tpu.memory_space<vmem>>) offsets(%arg6 : memref<80xi32, #tpu.memory_space<vmem>>) semaphore(%dma_start3A_33 : memref<!tpu.dma_semaphore, #tpu.memory_space<semaphore_mem>>)
    %dma_start3A_34 = arith.constant 1 : i32
    %dma_start3A_35 = arith.constant 0 : i32
    %dma_start3A_36 = arith.constant 0 : i32
    %dma_start3A_37 = tpu.memref_slice %arg2[%dma_start3A_35, %dma_start3A_36] : memref<10000x128xf32, #tpu.memory_space<hbm>> -> memref<10000x128xf32, #tpu.memory_space<hbm>>
    %dma_start3A_38 = tpu.memref_slice %arg19[%dma_start3A_34] : memref<4x!tpu.dma_semaphore, #tpu.memory_space<semaphore_mem>> -> memref<1x!tpu.dma_semaphore, #tpu.memory_space<semaphore_mem>>
    %dma_start3A_39 = tpu.memref_squeeze %dma_start3A_38 : memref<1x!tpu.dma_semaphore, #tpu.memory_space<semaphore_mem>> -> memref<!tpu.dma_semaphore, #tpu.memory_space<semaphore_mem>>
    tpu.enqueue_indirect_dma source(%dma_start3A_37 : memref<10000x128xf32, #tpu.memory_space<hbm>>) target(%arg15 : memref<80x128xf32, #tpu.memory_space<vmem>>) offsets(%arg7 : memref<80xi32, #tpu.memory_space<vmem>>) semaphore(%dma_start3A_39 : memref<!tpu.dma_semaphore, #tpu.memory_space<semaphore_mem>>)
    %add3A_40 = arith.constant 320000 : i32
    %add3A_41 = arith.addi %add3A_40, %mul3A_4 : i32
    %add3A_42 = arith.constant 160 : i32
    %add3A_43 = arith.addi %add3A_41, %add3A_42 : i32
    %dma_start3A_44 = arith.constant 2 : i32
    %dma_start3A_45 = tpu.memref_slice %arg3[%add3A_43] : memref<640000xi32, #tpu.memory_space<hbm>> -> memref<80xi32, #tpu.memory_space<hbm>>
    %dma_start3A_46 = tpu.memref_slice %arg22[%dma_start3A_44] : memref<4x!tpu.dma_semaphore, #tpu.memory_space<semaphore_mem>> -> memref<1x!tpu.dma_semaphore, #tpu.memory_space<semaphore_mem>>
    %dma_start3A_47 = tpu.memref_squeeze %dma_start3A_46 : memref<1x!tpu.dma_semaphore, #tpu.memory_space<semaphore_mem>> -> memref<!tpu.dma_semaphore, #tpu.memory_space<semaphore_mem>>
    %dma_start3A_48 = tpu.memref_slice %arg3[%add3A_43] : memref<640000xi32, #tpu.memory_space<hbm>> -> memref<80xi32, #tpu.memory_space<hbm>>
    tpu.enqueue_dma source(%dma_start3A_48 : memref<80xi32, #tpu.memory_space<hbm>>) target(%arg12 : memref<80xi32, #tpu.memory_space<vmem>>) target_semaphore(%dma_start3A_47 : memref<!tpu.dma_semaphore, #tpu.memory_space<semaphore_mem>>)
    %dma_start3A_49 = arith.constant 2 : i32
    %dma_start3A_50 = arith.constant 0 : i32
    %dma_start3A_51 = arith.constant 0 : i32
    %dma_start3A_52 = tpu.memref_slice %arg2[%dma_start3A_50, %dma_start3A_51] : memref<10000x128xf32, #tpu.memory_space<hbm>> -> memref<10000x128xf32, #tpu.memory_space<hbm>>
    %dma_start3A_53 = tpu.memref_slice %arg19[%dma_start3A_49] : memref<4x!tpu.dma_semaphore, #tpu.memory_space<semaphore_mem>> -> memref<1x!tpu.dma_semaphore, #tpu.memory_space<semaphore_mem>>
    %dma_start3A_54 = tpu.memref_squeeze %dma_start3A_53 : memref<1x!tpu.dma_semaphore, #tpu.memory_space<semaphore_mem>> -> memref<!tpu.dma_semaphore, #tpu.memory_space<semaphore_mem>>
    tpu.enqueue_indirect_dma source(%dma_start3A_52 : memref<10000x128xf32, #tpu.memory_space<hbm>>) target(%arg16 : memref<80x128xf32, #tpu.memory_space<vmem>>) offsets(%arg8 : memref<80xi32, #tpu.memory_space<vmem>>) semaphore(%dma_start3A_54 : memref<!tpu.dma_semaphore, #tpu.memory_space<semaphore_mem>>)
    %dma_wait3A = arith.constant 0 : i32
    %dma_wait3A_55 = arith.constant 0 : i32
    %dma_wait3A_56 = arith.constant 0 : i32
    %dma_wait3A_57 = tpu.memref_slice %arg2[%dma_wait3A_55, %dma_wait3A_56] : memref<10000x128xf32, #tpu.memory_space<hbm>> -> memref<10000x128xf32, #tpu.memory_space<hbm>>
    %dma_wait3A_58 = tpu.memref_slice %arg19[%dma_wait3A] : memref<4x!tpu.dma_semaphore, #tpu.memory_space<semaphore_mem>> -> memref<1x!tpu.dma_semaphore, #tpu.memory_space<semaphore_mem>>
    %dma_wait3A_59 = tpu.memref_squeeze %dma_wait3A_58 : memref<1x!tpu.dma_semaphore, #tpu.memory_space<semaphore_mem>> -> memref<!tpu.dma_semaphore, #tpu.memory_space<semaphore_mem>>
    tpu.wait_indirect_dma semaphore(%dma_wait3A_59 : memref<!tpu.dma_semaphore, #tpu.memory_space<semaphore_mem>>) src(%dma_wait3A_57 : memref<10000x128xf32, #tpu.memory_space<hbm>>) dst(%arg14 : memref<80x128xf32, #tpu.memory_space<vmem>>)
    %add3A_60 = arith.constant 0 : i32
    %add3A_61 = arith.addi %add3A_60, %mul3A_4 : i32
    %add3A_62 = arith.constant 320 : i32
    %add3A_63 = arith.addi %add3A_61, %add3A_62 : i32
    %dma_start3A_64 = arith.constant 0 : i32
    %dma_start3A_65 = tpu.memref_slice %arg3[%add3A_63] : memref<640000xi32, #tpu.memory_space<hbm>> -> memref<80xi32, #tpu.memory_space<hbm>>
    %dma_start3A_66 = tpu.memref_slice %arg21[%dma_start3A_64] : memref<4x!tpu.dma_semaphore, #tpu.memory_space<semaphore_mem>> -> memref<1x!tpu.dma_semaphore, #tpu.memory_space<semaphore_mem>>
    %dma_start3A_67 = tpu.memref_squeeze %dma_start3A_66 : memref<1x!tpu.dma_semaphore, #tpu.memory_space<semaphore_mem>> -> memref<!tpu.dma_semaphore, #tpu.memory_space<semaphore_mem>>
    %dma_start3A_68 = tpu.memref_slice %arg3[%add3A_63] : memref<640000xi32, #tpu.memory_space<hbm>> -> memref<80xi32, #tpu.memory_space<hbm>>
    tpu.enqueue_dma source(%dma_start3A_68 : memref<80xi32, #tpu.memory_space<hbm>>) target(%arg6 : memref<80xi32, #tpu.memory_space<vmem>>) target_semaphore(%dma_start3A_67 : memref<!tpu.dma_semaphore, #tpu.memory_space<semaphore_mem>>)
    %dma_start3A_69 = arith.constant 0 : i32
    %dma_start3A_70 = arith.constant 0 : i32
    %dma_start3A_71 = arith.constant 0 : i32
    %dma_start3A_72 = tpu.memref_slice %arg18[%dma_start3A_70, %dma_start3A_71] : memref<10240x128xf32, #tpu.memory_space<vmem_shared>> -> memref<10240x128xf32, #tpu.memory_space<vmem_shared>>
    %dma_start3A_73 = tpu.memref_slice %arg20[%dma_start3A_69] : memref<4x!tpu.dma_semaphore, #tpu.memory_space<semaphore_mem>> -> memref<1x!tpu.dma_semaphore, #tpu.memory_space<semaphore_mem>>
    %dma_start3A_74 = tpu.memref_squeeze %dma_start3A_73 : memref<1x!tpu.dma_semaphore, #tpu.memory_space<semaphore_mem>> -> memref<!tpu.dma_semaphore, #tpu.memory_space<semaphore_mem>>
    tpu.enqueue_indirect_dma source(%arg14 : memref<80x128xf32, #tpu.memory_space<vmem>>) target(%dma_start3A_72 : memref<10240x128xf32, #tpu.memory_space<vmem_shared>>) offsets(%arg10 : memref<80xi32, #tpu.memory_space<vmem>>) semaphore(%dma_start3A_74 : memref<!tpu.dma_semaphore, #tpu.memory_space<semaphore_mem>>) {add = true}
    %add3A_75 = arith.constant 320000 : i32
    %add3A_76 = arith.addi %add3A_75, %mul3A_4 : i32
    %add3A_77 = arith.constant 240 : i32
    %add3A_78 = arith.addi %add3A_76, %add3A_77 : i32
    %dma_start3A_79 = arith.constant 3 : i32
    %dma_start3A_80 = tpu.memref_slice %arg3[%add3A_78] : memref<640000xi32, #tpu.memory_space<hbm>> -> memref<80xi32, #tpu.memory_space<hbm>>
    %dma_start3A_81 = tpu.memref_slice %arg22[%dma_start3A_79] : memref<4x!tpu.dma_semaphore, #tpu.memory_space<semaphore_mem>> -> memref<1x!tpu.dma_semaphore, #tpu.memory_space<semaphore_mem>>
    %dma_start3A_82 = tpu.memref_squeeze %dma_start3A_81 : memref<1x!tpu.dma_semaphore, #tpu.memory_space<semaphore_mem>> -> memref<!tpu.dma_semaphore, #tpu.memory_space<semaphore_mem>>
    %dma_start3A_83 = tpu.memref_slice %arg3[%add3A_78] : memref<640000xi32, #tpu.memory_space<hbm>> -> memref<80xi32, #tpu.memory_space<hbm>>
    tpu.enqueue_dma source(%dma_start3A_83 : memref<80xi32, #tpu.memory_space<hbm>>) target(%arg13 : memref<80xi32, #tpu.memory_space<vmem>>) target_semaphore(%dma_start3A_82 : memref<!tpu.dma_semaphore, #tpu.memory_space<semaphore_mem>>)
    %dma_start3A_84 = arith.constant 3 : i32
    %dma_start3A_85 = arith.constant 0 : i32
    %dma_start3A_86 = arith.constant 0 : i32
    %dma_start3A_87 = tpu.memref_slice %arg2[%dma_start3A_85, %dma_start3A_86] : memref<10000x128xf32, #tpu.memory_space<hbm>> -> memref<10000x128xf32, #tpu.memory_space<hbm>>
    %dma_start3A_88 = tpu.memref_slice %arg19[%dma_start3A_84] : memref<4x!tpu.dma_semaphore, #tpu.memory_space<semaphore_mem>> -> memref<1x!tpu.dma_semaphore, #tpu.memory_space<semaphore_mem>>
    %dma_start3A_89 = tpu.memref_squeeze %dma_start3A_88 : memref<1x!tpu.dma_semaphore, #tpu.memory_space<semaphore_mem>> -> memref<!tpu.dma_semaphore, #tpu.memory_space<semaphore_mem>>
    tpu.enqueue_indirect_dma source(%dma_start3A_87 : memref<10000x128xf32, #tpu.memory_space<hbm>>) target(%arg17 : memref<80x128xf32, #tpu.memory_space<vmem>>) offsets(%arg9 : memref<80xi32, #tpu.memory_space<vmem>>) semaphore(%dma_start3A_89 : memref<!tpu.dma_semaphore, #tpu.memory_space<semaphore_mem>>)
    %dma_wait3A_90 = arith.constant 1 : i32
    %dma_wait3A_91 = arith.constant 0 : i32
    %dma_wait3A_92 = arith.constant 0 : i32
    %dma_wait3A_93 = tpu.memref_slice %arg2[%dma_wait3A_91, %dma_wait3A_92] : memref<10000x128xf32, #tpu.memory_space<hbm>> -> memref<10000x128xf32, #tpu.memory_space<hbm>>
    %dma_wait3A_94 = tpu.memref_slice %arg19[%dma_wait3A_90] : memref<4x!tpu.dma_semaphore, #tpu.memory_space<semaphore_mem>> -> memref<1x!tpu.dma_semaphore, #tpu.memory_space<semaphore_mem>>
    %dma_wait3A_95 = tpu.memref_squeeze %dma_wait3A_94 : memref<1x!tpu.dma_semaphore, #tpu.memory_space<semaphore_mem>> -> memref<!tpu.dma_semaphore, #tpu.memory_space<semaphore_mem>>
    tpu.wait_indirect_dma semaphore(%dma_wait3A_95 : memref<!tpu.dma_semaphore, #tpu.memory_space<semaphore_mem>>) src(%dma_wait3A_93 : memref<10000x128xf32, #tpu.memory_space<hbm>>) dst(%arg15 : memref<80x128xf32, #tpu.memory_space<vmem>>)
    %add3A_96 = arith.constant 0 : i32
    %add3A_97 = arith.addi %add3A_96, %mul3A_4 : i32
    %add3A_98 = arith.constant 400 : i32
    %add3A_99 = arith.addi %add3A_97, %add3A_98 : i32
    %dma_start3A_100 = arith.constant 1 : i32
    %dma_start3A_101 = tpu.memref_slice %arg3[%add3A_99] : memref<640000xi32, #tpu.memory_space<hbm>> -> memref<80xi32, #tpu.memory_space<hbm>>
    %dma_start3A_102 = tpu.memref_slice %arg21[%dma_start3A_100] : memref<4x!tpu.dma_semaphore, #tpu.memory_space<semaphore_mem>> -> memref<1x!tpu.dma_semaphore, #tpu.memory_space<semaphore_mem>>
    %dma_start3A_103 = tpu.memref_squeeze %dma_start3A_102 : memref<1x!tpu.dma_semaphore, #tpu.memory_space<semaphore_mem>> -> memref<!tpu.dma_semaphore, #tpu.memory_space<semaphore_mem>>
    %dma_start3A_104 = tpu.memref_slice %arg3[%add3A_99] : memref<640000xi32, #tpu.memory_space<hbm>> -> memref<80xi32, #tpu.memory_space<hbm>>
    tpu.enqueue_dma source(%dma_start3A_104 : memref<80xi32, #tpu.memory_space<hbm>>) target(%arg7 : memref<80xi32, #tpu.memory_space<vmem>>) target_semaphore(%dma_start3A_103 : memref<!tpu.dma_semaphore, #tpu.memory_space<semaphore_mem>>)
    %dma_start3A_105 = arith.constant 1 : i32
    %dma_start3A_106 = arith.constant 0 : i32
    %dma_start3A_107 = arith.constant 0 : i32
    %dma_start3A_108 = tpu.memref_slice %arg18[%dma_start3A_106, %dma_start3A_107] : memref<10240x128xf32, #tpu.memory_space<vmem_shared>> -> memref<10240x128xf32, #tpu.memory_space<vmem_shared>>
    %dma_start3A_109 = tpu.memref_slice %arg20[%dma_start3A_105] : memref<4x!tpu.dma_semaphore, #tpu.memory_space<semaphore_mem>> -> memref<1x!tpu.dma_semaphore, #tpu.memory_space<semaphore_mem>>
    %dma_start3A_110 = tpu.memref_squeeze %dma_start3A_109 : memref<1x!tpu.dma_semaphore, #tpu.memory_space<semaphore_mem>> -> memref<!tpu.dma_semaphore, #tpu.memory_space<semaphore_mem>>
    tpu.enqueue_indirect_dma source(%arg15 : memref<80x128xf32, #tpu.memory_space<vmem>>) target(%dma_start3A_108 : memref<10240x128xf32, #tpu.memory_space<vmem_shared>>) offsets(%arg11 : memref<80xi32, #tpu.memory_space<vmem>>) semaphore(%dma_start3A_110 : memref<!tpu.dma_semaphore, #tpu.memory_space<semaphore_mem>>) {add = true}
    %scan3A = arith.constant 0 : i32
    %scan3A_111 = arith.constant 0 : i32
    %scan3A_112 = arith.constant 30 : i32
    %scan3A_113 = arith.addi %scan3A_111, %scan3A_112 : i32
    %scan3A_114 = arith.constant 1 : i32
    scf.for %scan3A_226 = %scan3A_111 to %scan3A_113 step %scan3A_114  : i32 {
      %mul3A_227 = arith.constant 4 : i32
      %mul3A_228 = arith.muli %mul3A_227, %scan3A_226 : i32
      %add3A_229 = arith.constant 2 : i32
      %add3A_230 = arith.addi %mul3A_228, %add3A_229 : i32
      %add3A_231 = arith.constant 0 : i32
      %add3A_232 = arith.addi %add3A_230, %add3A_231 : i32
      %dma_wait3A_233 = arith.constant 0 : i32
      %dma_wait3A_234 = arith.constant 0 : i32
      %dma_wait3A_235 = arith.constant 0 : i32
      %dma_wait3A_236 = tpu.memref_slice %arg18[%dma_wait3A_234, %dma_wait3A_235] : memref<10240x128xf32, #tpu.memory_space<vmem_shared>> -> memref<10240x128xf32, #tpu.memory_space<vmem_shared>>
      %dma_wait3A_237 = tpu.memref_slice %arg20[%dma_wait3A_233] : memref<4x!tpu.dma_semaphore, #tpu.memory_space<semaphore_mem>> -> memref<1x!tpu.dma_semaphore, #tpu.memory_space<semaphore_mem>>
      %dma_wait3A_238 = tpu.memref_squeeze %dma_wait3A_237 : memref<1x!tpu.dma_semaphore, #tpu.memory_space<semaphore_mem>> -> memref<!tpu.dma_semaphore, #tpu.memory_space<semaphore_mem>>
      tpu.wait_indirect_dma semaphore(%dma_wait3A_238 : memref<!tpu.dma_semaphore, #tpu.memory_space<semaphore_mem>>) src(%arg14 : memref<80x128xf32, #tpu.memory_space<vmem>>) dst(%dma_wait3A_236 : memref<10240x128xf32, #tpu.memory_space<vmem_shared>>)
      %add3A_239 = arith.constant 2 : i32
      %add3A_240 = arith.addi %add3A_232, %add3A_239 : i32
      %add3A_241 = arith.constant 320000 : i32
      %add3A_242 = arith.addi %add3A_241, %mul3A_4 : i32
      %mul3A_243 = arith.constant 80 : i32
      %mul3A_244 = arith.muli %add3A_240, %mul3A_243 : i32
      %add3A_245 = arith.addi %add3A_242, %mul3A_244 : i32
      %dma_start3A_246 = arith.constant 0 : i32
      %dma_start3A_247 = tpu.memref_slice %arg3[%add3A_245] : memref<640000xi32, #tpu.memory_space<hbm>> -> memref<80xi32, #tpu.memory_space<hbm>>
      %dma_start3A_248 = tpu.memref_slice %arg22[%dma_start3A_246] : memref<4x!tpu.dma_semaphore, #tpu.memory_space<semaphore_mem>> -> memref<1x!tpu.dma_semaphore, #tpu.memory_space<semaphore_mem>>
      %dma_start3A_249 = tpu.memref_squeeze %dma_start3A_248 : memref<1x!tpu.dma_semaphore, #tpu.memory_space<semaphore_mem>> -> memref<!tpu.dma_semaphore, #tpu.memory_space<semaphore_mem>>
      %dma_start3A_250 = tpu.memref_slice %arg3[%add3A_245] : memref<640000xi32, #tpu.memory_space<hbm>> -> memref<80xi32, #tpu.memory_space<hbm>>
      tpu.enqueue_dma source(%dma_start3A_250 : memref<80xi32, #tpu.memory_space<hbm>>) target(%arg10 : memref<80xi32, #tpu.memory_space<vmem>>) target_semaphore(%dma_start3A_249 : memref<!tpu.dma_semaphore, #tpu.memory_space<semaphore_mem>>)
      %dma_wait3A_251 = arith.constant 0 : i32
      %dma_wait3A_252 = tpu.memref_slice %arg3[%mul3A_4] : memref<640000xi32, #tpu.memory_space<hbm>> -> memref<80xi32, #tpu.memory_space<hbm>>
      %dma_wait3A_253 = tpu.memref_slice %arg21[%dma_wait3A_251] : memref<4x!tpu.dma_semaphore, #tpu.memory_space<semaphore_mem>> -> memref<1x!tpu.dma_semaphore, #tpu.memory_space<semaphore_mem>>
      %dma_wait3A_254 = tpu.memref_squeeze %dma_wait3A_253 : memref<1x!tpu.dma_semaphore, #tpu.memory_space<semaphore_mem>> -> memref<!tpu.dma_semaphore, #tpu.memory_space<semaphore_mem>>
      %dma_wait3A_255 = tpu.memref_slice %arg3[%mul3A_4] : memref<640000xi32, #tpu.memory_space<hbm>> -> memref<80xi32, #tpu.memory_space<hbm>>
      tpu.wait_dma2 semaphore(%dma_wait3A_254 : memref<!tpu.dma_semaphore, #tpu.memory_space<semaphore_mem>>) src(%dma_wait3A_255 : memref<80xi32, #tpu.memory_space<hbm>>) dst(%arg6 : memref<80xi32, #tpu.memory_space<vmem>>)
      %add3A_256 = arith.constant 2 : i32
      %add3A_257 = arith.addi %add3A_232, %add3A_256 : i32
      %dma_start3A_258 = arith.constant 0 : i32
      %dma_start3A_259 = arith.constant 0 : i32
      %dma_start3A_260 = arith.constant 0 : i32
      %dma_start3A_261 = tpu.memref_slice %arg2[%dma_start3A_259, %dma_start3A_260] : memref<10000x128xf32, #tpu.memory_space<hbm>> -> memref<10000x128xf32, #tpu.memory_space<hbm>>
      %dma_start3A_262 = tpu.memref_slice %arg19[%dma_start3A_258] : memref<4x!tpu.dma_semaphore, #tpu.memory_space<semaphore_mem>> -> memref<1x!tpu.dma_semaphore, #tpu.memory_space<semaphore_mem>>
      %dma_start3A_263 = tpu.memref_squeeze %dma_start3A_262 : memref<1x!tpu.dma_semaphore, #tpu.memory_space<semaphore_mem>> -> memref<!tpu.dma_semaphore, #tpu.memory_space<semaphore_mem>>
      tpu.enqueue_indirect_dma source(%dma_start3A_261 : memref<10000x128xf32, #tpu.memory_space<hbm>>) target(%arg14 : memref<80x128xf32, #tpu.memory_space<vmem>>) offsets(%arg6 : memref<80xi32, #tpu.memory_space<vmem>>) semaphore(%dma_start3A_263 : memref<!tpu.dma_semaphore, #tpu.memory_space<semaphore_mem>>)
      %dma_wait3A_264 = arith.constant 2 : i32
      %dma_wait3A_265 = arith.constant 0 : i32
      %dma_wait3A_266 = arith.constant 0 : i32
      %dma_wait3A_267 = tpu.memref_slice %arg2[%dma_wait3A_265, %dma_wait3A_266] : memref<10000x128xf32, #tpu.memory_space<hbm>> -> memref<10000x128xf32, #tpu.memory_space<hbm>>
      %dma_wait3A_268 = tpu.memref_slice %arg19[%dma_wait3A_264] : memref<4x!tpu.dma_semaphore, #tpu.memory_space<semaphore_mem>> -> memref<1x!tpu.dma_semaphore, #tpu.memory_space<semaphore_mem>>
      %dma_wait3A_269 = tpu.memref_squeeze %dma_wait3A_268 : memref<1x!tpu.dma_semaphore, #tpu.memory_space<semaphore_mem>> -> memref<!tpu.dma_semaphore, #tpu.memory_space<semaphore_mem>>
      tpu.wait_indirect_dma semaphore(%dma_wait3A_269 : memref<!tpu.dma_semaphore, #tpu.memory_space<semaphore_mem>>) src(%dma_wait3A_267 : memref<10000x128xf32, #tpu.memory_space<hbm>>) dst(%arg16 : memref<80x128xf32, #tpu.memory_space<vmem>>)
      %add3A_270 = arith.constant 4 : i32
      %add3A_271 = arith.addi %add3A_232, %add3A_270 : i32
      %add3A_272 = arith.constant 0 : i32
      %add3A_273 = arith.addi %add3A_272, %mul3A_4 : i32
      %mul3A_274 = arith.constant 80 : i32
      %mul3A_275 = arith.muli %add3A_271, %mul3A_274 : i32
      %add3A_276 = arith.addi %add3A_273, %mul3A_275 : i32
      %dma_start3A_277 = arith.constant 2 : i32
      %dma_start3A_278 = tpu.memref_slice %arg3[%add3A_276] : memref<640000xi32, #tpu.memory_space<hbm>> -> memref<80xi32, #tpu.memory_space<hbm>>
      %dma_start3A_279 = tpu.memref_slice %arg21[%dma_start3A_277] : memref<4x!tpu.dma_semaphore, #tpu.memory_space<semaphore_mem>> -> memref<1x!tpu.dma_semaphore, #tpu.memory_space<semaphore_mem>>
      %dma_start3A_280 = tpu.memref_squeeze %dma_start3A_279 : memref<1x!tpu.dma_semaphore, #tpu.memory_space<semaphore_mem>> -> memref<!tpu.dma_semaphore, #tpu.memory_space<semaphore_mem>>
      %dma_start3A_281 = tpu.memref_slice %arg3[%add3A_276] : memref<640000xi32, #tpu.memory_space<hbm>> -> memref<80xi32, #tpu.memory_space<hbm>>
      tpu.enqueue_dma source(%dma_start3A_281 : memref<80xi32, #tpu.memory_space<hbm>>) target(%arg8 : memref<80xi32, #tpu.memory_space<vmem>>) target_semaphore(%dma_start3A_280 : memref<!tpu.dma_semaphore, #tpu.memory_space<semaphore_mem>>)
      %dma_wait3A_282 = arith.constant 2 : i32
      %dma_wait3A_283 = tpu.memref_slice %arg3[%mul3A_4] : memref<640000xi32, #tpu.memory_space<hbm>> -> memref<80xi32, #tpu.memory_space<hbm>>
      %dma_wait3A_284 = tpu.memref_slice %arg22[%dma_wait3A_282] : memref<4x!tpu.dma_semaphore, #tpu.memory_space<semaphore_mem>> -> memref<1x!tpu.dma_semaphore, #tpu.memory_space<semaphore_mem>>
      %dma_wait3A_285 = tpu.memref_squeeze %dma_wait3A_284 : memref<1x!tpu.dma_semaphore, #tpu.memory_space<semaphore_mem>> -> memref<!tpu.dma_semaphore, #tpu.memory_space<semaphore_mem>>
      %dma_wait3A_286 = tpu.memref_slice %arg3[%mul3A_4] : memref<640000xi32, #tpu.memory_space<hbm>> -> memref<80xi32, #tpu.memory_space<hbm>>
      tpu.wait_dma2 semaphore(%dma_wait3A_285 : memref<!tpu.dma_semaphore, #tpu.memory_space<semaphore_mem>>) src(%dma_wait3A_286 : memref<80xi32, #tpu.memory_space<hbm>>) dst(%arg12 : memref<80xi32, #tpu.memory_space<vmem>>)
      %dma_start3A_287 = arith.constant 2 : i32
      %dma_start3A_288 = arith.constant 0 : i32
      %dma_start3A_289 = arith.constant 0 : i32
      %dma_start3A_290 = tpu.memref_slice %arg18[%dma_start3A_288, %dma_start3A_289] : memref<10240x128xf32, #tpu.memory_space<vmem_shared>> -> memref<10240x128xf32, #tpu.memory_space<vmem_shared>>
      %dma_start3A_291 = tpu.memref_slice %arg20[%dma_start3A_287] : memref<4x!tpu.dma_semaphore, #tpu.memory_space<semaphore_mem>> -> memref<1x!tpu.dma_semaphore, #tpu.memory_space<semaphore_mem>>
      %dma_start3A_292 = tpu.memref_squeeze %dma_start3A_291 : memref<1x!tpu.dma_semaphore, #tpu.memory_space<semaphore_mem>> -> memref<!tpu.dma_semaphore, #tpu.memory_space<semaphore_mem>>
      tpu.enqueue_indirect_dma source(%arg16 : memref<80x128xf32, #tpu.memory_space<vmem>>) target(%dma_start3A_290 : memref<10240x128xf32, #tpu.memory_space<vmem_shared>>) offsets(%arg12 : memref<80xi32, #tpu.memory_space<vmem>>) semaphore(%dma_start3A_292 : memref<!tpu.dma_semaphore, #tpu.memory_space<semaphore_mem>>) {add = true}
      %add3A_293 = arith.constant 1 : i32
      %add3A_294 = arith.addi %add3A_230, %add3A_293 : i32
      %dma_wait3A_295 = arith.constant 1 : i32
      %dma_wait3A_296 = arith.constant 0 : i32
      %dma_wait3A_297 = arith.constant 0 : i32
      %dma_wait3A_298 = tpu.memref_slice %arg18[%dma_wait3A_296, %dma_wait3A_297] : memref<10240x128xf32, #tpu.memory_space<vmem_shared>> -> memref<10240x128xf32, #tpu.memory_space<vmem_shared>>
      %dma_wait3A_299 = tpu.memref_slice %arg20[%dma_wait3A_295] : memref<4x!tpu.dma_semaphore, #tpu.memory_space<semaphore_mem>> -> memref<1x!tpu.dma_semaphore, #tpu.memory_space<semaphore_mem>>
      %dma_wait3A_300 = tpu.memref_squeeze %dma_wait3A_299 : memref<1x!tpu.dma_semaphore, #tpu.memory_space<semaphore_mem>> -> memref<!tpu.dma_semaphore, #tpu.memory_space<semaphore_mem>>
      tpu.wait_indirect_dma semaphore(%dma_wait3A_300 : memref<!tpu.dma_semaphore, #tpu.memory_space<semaphore_mem>>) src(%arg15 : memref<80x128xf32, #tpu.memory_space<vmem>>) dst(%dma_wait3A_298 : memref<10240x128xf32, #tpu.memory_space<vmem_shared>>)
      %add3A_301 = arith.constant 2 : i32
      %add3A_302 = arith.addi %add3A_294, %add3A_301 : i32
      %add3A_303 = arith.constant 320000 : i32
      %add3A_304 = arith.addi %add3A_303, %mul3A_4 : i32
      %mul3A_305 = arith.constant 80 : i32
      %mul3A_306 = arith.muli %add3A_302, %mul3A_305 : i32
      %add3A_307 = arith.addi %add3A_304, %mul3A_306 : i32
      %dma_start3A_308 = arith.constant 1 : i32
      %dma_start3A_309 = tpu.memref_slice %arg3[%add3A_307] : memref<640000xi32, #tpu.memory_space<hbm>> -> memref<80xi32, #tpu.memory_space<hbm>>
      %dma_start3A_310 = tpu.memref_slice %arg22[%dma_start3A_308] : memref<4x!tpu.dma_semaphore, #tpu.memory_space<semaphore_mem>> -> memref<1x!tpu.dma_semaphore, #tpu.memory_space<semaphore_mem>>
      %dma_start3A_311 = tpu.memref_squeeze %dma_start3A_310 : memref<1x!tpu.dma_semaphore, #tpu.memory_space<semaphore_mem>> -> memref<!tpu.dma_semaphore, #tpu.memory_space<semaphore_mem>>
      %dma_start3A_312 = tpu.memref_slice %arg3[%add3A_307] : memref<640000xi32, #tpu.memory_space<hbm>> -> memref<80xi32, #tpu.memory_space<hbm>>
      tpu.enqueue_dma source(%dma_start3A_312 : memref<80xi32, #tpu.memory_space<hbm>>) target(%arg11 : memref<80xi32, #tpu.memory_space<vmem>>) target_semaphore(%dma_start3A_311 : memref<!tpu.dma_semaphore, #tpu.memory_space<semaphore_mem>>)
      %dma_wait3A_313 = arith.constant 1 : i32
      %dma_wait3A_314 = tpu.memref_slice %arg3[%mul3A_4] : memref<640000xi32, #tpu.memory_space<hbm>> -> memref<80xi32, #tpu.memory_space<hbm>>
      %dma_wait3A_315 = tpu.memref_slice %arg21[%dma_wait3A_313] : memref<4x!tpu.dma_semaphore, #tpu.memory_space<semaphore_mem>> -> memref<1x!tpu.dma_semaphore, #tpu.memory_space<semaphore_mem>>
      %dma_wait3A_316 = tpu.memref_squeeze %dma_wait3A_315 : memref<1x!tpu.dma_semaphore, #tpu.memory_space<semaphore_mem>> -> memref<!tpu.dma_semaphore, #tpu.memory_space<semaphore_mem>>
      %dma_wait3A_317 = tpu.memref_slice %arg3[%mul3A_4] : memref<640000xi32, #tpu.memory_space<hbm>> -> memref<80xi32, #tpu.memory_space<hbm>>
      tpu.wait_dma2 semaphore(%dma_wait3A_316 : memref<!tpu.dma_semaphore, #tpu.memory_space<semaphore_mem>>) src(%dma_wait3A_317 : memref<80xi32, #tpu.memory_space<hbm>>) dst(%arg7 : memref<80xi32, #tpu.memory_space<vmem>>)
      %add3A_318 = arith.constant 2 : i32
      %add3A_319 = arith.addi %add3A_294, %add3A_318 : i32
      %dma_start3A_320 = arith.constant 1 : i32
      %dma_start3A_321 = arith.constant 0 : i32
      %dma_start3A_322 = arith.constant 0 : i32
      %dma_start3A_323 = tpu.memref_slice %arg2[%dma_start3A_321, %dma_start3A_322] : memref<10000x128xf32, #tpu.memory_space<hbm>> -> memref<10000x128xf32, #tpu.memory_space<hbm>>
      %dma_start3A_324 = tpu.memref_slice %arg19[%dma_start3A_320] : memref<4x!tpu.dma_semaphore, #tpu.memory_space<semaphore_mem>> -> memref<1x!tpu.dma_semaphore, #tpu.memory_space<semaphore_mem>>
      %dma_start3A_325 = tpu.memref_squeeze %dma_start3A_324 : memref<1x!tpu.dma_semaphore, #tpu.memory_space<semaphore_mem>> -> memref<!tpu.dma_semaphore, #tpu.memory_space<semaphore_mem>>
      tpu.enqueue_indirect_dma source(%dma_start3A_323 : memref<10000x128xf32, #tpu.memory_space<hbm>>) target(%arg15 : memref<80x128xf32, #tpu.memory_space<vmem>>) offsets(%arg7 : memref<80xi32, #tpu.memory_space<vmem>>) semaphore(%dma_start3A_325 : memref<!tpu.dma_semaphore, #tpu.memory_space<semaphore_mem>>)
      %dma_wait3A_326 = arith.constant 3 : i32
      %dma_wait3A_327 = arith.constant 0 : i32
      %dma_wait3A_328 = arith.constant 0 : i32
      %dma_wait3A_329 = tpu.memref_slice %arg2[%dma_wait3A_327, %dma_wait3A_328] : memref<10000x128xf32, #tpu.memory_space<hbm>> -> memref<10000x128xf32, #tpu.memory_space<hbm>>
      %dma_wait3A_330 = tpu.memref_slice %arg19[%dma_wait3A_326] : memref<4x!tpu.dma_semaphore, #tpu.memory_space<semaphore_mem>> -> memref<1x!tpu.dma_semaphore, #tpu.memory_space<semaphore_mem>>
      %dma_wait3A_331 = tpu.memref_squeeze %dma_wait3A_330 : memref<1x!tpu.dma_semaphore, #tpu.memory_space<semaphore_mem>> -> memref<!tpu.dma_semaphore, #tpu.memory_space<semaphore_mem>>
      tpu.wait_indirect_dma semaphore(%dma_wait3A_331 : memref<!tpu.dma_semaphore, #tpu.memory_space<semaphore_mem>>) src(%dma_wait3A_329 : memref<10000x128xf32, #tpu.memory_space<hbm>>) dst(%arg17 : memref<80x128xf32, #tpu.memory_space<vmem>>)
      %add3A_332 = arith.constant 4 : i32
      %add3A_333 = arith.addi %add3A_294, %add3A_332 : i32
      %add3A_334 = arith.constant 0 : i32
      %add3A_335 = arith.addi %add3A_334, %mul3A_4 : i32
      %mul3A_336 = arith.constant 80 : i32
      %mul3A_337 = arith.muli %add3A_333, %mul3A_336 : i32
      %add3A_338 = arith.addi %add3A_335, %mul3A_337 : i32
      %dma_start3A_339 = arith.constant 3 : i32
      %dma_start3A_340 = tpu.memref_slice %arg3[%add3A_338] : memref<640000xi32, #tpu.memory_space<hbm>> -> memref<80xi32, #tpu.memory_space<hbm>>
      %dma_start3A_341 = tpu.memref_slice %arg21[%dma_start3A_339] : memref<4x!tpu.dma_semaphore, #tpu.memory_space<semaphore_mem>> -> memref<1x!tpu.dma_semaphore, #tpu.memory_space<semaphore_mem>>
      %dma_start3A_342 = tpu.memref_squeeze %dma_start3A_341 : memref<1x!tpu.dma_semaphore, #tpu.memory_space<semaphore_mem>> -> memref<!tpu.dma_semaphore, #tpu.memory_space<semaphore_mem>>
      %dma_start3A_343 = tpu.memref_slice %arg3[%add3A_338] : memref<640000xi32, #tpu.memory_space<hbm>> -> memref<80xi32, #tpu.memory_space<hbm>>
      tpu.enqueue_dma source(%dma_start3A_343 : memref<80xi32, #tpu.memory_space<hbm>>) target(%arg9 : memref<80xi32, #tpu.memory_space<vmem>>) target_semaphore(%dma_start3A_342 : memref<!tpu.dma_semaphore, #tpu.memory_space<semaphore_mem>>)
      %dma_wait3A_344 = arith.constant 3 : i32
      %dma_wait3A_345 = tpu.memref_slice %arg3[%mul3A_4] : memref<640000xi32, #tpu.memory_space<hbm>> -> memref<80xi32, #tpu.memory_space<hbm>>
      %dma_wait3A_346 = tpu.memref_slice %arg22[%dma_wait3A_344] : memref<4x!tpu.dma_semaphore, #tpu.memory_space<semaphore_mem>> -> memref<1x!tpu.dma_semaphore, #tpu.memory_space<semaphore_mem>>
      %dma_wait3A_347 = tpu.memref_squeeze %dma_wait3A_346 : memref<1x!tpu.dma_semaphore, #tpu.memory_space<semaphore_mem>> -> memref<!tpu.dma_semaphore, #tpu.memory_space<semaphore_mem>>
      %dma_wait3A_348 = tpu.memref_slice %arg3[%mul3A_4] : memref<640000xi32, #tpu.memory_space<hbm>> -> memref<80xi32, #tpu.memory_space<hbm>>
      tpu.wait_dma2 semaphore(%dma_wait3A_347 : memref<!tpu.dma_semaphore, #tpu.memory_space<semaphore_mem>>) src(%dma_wait3A_348 : memref<80xi32, #tpu.memory_space<hbm>>) dst(%arg13 : memref<80xi32, #tpu.memory_space<vmem>>)
      %dma_start3A_349 = arith.constant 3 : i32
      %dma_start3A_350 = arith.constant 0 : i32
      %dma_start3A_351 = arith.constant 0 : i32
      %dma_start3A_352 = tpu.memref_slice %arg18[%dma_start3A_350, %dma_start3A_351] : memref<10240x128xf32, #tpu.memory_space<vmem_shared>> -> memref<10240x128xf32, #tpu.memory_space<vmem_shared>>
      %dma_start3A_353 = tpu.memref_slice %arg20[%dma_start3A_349] : memref<4x!tpu.dma_semaphore, #tpu.memory_space<semaphore_mem>> -> memref<1x!tpu.dma_semaphore, #tpu.memory_space<semaphore_mem>>
      %dma_start3A_354 = tpu.memref_squeeze %dma_start3A_353 : memref<1x!tpu.dma_semaphore, #tpu.memory_space<semaphore_mem>> -> memref<!tpu.dma_semaphore, #tpu.memory_space<semaphore_mem>>
      tpu.enqueue_indirect_dma source(%arg17 : memref<80x128xf32, #tpu.memory_space<vmem>>) target(%dma_start3A_352 : memref<10240x128xf32, #tpu.memory_space<vmem_shared>>) offsets(%arg13 : memref<80xi32, #tpu.memory_space<vmem>>) semaphore(%dma_start3A_354 : memref<!tpu.dma_semaphore, #tpu.memory_space<semaphore_mem>>) {add = true}
      %add3A_355 = arith.constant 2 : i32
      %add3A_356 = arith.addi %add3A_230, %add3A_355 : i32
      %dma_wait3A_357 = arith.constant 2 : i32
      %dma_wait3A_358 = arith.constant 0 : i32
      %dma_wait3A_359 = arith.constant 0 : i32
      %dma_wait3A_360 = tpu.memref_slice %arg18[%dma_wait3A_358, %dma_wait3A_359] : memref<10240x128xf32, #tpu.memory_space<vmem_shared>> -> memref<10240x128xf32, #tpu.memory_space<vmem_shared>>
      %dma_wait3A_361 = tpu.memref_slice %arg20[%dma_wait3A_357] : memref<4x!tpu.dma_semaphore, #tpu.memory_space<semaphore_mem>> -> memref<1x!tpu.dma_semaphore, #tpu.memory_space<semaphore_mem>>
      %dma_wait3A_362 = tpu.memref_squeeze %dma_wait3A_361 : memref<1x!tpu.dma_semaphore, #tpu.memory_space<semaphore_mem>> -> memref<!tpu.dma_semaphore, #tpu.memory_space<semaphore_mem>>
      tpu.wait_indirect_dma semaphore(%dma_wait3A_362 : memref<!tpu.dma_semaphore, #tpu.memory_space<semaphore_mem>>) src(%arg16 : memref<80x128xf32, #tpu.memory_space<vmem>>) dst(%dma_wait3A_360 : memref<10240x128xf32, #tpu.memory_space<vmem_shared>>)
      %add3A_363 = arith.constant 2 : i32
      %add3A_364 = arith.addi %add3A_356, %add3A_363 : i32
      %add3A_365 = arith.constant 320000 : i32
      %add3A_366 = arith.addi %add3A_365, %mul3A_4 : i32
      %mul3A_367 = arith.constant 80 : i32
      %mul3A_368 = arith.muli %add3A_364, %mul3A_367 : i32
      %add3A_369 = arith.addi %add3A_366, %mul3A_368 : i32
      %dma_start3A_370 = arith.constant 2 : i32
      %dma_start3A_371 = tpu.memref_slice %arg3[%add3A_369] : memref<640000xi32, #tpu.memory_space<hbm>> -> memref<80xi32, #tpu.memory_space<hbm>>
      %dma_start3A_372 = tpu.memref_slice %arg22[%dma_start3A_370] : memref<4x!tpu.dma_semaphore, #tpu.memory_space<semaphore_mem>> -> memref<1x!tpu.dma_semaphore, #tpu.memory_space<semaphore_mem>>
      %dma_start3A_373 = tpu.memref_squeeze %dma_start3A_372 : memref<1x!tpu.dma_semaphore, #tpu.memory_space<semaphore_mem>> -> memref<!tpu.dma_semaphore, #tpu.memory_space<semaphore_mem>>
      %dma_start3A_374 = tpu.memref_slice %arg3[%add3A_369] : memref<640000xi32, #tpu.memory_space<hbm>> -> memref<80xi32, #tpu.memory_space<hbm>>
      tpu.enqueue_dma source(%dma_start3A_374 : memref<80xi32, #tpu.memory_space<hbm>>) target(%arg12 : memref<80xi32, #tpu.memory_space<vmem>>) target_semaphore(%dma_start3A_373 : memref<!tpu.dma_semaphore, #tpu.memory_space<semaphore_mem>>)
      %dma_wait3A_375 = arith.constant 2 : i32
      %dma_wait3A_376 = tpu.memref_slice %arg3[%mul3A_4] : memref<640000xi32, #tpu.memory_space<hbm>> -> memref<80xi32, #tpu.memory_space<hbm>>
      %dma_wait3A_377 = tpu.memref_slice %arg21[%dma_wait3A_375] : memref<4x!tpu.dma_semaphore, #tpu.memory_space<semaphore_mem>> -> memref<1x!tpu.dma_semaphore, #tpu.memory_space<semaphore_mem>>
      %dma_wait3A_378 = tpu.memref_squeeze %dma_wait3A_377 : memref<1x!tpu.dma_semaphore, #tpu.memory_space<semaphore_mem>> -> memref<!tpu.dma_semaphore, #tpu.memory_space<semaphore_mem>>
      %dma_wait3A_379 = tpu.memref_slice %arg3[%mul3A_4] : memref<640000xi32, #tpu.memory_space<hbm>> -> memref<80xi32, #tpu.memory_space<hbm>>
      tpu.wait_dma2 semaphore(%dma_wait3A_378 : memref<!tpu.dma_semaphore, #tpu.memory_space<semaphore_mem>>) src(%dma_wait3A_379 : memref<80xi32, #tpu.memory_space<hbm>>) dst(%arg8 : memref<80xi32, #tpu.memory_space<vmem>>)
      %add3A_380 = arith.constant 2 : i32
      %add3A_381 = arith.addi %add3A_356, %add3A_380 : i32
      %dma_start3A_382 = arith.constant 2 : i32
      %dma_start3A_383 = arith.constant 0 : i32
      %dma_start3A_384 = arith.constant 0 : i32
      %dma_start3A_385 = tpu.memref_slice %arg2[%dma_start3A_383, %dma_start3A_384] : memref<10000x128xf32, #tpu.memory_space<hbm>> -> memref<10000x128xf32, #tpu.memory_space<hbm>>
      %dma_start3A_386 = tpu.memref_slice %arg19[%dma_start3A_382] : memref<4x!tpu.dma_semaphore, #tpu.memory_space<semaphore_mem>> -> memref<1x!tpu.dma_semaphore, #tpu.memory_space<semaphore_mem>>
      %dma_start3A_387 = tpu.memref_squeeze %dma_start3A_386 : memref<1x!tpu.dma_semaphore, #tpu.memory_space<semaphore_mem>> -> memref<!tpu.dma_semaphore, #tpu.memory_space<semaphore_mem>>
      tpu.enqueue_indirect_dma source(%dma_start3A_385 : memref<10000x128xf32, #tpu.memory_space<hbm>>) target(%arg16 : memref<80x128xf32, #tpu.memory_space<vmem>>) offsets(%arg8 : memref<80xi32, #tpu.memory_space<vmem>>) semaphore(%dma_start3A_387 : memref<!tpu.dma_semaphore, #tpu.memory_space<semaphore_mem>>)
      %dma_wait3A_388 = arith.constant 0 : i32
      %dma_wait3A_389 = arith.constant 0 : i32
      %dma_wait3A_390 = arith.constant 0 : i32
      %dma_wait3A_391 = tpu.memref_slice %arg2[%dma_wait3A_389, %dma_wait3A_390] : memref<10000x128xf32, #tpu.memory_space<hbm>> -> memref<10000x128xf32, #tpu.memory_space<hbm>>
      %dma_wait3A_392 = tpu.memref_slice %arg19[%dma_wait3A_388] : memref<4x!tpu.dma_semaphore, #tpu.memory_space<semaphore_mem>> -> memref<1x!tpu.dma_semaphore, #tpu.memory_space<semaphore_mem>>
      %dma_wait3A_393 = tpu.memref_squeeze %dma_wait3A_392 : memref<1x!tpu.dma_semaphore, #tpu.memory_space<semaphore_mem>> -> memref<!tpu.dma_semaphore, #tpu.memory_space<semaphore_mem>>
      tpu.wait_indirect_dma semaphore(%dma_wait3A_393 : memref<!tpu.dma_semaphore, #tpu.memory_space<semaphore_mem>>) src(%dma_wait3A_391 : memref<10000x128xf32, #tpu.memory_space<hbm>>) dst(%arg14 : memref<80x128xf32, #tpu.memory_space<vmem>>)
      %add3A_394 = arith.constant 4 : i32
      %add3A_395 = arith.addi %add3A_356, %add3A_394 : i32
      %add3A_396 = arith.constant 0 : i32
      %add3A_397 = arith.addi %add3A_396, %mul3A_4 : i32
      %mul3A_398 = arith.constant 80 : i32
      %mul3A_399 = arith.muli %add3A_395, %mul3A_398 : i32
      %add3A_400 = arith.addi %add3A_397, %mul3A_399 : i32
      %dma_start3A_401 = arith.constant 0 : i32
      %dma_start3A_402 = tpu.memref_slice %arg3[%add3A_400] : memref<640000xi32, #tpu.memory_space<hbm>> -> memref<80xi32, #tpu.memory_space<hbm>>
      %dma_start3A_403 = tpu.memref_slice %arg21[%dma_start3A_401] : memref<4x!tpu.dma_semaphore, #tpu.memory_space<semaphore_mem>> -> memref<1x!tpu.dma_semaphore, #tpu.memory_space<semaphore_mem>>
      %dma_start3A_404 = tpu.memref_squeeze %dma_start3A_403 : memref<1x!tpu.dma_semaphore, #tpu.memory_space<semaphore_mem>> -> memref<!tpu.dma_semaphore, #tpu.memory_space<semaphore_mem>>
      %dma_start3A_405 = tpu.memref_slice %arg3[%add3A_400] : memref<640000xi32, #tpu.memory_space<hbm>> -> memref<80xi32, #tpu.memory_space<hbm>>
      tpu.enqueue_dma source(%dma_start3A_405 : memref<80xi32, #tpu.memory_space<hbm>>) target(%arg6 : memref<80xi32, #tpu.memory_space<vmem>>) target_semaphore(%dma_start3A_404 : memref<!tpu.dma_semaphore, #tpu.memory_space<semaphore_mem>>)
      %dma_wait3A_406 = arith.constant 0 : i32
      %dma_wait3A_407 = tpu.memref_slice %arg3[%mul3A_4] : memref<640000xi32, #tpu.memory_space<hbm>> -> memref<80xi32, #tpu.memory_space<hbm>>
      %dma_wait3A_408 = tpu.memref_slice %arg22[%dma_wait3A_406] : memref<4x!tpu.dma_semaphore, #tpu.memory_space<semaphore_mem>> -> memref<1x!tpu.dma_semaphore, #tpu.memory_space<semaphore_mem>>
      %dma_wait3A_409 = tpu.memref_squeeze %dma_wait3A_408 : memref<1x!tpu.dma_semaphore, #tpu.memory_space<semaphore_mem>> -> memref<!tpu.dma_semaphore, #tpu.memory_space<semaphore_mem>>
      %dma_wait3A_410 = tpu.memref_slice %arg3[%mul3A_4] : memref<640000xi32, #tpu.memory_space<hbm>> -> memref<80xi32, #tpu.memory_space<hbm>>
      tpu.wait_dma2 semaphore(%dma_wait3A_409 : memref<!tpu.dma_semaphore, #tpu.memory_space<semaphore_mem>>) src(%dma_wait3A_410 : memref<80xi32, #tpu.memory_space<hbm>>) dst(%arg10 : memref<80xi32, #tpu.memory_space<vmem>>)
      %dma_start3A_411 = arith.constant 0 : i32
      %dma_start3A_412 = arith.constant 0 : i32
      %dma_start3A_413 = arith.constant 0 : i32
      %dma_start3A_414 = tpu.memref_slice %arg18[%dma_start3A_412, %dma_start3A_413] : memref<10240x128xf32, #tpu.memory_space<vmem_shared>> -> memref<10240x128xf32, #tpu.memory_space<vmem_shared>>
      %dma_start3A_415 = tpu.memref_slice %arg20[%dma_start3A_411] : memref<4x!tpu.dma_semaphore, #tpu.memory_space<semaphore_mem>> -> memref<1x!tpu.dma_semaphore, #tpu.memory_space<semaphore_mem>>
      %dma_start3A_416 = tpu.memref_squeeze %dma_start3A_415 : memref<1x!tpu.dma_semaphore, #tpu.memory_space<semaphore_mem>> -> memref<!tpu.dma_semaphore, #tpu.memory_space<semaphore_mem>>
      tpu.enqueue_indirect_dma source(%arg14 : memref<80x128xf32, #tpu.memory_space<vmem>>) target(%dma_start3A_414 : memref<10240x128xf32, #tpu.memory_space<vmem_shared>>) offsets(%arg10 : memref<80xi32, #tpu.memory_space<vmem>>) semaphore(%dma_start3A_416 : memref<!tpu.dma_semaphore, #tpu.memory_space<semaphore_mem>>) {add = true}
      %add3A_417 = arith.constant 3 : i32
      %add3A_418 = arith.addi %add3A_230, %add3A_417 : i32
      %dma_wait3A_419 = arith.constant 3 : i32
      %dma_wait3A_420 = arith.constant 0 : i32
      %dma_wait3A_421 = arith.constant 0 : i32
      %dma_wait3A_422 = tpu.memref_slice %arg18[%dma_wait3A_420, %dma_wait3A_421] : memref<10240x128xf32, #tpu.memory_space<vmem_shared>> -> memref<10240x128xf32, #tpu.memory_space<vmem_shared>>
      %dma_wait3A_423 = tpu.memref_slice %arg20[%dma_wait3A_419] : memref<4x!tpu.dma_semaphore, #tpu.memory_space<semaphore_mem>> -> memref<1x!tpu.dma_semaphore, #tpu.memory_space<semaphore_mem>>
      %dma_wait3A_424 = tpu.memref_squeeze %dma_wait3A_423 : memref<1x!tpu.dma_semaphore, #tpu.memory_space<semaphore_mem>> -> memref<!tpu.dma_semaphore, #tpu.memory_space<semaphore_mem>>
      tpu.wait_indirect_dma semaphore(%dma_wait3A_424 : memref<!tpu.dma_semaphore, #tpu.memory_space<semaphore_mem>>) src(%arg17 : memref<80x128xf32, #tpu.memory_space<vmem>>) dst(%dma_wait3A_422 : memref<10240x128xf32, #tpu.memory_space<vmem_shared>>)
      %add3A_425 = arith.constant 2 : i32
      %add3A_426 = arith.addi %add3A_418, %add3A_425 : i32
      %add3A_427 = arith.constant 320000 : i32
      %add3A_428 = arith.addi %add3A_427, %mul3A_4 : i32
      %mul3A_429 = arith.constant 80 : i32
      %mul3A_430 = arith.muli %add3A_426, %mul3A_429 : i32
      %add3A_431 = arith.addi %add3A_428, %mul3A_430 : i32
      %dma_start3A_432 = arith.constant 3 : i32
      %dma_start3A_433 = tpu.memref_slice %arg3[%add3A_431] : memref<640000xi32, #tpu.memory_space<hbm>> -> memref<80xi32, #tpu.memory_space<hbm>>
      %dma_start3A_434 = tpu.memref_slice %arg22[%dma_start3A_432] : memref<4x!tpu.dma_semaphore, #tpu.memory_space<semaphore_mem>> -> memref<1x!tpu.dma_semaphore, #tpu.memory_space<semaphore_mem>>
      %dma_start3A_435 = tpu.memref_squeeze %dma_start3A_434 : memref<1x!tpu.dma_semaphore, #tpu.memory_space<semaphore_mem>> -> memref<!tpu.dma_semaphore, #tpu.memory_space<semaphore_mem>>
      %dma_start3A_436 = tpu.memref_slice %arg3[%add3A_431] : memref<640000xi32, #tpu.memory_space<hbm>> -> memref<80xi32, #tpu.memory_space<hbm>>
      tpu.enqueue_dma source(%dma_start3A_436 : memref<80xi32, #tpu.memory_space<hbm>>) target(%arg13 : memref<80xi32, #tpu.memory_space<vmem>>) target_semaphore(%dma_start3A_435 : memref<!tpu.dma_semaphore, #tpu.memory_space<semaphore_mem>>)
      %dma_wait3A_437 = arith.constant 3 : i32
      %dma_wait3A_438 = tpu.memref_slice %arg3[%mul3A_4] : memref<640000xi32, #tpu.memory_space<hbm>> -> memref<80xi32, #tpu.memory_space<hbm>>
      %dma_wait3A_439 = tpu.memref_slice %arg21[%dma_wait3A_437] : memref<4x!tpu.dma_semaphore, #tpu.memory_space<semaphore_mem>> -> memref<1x!tpu.dma_semaphore, #tpu.memory_space<semaphore_mem>>
      %dma_wait3A_440 = tpu.memref_squeeze %dma_wait3A_439 : memref<1x!tpu.dma_semaphore, #tpu.memory_space<semaphore_mem>> -> memref<!tpu.dma_semaphore, #tpu.memory_space<semaphore_mem>>
      %dma_wait3A_441 = tpu.memref_slice %arg3[%mul3A_4] : memref<640000xi32, #tpu.memory_space<hbm>> -> memref<80xi32, #tpu.memory_space<hbm>>
      tpu.wait_dma2 semaphore(%dma_wait3A_440 : memref<!tpu.dma_semaphore, #tpu.memory_space<semaphore_mem>>) src(%dma_wait3A_441 : memref<80xi32, #tpu.memory_space<hbm>>) dst(%arg9 : memref<80xi32, #tpu.memory_space<vmem>>)
      %add3A_442 = arith.constant 2 : i32
      %add3A_443 = arith.addi %add3A_418, %add3A_442 : i32
      %dma_start3A_444 = arith.constant 3 : i32
      %dma_start3A_445 = arith.constant 0 : i32
      %dma_start3A_446 = arith.constant 0 : i32
      %dma_start3A_447 = tpu.memref_slice %arg2[%dma_start3A_445, %dma_start3A_446] : memref<10000x128xf32, #tpu.memory_space<hbm>> -> memref<10000x128xf32, #tpu.memory_space<hbm>>
      %dma_start3A_448 = tpu.memref_slice %arg19[%dma_start3A_444] : memref<4x!tpu.dma_semaphore, #tpu.memory_space<semaphore_mem>> -> memref<1x!tpu.dma_semaphore, #tpu.memory_space<semaphore_mem>>
      %dma_start3A_449 = tpu.memref_squeeze %dma_start3A_448 : memref<1x!tpu.dma_semaphore, #tpu.memory_space<semaphore_mem>> -> memref<!tpu.dma_semaphore, #tpu.memory_space<semaphore_mem>>
      tpu.enqueue_indirect_dma source(%dma_start3A_447 : memref<10000x128xf32, #tpu.memory_space<hbm>>) target(%arg17 : memref<80x128xf32, #tpu.memory_space<vmem>>) offsets(%arg9 : memref<80xi32, #tpu.memory_space<vmem>>) semaphore(%dma_start3A_449 : memref<!tpu.dma_semaphore, #tpu.memory_space<semaphore_mem>>)
      %dma_wait3A_450 = arith.constant 1 : i32
      %dma_wait3A_451 = arith.constant 0 : i32
      %dma_wait3A_452 = arith.constant 0 : i32
      %dma_wait3A_453 = tpu.memref_slice %arg2[%dma_wait3A_451, %dma_wait3A_452] : memref<10000x128xf32, #tpu.memory_space<hbm>> -> memref<10000x128xf32, #tpu.memory_space<hbm>>
      %dma_wait3A_454 = tpu.memref_slice %arg19[%dma_wait3A_450] : memref<4x!tpu.dma_semaphore, #tpu.memory_space<semaphore_mem>> -> memref<1x!tpu.dma_semaphore, #tpu.memory_space<semaphore_mem>>
      %dma_wait3A_455 = tpu.memref_squeeze %dma_wait3A_454 : memref<1x!tpu.dma_semaphore, #tpu.memory_space<semaphore_mem>> -> memref<!tpu.dma_semaphore, #tpu.memory_space<semaphore_mem>>
      tpu.wait_indirect_dma semaphore(%dma_wait3A_455 : memref<!tpu.dma_semaphore, #tpu.memory_space<semaphore_mem>>) src(%dma_wait3A_453 : memref<10000x128xf32, #tpu.memory_space<hbm>>) dst(%arg15 : memref<80x128xf32, #tpu.memory_space<vmem>>)
      %add3A_456 = arith.constant 4 : i32
      %add3A_457 = arith.addi %add3A_418, %add3A_456 : i32
      %add3A_458 = arith.constant 0 : i32
      %add3A_459 = arith.addi %add3A_458, %mul3A_4 : i32
      %mul3A_460 = arith.constant 80 : i32
      %mul3A_461 = arith.muli %add3A_457, %mul3A_460 : i32
      %add3A_462 = arith.addi %add3A_459, %mul3A_461 : i32
      %dma_start3A_463 = arith.constant 1 : i32
      %dma_start3A_464 = tpu.memref_slice %arg3[%add3A_462] : memref<640000xi32, #tpu.memory_space<hbm>> -> memref<80xi32, #tpu.memory_space<hbm>>
      %dma_start3A_465 = tpu.memref_slice %arg21[%dma_start3A_463] : memref<4x!tpu.dma_semaphore, #tpu.memory_space<semaphore_mem>> -> memref<1x!tpu.dma_semaphore, #tpu.memory_space<semaphore_mem>>
      %dma_start3A_466 = tpu.memref_squeeze %dma_start3A_465 : memref<1x!tpu.dma_semaphore, #tpu.memory_space<semaphore_mem>> -> memref<!tpu.dma_semaphore, #tpu.memory_space<semaphore_mem>>
      %dma_start3A_467 = tpu.memref_slice %arg3[%add3A_462] : memref<640000xi32, #tpu.memory_space<hbm>> -> memref<80xi32, #tpu.memory_space<hbm>>
      tpu.enqueue_dma source(%dma_start3A_467 : memref<80xi32, #tpu.memory_space<hbm>>) target(%arg7 : memref<80xi32, #tpu.memory_space<vmem>>) target_semaphore(%dma_start3A_466 : memref<!tpu.dma_semaphore, #tpu.memory_space<semaphore_mem>>)
      %dma_wait3A_468 = arith.constant 1 : i32
      %dma_wait3A_469 = tpu.memref_slice %arg3[%mul3A_4] : memref<640000xi32, #tpu.memory_space<hbm>> -> memref<80xi32, #tpu.memory_space<hbm>>
      %dma_wait3A_470 = tpu.memref_slice %arg22[%dma_wait3A_468] : memref<4x!tpu.dma_semaphore, #tpu.memory_space<semaphore_mem>> -> memref<1x!tpu.dma_semaphore, #tpu.memory_space<semaphore_mem>>
      %dma_wait3A_471 = tpu.memref_squeeze %dma_wait3A_470 : memref<1x!tpu.dma_semaphore, #tpu.memory_space<semaphore_mem>> -> memref<!tpu.dma_semaphore, #tpu.memory_space<semaphore_mem>>
      %dma_wait3A_472 = tpu.memref_slice %arg3[%mul3A_4] : memref<640000xi32, #tpu.memory_space<hbm>> -> memref<80xi32, #tpu.memory_space<hbm>>
      tpu.wait_dma2 semaphore(%dma_wait3A_471 : memref<!tpu.dma_semaphore, #tpu.memory_space<semaphore_mem>>) src(%dma_wait3A_472 : memref<80xi32, #tpu.memory_space<hbm>>) dst(%arg11 : memref<80xi32, #tpu.memory_space<vmem>>)
      %dma_start3A_473 = arith.constant 1 : i32
      %dma_start3A_474 = arith.constant 0 : i32
      %dma_start3A_475 = arith.constant 0 : i32
      %dma_start3A_476 = tpu.memref_slice %arg18[%dma_start3A_474, %dma_start3A_475] : memref<10240x128xf32, #tpu.memory_space<vmem_shared>> -> memref<10240x128xf32, #tpu.memory_space<vmem_shared>>
      %dma_start3A_477 = tpu.memref_slice %arg20[%dma_start3A_473] : memref<4x!tpu.dma_semaphore, #tpu.memory_space<semaphore_mem>> -> memref<1x!tpu.dma_semaphore, #tpu.memory_space<semaphore_mem>>
      %dma_start3A_478 = tpu.memref_squeeze %dma_start3A_477 : memref<1x!tpu.dma_semaphore, #tpu.memory_space<semaphore_mem>> -> memref<!tpu.dma_semaphore, #tpu.memory_space<semaphore_mem>>
      tpu.enqueue_indirect_dma source(%arg15 : memref<80x128xf32, #tpu.memory_space<vmem>>) target(%dma_start3A_476 : memref<10240x128xf32, #tpu.memory_space<vmem_shared>>) offsets(%arg11 : memref<80xi32, #tpu.memory_space<vmem>>) semaphore(%dma_start3A_478 : memref<!tpu.dma_semaphore, #tpu.memory_space<semaphore_mem>>) {add = true}
    }
    %scan3A_115 = arith.constant 30 : i32
    %dma_wait3A_116 = arith.constant 0 : i32
    %dma_wait3A_117 = arith.constant 0 : i32
    %dma_wait3A_118 = arith.constant 0 : i32
    %dma_wait3A_119 = tpu.memref_slice %arg18[%dma_wait3A_117, %dma_wait3A_118] : memref<10240x128xf32, #tpu.memory_space<vmem_shared>> -> memref<10240x128xf32, #tpu.memory_space<vmem_shared>>
    %dma_wait3A_120 = tpu.memref_slice %arg20[%dma_wait3A_116] : memref<4x!tpu.dma_semaphore, #tpu.memory_space<semaphore_mem>> -> memref<1x!tpu.dma_semaphore, #tpu.memory_space<semaphore_mem>>
    %dma_wait3A_121 = tpu.memref_squeeze %dma_wait3A_120 : memref<1x!tpu.dma_semaphore, #tpu.memory_space<semaphore_mem>> -> memref<!tpu.dma_semaphore, #tpu.memory_space<semaphore_mem>>
    tpu.wait_indirect_dma semaphore(%dma_wait3A_121 : memref<!tpu.dma_semaphore, #tpu.memory_space<semaphore_mem>>) src(%arg14 : memref<80x128xf32, #tpu.memory_space<vmem>>) dst(%dma_wait3A_119 : memref<10240x128xf32, #tpu.memory_space<vmem_shared>>)
    %add3A_122 = arith.constant 320000 : i32
    %add3A_123 = arith.addi %add3A_122, %mul3A_4 : i32
    %add3A_124 = arith.constant 9920 : i32
    %add3A_125 = arith.addi %add3A_123, %add3A_124 : i32
    %dma_start3A_126 = arith.constant 0 : i32
    %dma_start3A_127 = tpu.memref_slice %arg3[%add3A_125] : memref<640000xi32, #tpu.memory_space<hbm>> -> memref<80xi32, #tpu.memory_space<hbm>>
    %dma_start3A_128 = tpu.memref_slice %arg22[%dma_start3A_126] : memref<4x!tpu.dma_semaphore, #tpu.memory_space<semaphore_mem>> -> memref<1x!tpu.dma_semaphore, #tpu.memory_space<semaphore_mem>>
    %dma_start3A_129 = tpu.memref_squeeze %dma_start3A_128 : memref<1x!tpu.dma_semaphore, #tpu.memory_space<semaphore_mem>> -> memref<!tpu.dma_semaphore, #tpu.memory_space<semaphore_mem>>
    %dma_start3A_130 = tpu.memref_slice %arg3[%add3A_125] : memref<640000xi32, #tpu.memory_space<hbm>> -> memref<80xi32, #tpu.memory_space<hbm>>
    tpu.enqueue_dma source(%dma_start3A_130 : memref<80xi32, #tpu.memory_space<hbm>>) target(%arg10 : memref<80xi32, #tpu.memory_space<vmem>>) target_semaphore(%dma_start3A_129 : memref<!tpu.dma_semaphore, #tpu.memory_space<semaphore_mem>>)
    %dma_wait3A_131 = arith.constant 0 : i32
    %dma_wait3A_132 = tpu.memref_slice %arg3[%mul3A_4] : memref<640000xi32, #tpu.memory_space<hbm>> -> memref<80xi32, #tpu.memory_space<hbm>>
    %dma_wait3A_133 = tpu.memref_slice %arg21[%dma_wait3A_131] : memref<4x!tpu.dma_semaphore, #tpu.memory_space<semaphore_mem>> -> memref<1x!tpu.dma_semaphore, #tpu.memory_space<semaphore_mem>>
    %dma_wait3A_134 = tpu.memref_squeeze %dma_wait3A_133 : memref<1x!tpu.dma_semaphore, #tpu.memory_space<semaphore_mem>> -> memref<!tpu.dma_semaphore, #tpu.memory_space<semaphore_mem>>
    %dma_wait3A_135 = tpu.memref_slice %arg3[%mul3A_4] : memref<640000xi32, #tpu.memory_space<hbm>> -> memref<80xi32, #tpu.memory_space<hbm>>
    tpu.wait_dma2 semaphore(%dma_wait3A_134 : memref<!tpu.dma_semaphore, #tpu.memory_space<semaphore_mem>>) src(%dma_wait3A_135 : memref<80xi32, #tpu.memory_space<hbm>>) dst(%arg6 : memref<80xi32, #tpu.memory_space<vmem>>)
    %dma_start3A_136 = arith.constant 0 : i32
    %dma_start3A_137 = arith.constant 0 : i32
    %dma_start3A_138 = arith.constant 0 : i32
    %dma_start3A_139 = tpu.memref_slice %arg2[%dma_start3A_137, %dma_start3A_138] : memref<10000x128xf32, #tpu.memory_space<hbm>> -> memref<10000x128xf32, #tpu.memory_space<hbm>>
    %dma_start3A_140 = tpu.memref_slice %arg19[%dma_start3A_136] : memref<4x!tpu.dma_semaphore, #tpu.memory_space<semaphore_mem>> -> memref<1x!tpu.dma_semaphore, #tpu.memory_space<semaphore_mem>>
    %dma_start3A_141 = tpu.memref_squeeze %dma_start3A_140 : memref<1x!tpu.dma_semaphore, #tpu.memory_space<semaphore_mem>> -> memref<!tpu.dma_semaphore, #tpu.memory_space<semaphore_mem>>
    tpu.enqueue_indirect_dma source(%dma_start3A_139 : memref<10000x128xf32, #tpu.memory_space<hbm>>) target(%arg14 : memref<80x128xf32, #tpu.memory_space<vmem>>) offsets(%arg6 : memref<80xi32, #tpu.memory_space<vmem>>) semaphore(%dma_start3A_141 : memref<!tpu.dma_semaphore, #tpu.memory_space<semaphore_mem>>)
    %dma_wait3A_142 = arith.constant 2 : i32
    %dma_wait3A_143 = arith.constant 0 : i32
    %dma_wait3A_144 = arith.constant 0 : i32
    %dma_wait3A_145 = tpu.memref_slice %arg2[%dma_wait3A_143, %dma_wait3A_144] : memref<10000x128xf32, #tpu.memory_space<hbm>> -> memref<10000x128xf32, #tpu.memory_space<hbm>>
    %dma_wait3A_146 = tpu.memref_slice %arg19[%dma_wait3A_142] : memref<4x!tpu.dma_semaphore, #tpu.memory_space<semaphore_mem>> -> memref<1x!tpu.dma_semaphore, #tpu.memory_space<semaphore_mem>>
    %dma_wait3A_147 = tpu.memref_squeeze %dma_wait3A_146 : memref<1x!tpu.dma_semaphore, #tpu.memory_space<semaphore_mem>> -> memref<!tpu.dma_semaphore, #tpu.memory_space<semaphore_mem>>
    tpu.wait_indirect_dma semaphore(%dma_wait3A_147 : memref<!tpu.dma_semaphore, #tpu.memory_space<semaphore_mem>>) src(%dma_wait3A_145 : memref<10000x128xf32, #tpu.memory_space<hbm>>) dst(%arg16 : memref<80x128xf32, #tpu.memory_space<vmem>>)
    %dma_wait3A_148 = arith.constant 2 : i32
    %dma_wait3A_149 = tpu.memref_slice %arg3[%mul3A_4] : memref<640000xi32, #tpu.memory_space<hbm>> -> memref<80xi32, #tpu.memory_space<hbm>>
    %dma_wait3A_150 = tpu.memref_slice %arg22[%dma_wait3A_148] : memref<4x!tpu.dma_semaphore, #tpu.memory_space<semaphore_mem>> -> memref<1x!tpu.dma_semaphore, #tpu.memory_space<semaphore_mem>>
    %dma_wait3A_151 = tpu.memref_squeeze %dma_wait3A_150 : memref<1x!tpu.dma_semaphore, #tpu.memory_space<semaphore_mem>> -> memref<!tpu.dma_semaphore, #tpu.memory_space<semaphore_mem>>
    %dma_wait3A_152 = tpu.memref_slice %arg3[%mul3A_4] : memref<640000xi32, #tpu.memory_space<hbm>> -> memref<80xi32, #tpu.memory_space<hbm>>
    tpu.wait_dma2 semaphore(%dma_wait3A_151 : memref<!tpu.dma_semaphore, #tpu.memory_space<semaphore_mem>>) src(%dma_wait3A_152 : memref<80xi32, #tpu.memory_space<hbm>>) dst(%arg12 : memref<80xi32, #tpu.memory_space<vmem>>)
    %dma_start3A_153 = arith.constant 2 : i32
    %dma_start3A_154 = arith.constant 0 : i32
    %dma_start3A_155 = arith.constant 0 : i32
    %dma_start3A_156 = tpu.memref_slice %arg18[%dma_start3A_154, %dma_start3A_155] : memref<10240x128xf32, #tpu.memory_space<vmem_shared>> -> memref<10240x128xf32, #tpu.memory_space<vmem_shared>>
    %dma_start3A_157 = tpu.memref_slice %arg20[%dma_start3A_153] : memref<4x!tpu.dma_semaphore, #tpu.memory_space<semaphore_mem>> -> memref<1x!tpu.dma_semaphore, #tpu.memory_space<semaphore_mem>>
    %dma_start3A_158 = tpu.memref_squeeze %dma_start3A_157 : memref<1x!tpu.dma_semaphore, #tpu.memory_space<semaphore_mem>> -> memref<!tpu.dma_semaphore, #tpu.memory_space<semaphore_mem>>
    tpu.enqueue_indirect_dma source(%arg16 : memref<80x128xf32, #tpu.memory_space<vmem>>) target(%dma_start3A_156 : memref<10240x128xf32, #tpu.memory_space<vmem_shared>>) offsets(%arg12 : memref<80xi32, #tpu.memory_space<vmem>>) semaphore(%dma_start3A_158 : memref<!tpu.dma_semaphore, #tpu.memory_space<semaphore_mem>>) {add = true}
    %dma_wait3A_159 = arith.constant 3 : i32
    %dma_wait3A_160 = arith.constant 0 : i32
    %dma_wait3A_161 = arith.constant 0 : i32
    %dma_wait3A_162 = tpu.memref_slice %arg2[%dma_wait3A_160, %dma_wait3A_161] : memref<10000x128xf32, #tpu.memory_space<hbm>> -> memref<10000x128xf32, #tpu.memory_space<hbm>>
    %dma_wait3A_163 = tpu.memref_slice %arg19[%dma_wait3A_159] : memref<4x!tpu.dma_semaphore, #tpu.memory_space<semaphore_mem>> -> memref<1x!tpu.dma_semaphore, #tpu.memory_space<semaphore_mem>>
    %dma_wait3A_164 = tpu.memref_squeeze %dma_wait3A_163 : memref<1x!tpu.dma_semaphore, #tpu.memory_space<semaphore_mem>> -> memref<!tpu.dma_semaphore, #tpu.memory_space<semaphore_mem>>
    tpu.wait_indirect_dma semaphore(%dma_wait3A_164 : memref<!tpu.dma_semaphore, #tpu.memory_space<semaphore_mem>>) src(%dma_wait3A_162 : memref<10000x128xf32, #tpu.memory_space<hbm>>) dst(%arg17 : memref<80x128xf32, #tpu.memory_space<vmem>>)
    %dma_wait3A_165 = arith.constant 3 : i32
    %dma_wait3A_166 = tpu.memref_slice %arg3[%mul3A_4] : memref<640000xi32, #tpu.memory_space<hbm>> -> memref<80xi32, #tpu.memory_space<hbm>>
    %dma_wait3A_167 = tpu.memref_slice %arg22[%dma_wait3A_165] : memref<4x!tpu.dma_semaphore, #tpu.memory_space<semaphore_mem>> -> memref<1x!tpu.dma_semaphore, #tpu.memory_space<semaphore_mem>>
    %dma_wait3A_168 = tpu.memref_squeeze %dma_wait3A_167 : memref<1x!tpu.dma_semaphore, #tpu.memory_space<semaphore_mem>> -> memref<!tpu.dma_semaphore, #tpu.memory_space<semaphore_mem>>
    %dma_wait3A_169 = tpu.memref_slice %arg3[%mul3A_4] : memref<640000xi32, #tpu.memory_space<hbm>> -> memref<80xi32, #tpu.memory_space<hbm>>
    tpu.wait_dma2 semaphore(%dma_wait3A_168 : memref<!tpu.dma_semaphore, #tpu.memory_space<semaphore_mem>>) src(%dma_wait3A_169 : memref<80xi32, #tpu.memory_space<hbm>>) dst(%arg13 : memref<80xi32, #tpu.memory_space<vmem>>)
    %dma_start3A_170 = arith.constant 3 : i32
    %dma_start3A_171 = arith.constant 0 : i32
    %dma_start3A_172 = arith.constant 0 : i32
    %dma_start3A_173 = tpu.memref_slice %arg18[%dma_start3A_171, %dma_start3A_172] : memref<10240x128xf32, #tpu.memory_space<vmem_shared>> -> memref<10240x128xf32, #tpu.memory_space<vmem_shared>>
    %dma_start3A_174 = tpu.memref_slice %arg20[%dma_start3A_170] : memref<4x!tpu.dma_semaphore, #tpu.memory_space<semaphore_mem>> -> memref<1x!tpu.dma_semaphore, #tpu.memory_space<semaphore_mem>>
    %dma_start3A_175 = tpu.memref_squeeze %dma_start3A_174 : memref<1x!tpu.dma_semaphore, #tpu.memory_space<semaphore_mem>> -> memref<!tpu.dma_semaphore, #tpu.memory_space<semaphore_mem>>
    tpu.enqueue_indirect_dma source(%arg17 : memref<80x128xf32, #tpu.memory_space<vmem>>) target(%dma_start3A_173 : memref<10240x128xf32, #tpu.memory_space<vmem_shared>>) offsets(%arg13 : memref<80xi32, #tpu.memory_space<vmem>>) semaphore(%dma_start3A_175 : memref<!tpu.dma_semaphore, #tpu.memory_space<semaphore_mem>>) {add = true}
    %dma_wait3A_176 = arith.constant 0 : i32
    %dma_wait3A_177 = arith.constant 0 : i32
    %dma_wait3A_178 = arith.constant 0 : i32
    %dma_wait3A_179 = tpu.memref_slice %arg2[%dma_wait3A_177, %dma_wait3A_178] : memref<10000x128xf32, #tpu.memory_space<hbm>> -> memref<10000x128xf32, #tpu.memory_space<hbm>>
    %dma_wait3A_180 = tpu.memref_slice %arg19[%dma_wait3A_176] : memref<4x!tpu.dma_semaphore, #tpu.memory_space<semaphore_mem>> -> memref<1x!tpu.dma_semaphore, #tpu.memory_space<semaphore_mem>>
    %dma_wait3A_181 = tpu.memref_squeeze %dma_wait3A_180 : memref<1x!tpu.dma_semaphore, #tpu.memory_space<semaphore_mem>> -> memref<!tpu.dma_semaphore, #tpu.memory_space<semaphore_mem>>
    tpu.wait_indirect_dma semaphore(%dma_wait3A_181 : memref<!tpu.dma_semaphore, #tpu.memory_space<semaphore_mem>>) src(%dma_wait3A_179 : memref<10000x128xf32, #tpu.memory_space<hbm>>) dst(%arg14 : memref<80x128xf32, #tpu.memory_space<vmem>>)
    %dma_wait3A_182 = arith.constant 0 : i32
    %dma_wait3A_183 = tpu.memref_slice %arg3[%mul3A_4] : memref<640000xi32, #tpu.memory_space<hbm>> -> memref<80xi32, #tpu.memory_space<hbm>>
    %dma_wait3A_184 = tpu.memref_slice %arg22[%dma_wait3A_182] : memref<4x!tpu.dma_semaphore, #tpu.memory_space<semaphore_mem>> -> memref<1x!tpu.dma_semaphore, #tpu.memory_space<semaphore_mem>>
    %dma_wait3A_185 = tpu.memref_squeeze %dma_wait3A_184 : memref<1x!tpu.dma_semaphore, #tpu.memory_space<semaphore_mem>> -> memref<!tpu.dma_semaphore, #tpu.memory_space<semaphore_mem>>
    %dma_wait3A_186 = tpu.memref_slice %arg3[%mul3A_4] : memref<640000xi32, #tpu.memory_space<hbm>> -> memref<80xi32, #tpu.memory_space<hbm>>
    tpu.wait_dma2 semaphore(%dma_wait3A_185 : memref<!tpu.dma_semaphore, #tpu.memory_space<semaphore_mem>>) src(%dma_wait3A_186 : memref<80xi32, #tpu.memory_space<hbm>>) dst(%arg10 : memref<80xi32, #tpu.memory_space<vmem>>)
    %dma_start3A_187 = arith.constant 0 : i32
    %dma_start3A_188 = arith.constant 0 : i32
    %dma_start3A_189 = arith.constant 0 : i32
    %dma_start3A_190 = tpu.memref_slice %arg18[%dma_start3A_188, %dma_start3A_189] : memref<10240x128xf32, #tpu.memory_space<vmem_shared>> -> memref<10240x128xf32, #tpu.memory_space<vmem_shared>>
    %dma_start3A_191 = tpu.memref_slice %arg20[%dma_start3A_187] : memref<4x!tpu.dma_semaphore, #tpu.memory_space<semaphore_mem>> -> memref<1x!tpu.dma_semaphore, #tpu.memory_space<semaphore_mem>>
    %dma_start3A_192 = tpu.memref_squeeze %dma_start3A_191 : memref<1x!tpu.dma_semaphore, #tpu.memory_space<semaphore_mem>> -> memref<!tpu.dma_semaphore, #tpu.memory_space<semaphore_mem>>
    tpu.enqueue_indirect_dma source(%arg14 : memref<80x128xf32, #tpu.memory_space<vmem>>) target(%dma_start3A_190 : memref<10240x128xf32, #tpu.memory_space<vmem_shared>>) offsets(%arg10 : memref<80xi32, #tpu.memory_space<vmem>>) semaphore(%dma_start3A_192 : memref<!tpu.dma_semaphore, #tpu.memory_space<semaphore_mem>>) {add = true}
    %dma_wait3A_193 = arith.constant 1 : i32
    %dma_wait3A_194 = tpu.memref_slice %arg3[%mul3A_4] : memref<640000xi32, #tpu.memory_space<hbm>> -> memref<80xi32, #tpu.memory_space<hbm>>
    %dma_wait3A_195 = tpu.memref_slice %arg21[%dma_wait3A_193] : memref<4x!tpu.dma_semaphore, #tpu.memory_space<semaphore_mem>> -> memref<1x!tpu.dma_semaphore, #tpu.memory_space<semaphore_mem>>
    %dma_wait3A_196 = tpu.memref_squeeze %dma_wait3A_195 : memref<1x!tpu.dma_semaphore, #tpu.memory_space<semaphore_mem>> -> memref<!tpu.dma_semaphore, #tpu.memory_space<semaphore_mem>>
    %dma_wait3A_197 = tpu.memref_slice %arg3[%mul3A_4] : memref<640000xi32, #tpu.memory_space<hbm>> -> memref<80xi32, #tpu.memory_space<hbm>>
    tpu.wait_dma2 semaphore(%dma_wait3A_196 : memref<!tpu.dma_semaphore, #tpu.memory_space<semaphore_mem>>) src(%dma_wait3A_197 : memref<80xi32, #tpu.memory_space<hbm>>) dst(%arg7 : memref<80xi32, #tpu.memory_space<vmem>>)
    %dma_wait3A_198 = arith.constant 1 : i32
    %dma_wait3A_199 = arith.constant 0 : i32
    %dma_wait3A_200 = arith.constant 0 : i32
    %dma_wait3A_201 = tpu.memref_slice %arg18[%dma_wait3A_199, %dma_wait3A_200] : memref<10240x128xf32, #tpu.memory_space<vmem_shared>> -> memref<10240x128xf32, #tpu.memory_space<vmem_shared>>
    %dma_wait3A_202 = tpu.memref_slice %arg20[%dma_wait3A_198] : memref<4x!tpu.dma_semaphore, #tpu.memory_space<semaphore_mem>> -> memref<1x!tpu.dma_semaphore, #tpu.memory_space<semaphore_mem>>
    %dma_wait3A_203 = tpu.memref_squeeze %dma_wait3A_202 : memref<1x!tpu.dma_semaphore, #tpu.memory_space<semaphore_mem>> -> memref<!tpu.dma_semaphore, #tpu.memory_space<semaphore_mem>>
    tpu.wait_indirect_dma semaphore(%dma_wait3A_203 : memref<!tpu.dma_semaphore, #tpu.memory_space<semaphore_mem>>) src(%arg15 : memref<80x128xf32, #tpu.memory_space<vmem>>) dst(%dma_wait3A_201 : memref<10240x128xf32, #tpu.memory_space<vmem_shared>>)
    %dma_wait3A_204 = arith.constant 2 : i32
    %dma_wait3A_205 = arith.constant 0 : i32
    %dma_wait3A_206 = arith.constant 0 : i32
    %dma_wait3A_207 = tpu.memref_slice %arg18[%dma_wait3A_205, %dma_wait3A_206] : memref<10240x128xf32, #tpu.memory_space<vmem_shared>> -> memref<10240x128xf32, #tpu.memory_space<vmem_shared>>
    %dma_wait3A_208 = tpu.memref_slice %arg20[%dma_wait3A_204] : memref<4x!tpu.dma_semaphore, #tpu.memory_space<semaphore_mem>> -> memref<1x!tpu.dma_semaphore, #tpu.memory_space<semaphore_mem>>
    %dma_wait3A_209 = tpu.memref_squeeze %dma_wait3A_208 : memref<1x!tpu.dma_semaphore, #tpu.memory_space<semaphore_mem>> -> memref<!tpu.dma_semaphore, #tpu.memory_space<semaphore_mem>>
    tpu.wait_indirect_dma semaphore(%dma_wait3A_209 : memref<!tpu.dma_semaphore, #tpu.memory_space<semaphore_mem>>) src(%arg16 : memref<80x128xf32, #tpu.memory_space<vmem>>) dst(%dma_wait3A_207 : memref<10240x128xf32, #tpu.memory_space<vmem_shared>>)
    %dma_wait3A_210 = arith.constant 3 : i32
    %dma_wait3A_211 = arith.constant 0 : i32
    %dma_wait3A_212 = arith.constant 0 : i32
    %dma_wait3A_213 = tpu.memref_slice %arg18[%dma_wait3A_211, %dma_wait3A_212] : memref<10240x128xf32, #tpu.memory_space<vmem_shared>> -> memref<10240x128xf32, #tpu.memory_space<vmem_shared>>
    %dma_wait3A_214 = tpu.memref_slice %arg20[%dma_wait3A_210] : memref<4x!tpu.dma_semaphore, #tpu.memory_space<semaphore_mem>> -> memref<1x!tpu.dma_semaphore, #tpu.memory_space<semaphore_mem>>
    %dma_wait3A_215 = tpu.memref_squeeze %dma_wait3A_214 : memref<1x!tpu.dma_semaphore, #tpu.memory_space<semaphore_mem>> -> memref<!tpu.dma_semaphore, #tpu.memory_space<semaphore_mem>>
    tpu.wait_indirect_dma semaphore(%dma_wait3A_215 : memref<!tpu.dma_semaphore, #tpu.memory_space<semaphore_mem>>) src(%arg17 : memref<80x128xf32, #tpu.memory_space<vmem>>) dst(%dma_wait3A_213 : memref<10240x128xf32, #tpu.memory_space<vmem_shared>>)
    %dma_wait3A_216 = arith.constant 0 : i32
    %dma_wait3A_217 = arith.constant 0 : i32
    %dma_wait3A_218 = arith.constant 0 : i32
    %dma_wait3A_219 = tpu.memref_slice %arg18[%dma_wait3A_217, %dma_wait3A_218] : memref<10240x128xf32, #tpu.memory_space<vmem_shared>> -> memref<10240x128xf32, #tpu.memory_space<vmem_shared>>
    %dma_wait3A_220 = tpu.memref_slice %arg20[%dma_wait3A_216] : memref<4x!tpu.dma_semaphore, #tpu.memory_space<semaphore_mem>> -> memref<1x!tpu.dma_semaphore, #tpu.memory_space<semaphore_mem>>
    %dma_wait3A_221 = tpu.memref_squeeze %dma_wait3A_220 : memref<1x!tpu.dma_semaphore, #tpu.memory_space<semaphore_mem>> -> memref<!tpu.dma_semaphore, #tpu.memory_space<semaphore_mem>>
    tpu.wait_indirect_dma semaphore(%dma_wait3A_221 : memref<!tpu.dma_semaphore, #tpu.memory_space<semaphore_mem>>) src(%arg14 : memref<80x128xf32, #tpu.memory_space<vmem>>) dst(%dma_wait3A_219 : memref<10240x128xf32, #tpu.memory_space<vmem_shared>>)
    %barrier3A_222 = arith.constant 0 : index
    tpu.barrier barrier_id(%barrier3A_222)
    %mul3A_223 = arith.constant 10240 : i32
    %mul3A_224 = arith.muli %arg0, %mul3A_223 : i32
    %add3A_225 = arith.addi %mul3A_224, %mul3A_0 : i32
    "tpu.region"() ({
      %run_scoped3A = tpu.sem_alloc : memref<!tpu.dma_semaphore, #tpu.memory_space<semaphore_mem>>
      %dma_start3A_226 = arith.constant 0 : i32
      %dma_start3A_227 = tpu.memref_slice %arg5[%add3A_225, %dma_start3A_226] : memref<20480x128xf32, #tpu.memory_space<hbm>> -> memref<640x128xf32, #tpu.memory_space<hbm>>
      %dma_start3A_228 = arith.constant 0 : i32
      %dma_start3A_229 = tpu.memref_slice %arg18[%mul3A_0, %dma_start3A_228] : memref<10240x128xf32, #tpu.memory_space<vmem_shared>> -> memref<640x128xf32, #tpu.memory_space<vmem_shared>>
      tpu.enqueue_dma source(%dma_start3A_229 : memref<640x128xf32, #tpu.memory_space<vmem_shared>>) target(%dma_start3A_227 : memref<640x128xf32, #tpu.memory_space<hbm>>) target_semaphore(%run_scoped3A : memref<!tpu.dma_semaphore, #tpu.memory_space<semaphore_mem>>)
      %dma_wait3A_230 = arith.constant 0 : i32
      %dma_wait3A_231 = tpu.memref_slice %arg5[%add3A_225, %dma_wait3A_230] : memref<20480x128xf32, #tpu.memory_space<hbm>> -> memref<640x128xf32, #tpu.memory_space<hbm>>
      %dma_wait3A_232 = arith.constant 0 : i32
      %dma_wait3A_233 = tpu.memref_slice %arg18[%mul3A_0, %dma_wait3A_232] : memref<10240x128xf32, #tpu.memory_space<vmem_shared>> -> memref<640x128xf32, #tpu.memory_space<vmem_shared>>
      tpu.wait_dma2 semaphore(%run_scoped3A : memref<!tpu.dma_semaphore, #tpu.memory_space<semaphore_mem>>) src(%dma_wait3A_233 : memref<640x128xf32, #tpu.memory_space<vmem_shared>>) dst(%dma_wait3A_231 : memref<640x128xf32, #tpu.memory_space<hbm>>)
      tpu.yield
    }) : () -> ()
    return
  }
}

#map = affine_map<(d0, d1) -> (0)>
#map1 = affine_map<(d0, d1) -> (0, 0)>
module attributes {stable_mosaic.version = 14 : i64} {
  func.func @_deg_body(%arg0: i32, %arg1: i32, %arg2: memref<640000xi32, #tpu.memory_space<hbm>>, %arg3: memref<80x128xf32, #tpu.memory_space<hbm>>, %arg4: memref<640x128xf32, #tpu.memory_space<hbm>>, %arg5: memref<20480x128xf32, #tpu.memory_space<hbm>>, %arg6: memref<80xi32, #tpu.memory_space<vmem>>, %arg7: memref<80xi32, #tpu.memory_space<vmem>>, %arg8: memref<80xi32, #tpu.memory_space<vmem>>, %arg9: memref<80xi32, #tpu.memory_space<vmem>>, %arg10: memref<80xi32, #tpu.memory_space<vmem>>, %arg11: memref<80xi32, #tpu.memory_space<vmem>>, %arg12: memref<80xi32, #tpu.memory_space<vmem>>, %arg13: memref<80xi32, #tpu.memory_space<vmem>>, %arg14: memref<80x128xf32, #tpu.memory_space<vmem>>, %arg15: memref<10240x128xf32, #tpu.memory_space<vmem_shared>>, %arg16: memref<4x!tpu.dma_semaphore, #tpu.memory_space<semaphore_mem>>, %arg17: memref<8x!tpu.dma_semaphore, #tpu.memory_space<semaphore_mem>>) attributes {dimension_semantics = [#tpu.dimension_semantics<core_parallel>, #tpu.dimension_semantics<subcore_parallel>], iteration_bounds = array<i64: 2, 16>, scalar_prefetch = 0 : i64, scratch_operands = 12 : i64, tpu.core_type = #tpu.core_type<sc_vector_subcore>, window_params = [{transform_indices = #map}, {transform_indices = #map1}, {transform_indices = #map1}, {transform_indices = #map1}]} {
    %mul3A = arith.constant 640 : i32
    %mul3A_0 = arith.muli %arg1, %mul3A : i32
    "tpu.region"() ({
      %run_scoped3A = tpu.sem_alloc : memref<!tpu.dma_semaphore, #tpu.memory_space<semaphore_mem>>
      %dma_start3A_350 = arith.constant 0 : i32
      %dma_start3A_351 = tpu.memref_slice %arg15[%mul3A_0, %dma_start3A_350] : memref<10240x128xf32, #tpu.memory_space<vmem_shared>> -> memref<640x128xf32, #tpu.memory_space<vmem_shared>>
      tpu.enqueue_dma source(%arg4 : memref<640x128xf32, #tpu.memory_space<hbm>>) target(%dma_start3A_351 : memref<640x128xf32, #tpu.memory_space<vmem_shared>>) target_semaphore(%run_scoped3A : memref<!tpu.dma_semaphore, #tpu.memory_space<semaphore_mem>>)
      %dma_wait3A_352 = arith.constant 0 : i32
      %dma_wait3A_353 = tpu.memref_slice %arg15[%mul3A_0, %dma_wait3A_352] : memref<10240x128xf32, #tpu.memory_space<vmem_shared>> -> memref<640x128xf32, #tpu.memory_space<vmem_shared>>
      tpu.wait_dma2 semaphore(%run_scoped3A : memref<!tpu.dma_semaphore, #tpu.memory_space<semaphore_mem>>) src(%arg4 : memref<640x128xf32, #tpu.memory_space<hbm>>) dst(%dma_wait3A_353 : memref<640x128xf32, #tpu.memory_space<vmem_shared>>)
      tpu.yield
    }) : () -> ()
    "tpu.region"() ({
      %run_scoped3A = tpu.sem_alloc : memref<!tpu.dma_semaphore, #tpu.memory_space<semaphore_mem>>
      tpu.enqueue_dma source(%arg3 : memref<80x128xf32, #tpu.memory_space<hbm>>) target(%arg14 : memref<80x128xf32, #tpu.memory_space<vmem>>) target_semaphore(%run_scoped3A : memref<!tpu.dma_semaphore, #tpu.memory_space<semaphore_mem>>)
      tpu.wait_dma2 semaphore(%run_scoped3A : memref<!tpu.dma_semaphore, #tpu.memory_space<semaphore_mem>>) src(%arg3 : memref<80x128xf32, #tpu.memory_space<hbm>>) dst(%arg14 : memref<80x128xf32, #tpu.memory_space<vmem>>)
      tpu.yield
    }) : () -> ()
    %mul3A_1 = arith.constant 16 : i32
    %mul3A_2 = arith.muli %arg0, %mul3A_1 : i32
    %add3A = arith.addi %mul3A_2, %arg1 : i32
    %mul3A_3 = arith.constant 10000 : i32
    %mul3A_4 = arith.muli %add3A, %mul3A_3 : i32
    %barrier3A = arith.constant 0 : index
    tpu.barrier barrier_id(%barrier3A)
    %add3A_5 = arith.constant 320000 : i32
    %add3A_6 = arith.addi %add3A_5, %mul3A_4 : i32
    %add3A_7 = arith.constant 0 : i32
    %add3A_8 = arith.addi %add3A_6, %add3A_7 : i32
    %dma_start3A = arith.constant 0 : i32
    %dma_start3A_9 = tpu.memref_slice %arg2[%add3A_8] : memref<640000xi32, #tpu.memory_space<hbm>> -> memref<80xi32, #tpu.memory_space<hbm>>
    %dma_start3A_10 = tpu.memref_slice %arg17[%dma_start3A] : memref<8x!tpu.dma_semaphore, #tpu.memory_space<semaphore_mem>> -> memref<1x!tpu.dma_semaphore, #tpu.memory_space<semaphore_mem>>
    %dma_start3A_11 = tpu.memref_squeeze %dma_start3A_10 : memref<1x!tpu.dma_semaphore, #tpu.memory_space<semaphore_mem>> -> memref<!tpu.dma_semaphore, #tpu.memory_space<semaphore_mem>>
    %dma_start3A_12 = tpu.memref_slice %arg2[%add3A_8] : memref<640000xi32, #tpu.memory_space<hbm>> -> memref<80xi32, #tpu.memory_space<hbm>>
    tpu.enqueue_dma source(%dma_start3A_12 : memref<80xi32, #tpu.memory_space<hbm>>) target(%arg6 : memref<80xi32, #tpu.memory_space<vmem>>) target_semaphore(%dma_start3A_11 : memref<!tpu.dma_semaphore, #tpu.memory_space<semaphore_mem>>)
    %add3A_13 = arith.constant 320000 : i32
    %add3A_14 = arith.addi %add3A_13, %mul3A_4 : i32
    %add3A_15 = arith.constant 80 : i32
    %add3A_16 = arith.addi %add3A_14, %add3A_15 : i32
    %dma_start3A_17 = arith.constant 1 : i32
    %dma_start3A_18 = tpu.memref_slice %arg2[%add3A_16] : memref<640000xi32, #tpu.memory_space<hbm>> -> memref<80xi32, #tpu.memory_space<hbm>>
    %dma_start3A_19 = tpu.memref_slice %arg17[%dma_start3A_17] : memref<8x!tpu.dma_semaphore, #tpu.memory_space<semaphore_mem>> -> memref<1x!tpu.dma_semaphore, #tpu.memory_space<semaphore_mem>>
    %dma_start3A_20 = tpu.memref_squeeze %dma_start3A_19 : memref<1x!tpu.dma_semaphore, #tpu.memory_space<semaphore_mem>> -> memref<!tpu.dma_semaphore, #tpu.memory_space<semaphore_mem>>
    %dma_start3A_21 = tpu.memref_slice %arg2[%add3A_16] : memref<640000xi32, #tpu.memory_space<hbm>> -> memref<80xi32, #tpu.memory_space<hbm>>
    tpu.enqueue_dma source(%dma_start3A_21 : memref<80xi32, #tpu.memory_space<hbm>>) target(%arg7 : memref<80xi32, #tpu.memory_space<vmem>>) target_semaphore(%dma_start3A_20 : memref<!tpu.dma_semaphore, #tpu.memory_space<semaphore_mem>>)
    %add3A_22 = arith.constant 320000 : i32
    %add3A_23 = arith.addi %add3A_22, %mul3A_4 : i32
    %add3A_24 = arith.constant 160 : i32
    %add3A_25 = arith.addi %add3A_23, %add3A_24 : i32
    %dma_start3A_26 = arith.constant 2 : i32
    %dma_start3A_27 = tpu.memref_slice %arg2[%add3A_25] : memref<640000xi32, #tpu.memory_space<hbm>> -> memref<80xi32, #tpu.memory_space<hbm>>
    %dma_start3A_28 = tpu.memref_slice %arg17[%dma_start3A_26] : memref<8x!tpu.dma_semaphore, #tpu.memory_space<semaphore_mem>> -> memref<1x!tpu.dma_semaphore, #tpu.memory_space<semaphore_mem>>
    %dma_start3A_29 = tpu.memref_squeeze %dma_start3A_28 : memref<1x!tpu.dma_semaphore, #tpu.memory_space<semaphore_mem>> -> memref<!tpu.dma_semaphore, #tpu.memory_space<semaphore_mem>>
    %dma_start3A_30 = tpu.memref_slice %arg2[%add3A_25] : memref<640000xi32, #tpu.memory_space<hbm>> -> memref<80xi32, #tpu.memory_space<hbm>>
    tpu.enqueue_dma source(%dma_start3A_30 : memref<80xi32, #tpu.memory_space<hbm>>) target(%arg8 : memref<80xi32, #tpu.memory_space<vmem>>) target_semaphore(%dma_start3A_29 : memref<!tpu.dma_semaphore, #tpu.memory_space<semaphore_mem>>)
    %add3A_31 = arith.constant 320000 : i32
    %add3A_32 = arith.addi %add3A_31, %mul3A_4 : i32
    %add3A_33 = arith.constant 240 : i32
    %add3A_34 = arith.addi %add3A_32, %add3A_33 : i32
    %dma_start3A_35 = arith.constant 3 : i32
    %dma_start3A_36 = tpu.memref_slice %arg2[%add3A_34] : memref<640000xi32, #tpu.memory_space<hbm>> -> memref<80xi32, #tpu.memory_space<hbm>>
    %dma_start3A_37 = tpu.memref_slice %arg17[%dma_start3A_35] : memref<8x!tpu.dma_semaphore, #tpu.memory_space<semaphore_mem>> -> memref<1x!tpu.dma_semaphore, #tpu.memory_space<semaphore_mem>>
    %dma_start3A_38 = tpu.memref_squeeze %dma_start3A_37 : memref<1x!tpu.dma_semaphore, #tpu.memory_space<semaphore_mem>> -> memref<!tpu.dma_semaphore, #tpu.memory_space<semaphore_mem>>
    %dma_start3A_39 = tpu.memref_slice %arg2[%add3A_34] : memref<640000xi32, #tpu.memory_space<hbm>> -> memref<80xi32, #tpu.memory_space<hbm>>
    tpu.enqueue_dma source(%dma_start3A_39 : memref<80xi32, #tpu.memory_space<hbm>>) target(%arg9 : memref<80xi32, #tpu.memory_space<vmem>>) target_semaphore(%dma_start3A_38 : memref<!tpu.dma_semaphore, #tpu.memory_space<semaphore_mem>>)
    %add3A_40 = arith.constant 320000 : i32
    %add3A_41 = arith.addi %add3A_40, %mul3A_4 : i32
    %add3A_42 = arith.constant 320 : i32
    %add3A_43 = arith.addi %add3A_41, %add3A_42 : i32
    %dma_start3A_44 = arith.constant 4 : i32
    %dma_start3A_45 = tpu.memref_slice %arg2[%add3A_43] : memref<640000xi32, #tpu.memory_space<hbm>> -> memref<80xi32, #tpu.memory_space<hbm>>
    %dma_start3A_46 = tpu.memref_slice %arg17[%dma_start3A_44] : memref<8x!tpu.dma_semaphore, #tpu.memory_space<semaphore_mem>> -> memref<1x!tpu.dma_semaphore, #tpu.memory_space<semaphore_mem>>
    %dma_start3A_47 = tpu.memref_squeeze %dma_start3A_46 : memref<1x!tpu.dma_semaphore, #tpu.memory_space<semaphore_mem>> -> memref<!tpu.dma_semaphore, #tpu.memory_space<semaphore_mem>>
    %dma_start3A_48 = tpu.memref_slice %arg2[%add3A_43] : memref<640000xi32, #tpu.memory_space<hbm>> -> memref<80xi32, #tpu.memory_space<hbm>>
    tpu.enqueue_dma source(%dma_start3A_48 : memref<80xi32, #tpu.memory_space<hbm>>) target(%arg10 : memref<80xi32, #tpu.memory_space<vmem>>) target_semaphore(%dma_start3A_47 : memref<!tpu.dma_semaphore, #tpu.memory_space<semaphore_mem>>)
    %dma_wait3A = arith.constant 0 : i32
    %dma_wait3A_49 = tpu.memref_slice %arg2[%mul3A_4] : memref<640000xi32, #tpu.memory_space<hbm>> -> memref<80xi32, #tpu.memory_space<hbm>>
    %dma_wait3A_50 = tpu.memref_slice %arg17[%dma_wait3A] : memref<8x!tpu.dma_semaphore, #tpu.memory_space<semaphore_mem>> -> memref<1x!tpu.dma_semaphore, #tpu.memory_space<semaphore_mem>>
    %dma_wait3A_51 = tpu.memref_squeeze %dma_wait3A_50 : memref<1x!tpu.dma_semaphore, #tpu.memory_space<semaphore_mem>> -> memref<!tpu.dma_semaphore, #tpu.memory_space<semaphore_mem>>
    %dma_wait3A_52 = tpu.memref_slice %arg2[%mul3A_4] : memref<640000xi32, #tpu.memory_space<hbm>> -> memref<80xi32, #tpu.memory_space<hbm>>
    tpu.wait_dma2 semaphore(%dma_wait3A_51 : memref<!tpu.dma_semaphore, #tpu.memory_space<semaphore_mem>>) src(%dma_wait3A_52 : memref<80xi32, #tpu.memory_space<hbm>>) dst(%arg6 : memref<80xi32, #tpu.memory_space<vmem>>)
    %dma_start3A_53 = arith.constant 0 : i32
    %dma_start3A_54 = arith.constant 0 : i32
    %dma_start3A_55 = arith.constant 0 : i32
    %dma_start3A_56 = tpu.memref_slice %arg15[%dma_start3A_54, %dma_start3A_55] : memref<10240x128xf32, #tpu.memory_space<vmem_shared>> -> memref<10240x128xf32, #tpu.memory_space<vmem_shared>>
    %dma_start3A_57 = tpu.memref_slice %arg16[%dma_start3A_53] : memref<4x!tpu.dma_semaphore, #tpu.memory_space<semaphore_mem>> -> memref<1x!tpu.dma_semaphore, #tpu.memory_space<semaphore_mem>>
    %dma_start3A_58 = tpu.memref_squeeze %dma_start3A_57 : memref<1x!tpu.dma_semaphore, #tpu.memory_space<semaphore_mem>> -> memref<!tpu.dma_semaphore, #tpu.memory_space<semaphore_mem>>
    tpu.enqueue_indirect_dma source(%arg14 : memref<80x128xf32, #tpu.memory_space<vmem>>) target(%dma_start3A_56 : memref<10240x128xf32, #tpu.memory_space<vmem_shared>>) offsets(%arg6 : memref<80xi32, #tpu.memory_space<vmem>>) semaphore(%dma_start3A_58 : memref<!tpu.dma_semaphore, #tpu.memory_space<semaphore_mem>>) {add = true}
    %add3A_59 = arith.constant 320000 : i32
    %add3A_60 = arith.addi %add3A_59, %mul3A_4 : i32
    %add3A_61 = arith.constant 400 : i32
    %add3A_62 = arith.addi %add3A_60, %add3A_61 : i32
    %dma_start3A_63 = arith.constant 5 : i32
    %dma_start3A_64 = tpu.memref_slice %arg2[%add3A_62] : memref<640000xi32, #tpu.memory_space<hbm>> -> memref<80xi32, #tpu.memory_space<hbm>>
    %dma_start3A_65 = tpu.memref_slice %arg17[%dma_start3A_63] : memref<8x!tpu.dma_semaphore, #tpu.memory_space<semaphore_mem>> -> memref<1x!tpu.dma_semaphore, #tpu.memory_space<semaphore_mem>>
    %dma_start3A_66 = tpu.memref_squeeze %dma_start3A_65 : memref<1x!tpu.dma_semaphore, #tpu.memory_space<semaphore_mem>> -> memref<!tpu.dma_semaphore, #tpu.memory_space<semaphore_mem>>
    %dma_start3A_67 = tpu.memref_slice %arg2[%add3A_62] : memref<640000xi32, #tpu.memory_space<hbm>> -> memref<80xi32, #tpu.memory_space<hbm>>
    tpu.enqueue_dma source(%dma_start3A_67 : memref<80xi32, #tpu.memory_space<hbm>>) target(%arg11 : memref<80xi32, #tpu.memory_space<vmem>>) target_semaphore(%dma_start3A_66 : memref<!tpu.dma_semaphore, #tpu.memory_space<semaphore_mem>>)
    %dma_wait3A_68 = arith.constant 1 : i32
    %dma_wait3A_69 = tpu.memref_slice %arg2[%mul3A_4] : memref<640000xi32, #tpu.memory_space<hbm>> -> memref<80xi32, #tpu.memory_space<hbm>>
    %dma_wait3A_70 = tpu.memref_slice %arg17[%dma_wait3A_68] : memref<8x!tpu.dma_semaphore, #tpu.memory_space<semaphore_mem>> -> memref<1x!tpu.dma_semaphore, #tpu.memory_space<semaphore_mem>>
    %dma_wait3A_71 = tpu.memref_squeeze %dma_wait3A_70 : memref<1x!tpu.dma_semaphore, #tpu.memory_space<semaphore_mem>> -> memref<!tpu.dma_semaphore, #tpu.memory_space<semaphore_mem>>
    %dma_wait3A_72 = tpu.memref_slice %arg2[%mul3A_4] : memref<640000xi32, #tpu.memory_space<hbm>> -> memref<80xi32, #tpu.memory_space<hbm>>
    tpu.wait_dma2 semaphore(%dma_wait3A_71 : memref<!tpu.dma_semaphore, #tpu.memory_space<semaphore_mem>>) src(%dma_wait3A_72 : memref<80xi32, #tpu.memory_space<hbm>>) dst(%arg7 : memref<80xi32, #tpu.memory_space<vmem>>)
    %dma_start3A_73 = arith.constant 1 : i32
    %dma_start3A_74 = arith.constant 0 : i32
    %dma_start3A_75 = arith.constant 0 : i32
    %dma_start3A_76 = tpu.memref_slice %arg15[%dma_start3A_74, %dma_start3A_75] : memref<10240x128xf32, #tpu.memory_space<vmem_shared>> -> memref<10240x128xf32, #tpu.memory_space<vmem_shared>>
    %dma_start3A_77 = tpu.memref_slice %arg16[%dma_start3A_73] : memref<4x!tpu.dma_semaphore, #tpu.memory_space<semaphore_mem>> -> memref<1x!tpu.dma_semaphore, #tpu.memory_space<semaphore_mem>>
    %dma_start3A_78 = tpu.memref_squeeze %dma_start3A_77 : memref<1x!tpu.dma_semaphore, #tpu.memory_space<semaphore_mem>> -> memref<!tpu.dma_semaphore, #tpu.memory_space<semaphore_mem>>
    tpu.enqueue_indirect_dma source(%arg14 : memref<80x128xf32, #tpu.memory_space<vmem>>) target(%dma_start3A_76 : memref<10240x128xf32, #tpu.memory_space<vmem_shared>>) offsets(%arg7 : memref<80xi32, #tpu.memory_space<vmem>>) semaphore(%dma_start3A_78 : memref<!tpu.dma_semaphore, #tpu.memory_space<semaphore_mem>>) {add = true}
    %add3A_79 = arith.constant 320000 : i32
    %add3A_80 = arith.addi %add3A_79, %mul3A_4 : i32
    %add3A_81 = arith.constant 480 : i32
    %add3A_82 = arith.addi %add3A_80, %add3A_81 : i32
    %dma_start3A_83 = arith.constant 6 : i32
    %dma_start3A_84 = tpu.memref_slice %arg2[%add3A_82] : memref<640000xi32, #tpu.memory_space<hbm>> -> memref<80xi32, #tpu.memory_space<hbm>>
    %dma_start3A_85 = tpu.memref_slice %arg17[%dma_start3A_83] : memref<8x!tpu.dma_semaphore, #tpu.memory_space<semaphore_mem>> -> memref<1x!tpu.dma_semaphore, #tpu.memory_space<semaphore_mem>>
    %dma_start3A_86 = tpu.memref_squeeze %dma_start3A_85 : memref<1x!tpu.dma_semaphore, #tpu.memory_space<semaphore_mem>> -> memref<!tpu.dma_semaphore, #tpu.memory_space<semaphore_mem>>
    %dma_start3A_87 = tpu.memref_slice %arg2[%add3A_82] : memref<640000xi32, #tpu.memory_space<hbm>> -> memref<80xi32, #tpu.memory_space<hbm>>
    tpu.enqueue_dma source(%dma_start3A_87 : memref<80xi32, #tpu.memory_space<hbm>>) target(%arg12 : memref<80xi32, #tpu.memory_space<vmem>>) target_semaphore(%dma_start3A_86 : memref<!tpu.dma_semaphore, #tpu.memory_space<semaphore_mem>>)
    %dma_wait3A_88 = arith.constant 2 : i32
    %dma_wait3A_89 = tpu.memref_slice %arg2[%mul3A_4] : memref<640000xi32, #tpu.memory_space<hbm>> -> memref<80xi32, #tpu.memory_space<hbm>>
    %dma_wait3A_90 = tpu.memref_slice %arg17[%dma_wait3A_88] : memref<8x!tpu.dma_semaphore, #tpu.memory_space<semaphore_mem>> -> memref<1x!tpu.dma_semaphore, #tpu.memory_space<semaphore_mem>>
    %dma_wait3A_91 = tpu.memref_squeeze %dma_wait3A_90 : memref<1x!tpu.dma_semaphore, #tpu.memory_space<semaphore_mem>> -> memref<!tpu.dma_semaphore, #tpu.memory_space<semaphore_mem>>
    %dma_wait3A_92 = tpu.memref_slice %arg2[%mul3A_4] : memref<640000xi32, #tpu.memory_space<hbm>> -> memref<80xi32, #tpu.memory_space<hbm>>
    tpu.wait_dma2 semaphore(%dma_wait3A_91 : memref<!tpu.dma_semaphore, #tpu.memory_space<semaphore_mem>>) src(%dma_wait3A_92 : memref<80xi32, #tpu.memory_space<hbm>>) dst(%arg8 : memref<80xi32, #tpu.memory_space<vmem>>)
    %dma_start3A_93 = arith.constant 2 : i32
    %dma_start3A_94 = arith.constant 0 : i32
    %dma_start3A_95 = arith.constant 0 : i32
    %dma_start3A_96 = tpu.memref_slice %arg15[%dma_start3A_94, %dma_start3A_95] : memref<10240x128xf32, #tpu.memory_space<vmem_shared>> -> memref<10240x128xf32, #tpu.memory_space<vmem_shared>>
    %dma_start3A_97 = tpu.memref_slice %arg16[%dma_start3A_93] : memref<4x!tpu.dma_semaphore, #tpu.memory_space<semaphore_mem>> -> memref<1x!tpu.dma_semaphore, #tpu.memory_space<semaphore_mem>>
    %dma_start3A_98 = tpu.memref_squeeze %dma_start3A_97 : memref<1x!tpu.dma_semaphore, #tpu.memory_space<semaphore_mem>> -> memref<!tpu.dma_semaphore, #tpu.memory_space<semaphore_mem>>
    tpu.enqueue_indirect_dma source(%arg14 : memref<80x128xf32, #tpu.memory_space<vmem>>) target(%dma_start3A_96 : memref<10240x128xf32, #tpu.memory_space<vmem_shared>>) offsets(%arg8 : memref<80xi32, #tpu.memory_space<vmem>>) semaphore(%dma_start3A_98 : memref<!tpu.dma_semaphore, #tpu.memory_space<semaphore_mem>>) {add = true}
    %add3A_99 = arith.constant 320000 : i32
    %add3A_100 = arith.addi %add3A_99, %mul3A_4 : i32
    %add3A_101 = arith.constant 560 : i32
    %add3A_102 = arith.addi %add3A_100, %add3A_101 : i32
    %dma_start3A_103 = arith.constant 7 : i32
    %dma_start3A_104 = tpu.memref_slice %arg2[%add3A_102] : memref<640000xi32, #tpu.memory_space<hbm>> -> memref<80xi32, #tpu.memory_space<hbm>>
    %dma_start3A_105 = tpu.memref_slice %arg17[%dma_start3A_103] : memref<8x!tpu.dma_semaphore, #tpu.memory_space<semaphore_mem>> -> memref<1x!tpu.dma_semaphore, #tpu.memory_space<semaphore_mem>>
    %dma_start3A_106 = tpu.memref_squeeze %dma_start3A_105 : memref<1x!tpu.dma_semaphore, #tpu.memory_space<semaphore_mem>> -> memref<!tpu.dma_semaphore, #tpu.memory_space<semaphore_mem>>
    %dma_start3A_107 = tpu.memref_slice %arg2[%add3A_102] : memref<640000xi32, #tpu.memory_space<hbm>> -> memref<80xi32, #tpu.memory_space<hbm>>
    tpu.enqueue_dma source(%dma_start3A_107 : memref<80xi32, #tpu.memory_space<hbm>>) target(%arg13 : memref<80xi32, #tpu.memory_space<vmem>>) target_semaphore(%dma_start3A_106 : memref<!tpu.dma_semaphore, #tpu.memory_space<semaphore_mem>>)
    %dma_wait3A_108 = arith.constant 3 : i32
    %dma_wait3A_109 = tpu.memref_slice %arg2[%mul3A_4] : memref<640000xi32, #tpu.memory_space<hbm>> -> memref<80xi32, #tpu.memory_space<hbm>>
    %dma_wait3A_110 = tpu.memref_slice %arg17[%dma_wait3A_108] : memref<8x!tpu.dma_semaphore, #tpu.memory_space<semaphore_mem>> -> memref<1x!tpu.dma_semaphore, #tpu.memory_space<semaphore_mem>>
    %dma_wait3A_111 = tpu.memref_squeeze %dma_wait3A_110 : memref<1x!tpu.dma_semaphore, #tpu.memory_space<semaphore_mem>> -> memref<!tpu.dma_semaphore, #tpu.memory_space<semaphore_mem>>
    %dma_wait3A_112 = tpu.memref_slice %arg2[%mul3A_4] : memref<640000xi32, #tpu.memory_space<hbm>> -> memref<80xi32, #tpu.memory_space<hbm>>
    tpu.wait_dma2 semaphore(%dma_wait3A_111 : memref<!tpu.dma_semaphore, #tpu.memory_space<semaphore_mem>>) src(%dma_wait3A_112 : memref<80xi32, #tpu.memory_space<hbm>>) dst(%arg9 : memref<80xi32, #tpu.memory_space<vmem>>)
    %dma_start3A_113 = arith.constant 3 : i32
    %dma_start3A_114 = arith.constant 0 : i32
    %dma_start3A_115 = arith.constant 0 : i32
    %dma_start3A_116 = tpu.memref_slice %arg15[%dma_start3A_114, %dma_start3A_115] : memref<10240x128xf32, #tpu.memory_space<vmem_shared>> -> memref<10240x128xf32, #tpu.memory_space<vmem_shared>>
    %dma_start3A_117 = tpu.memref_slice %arg16[%dma_start3A_113] : memref<4x!tpu.dma_semaphore, #tpu.memory_space<semaphore_mem>> -> memref<1x!tpu.dma_semaphore, #tpu.memory_space<semaphore_mem>>
    %dma_start3A_118 = tpu.memref_squeeze %dma_start3A_117 : memref<1x!tpu.dma_semaphore, #tpu.memory_space<semaphore_mem>> -> memref<!tpu.dma_semaphore, #tpu.memory_space<semaphore_mem>>
    tpu.enqueue_indirect_dma source(%arg14 : memref<80x128xf32, #tpu.memory_space<vmem>>) target(%dma_start3A_116 : memref<10240x128xf32, #tpu.memory_space<vmem_shared>>) offsets(%arg9 : memref<80xi32, #tpu.memory_space<vmem>>) semaphore(%dma_start3A_118 : memref<!tpu.dma_semaphore, #tpu.memory_space<semaphore_mem>>) {add = true}
    %scan3A = arith.constant 0 : i32
    %scan3A_119 = arith.constant 0 : i32
    %scan3A_120 = arith.constant 14 : i32
    %scan3A_121 = arith.addi %scan3A_119, %scan3A_120 : i32
    %scan3A_122 = arith.constant 1 : i32
    scf.for %scan3A_350 = %scan3A_119 to %scan3A_121 step %scan3A_122  : i32 {
      %mul3A_351 = arith.constant 8 : i32
      %mul3A_352 = arith.muli %mul3A_351, %scan3A_350 : i32
      %add3A_353 = arith.constant 4 : i32
      %add3A_354 = arith.addi %mul3A_352, %add3A_353 : i32
      %add3A_355 = arith.constant 0 : i32
      %add3A_356 = arith.addi %add3A_354, %add3A_355 : i32
      %dma_wait3A_357 = arith.constant 0 : i32
      %dma_wait3A_358 = arith.constant 0 : i32
      %dma_wait3A_359 = arith.constant 0 : i32
      %dma_wait3A_360 = tpu.memref_slice %arg15[%dma_wait3A_358, %dma_wait3A_359] : memref<10240x128xf32, #tpu.memory_space<vmem_shared>> -> memref<10240x128xf32, #tpu.memory_space<vmem_shared>>
      %dma_wait3A_361 = tpu.memref_slice %arg16[%dma_wait3A_357] : memref<4x!tpu.dma_semaphore, #tpu.memory_space<semaphore_mem>> -> memref<1x!tpu.dma_semaphore, #tpu.memory_space<semaphore_mem>>
      %dma_wait3A_362 = tpu.memref_squeeze %dma_wait3A_361 : memref<1x!tpu.dma_semaphore, #tpu.memory_space<semaphore_mem>> -> memref<!tpu.dma_semaphore, #tpu.memory_space<semaphore_mem>>
      tpu.wait_indirect_dma semaphore(%dma_wait3A_362 : memref<!tpu.dma_semaphore, #tpu.memory_space<semaphore_mem>>) src(%arg14 : memref<80x128xf32, #tpu.memory_space<vmem>>) dst(%dma_wait3A_360 : memref<10240x128xf32, #tpu.memory_space<vmem_shared>>)
      %add3A_363 = arith.constant 4 : i32
      %add3A_364 = arith.addi %add3A_356, %add3A_363 : i32
      %add3A_365 = arith.constant 320000 : i32
      %add3A_366 = arith.addi %add3A_365, %mul3A_4 : i32
      %mul3A_367 = arith.constant 80 : i32
      %mul3A_368 = arith.muli %add3A_364, %mul3A_367 : i32
      %add3A_369 = arith.addi %add3A_366, %mul3A_368 : i32
      %dma_start3A_370 = arith.constant 0 : i32
      %dma_start3A_371 = tpu.memref_slice %arg2[%add3A_369] : memref<640000xi32, #tpu.memory_space<hbm>> -> memref<80xi32, #tpu.memory_space<hbm>>
      %dma_start3A_372 = tpu.memref_slice %arg17[%dma_start3A_370] : memref<8x!tpu.dma_semaphore, #tpu.memory_space<semaphore_mem>> -> memref<1x!tpu.dma_semaphore, #tpu.memory_space<semaphore_mem>>
      %dma_start3A_373 = tpu.memref_squeeze %dma_start3A_372 : memref<1x!tpu.dma_semaphore, #tpu.memory_space<semaphore_mem>> -> memref<!tpu.dma_semaphore, #tpu.memory_space<semaphore_mem>>
      %dma_start3A_374 = tpu.memref_slice %arg2[%add3A_369] : memref<640000xi32, #tpu.memory_space<hbm>> -> memref<80xi32, #tpu.memory_space<hbm>>
      tpu.enqueue_dma source(%dma_start3A_374 : memref<80xi32, #tpu.memory_space<hbm>>) target(%arg6 : memref<80xi32, #tpu.memory_space<vmem>>) target_semaphore(%dma_start3A_373 : memref<!tpu.dma_semaphore, #tpu.memory_space<semaphore_mem>>)
      %dma_wait3A_375 = arith.constant 4 : i32
      %dma_wait3A_376 = tpu.memref_slice %arg2[%mul3A_4] : memref<640000xi32, #tpu.memory_space<hbm>> -> memref<80xi32, #tpu.memory_space<hbm>>
      %dma_wait3A_377 = tpu.memref_slice %arg17[%dma_wait3A_375] : memref<8x!tpu.dma_semaphore, #tpu.memory_space<semaphore_mem>> -> memref<1x!tpu.dma_semaphore, #tpu.memory_space<semaphore_mem>>
      %dma_wait3A_378 = tpu.memref_squeeze %dma_wait3A_377 : memref<1x!tpu.dma_semaphore, #tpu.memory_space<semaphore_mem>> -> memref<!tpu.dma_semaphore, #tpu.memory_space<semaphore_mem>>
      %dma_wait3A_379 = tpu.memref_slice %arg2[%mul3A_4] : memref<640000xi32, #tpu.memory_space<hbm>> -> memref<80xi32, #tpu.memory_space<hbm>>
      tpu.wait_dma2 semaphore(%dma_wait3A_378 : memref<!tpu.dma_semaphore, #tpu.memory_space<semaphore_mem>>) src(%dma_wait3A_379 : memref<80xi32, #tpu.memory_space<hbm>>) dst(%arg10 : memref<80xi32, #tpu.memory_space<vmem>>)
      %dma_start3A_380 = arith.constant 0 : i32
      %dma_start3A_381 = arith.constant 0 : i32
      %dma_start3A_382 = arith.constant 0 : i32
      %dma_start3A_383 = tpu.memref_slice %arg15[%dma_start3A_381, %dma_start3A_382] : memref<10240x128xf32, #tpu.memory_space<vmem_shared>> -> memref<10240x128xf32, #tpu.memory_space<vmem_shared>>
      %dma_start3A_384 = tpu.memref_slice %arg16[%dma_start3A_380] : memref<4x!tpu.dma_semaphore, #tpu.memory_space<semaphore_mem>> -> memref<1x!tpu.dma_semaphore, #tpu.memory_space<semaphore_mem>>
      %dma_start3A_385 = tpu.memref_squeeze %dma_start3A_384 : memref<1x!tpu.dma_semaphore, #tpu.memory_space<semaphore_mem>> -> memref<!tpu.dma_semaphore, #tpu.memory_space<semaphore_mem>>
      tpu.enqueue_indirect_dma source(%arg14 : memref<80x128xf32, #tpu.memory_space<vmem>>) target(%dma_start3A_383 : memref<10240x128xf32, #tpu.memory_space<vmem_shared>>) offsets(%arg10 : memref<80xi32, #tpu.memory_space<vmem>>) semaphore(%dma_start3A_385 : memref<!tpu.dma_semaphore, #tpu.memory_space<semaphore_mem>>) {add = true}
      %add3A_386 = arith.constant 1 : i32
      %add3A_387 = arith.addi %add3A_354, %add3A_386 : i32
      %dma_wait3A_388 = arith.constant 1 : i32
      %dma_wait3A_389 = arith.constant 0 : i32
      %dma_wait3A_390 = arith.constant 0 : i32
      %dma_wait3A_391 = tpu.memref_slice %arg15[%dma_wait3A_389, %dma_wait3A_390] : memref<10240x128xf32, #tpu.memory_space<vmem_shared>> -> memref<10240x128xf32, #tpu.memory_space<vmem_shared>>
      %dma_wait3A_392 = tpu.memref_slice %arg16[%dma_wait3A_388] : memref<4x!tpu.dma_semaphore, #tpu.memory_space<semaphore_mem>> -> memref<1x!tpu.dma_semaphore, #tpu.memory_space<semaphore_mem>>
      %dma_wait3A_393 = tpu.memref_squeeze %dma_wait3A_392 : memref<1x!tpu.dma_semaphore, #tpu.memory_space<semaphore_mem>> -> memref<!tpu.dma_semaphore, #tpu.memory_space<semaphore_mem>>
      tpu.wait_indirect_dma semaphore(%dma_wait3A_393 : memref<!tpu.dma_semaphore, #tpu.memory_space<semaphore_mem>>) src(%arg14 : memref<80x128xf32, #tpu.memory_space<vmem>>) dst(%dma_wait3A_391 : memref<10240x128xf32, #tpu.memory_space<vmem_shared>>)
      %add3A_394 = arith.constant 4 : i32
      %add3A_395 = arith.addi %add3A_387, %add3A_394 : i32
      %add3A_396 = arith.constant 320000 : i32
      %add3A_397 = arith.addi %add3A_396, %mul3A_4 : i32
      %mul3A_398 = arith.constant 80 : i32
      %mul3A_399 = arith.muli %add3A_395, %mul3A_398 : i32
      %add3A_400 = arith.addi %add3A_397, %mul3A_399 : i32
      %dma_start3A_401 = arith.constant 1 : i32
      %dma_start3A_402 = tpu.memref_slice %arg2[%add3A_400] : memref<640000xi32, #tpu.memory_space<hbm>> -> memref<80xi32, #tpu.memory_space<hbm>>
      %dma_start3A_403 = tpu.memref_slice %arg17[%dma_start3A_401] : memref<8x!tpu.dma_semaphore, #tpu.memory_space<semaphore_mem>> -> memref<1x!tpu.dma_semaphore, #tpu.memory_space<semaphore_mem>>
      %dma_start3A_404 = tpu.memref_squeeze %dma_start3A_403 : memref<1x!tpu.dma_semaphore, #tpu.memory_space<semaphore_mem>> -> memref<!tpu.dma_semaphore, #tpu.memory_space<semaphore_mem>>
      %dma_start3A_405 = tpu.memref_slice %arg2[%add3A_400] : memref<640000xi32, #tpu.memory_space<hbm>> -> memref<80xi32, #tpu.memory_space<hbm>>
      tpu.enqueue_dma source(%dma_start3A_405 : memref<80xi32, #tpu.memory_space<hbm>>) target(%arg7 : memref<80xi32, #tpu.memory_space<vmem>>) target_semaphore(%dma_start3A_404 : memref<!tpu.dma_semaphore, #tpu.memory_space<semaphore_mem>>)
      %dma_wait3A_406 = arith.constant 5 : i32
      %dma_wait3A_407 = tpu.memref_slice %arg2[%mul3A_4] : memref<640000xi32, #tpu.memory_space<hbm>> -> memref<80xi32, #tpu.memory_space<hbm>>
      %dma_wait3A_408 = tpu.memref_slice %arg17[%dma_wait3A_406] : memref<8x!tpu.dma_semaphore, #tpu.memory_space<semaphore_mem>> -> memref<1x!tpu.dma_semaphore, #tpu.memory_space<semaphore_mem>>
      %dma_wait3A_409 = tpu.memref_squeeze %dma_wait3A_408 : memref<1x!tpu.dma_semaphore, #tpu.memory_space<semaphore_mem>> -> memref<!tpu.dma_semaphore, #tpu.memory_space<semaphore_mem>>
      %dma_wait3A_410 = tpu.memref_slice %arg2[%mul3A_4] : memref<640000xi32, #tpu.memory_space<hbm>> -> memref<80xi32, #tpu.memory_space<hbm>>
      tpu.wait_dma2 semaphore(%dma_wait3A_409 : memref<!tpu.dma_semaphore, #tpu.memory_space<semaphore_mem>>) src(%dma_wait3A_410 : memref<80xi32, #tpu.memory_space<hbm>>) dst(%arg11 : memref<80xi32, #tpu.memory_space<vmem>>)
      %dma_start3A_411 = arith.constant 1 : i32
      %dma_start3A_412 = arith.constant 0 : i32
      %dma_start3A_413 = arith.constant 0 : i32
      %dma_start3A_414 = tpu.memref_slice %arg15[%dma_start3A_412, %dma_start3A_413] : memref<10240x128xf32, #tpu.memory_space<vmem_shared>> -> memref<10240x128xf32, #tpu.memory_space<vmem_shared>>
      %dma_start3A_415 = tpu.memref_slice %arg16[%dma_start3A_411] : memref<4x!tpu.dma_semaphore, #tpu.memory_space<semaphore_mem>> -> memref<1x!tpu.dma_semaphore, #tpu.memory_space<semaphore_mem>>
      %dma_start3A_416 = tpu.memref_squeeze %dma_start3A_415 : memref<1x!tpu.dma_semaphore, #tpu.memory_space<semaphore_mem>> -> memref<!tpu.dma_semaphore, #tpu.memory_space<semaphore_mem>>
      tpu.enqueue_indirect_dma source(%arg14 : memref<80x128xf32, #tpu.memory_space<vmem>>) target(%dma_start3A_414 : memref<10240x128xf32, #tpu.memory_space<vmem_shared>>) offsets(%arg11 : memref<80xi32, #tpu.memory_space<vmem>>) semaphore(%dma_start3A_416 : memref<!tpu.dma_semaphore, #tpu.memory_space<semaphore_mem>>) {add = true}
      %add3A_417 = arith.constant 2 : i32
      %add3A_418 = arith.addi %add3A_354, %add3A_417 : i32
      %dma_wait3A_419 = arith.constant 2 : i32
      %dma_wait3A_420 = arith.constant 0 : i32
      %dma_wait3A_421 = arith.constant 0 : i32
      %dma_wait3A_422 = tpu.memref_slice %arg15[%dma_wait3A_420, %dma_wait3A_421] : memref<10240x128xf32, #tpu.memory_space<vmem_shared>> -> memref<10240x128xf32, #tpu.memory_space<vmem_shared>>
      %dma_wait3A_423 = tpu.memref_slice %arg16[%dma_wait3A_419] : memref<4x!tpu.dma_semaphore, #tpu.memory_space<semaphore_mem>> -> memref<1x!tpu.dma_semaphore, #tpu.memory_space<semaphore_mem>>
      %dma_wait3A_424 = tpu.memref_squeeze %dma_wait3A_423 : memref<1x!tpu.dma_semaphore, #tpu.memory_space<semaphore_mem>> -> memref<!tpu.dma_semaphore, #tpu.memory_space<semaphore_mem>>
      tpu.wait_indirect_dma semaphore(%dma_wait3A_424 : memref<!tpu.dma_semaphore, #tpu.memory_space<semaphore_mem>>) src(%arg14 : memref<80x128xf32, #tpu.memory_space<vmem>>) dst(%dma_wait3A_422 : memref<10240x128xf32, #tpu.memory_space<vmem_shared>>)
      %add3A_425 = arith.constant 4 : i32
      %add3A_426 = arith.addi %add3A_418, %add3A_425 : i32
      %add3A_427 = arith.constant 320000 : i32
      %add3A_428 = arith.addi %add3A_427, %mul3A_4 : i32
      %mul3A_429 = arith.constant 80 : i32
      %mul3A_430 = arith.muli %add3A_426, %mul3A_429 : i32
      %add3A_431 = arith.addi %add3A_428, %mul3A_430 : i32
      %dma_start3A_432 = arith.constant 2 : i32
      %dma_start3A_433 = tpu.memref_slice %arg2[%add3A_431] : memref<640000xi32, #tpu.memory_space<hbm>> -> memref<80xi32, #tpu.memory_space<hbm>>
      %dma_start3A_434 = tpu.memref_slice %arg17[%dma_start3A_432] : memref<8x!tpu.dma_semaphore, #tpu.memory_space<semaphore_mem>> -> memref<1x!tpu.dma_semaphore, #tpu.memory_space<semaphore_mem>>
      %dma_start3A_435 = tpu.memref_squeeze %dma_start3A_434 : memref<1x!tpu.dma_semaphore, #tpu.memory_space<semaphore_mem>> -> memref<!tpu.dma_semaphore, #tpu.memory_space<semaphore_mem>>
      %dma_start3A_436 = tpu.memref_slice %arg2[%add3A_431] : memref<640000xi32, #tpu.memory_space<hbm>> -> memref<80xi32, #tpu.memory_space<hbm>>
      tpu.enqueue_dma source(%dma_start3A_436 : memref<80xi32, #tpu.memory_space<hbm>>) target(%arg8 : memref<80xi32, #tpu.memory_space<vmem>>) target_semaphore(%dma_start3A_435 : memref<!tpu.dma_semaphore, #tpu.memory_space<semaphore_mem>>)
      %dma_wait3A_437 = arith.constant 6 : i32
      %dma_wait3A_438 = tpu.memref_slice %arg2[%mul3A_4] : memref<640000xi32, #tpu.memory_space<hbm>> -> memref<80xi32, #tpu.memory_space<hbm>>
      %dma_wait3A_439 = tpu.memref_slice %arg17[%dma_wait3A_437] : memref<8x!tpu.dma_semaphore, #tpu.memory_space<semaphore_mem>> -> memref<1x!tpu.dma_semaphore, #tpu.memory_space<semaphore_mem>>
      %dma_wait3A_440 = tpu.memref_squeeze %dma_wait3A_439 : memref<1x!tpu.dma_semaphore, #tpu.memory_space<semaphore_mem>> -> memref<!tpu.dma_semaphore, #tpu.memory_space<semaphore_mem>>
      %dma_wait3A_441 = tpu.memref_slice %arg2[%mul3A_4] : memref<640000xi32, #tpu.memory_space<hbm>> -> memref<80xi32, #tpu.memory_space<hbm>>
      tpu.wait_dma2 semaphore(%dma_wait3A_440 : memref<!tpu.dma_semaphore, #tpu.memory_space<semaphore_mem>>) src(%dma_wait3A_441 : memref<80xi32, #tpu.memory_space<hbm>>) dst(%arg12 : memref<80xi32, #tpu.memory_space<vmem>>)
      %dma_start3A_442 = arith.constant 2 : i32
      %dma_start3A_443 = arith.constant 0 : i32
      %dma_start3A_444 = arith.constant 0 : i32
      %dma_start3A_445 = tpu.memref_slice %arg15[%dma_start3A_443, %dma_start3A_444] : memref<10240x128xf32, #tpu.memory_space<vmem_shared>> -> memref<10240x128xf32, #tpu.memory_space<vmem_shared>>
      %dma_start3A_446 = tpu.memref_slice %arg16[%dma_start3A_442] : memref<4x!tpu.dma_semaphore, #tpu.memory_space<semaphore_mem>> -> memref<1x!tpu.dma_semaphore, #tpu.memory_space<semaphore_mem>>
      %dma_start3A_447 = tpu.memref_squeeze %dma_start3A_446 : memref<1x!tpu.dma_semaphore, #tpu.memory_space<semaphore_mem>> -> memref<!tpu.dma_semaphore, #tpu.memory_space<semaphore_mem>>
      tpu.enqueue_indirect_dma source(%arg14 : memref<80x128xf32, #tpu.memory_space<vmem>>) target(%dma_start3A_445 : memref<10240x128xf32, #tpu.memory_space<vmem_shared>>) offsets(%arg12 : memref<80xi32, #tpu.memory_space<vmem>>) semaphore(%dma_start3A_447 : memref<!tpu.dma_semaphore, #tpu.memory_space<semaphore_mem>>) {add = true}
      %add3A_448 = arith.constant 3 : i32
      %add3A_449 = arith.addi %add3A_354, %add3A_448 : i32
      %dma_wait3A_450 = arith.constant 3 : i32
      %dma_wait3A_451 = arith.constant 0 : i32
      %dma_wait3A_452 = arith.constant 0 : i32
      %dma_wait3A_453 = tpu.memref_slice %arg15[%dma_wait3A_451, %dma_wait3A_452] : memref<10240x128xf32, #tpu.memory_space<vmem_shared>> -> memref<10240x128xf32, #tpu.memory_space<vmem_shared>>
      %dma_wait3A_454 = tpu.memref_slice %arg16[%dma_wait3A_450] : memref<4x!tpu.dma_semaphore, #tpu.memory_space<semaphore_mem>> -> memref<1x!tpu.dma_semaphore, #tpu.memory_space<semaphore_mem>>
      %dma_wait3A_455 = tpu.memref_squeeze %dma_wait3A_454 : memref<1x!tpu.dma_semaphore, #tpu.memory_space<semaphore_mem>> -> memref<!tpu.dma_semaphore, #tpu.memory_space<semaphore_mem>>
      tpu.wait_indirect_dma semaphore(%dma_wait3A_455 : memref<!tpu.dma_semaphore, #tpu.memory_space<semaphore_mem>>) src(%arg14 : memref<80x128xf32, #tpu.memory_space<vmem>>) dst(%dma_wait3A_453 : memref<10240x128xf32, #tpu.memory_space<vmem_shared>>)
      %add3A_456 = arith.constant 4 : i32
      %add3A_457 = arith.addi %add3A_449, %add3A_456 : i32
      %add3A_458 = arith.constant 320000 : i32
      %add3A_459 = arith.addi %add3A_458, %mul3A_4 : i32
      %mul3A_460 = arith.constant 80 : i32
      %mul3A_461 = arith.muli %add3A_457, %mul3A_460 : i32
      %add3A_462 = arith.addi %add3A_459, %mul3A_461 : i32
      %dma_start3A_463 = arith.constant 3 : i32
      %dma_start3A_464 = tpu.memref_slice %arg2[%add3A_462] : memref<640000xi32, #tpu.memory_space<hbm>> -> memref<80xi32, #tpu.memory_space<hbm>>
      %dma_start3A_465 = tpu.memref_slice %arg17[%dma_start3A_463] : memref<8x!tpu.dma_semaphore, #tpu.memory_space<semaphore_mem>> -> memref<1x!tpu.dma_semaphore, #tpu.memory_space<semaphore_mem>>
      %dma_start3A_466 = tpu.memref_squeeze %dma_start3A_465 : memref<1x!tpu.dma_semaphore, #tpu.memory_space<semaphore_mem>> -> memref<!tpu.dma_semaphore, #tpu.memory_space<semaphore_mem>>
      %dma_start3A_467 = tpu.memref_slice %arg2[%add3A_462] : memref<640000xi32, #tpu.memory_space<hbm>> -> memref<80xi32, #tpu.memory_space<hbm>>
      tpu.enqueue_dma source(%dma_start3A_467 : memref<80xi32, #tpu.memory_space<hbm>>) target(%arg9 : memref<80xi32, #tpu.memory_space<vmem>>) target_semaphore(%dma_start3A_466 : memref<!tpu.dma_semaphore, #tpu.memory_space<semaphore_mem>>)
      %dma_wait3A_468 = arith.constant 7 : i32
      %dma_wait3A_469 = tpu.memref_slice %arg2[%mul3A_4] : memref<640000xi32, #tpu.memory_space<hbm>> -> memref<80xi32, #tpu.memory_space<hbm>>
      %dma_wait3A_470 = tpu.memref_slice %arg17[%dma_wait3A_468] : memref<8x!tpu.dma_semaphore, #tpu.memory_space<semaphore_mem>> -> memref<1x!tpu.dma_semaphore, #tpu.memory_space<semaphore_mem>>
      %dma_wait3A_471 = tpu.memref_squeeze %dma_wait3A_470 : memref<1x!tpu.dma_semaphore, #tpu.memory_space<semaphore_mem>> -> memref<!tpu.dma_semaphore, #tpu.memory_space<semaphore_mem>>
      %dma_wait3A_472 = tpu.memref_slice %arg2[%mul3A_4] : memref<640000xi32, #tpu.memory_space<hbm>> -> memref<80xi32, #tpu.memory_space<hbm>>
      tpu.wait_dma2 semaphore(%dma_wait3A_471 : memref<!tpu.dma_semaphore, #tpu.memory_space<semaphore_mem>>) src(%dma_wait3A_472 : memref<80xi32, #tpu.memory_space<hbm>>) dst(%arg13 : memref<80xi32, #tpu.memory_space<vmem>>)
      %dma_start3A_473 = arith.constant 3 : i32
      %dma_start3A_474 = arith.constant 0 : i32
      %dma_start3A_475 = arith.constant 0 : i32
      %dma_start3A_476 = tpu.memref_slice %arg15[%dma_start3A_474, %dma_start3A_475] : memref<10240x128xf32, #tpu.memory_space<vmem_shared>> -> memref<10240x128xf32, #tpu.memory_space<vmem_shared>>
      %dma_start3A_477 = tpu.memref_slice %arg16[%dma_start3A_473] : memref<4x!tpu.dma_semaphore, #tpu.memory_space<semaphore_mem>> -> memref<1x!tpu.dma_semaphore, #tpu.memory_space<semaphore_mem>>
      %dma_start3A_478 = tpu.memref_squeeze %dma_start3A_477 : memref<1x!tpu.dma_semaphore, #tpu.memory_space<semaphore_mem>> -> memref<!tpu.dma_semaphore, #tpu.memory_space<semaphore_mem>>
      tpu.enqueue_indirect_dma source(%arg14 : memref<80x128xf32, #tpu.memory_space<vmem>>) target(%dma_start3A_476 : memref<10240x128xf32, #tpu.memory_space<vmem_shared>>) offsets(%arg13 : memref<80xi32, #tpu.memory_space<vmem>>) semaphore(%dma_start3A_478 : memref<!tpu.dma_semaphore, #tpu.memory_space<semaphore_mem>>) {add = true}
      %add3A_479 = arith.constant 4 : i32
      %add3A_480 = arith.addi %add3A_354, %add3A_479 : i32
      %dma_wait3A_481 = arith.constant 0 : i32
      %dma_wait3A_482 = arith.constant 0 : i32
      %dma_wait3A_483 = arith.constant 0 : i32
      %dma_wait3A_484 = tpu.memref_slice %arg15[%dma_wait3A_482, %dma_wait3A_483] : memref<10240x128xf32, #tpu.memory_space<vmem_shared>> -> memref<10240x128xf32, #tpu.memory_space<vmem_shared>>
      %dma_wait3A_485 = tpu.memref_slice %arg16[%dma_wait3A_481] : memref<4x!tpu.dma_semaphore, #tpu.memory_space<semaphore_mem>> -> memref<1x!tpu.dma_semaphore, #tpu.memory_space<semaphore_mem>>
      %dma_wait3A_486 = tpu.memref_squeeze %dma_wait3A_485 : memref<1x!tpu.dma_semaphore, #tpu.memory_space<semaphore_mem>> -> memref<!tpu.dma_semaphore, #tpu.memory_space<semaphore_mem>>
      tpu.wait_indirect_dma semaphore(%dma_wait3A_486 : memref<!tpu.dma_semaphore, #tpu.memory_space<semaphore_mem>>) src(%arg14 : memref<80x128xf32, #tpu.memory_space<vmem>>) dst(%dma_wait3A_484 : memref<10240x128xf32, #tpu.memory_space<vmem_shared>>)
      %add3A_487 = arith.constant 4 : i32
      %add3A_488 = arith.addi %add3A_480, %add3A_487 : i32
      %add3A_489 = arith.constant 320000 : i32
      %add3A_490 = arith.addi %add3A_489, %mul3A_4 : i32
      %mul3A_491 = arith.constant 80 : i32
      %mul3A_492 = arith.muli %add3A_488, %mul3A_491 : i32
      %add3A_493 = arith.addi %add3A_490, %mul3A_492 : i32
      %dma_start3A_494 = arith.constant 4 : i32
      %dma_start3A_495 = tpu.memref_slice %arg2[%add3A_493] : memref<640000xi32, #tpu.memory_space<hbm>> -> memref<80xi32, #tpu.memory_space<hbm>>
      %dma_start3A_496 = tpu.memref_slice %arg17[%dma_start3A_494] : memref<8x!tpu.dma_semaphore, #tpu.memory_space<semaphore_mem>> -> memref<1x!tpu.dma_semaphore, #tpu.memory_space<semaphore_mem>>
      %dma_start3A_497 = tpu.memref_squeeze %dma_start3A_496 : memref<1x!tpu.dma_semaphore, #tpu.memory_space<semaphore_mem>> -> memref<!tpu.dma_semaphore, #tpu.memory_space<semaphore_mem>>
      %dma_start3A_498 = tpu.memref_slice %arg2[%add3A_493] : memref<640000xi32, #tpu.memory_space<hbm>> -> memref<80xi32, #tpu.memory_space<hbm>>
      tpu.enqueue_dma source(%dma_start3A_498 : memref<80xi32, #tpu.memory_space<hbm>>) target(%arg10 : memref<80xi32, #tpu.memory_space<vmem>>) target_semaphore(%dma_start3A_497 : memref<!tpu.dma_semaphore, #tpu.memory_space<semaphore_mem>>)
      %dma_wait3A_499 = arith.constant 0 : i32
      %dma_wait3A_500 = tpu.memref_slice %arg2[%mul3A_4] : memref<640000xi32, #tpu.memory_space<hbm>> -> memref<80xi32, #tpu.memory_space<hbm>>
      %dma_wait3A_501 = tpu.memref_slice %arg17[%dma_wait3A_499] : memref<8x!tpu.dma_semaphore, #tpu.memory_space<semaphore_mem>> -> memref<1x!tpu.dma_semaphore, #tpu.memory_space<semaphore_mem>>
      %dma_wait3A_502 = tpu.memref_squeeze %dma_wait3A_501 : memref<1x!tpu.dma_semaphore, #tpu.memory_space<semaphore_mem>> -> memref<!tpu.dma_semaphore, #tpu.memory_space<semaphore_mem>>
      %dma_wait3A_503 = tpu.memref_slice %arg2[%mul3A_4] : memref<640000xi32, #tpu.memory_space<hbm>> -> memref<80xi32, #tpu.memory_space<hbm>>
      tpu.wait_dma2 semaphore(%dma_wait3A_502 : memref<!tpu.dma_semaphore, #tpu.memory_space<semaphore_mem>>) src(%dma_wait3A_503 : memref<80xi32, #tpu.memory_space<hbm>>) dst(%arg6 : memref<80xi32, #tpu.memory_space<vmem>>)
      %dma_start3A_504 = arith.constant 0 : i32
      %dma_start3A_505 = arith.constant 0 : i32
      %dma_start3A_506 = arith.constant 0 : i32
      %dma_start3A_507 = tpu.memref_slice %arg15[%dma_start3A_505, %dma_start3A_506] : memref<10240x128xf32, #tpu.memory_space<vmem_shared>> -> memref<10240x128xf32, #tpu.memory_space<vmem_shared>>
      %dma_start3A_508 = tpu.memref_slice %arg16[%dma_start3A_504] : memref<4x!tpu.dma_semaphore, #tpu.memory_space<semaphore_mem>> -> memref<1x!tpu.dma_semaphore, #tpu.memory_space<semaphore_mem>>
      %dma_start3A_509 = tpu.memref_squeeze %dma_start3A_508 : memref<1x!tpu.dma_semaphore, #tpu.memory_space<semaphore_mem>> -> memref<!tpu.dma_semaphore, #tpu.memory_space<semaphore_mem>>
      tpu.enqueue_indirect_dma source(%arg14 : memref<80x128xf32, #tpu.memory_space<vmem>>) target(%dma_start3A_507 : memref<10240x128xf32, #tpu.memory_space<vmem_shared>>) offsets(%arg6 : memref<80xi32, #tpu.memory_space<vmem>>) semaphore(%dma_start3A_509 : memref<!tpu.dma_semaphore, #tpu.memory_space<semaphore_mem>>) {add = true}
      %add3A_510 = arith.constant 5 : i32
      %add3A_511 = arith.addi %add3A_354, %add3A_510 : i32
      %dma_wait3A_512 = arith.constant 1 : i32
      %dma_wait3A_513 = arith.constant 0 : i32
      %dma_wait3A_514 = arith.constant 0 : i32
      %dma_wait3A_515 = tpu.memref_slice %arg15[%dma_wait3A_513, %dma_wait3A_514] : memref<10240x128xf32, #tpu.memory_space<vmem_shared>> -> memref<10240x128xf32, #tpu.memory_space<vmem_shared>>
      %dma_wait3A_516 = tpu.memref_slice %arg16[%dma_wait3A_512] : memref<4x!tpu.dma_semaphore, #tpu.memory_space<semaphore_mem>> -> memref<1x!tpu.dma_semaphore, #tpu.memory_space<semaphore_mem>>
      %dma_wait3A_517 = tpu.memref_squeeze %dma_wait3A_516 : memref<1x!tpu.dma_semaphore, #tpu.memory_space<semaphore_mem>> -> memref<!tpu.dma_semaphore, #tpu.memory_space<semaphore_mem>>
      tpu.wait_indirect_dma semaphore(%dma_wait3A_517 : memref<!tpu.dma_semaphore, #tpu.memory_space<semaphore_mem>>) src(%arg14 : memref<80x128xf32, #tpu.memory_space<vmem>>) dst(%dma_wait3A_515 : memref<10240x128xf32, #tpu.memory_space<vmem_shared>>)
      %add3A_518 = arith.constant 4 : i32
      %add3A_519 = arith.addi %add3A_511, %add3A_518 : i32
      %add3A_520 = arith.constant 320000 : i32
      %add3A_521 = arith.addi %add3A_520, %mul3A_4 : i32
      %mul3A_522 = arith.constant 80 : i32
      %mul3A_523 = arith.muli %add3A_519, %mul3A_522 : i32
      %add3A_524 = arith.addi %add3A_521, %mul3A_523 : i32
      %dma_start3A_525 = arith.constant 5 : i32
      %dma_start3A_526 = tpu.memref_slice %arg2[%add3A_524] : memref<640000xi32, #tpu.memory_space<hbm>> -> memref<80xi32, #tpu.memory_space<hbm>>
      %dma_start3A_527 = tpu.memref_slice %arg17[%dma_start3A_525] : memref<8x!tpu.dma_semaphore, #tpu.memory_space<semaphore_mem>> -> memref<1x!tpu.dma_semaphore, #tpu.memory_space<semaphore_mem>>
      %dma_start3A_528 = tpu.memref_squeeze %dma_start3A_527 : memref<1x!tpu.dma_semaphore, #tpu.memory_space<semaphore_mem>> -> memref<!tpu.dma_semaphore, #tpu.memory_space<semaphore_mem>>
      %dma_start3A_529 = tpu.memref_slice %arg2[%add3A_524] : memref<640000xi32, #tpu.memory_space<hbm>> -> memref<80xi32, #tpu.memory_space<hbm>>
      tpu.enqueue_dma source(%dma_start3A_529 : memref<80xi32, #tpu.memory_space<hbm>>) target(%arg11 : memref<80xi32, #tpu.memory_space<vmem>>) target_semaphore(%dma_start3A_528 : memref<!tpu.dma_semaphore, #tpu.memory_space<semaphore_mem>>)
      %dma_wait3A_530 = arith.constant 1 : i32
      %dma_wait3A_531 = tpu.memref_slice %arg2[%mul3A_4] : memref<640000xi32, #tpu.memory_space<hbm>> -> memref<80xi32, #tpu.memory_space<hbm>>
      %dma_wait3A_532 = tpu.memref_slice %arg17[%dma_wait3A_530] : memref<8x!tpu.dma_semaphore, #tpu.memory_space<semaphore_mem>> -> memref<1x!tpu.dma_semaphore, #tpu.memory_space<semaphore_mem>>
      %dma_wait3A_533 = tpu.memref_squeeze %dma_wait3A_532 : memref<1x!tpu.dma_semaphore, #tpu.memory_space<semaphore_mem>> -> memref<!tpu.dma_semaphore, #tpu.memory_space<semaphore_mem>>
      %dma_wait3A_534 = tpu.memref_slice %arg2[%mul3A_4] : memref<640000xi32, #tpu.memory_space<hbm>> -> memref<80xi32, #tpu.memory_space<hbm>>
      tpu.wait_dma2 semaphore(%dma_wait3A_533 : memref<!tpu.dma_semaphore, #tpu.memory_space<semaphore_mem>>) src(%dma_wait3A_534 : memref<80xi32, #tpu.memory_space<hbm>>) dst(%arg7 : memref<80xi32, #tpu.memory_space<vmem>>)
      %dma_start3A_535 = arith.constant 1 : i32
      %dma_start3A_536 = arith.constant 0 : i32
      %dma_start3A_537 = arith.constant 0 : i32
      %dma_start3A_538 = tpu.memref_slice %arg15[%dma_start3A_536, %dma_start3A_537] : memref<10240x128xf32, #tpu.memory_space<vmem_shared>> -> memref<10240x128xf32, #tpu.memory_space<vmem_shared>>
      %dma_start3A_539 = tpu.memref_slice %arg16[%dma_start3A_535] : memref<4x!tpu.dma_semaphore, #tpu.memory_space<semaphore_mem>> -> memref<1x!tpu.dma_semaphore, #tpu.memory_space<semaphore_mem>>
      %dma_start3A_540 = tpu.memref_squeeze %dma_start3A_539 : memref<1x!tpu.dma_semaphore, #tpu.memory_space<semaphore_mem>> -> memref<!tpu.dma_semaphore, #tpu.memory_space<semaphore_mem>>
      tpu.enqueue_indirect_dma source(%arg14 : memref<80x128xf32, #tpu.memory_space<vmem>>) target(%dma_start3A_538 : memref<10240x128xf32, #tpu.memory_space<vmem_shared>>) offsets(%arg7 : memref<80xi32, #tpu.memory_space<vmem>>) semaphore(%dma_start3A_540 : memref<!tpu.dma_semaphore, #tpu.memory_space<semaphore_mem>>) {add = true}
      %add3A_541 = arith.constant 6 : i32
      %add3A_542 = arith.addi %add3A_354, %add3A_541 : i32
      %dma_wait3A_543 = arith.constant 2 : i32
      %dma_wait3A_544 = arith.constant 0 : i32
      %dma_wait3A_545 = arith.constant 0 : i32
      %dma_wait3A_546 = tpu.memref_slice %arg15[%dma_wait3A_544, %dma_wait3A_545] : memref<10240x128xf32, #tpu.memory_space<vmem_shared>> -> memref<10240x128xf32, #tpu.memory_space<vmem_shared>>
      %dma_wait3A_547 = tpu.memref_slice %arg16[%dma_wait3A_543] : memref<4x!tpu.dma_semaphore, #tpu.memory_space<semaphore_mem>> -> memref<1x!tpu.dma_semaphore, #tpu.memory_space<semaphore_mem>>
      %dma_wait3A_548 = tpu.memref_squeeze %dma_wait3A_547 : memref<1x!tpu.dma_semaphore, #tpu.memory_space<semaphore_mem>> -> memref<!tpu.dma_semaphore, #tpu.memory_space<semaphore_mem>>
      tpu.wait_indirect_dma semaphore(%dma_wait3A_548 : memref<!tpu.dma_semaphore, #tpu.memory_space<semaphore_mem>>) src(%arg14 : memref<80x128xf32, #tpu.memory_space<vmem>>) dst(%dma_wait3A_546 : memref<10240x128xf32, #tpu.memory_space<vmem_shared>>)
      %add3A_549 = arith.constant 4 : i32
      %add3A_550 = arith.addi %add3A_542, %add3A_549 : i32
      %add3A_551 = arith.constant 320000 : i32
      %add3A_552 = arith.addi %add3A_551, %mul3A_4 : i32
      %mul3A_553 = arith.constant 80 : i32
      %mul3A_554 = arith.muli %add3A_550, %mul3A_553 : i32
      %add3A_555 = arith.addi %add3A_552, %mul3A_554 : i32
      %dma_start3A_556 = arith.constant 6 : i32
      %dma_start3A_557 = tpu.memref_slice %arg2[%add3A_555] : memref<640000xi32, #tpu.memory_space<hbm>> -> memref<80xi32, #tpu.memory_space<hbm>>
      %dma_start3A_558 = tpu.memref_slice %arg17[%dma_start3A_556] : memref<8x!tpu.dma_semaphore, #tpu.memory_space<semaphore_mem>> -> memref<1x!tpu.dma_semaphore, #tpu.memory_space<semaphore_mem>>
      %dma_start3A_559 = tpu.memref_squeeze %dma_start3A_558 : memref<1x!tpu.dma_semaphore, #tpu.memory_space<semaphore_mem>> -> memref<!tpu.dma_semaphore, #tpu.memory_space<semaphore_mem>>
      %dma_start3A_560 = tpu.memref_slice %arg2[%add3A_555] : memref<640000xi32, #tpu.memory_space<hbm>> -> memref<80xi32, #tpu.memory_space<hbm>>
      tpu.enqueue_dma source(%dma_start3A_560 : memref<80xi32, #tpu.memory_space<hbm>>) target(%arg12 : memref<80xi32, #tpu.memory_space<vmem>>) target_semaphore(%dma_start3A_559 : memref<!tpu.dma_semaphore, #tpu.memory_space<semaphore_mem>>)
      %dma_wait3A_561 = arith.constant 2 : i32
      %dma_wait3A_562 = tpu.memref_slice %arg2[%mul3A_4] : memref<640000xi32, #tpu.memory_space<hbm>> -> memref<80xi32, #tpu.memory_space<hbm>>
      %dma_wait3A_563 = tpu.memref_slice %arg17[%dma_wait3A_561] : memref<8x!tpu.dma_semaphore, #tpu.memory_space<semaphore_mem>> -> memref<1x!tpu.dma_semaphore, #tpu.memory_space<semaphore_mem>>
      %dma_wait3A_564 = tpu.memref_squeeze %dma_wait3A_563 : memref<1x!tpu.dma_semaphore, #tpu.memory_space<semaphore_mem>> -> memref<!tpu.dma_semaphore, #tpu.memory_space<semaphore_mem>>
      %dma_wait3A_565 = tpu.memref_slice %arg2[%mul3A_4] : memref<640000xi32, #tpu.memory_space<hbm>> -> memref<80xi32, #tpu.memory_space<hbm>>
      tpu.wait_dma2 semaphore(%dma_wait3A_564 : memref<!tpu.dma_semaphore, #tpu.memory_space<semaphore_mem>>) src(%dma_wait3A_565 : memref<80xi32, #tpu.memory_space<hbm>>) dst(%arg8 : memref<80xi32, #tpu.memory_space<vmem>>)
      %dma_start3A_566 = arith.constant 2 : i32
      %dma_start3A_567 = arith.constant 0 : i32
      %dma_start3A_568 = arith.constant 0 : i32
      %dma_start3A_569 = tpu.memref_slice %arg15[%dma_start3A_567, %dma_start3A_568] : memref<10240x128xf32, #tpu.memory_space<vmem_shared>> -> memref<10240x128xf32, #tpu.memory_space<vmem_shared>>
      %dma_start3A_570 = tpu.memref_slice %arg16[%dma_start3A_566] : memref<4x!tpu.dma_semaphore, #tpu.memory_space<semaphore_mem>> -> memref<1x!tpu.dma_semaphore, #tpu.memory_space<semaphore_mem>>
      %dma_start3A_571 = tpu.memref_squeeze %dma_start3A_570 : memref<1x!tpu.dma_semaphore, #tpu.memory_space<semaphore_mem>> -> memref<!tpu.dma_semaphore, #tpu.memory_space<semaphore_mem>>
      tpu.enqueue_indirect_dma source(%arg14 : memref<80x128xf32, #tpu.memory_space<vmem>>) target(%dma_start3A_569 : memref<10240x128xf32, #tpu.memory_space<vmem_shared>>) offsets(%arg8 : memref<80xi32, #tpu.memory_space<vmem>>) semaphore(%dma_start3A_571 : memref<!tpu.dma_semaphore, #tpu.memory_space<semaphore_mem>>) {add = true}
      %add3A_572 = arith.constant 7 : i32
      %add3A_573 = arith.addi %add3A_354, %add3A_572 : i32
      %dma_wait3A_574 = arith.constant 3 : i32
      %dma_wait3A_575 = arith.constant 0 : i32
      %dma_wait3A_576 = arith.constant 0 : i32
      %dma_wait3A_577 = tpu.memref_slice %arg15[%dma_wait3A_575, %dma_wait3A_576] : memref<10240x128xf32, #tpu.memory_space<vmem_shared>> -> memref<10240x128xf32, #tpu.memory_space<vmem_shared>>
      %dma_wait3A_578 = tpu.memref_slice %arg16[%dma_wait3A_574] : memref<4x!tpu.dma_semaphore, #tpu.memory_space<semaphore_mem>> -> memref<1x!tpu.dma_semaphore, #tpu.memory_space<semaphore_mem>>
      %dma_wait3A_579 = tpu.memref_squeeze %dma_wait3A_578 : memref<1x!tpu.dma_semaphore, #tpu.memory_space<semaphore_mem>> -> memref<!tpu.dma_semaphore, #tpu.memory_space<semaphore_mem>>
      tpu.wait_indirect_dma semaphore(%dma_wait3A_579 : memref<!tpu.dma_semaphore, #tpu.memory_space<semaphore_mem>>) src(%arg14 : memref<80x128xf32, #tpu.memory_space<vmem>>) dst(%dma_wait3A_577 : memref<10240x128xf32, #tpu.memory_space<vmem_shared>>)
      %add3A_580 = arith.constant 4 : i32
      %add3A_581 = arith.addi %add3A_573, %add3A_580 : i32
      %add3A_582 = arith.constant 320000 : i32
      %add3A_583 = arith.addi %add3A_582, %mul3A_4 : i32
      %mul3A_584 = arith.constant 80 : i32
      %mul3A_585 = arith.muli %add3A_581, %mul3A_584 : i32
      %add3A_586 = arith.addi %add3A_583, %mul3A_585 : i32
      %dma_start3A_587 = arith.constant 7 : i32
      %dma_start3A_588 = tpu.memref_slice %arg2[%add3A_586] : memref<640000xi32, #tpu.memory_space<hbm>> -> memref<80xi32, #tpu.memory_space<hbm>>
      %dma_start3A_589 = tpu.memref_slice %arg17[%dma_start3A_587] : memref<8x!tpu.dma_semaphore, #tpu.memory_space<semaphore_mem>> -> memref<1x!tpu.dma_semaphore, #tpu.memory_space<semaphore_mem>>
      %dma_start3A_590 = tpu.memref_squeeze %dma_start3A_589 : memref<1x!tpu.dma_semaphore, #tpu.memory_space<semaphore_mem>> -> memref<!tpu.dma_semaphore, #tpu.memory_space<semaphore_mem>>
      %dma_start3A_591 = tpu.memref_slice %arg2[%add3A_586] : memref<640000xi32, #tpu.memory_space<hbm>> -> memref<80xi32, #tpu.memory_space<hbm>>
      tpu.enqueue_dma source(%dma_start3A_591 : memref<80xi32, #tpu.memory_space<hbm>>) target(%arg13 : memref<80xi32, #tpu.memory_space<vmem>>) target_semaphore(%dma_start3A_590 : memref<!tpu.dma_semaphore, #tpu.memory_space<semaphore_mem>>)
      %dma_wait3A_592 = arith.constant 3 : i32
      %dma_wait3A_593 = tpu.memref_slice %arg2[%mul3A_4] : memref<640000xi32, #tpu.memory_space<hbm>> -> memref<80xi32, #tpu.memory_space<hbm>>
      %dma_wait3A_594 = tpu.memref_slice %arg17[%dma_wait3A_592] : memref<8x!tpu.dma_semaphore, #tpu.memory_space<semaphore_mem>> -> memref<1x!tpu.dma_semaphore, #tpu.memory_space<semaphore_mem>>
      %dma_wait3A_595 = tpu.memref_squeeze %dma_wait3A_594 : memref<1x!tpu.dma_semaphore, #tpu.memory_space<semaphore_mem>> -> memref<!tpu.dma_semaphore, #tpu.memory_space<semaphore_mem>>
      %dma_wait3A_596 = tpu.memref_slice %arg2[%mul3A_4] : memref<640000xi32, #tpu.memory_space<hbm>> -> memref<80xi32, #tpu.memory_space<hbm>>
      tpu.wait_dma2 semaphore(%dma_wait3A_595 : memref<!tpu.dma_semaphore, #tpu.memory_space<semaphore_mem>>) src(%dma_wait3A_596 : memref<80xi32, #tpu.memory_space<hbm>>) dst(%arg9 : memref<80xi32, #tpu.memory_space<vmem>>)
      %dma_start3A_597 = arith.constant 3 : i32
      %dma_start3A_598 = arith.constant 0 : i32
      %dma_start3A_599 = arith.constant 0 : i32
      %dma_start3A_600 = tpu.memref_slice %arg15[%dma_start3A_598, %dma_start3A_599] : memref<10240x128xf32, #tpu.memory_space<vmem_shared>> -> memref<10240x128xf32, #tpu.memory_space<vmem_shared>>
      %dma_start3A_601 = tpu.memref_slice %arg16[%dma_start3A_597] : memref<4x!tpu.dma_semaphore, #tpu.memory_space<semaphore_mem>> -> memref<1x!tpu.dma_semaphore, #tpu.memory_space<semaphore_mem>>
      %dma_start3A_602 = tpu.memref_squeeze %dma_start3A_601 : memref<1x!tpu.dma_semaphore, #tpu.memory_space<semaphore_mem>> -> memref<!tpu.dma_semaphore, #tpu.memory_space<semaphore_mem>>
      tpu.enqueue_indirect_dma source(%arg14 : memref<80x128xf32, #tpu.memory_space<vmem>>) target(%dma_start3A_600 : memref<10240x128xf32, #tpu.memory_space<vmem_shared>>) offsets(%arg9 : memref<80xi32, #tpu.memory_space<vmem>>) semaphore(%dma_start3A_602 : memref<!tpu.dma_semaphore, #tpu.memory_space<semaphore_mem>>) {add = true}
    }
    %scan3A_123 = arith.constant 14 : i32
    %dma_wait3A_124 = arith.constant 0 : i32
    %dma_wait3A_125 = arith.constant 0 : i32
    %dma_wait3A_126 = arith.constant 0 : i32
    %dma_wait3A_127 = tpu.memref_slice %arg15[%dma_wait3A_125, %dma_wait3A_126] : memref<10240x128xf32, #tpu.memory_space<vmem_shared>> -> memref<10240x128xf32, #tpu.memory_space<vmem_shared>>
    %dma_wait3A_128 = tpu.memref_slice %arg16[%dma_wait3A_124] : memref<4x!tpu.dma_semaphore, #tpu.memory_space<semaphore_mem>> -> memref<1x!tpu.dma_semaphore, #tpu.memory_space<semaphore_mem>>
    %dma_wait3A_129 = tpu.memref_squeeze %dma_wait3A_128 : memref<1x!tpu.dma_semaphore, #tpu.memory_space<semaphore_mem>> -> memref<!tpu.dma_semaphore, #tpu.memory_space<semaphore_mem>>
    tpu.wait_indirect_dma semaphore(%dma_wait3A_129 : memref<!tpu.dma_semaphore, #tpu.memory_space<semaphore_mem>>) src(%arg14 : memref<80x128xf32, #tpu.memory_space<vmem>>) dst(%dma_wait3A_127 : memref<10240x128xf32, #tpu.memory_space<vmem_shared>>)
    %add3A_130 = arith.constant 320000 : i32
    %add3A_131 = arith.addi %add3A_130, %mul3A_4 : i32
    %add3A_132 = arith.constant 9600 : i32
    %add3A_133 = arith.addi %add3A_131, %add3A_132 : i32
    %dma_start3A_134 = arith.constant 0 : i32
    %dma_start3A_135 = tpu.memref_slice %arg2[%add3A_133] : memref<640000xi32, #tpu.memory_space<hbm>> -> memref<80xi32, #tpu.memory_space<hbm>>
    %dma_start3A_136 = tpu.memref_slice %arg17[%dma_start3A_134] : memref<8x!tpu.dma_semaphore, #tpu.memory_space<semaphore_mem>> -> memref<1x!tpu.dma_semaphore, #tpu.memory_space<semaphore_mem>>
    %dma_start3A_137 = tpu.memref_squeeze %dma_start3A_136 : memref<1x!tpu.dma_semaphore, #tpu.memory_space<semaphore_mem>> -> memref<!tpu.dma_semaphore, #tpu.memory_space<semaphore_mem>>
    %dma_start3A_138 = tpu.memref_slice %arg2[%add3A_133] : memref<640000xi32, #tpu.memory_space<hbm>> -> memref<80xi32, #tpu.memory_space<hbm>>
    tpu.enqueue_dma source(%dma_start3A_138 : memref<80xi32, #tpu.memory_space<hbm>>) target(%arg6 : memref<80xi32, #tpu.memory_space<vmem>>) target_semaphore(%dma_start3A_137 : memref<!tpu.dma_semaphore, #tpu.memory_space<semaphore_mem>>)
    %dma_wait3A_139 = arith.constant 4 : i32
    %dma_wait3A_140 = tpu.memref_slice %arg2[%mul3A_4] : memref<640000xi32, #tpu.memory_space<hbm>> -> memref<80xi32, #tpu.memory_space<hbm>>
    %dma_wait3A_141 = tpu.memref_slice %arg17[%dma_wait3A_139] : memref<8x!tpu.dma_semaphore, #tpu.memory_space<semaphore_mem>> -> memref<1x!tpu.dma_semaphore, #tpu.memory_space<semaphore_mem>>
    %dma_wait3A_142 = tpu.memref_squeeze %dma_wait3A_141 : memref<1x!tpu.dma_semaphore, #tpu.memory_space<semaphore_mem>> -> memref<!tpu.dma_semaphore, #tpu.memory_space<semaphore_mem>>
    %dma_wait3A_143 = tpu.memref_slice %arg2[%mul3A_4] : memref<640000xi32, #tpu.memory_space<hbm>> -> memref<80xi32, #tpu.memory_space<hbm>>
    tpu.wait_dma2 semaphore(%dma_wait3A_142 : memref<!tpu.dma_semaphore, #tpu.memory_space<semaphore_mem>>) src(%dma_wait3A_143 : memref<80xi32, #tpu.memory_space<hbm>>) dst(%arg10 : memref<80xi32, #tpu.memory_space<vmem>>)
    %dma_start3A_144 = arith.constant 0 : i32
    %dma_start3A_145 = arith.constant 0 : i32
    %dma_start3A_146 = arith.constant 0 : i32
    %dma_start3A_147 = tpu.memref_slice %arg15[%dma_start3A_145, %dma_start3A_146] : memref<10240x128xf32, #tpu.memory_space<vmem_shared>> -> memref<10240x128xf32, #tpu.memory_space<vmem_shared>>
    %dma_start3A_148 = tpu.memref_slice %arg16[%dma_start3A_144] : memref<4x!tpu.dma_semaphore, #tpu.memory_space<semaphore_mem>> -> memref<1x!tpu.dma_semaphore, #tpu.memory_space<semaphore_mem>>
    %dma_start3A_149 = tpu.memref_squeeze %dma_start3A_148 : memref<1x!tpu.dma_semaphore, #tpu.memory_space<semaphore_mem>> -> memref<!tpu.dma_semaphore, #tpu.memory_space<semaphore_mem>>
    tpu.enqueue_indirect_dma source(%arg14 : memref<80x128xf32, #tpu.memory_space<vmem>>) target(%dma_start3A_147 : memref<10240x128xf32, #tpu.memory_space<vmem_shared>>) offsets(%arg10 : memref<80xi32, #tpu.memory_space<vmem>>) semaphore(%dma_start3A_149 : memref<!tpu.dma_semaphore, #tpu.memory_space<semaphore_mem>>) {add = true}
    %dma_wait3A_150 = arith.constant 1 : i32
    %dma_wait3A_151 = arith.constant 0 : i32
    %dma_wait3A_152 = arith.constant 0 : i32
    %dma_wait3A_153 = tpu.memref_slice %arg15[%dma_wait3A_151, %dma_wait3A_152] : memref<10240x128xf32, #tpu.memory_space<vmem_shared>> -> memref<10240x128xf32, #tpu.memory_space<vmem_shared>>
    %dma_wait3A_154 = tpu.memref_slice %arg16[%dma_wait3A_150] : memref<4x!tpu.dma_semaphore, #tpu.memory_space<semaphore_mem>> -> memref<1x!tpu.dma_semaphore, #tpu.memory_space<semaphore_mem>>
    %dma_wait3A_155 = tpu.memref_squeeze %dma_wait3A_154 : memref<1x!tpu.dma_semaphore, #tpu.memory_space<semaphore_mem>> -> memref<!tpu.dma_semaphore, #tpu.memory_space<semaphore_mem>>
    tpu.wait_indirect_dma semaphore(%dma_wait3A_155 : memref<!tpu.dma_semaphore, #tpu.memory_space<semaphore_mem>>) src(%arg14 : memref<80x128xf32, #tpu.memory_space<vmem>>) dst(%dma_wait3A_153 : memref<10240x128xf32, #tpu.memory_space<vmem_shared>>)
    %add3A_156 = arith.constant 320000 : i32
    %add3A_157 = arith.addi %add3A_156, %mul3A_4 : i32
    %add3A_158 = arith.constant 9680 : i32
    %add3A_159 = arith.addi %add3A_157, %add3A_158 : i32
    %dma_start3A_160 = arith.constant 1 : i32
    %dma_start3A_161 = tpu.memref_slice %arg2[%add3A_159] : memref<640000xi32, #tpu.memory_space<hbm>> -> memref<80xi32, #tpu.memory_space<hbm>>
    %dma_start3A_162 = tpu.memref_slice %arg17[%dma_start3A_160] : memref<8x!tpu.dma_semaphore, #tpu.memory_space<semaphore_mem>> -> memref<1x!tpu.dma_semaphore, #tpu.memory_space<semaphore_mem>>
    %dma_start3A_163 = tpu.memref_squeeze %dma_start3A_162 : memref<1x!tpu.dma_semaphore, #tpu.memory_space<semaphore_mem>> -> memref<!tpu.dma_semaphore, #tpu.memory_space<semaphore_mem>>
    %dma_start3A_164 = tpu.memref_slice %arg2[%add3A_159] : memref<640000xi32, #tpu.memory_space<hbm>> -> memref<80xi32, #tpu.memory_space<hbm>>
    tpu.enqueue_dma source(%dma_start3A_164 : memref<80xi32, #tpu.memory_space<hbm>>) target(%arg7 : memref<80xi32, #tpu.memory_space<vmem>>) target_semaphore(%dma_start3A_163 : memref<!tpu.dma_semaphore, #tpu.memory_space<semaphore_mem>>)
    %dma_wait3A_165 = arith.constant 5 : i32
    %dma_wait3A_166 = tpu.memref_slice %arg2[%mul3A_4] : memref<640000xi32, #tpu.memory_space<hbm>> -> memref<80xi32, #tpu.memory_space<hbm>>
    %dma_wait3A_167 = tpu.memref_slice %arg17[%dma_wait3A_165] : memref<8x!tpu.dma_semaphore, #tpu.memory_space<semaphore_mem>> -> memref<1x!tpu.dma_semaphore, #tpu.memory_space<semaphore_mem>>
    %dma_wait3A_168 = tpu.memref_squeeze %dma_wait3A_167 : memref<1x!tpu.dma_semaphore, #tpu.memory_space<semaphore_mem>> -> memref<!tpu.dma_semaphore, #tpu.memory_space<semaphore_mem>>
    %dma_wait3A_169 = tpu.memref_slice %arg2[%mul3A_4] : memref<640000xi32, #tpu.memory_space<hbm>> -> memref<80xi32, #tpu.memory_space<hbm>>
    tpu.wait_dma2 semaphore(%dma_wait3A_168 : memref<!tpu.dma_semaphore, #tpu.memory_space<semaphore_mem>>) src(%dma_wait3A_169 : memref<80xi32, #tpu.memory_space<hbm>>) dst(%arg11 : memref<80xi32, #tpu.memory_space<vmem>>)
    %dma_start3A_170 = arith.constant 1 : i32
    %dma_start3A_171 = arith.constant 0 : i32
    %dma_start3A_172 = arith.constant 0 : i32
    %dma_start3A_173 = tpu.memref_slice %arg15[%dma_start3A_171, %dma_start3A_172] : memref<10240x128xf32, #tpu.memory_space<vmem_shared>> -> memref<10240x128xf32, #tpu.memory_space<vmem_shared>>
    %dma_start3A_174 = tpu.memref_slice %arg16[%dma_start3A_170] : memref<4x!tpu.dma_semaphore, #tpu.memory_space<semaphore_mem>> -> memref<1x!tpu.dma_semaphore, #tpu.memory_space<semaphore_mem>>
    %dma_start3A_175 = tpu.memref_squeeze %dma_start3A_174 : memref<1x!tpu.dma_semaphore, #tpu.memory_space<semaphore_mem>> -> memref<!tpu.dma_semaphore, #tpu.memory_space<semaphore_mem>>
    tpu.enqueue_indirect_dma source(%arg14 : memref<80x128xf32, #tpu.memory_space<vmem>>) target(%dma_start3A_173 : memref<10240x128xf32, #tpu.memory_space<vmem_shared>>) offsets(%arg11 : memref<80xi32, #tpu.memory_space<vmem>>) semaphore(%dma_start3A_175 : memref<!tpu.dma_semaphore, #tpu.memory_space<semaphore_mem>>) {add = true}
    %dma_wait3A_176 = arith.constant 2 : i32
    %dma_wait3A_177 = arith.constant 0 : i32
    %dma_wait3A_178 = arith.constant 0 : i32
    %dma_wait3A_179 = tpu.memref_slice %arg15[%dma_wait3A_177, %dma_wait3A_178] : memref<10240x128xf32, #tpu.memory_space<vmem_shared>> -> memref<10240x128xf32, #tpu.memory_space<vmem_shared>>
    %dma_wait3A_180 = tpu.memref_slice %arg16[%dma_wait3A_176] : memref<4x!tpu.dma_semaphore, #tpu.memory_space<semaphore_mem>> -> memref<1x!tpu.dma_semaphore, #tpu.memory_space<semaphore_mem>>
    %dma_wait3A_181 = tpu.memref_squeeze %dma_wait3A_180 : memref<1x!tpu.dma_semaphore, #tpu.memory_space<semaphore_mem>> -> memref<!tpu.dma_semaphore, #tpu.memory_space<semaphore_mem>>
    tpu.wait_indirect_dma semaphore(%dma_wait3A_181 : memref<!tpu.dma_semaphore, #tpu.memory_space<semaphore_mem>>) src(%arg14 : memref<80x128xf32, #tpu.memory_space<vmem>>) dst(%dma_wait3A_179 : memref<10240x128xf32, #tpu.memory_space<vmem_shared>>)
    %add3A_182 = arith.constant 320000 : i32
    %add3A_183 = arith.addi %add3A_182, %mul3A_4 : i32
    %add3A_184 = arith.constant 9760 : i32
    %add3A_185 = arith.addi %add3A_183, %add3A_184 : i32
    %dma_start3A_186 = arith.constant 2 : i32
    %dma_start3A_187 = tpu.memref_slice %arg2[%add3A_185] : memref<640000xi32, #tpu.memory_space<hbm>> -> memref<80xi32, #tpu.memory_space<hbm>>
    %dma_start3A_188 = tpu.memref_slice %arg17[%dma_start3A_186] : memref<8x!tpu.dma_semaphore, #tpu.memory_space<semaphore_mem>> -> memref<1x!tpu.dma_semaphore, #tpu.memory_space<semaphore_mem>>
    %dma_start3A_189 = tpu.memref_squeeze %dma_start3A_188 : memref<1x!tpu.dma_semaphore, #tpu.memory_space<semaphore_mem>> -> memref<!tpu.dma_semaphore, #tpu.memory_space<semaphore_mem>>
    %dma_start3A_190 = tpu.memref_slice %arg2[%add3A_185] : memref<640000xi32, #tpu.memory_space<hbm>> -> memref<80xi32, #tpu.memory_space<hbm>>
    tpu.enqueue_dma source(%dma_start3A_190 : memref<80xi32, #tpu.memory_space<hbm>>) target(%arg8 : memref<80xi32, #tpu.memory_space<vmem>>) target_semaphore(%dma_start3A_189 : memref<!tpu.dma_semaphore, #tpu.memory_space<semaphore_mem>>)
    %dma_wait3A_191 = arith.constant 6 : i32
    %dma_wait3A_192 = tpu.memref_slice %arg2[%mul3A_4] : memref<640000xi32, #tpu.memory_space<hbm>> -> memref<80xi32, #tpu.memory_space<hbm>>
    %dma_wait3A_193 = tpu.memref_slice %arg17[%dma_wait3A_191] : memref<8x!tpu.dma_semaphore, #tpu.memory_space<semaphore_mem>> -> memref<1x!tpu.dma_semaphore, #tpu.memory_space<semaphore_mem>>
    %dma_wait3A_194 = tpu.memref_squeeze %dma_wait3A_193 : memref<1x!tpu.dma_semaphore, #tpu.memory_space<semaphore_mem>> -> memref<!tpu.dma_semaphore, #tpu.memory_space<semaphore_mem>>
    %dma_wait3A_195 = tpu.memref_slice %arg2[%mul3A_4] : memref<640000xi32, #tpu.memory_space<hbm>> -> memref<80xi32, #tpu.memory_space<hbm>>
    tpu.wait_dma2 semaphore(%dma_wait3A_194 : memref<!tpu.dma_semaphore, #tpu.memory_space<semaphore_mem>>) src(%dma_wait3A_195 : memref<80xi32, #tpu.memory_space<hbm>>) dst(%arg12 : memref<80xi32, #tpu.memory_space<vmem>>)
    %dma_start3A_196 = arith.constant 2 : i32
    %dma_start3A_197 = arith.constant 0 : i32
    %dma_start3A_198 = arith.constant 0 : i32
    %dma_start3A_199 = tpu.memref_slice %arg15[%dma_start3A_197, %dma_start3A_198] : memref<10240x128xf32, #tpu.memory_space<vmem_shared>> -> memref<10240x128xf32, #tpu.memory_space<vmem_shared>>
    %dma_start3A_200 = tpu.memref_slice %arg16[%dma_start3A_196] : memref<4x!tpu.dma_semaphore, #tpu.memory_space<semaphore_mem>> -> memref<1x!tpu.dma_semaphore, #tpu.memory_space<semaphore_mem>>
    %dma_start3A_201 = tpu.memref_squeeze %dma_start3A_200 : memref<1x!tpu.dma_semaphore, #tpu.memory_space<semaphore_mem>> -> memref<!tpu.dma_semaphore, #tpu.memory_space<semaphore_mem>>
    tpu.enqueue_indirect_dma source(%arg14 : memref<80x128xf32, #tpu.memory_space<vmem>>) target(%dma_start3A_199 : memref<10240x128xf32, #tpu.memory_space<vmem_shared>>) offsets(%arg12 : memref<80xi32, #tpu.memory_space<vmem>>) semaphore(%dma_start3A_201 : memref<!tpu.dma_semaphore, #tpu.memory_space<semaphore_mem>>) {add = true}
    %dma_wait3A_202 = arith.constant 3 : i32
    %dma_wait3A_203 = arith.constant 0 : i32
    %dma_wait3A_204 = arith.constant 0 : i32
    %dma_wait3A_205 = tpu.memref_slice %arg15[%dma_wait3A_203, %dma_wait3A_204] : memref<10240x128xf32, #tpu.memory_space<vmem_shared>> -> memref<10240x128xf32, #tpu.memory_space<vmem_shared>>
    %dma_wait3A_206 = tpu.memref_slice %arg16[%dma_wait3A_202] : memref<4x!tpu.dma_semaphore, #tpu.memory_space<semaphore_mem>> -> memref<1x!tpu.dma_semaphore, #tpu.memory_space<semaphore_mem>>
    %dma_wait3A_207 = tpu.memref_squeeze %dma_wait3A_206 : memref<1x!tpu.dma_semaphore, #tpu.memory_space<semaphore_mem>> -> memref<!tpu.dma_semaphore, #tpu.memory_space<semaphore_mem>>
    tpu.wait_indirect_dma semaphore(%dma_wait3A_207 : memref<!tpu.dma_semaphore, #tpu.memory_space<semaphore_mem>>) src(%arg14 : memref<80x128xf32, #tpu.memory_space<vmem>>) dst(%dma_wait3A_205 : memref<10240x128xf32, #tpu.memory_space<vmem_shared>>)
    %add3A_208 = arith.constant 320000 : i32
    %add3A_209 = arith.addi %add3A_208, %mul3A_4 : i32
    %add3A_210 = arith.constant 9840 : i32
    %add3A_211 = arith.addi %add3A_209, %add3A_210 : i32
    %dma_start3A_212 = arith.constant 3 : i32
    %dma_start3A_213 = tpu.memref_slice %arg2[%add3A_211] : memref<640000xi32, #tpu.memory_space<hbm>> -> memref<80xi32, #tpu.memory_space<hbm>>
    %dma_start3A_214 = tpu.memref_slice %arg17[%dma_start3A_212] : memref<8x!tpu.dma_semaphore, #tpu.memory_space<semaphore_mem>> -> memref<1x!tpu.dma_semaphore, #tpu.memory_space<semaphore_mem>>
    %dma_start3A_215 = tpu.memref_squeeze %dma_start3A_214 : memref<1x!tpu.dma_semaphore, #tpu.memory_space<semaphore_mem>> -> memref<!tpu.dma_semaphore, #tpu.memory_space<semaphore_mem>>
    %dma_start3A_216 = tpu.memref_slice %arg2[%add3A_211] : memref<640000xi32, #tpu.memory_space<hbm>> -> memref<80xi32, #tpu.memory_space<hbm>>
    tpu.enqueue_dma source(%dma_start3A_216 : memref<80xi32, #tpu.memory_space<hbm>>) target(%arg9 : memref<80xi32, #tpu.memory_space<vmem>>) target_semaphore(%dma_start3A_215 : memref<!tpu.dma_semaphore, #tpu.memory_space<semaphore_mem>>)
    %dma_wait3A_217 = arith.constant 7 : i32
    %dma_wait3A_218 = tpu.memref_slice %arg2[%mul3A_4] : memref<640000xi32, #tpu.memory_space<hbm>> -> memref<80xi32, #tpu.memory_space<hbm>>
    %dma_wait3A_219 = tpu.memref_slice %arg17[%dma_wait3A_217] : memref<8x!tpu.dma_semaphore, #tpu.memory_space<semaphore_mem>> -> memref<1x!tpu.dma_semaphore, #tpu.memory_space<semaphore_mem>>
    %dma_wait3A_220 = tpu.memref_squeeze %dma_wait3A_219 : memref<1x!tpu.dma_semaphore, #tpu.memory_space<semaphore_mem>> -> memref<!tpu.dma_semaphore, #tpu.memory_space<semaphore_mem>>
    %dma_wait3A_221 = tpu.memref_slice %arg2[%mul3A_4] : memref<640000xi32, #tpu.memory_space<hbm>> -> memref<80xi32, #tpu.memory_space<hbm>>
    tpu.wait_dma2 semaphore(%dma_wait3A_220 : memref<!tpu.dma_semaphore, #tpu.memory_space<semaphore_mem>>) src(%dma_wait3A_221 : memref<80xi32, #tpu.memory_space<hbm>>) dst(%arg13 : memref<80xi32, #tpu.memory_space<vmem>>)
    %dma_start3A_222 = arith.constant 3 : i32
    %dma_start3A_223 = arith.constant 0 : i32
    %dma_start3A_224 = arith.constant 0 : i32
    %dma_start3A_225 = tpu.memref_slice %arg15[%dma_start3A_223, %dma_start3A_224] : memref<10240x128xf32, #tpu.memory_space<vmem_shared>> -> memref<10240x128xf32, #tpu.memory_space<vmem_shared>>
    %dma_start3A_226 = tpu.memref_slice %arg16[%dma_start3A_222] : memref<4x!tpu.dma_semaphore, #tpu.memory_space<semaphore_mem>> -> memref<1x!tpu.dma_semaphore, #tpu.memory_space<semaphore_mem>>
    %dma_start3A_227 = tpu.memref_squeeze %dma_start3A_226 : memref<1x!tpu.dma_semaphore, #tpu.memory_space<semaphore_mem>> -> memref<!tpu.dma_semaphore, #tpu.memory_space<semaphore_mem>>
    tpu.enqueue_indirect_dma source(%arg14 : memref<80x128xf32, #tpu.memory_space<vmem>>) target(%dma_start3A_225 : memref<10240x128xf32, #tpu.memory_space<vmem_shared>>) offsets(%arg13 : memref<80xi32, #tpu.memory_space<vmem>>) semaphore(%dma_start3A_227 : memref<!tpu.dma_semaphore, #tpu.memory_space<semaphore_mem>>) {add = true}
    %dma_wait3A_228 = arith.constant 0 : i32
    %dma_wait3A_229 = arith.constant 0 : i32
    %dma_wait3A_230 = arith.constant 0 : i32
    %dma_wait3A_231 = tpu.memref_slice %arg15[%dma_wait3A_229, %dma_wait3A_230] : memref<10240x128xf32, #tpu.memory_space<vmem_shared>> -> memref<10240x128xf32, #tpu.memory_space<vmem_shared>>
    %dma_wait3A_232 = tpu.memref_slice %arg16[%dma_wait3A_228] : memref<4x!tpu.dma_semaphore, #tpu.memory_space<semaphore_mem>> -> memref<1x!tpu.dma_semaphore, #tpu.memory_space<semaphore_mem>>
    %dma_wait3A_233 = tpu.memref_squeeze %dma_wait3A_232 : memref<1x!tpu.dma_semaphore, #tpu.memory_space<semaphore_mem>> -> memref<!tpu.dma_semaphore, #tpu.memory_space<semaphore_mem>>
    tpu.wait_indirect_dma semaphore(%dma_wait3A_233 : memref<!tpu.dma_semaphore, #tpu.memory_space<semaphore_mem>>) src(%arg14 : memref<80x128xf32, #tpu.memory_space<vmem>>) dst(%dma_wait3A_231 : memref<10240x128xf32, #tpu.memory_space<vmem_shared>>)
    %add3A_234 = arith.constant 320000 : i32
    %add3A_235 = arith.addi %add3A_234, %mul3A_4 : i32
    %add3A_236 = arith.constant 9920 : i32
    %add3A_237 = arith.addi %add3A_235, %add3A_236 : i32
    %dma_start3A_238 = arith.constant 4 : i32
    %dma_start3A_239 = tpu.memref_slice %arg2[%add3A_237] : memref<640000xi32, #tpu.memory_space<hbm>> -> memref<80xi32, #tpu.memory_space<hbm>>
    %dma_start3A_240 = tpu.memref_slice %arg17[%dma_start3A_238] : memref<8x!tpu.dma_semaphore, #tpu.memory_space<semaphore_mem>> -> memref<1x!tpu.dma_semaphore, #tpu.memory_space<semaphore_mem>>
    %dma_start3A_241 = tpu.memref_squeeze %dma_start3A_240 : memref<1x!tpu.dma_semaphore, #tpu.memory_space<semaphore_mem>> -> memref<!tpu.dma_semaphore, #tpu.memory_space<semaphore_mem>>
    %dma_start3A_242 = tpu.memref_slice %arg2[%add3A_237] : memref<640000xi32, #tpu.memory_space<hbm>> -> memref<80xi32, #tpu.memory_space<hbm>>
    tpu.enqueue_dma source(%dma_start3A_242 : memref<80xi32, #tpu.memory_space<hbm>>) target(%arg10 : memref<80xi32, #tpu.memory_space<vmem>>) target_semaphore(%dma_start3A_241 : memref<!tpu.dma_semaphore, #tpu.memory_space<semaphore_mem>>)
    %dma_wait3A_243 = arith.constant 0 : i32
    %dma_wait3A_244 = tpu.memref_slice %arg2[%mul3A_4] : memref<640000xi32, #tpu.memory_space<hbm>> -> memref<80xi32, #tpu.memory_space<hbm>>
    %dma_wait3A_245 = tpu.memref_slice %arg17[%dma_wait3A_243] : memref<8x!tpu.dma_semaphore, #tpu.memory_space<semaphore_mem>> -> memref<1x!tpu.dma_semaphore, #tpu.memory_space<semaphore_mem>>
    %dma_wait3A_246 = tpu.memref_squeeze %dma_wait3A_245 : memref<1x!tpu.dma_semaphore, #tpu.memory_space<semaphore_mem>> -> memref<!tpu.dma_semaphore, #tpu.memory_space<semaphore_mem>>
    %dma_wait3A_247 = tpu.memref_slice %arg2[%mul3A_4] : memref<640000xi32, #tpu.memory_space<hbm>> -> memref<80xi32, #tpu.memory_space<hbm>>
    tpu.wait_dma2 semaphore(%dma_wait3A_246 : memref<!tpu.dma_semaphore, #tpu.memory_space<semaphore_mem>>) src(%dma_wait3A_247 : memref<80xi32, #tpu.memory_space<hbm>>) dst(%arg6 : memref<80xi32, #tpu.memory_space<vmem>>)
    %dma_start3A_248 = arith.constant 0 : i32
    %dma_start3A_249 = arith.constant 0 : i32
    %dma_start3A_250 = arith.constant 0 : i32
    %dma_start3A_251 = tpu.memref_slice %arg15[%dma_start3A_249, %dma_start3A_250] : memref<10240x128xf32, #tpu.memory_space<vmem_shared>> -> memref<10240x128xf32, #tpu.memory_space<vmem_shared>>
    %dma_start3A_252 = tpu.memref_slice %arg16[%dma_start3A_248] : memref<4x!tpu.dma_semaphore, #tpu.memory_space<semaphore_mem>> -> memref<1x!tpu.dma_semaphore, #tpu.memory_space<semaphore_mem>>
    %dma_start3A_253 = tpu.memref_squeeze %dma_start3A_252 : memref<1x!tpu.dma_semaphore, #tpu.memory_space<semaphore_mem>> -> memref<!tpu.dma_semaphore, #tpu.memory_space<semaphore_mem>>
    tpu.enqueue_indirect_dma source(%arg14 : memref<80x128xf32, #tpu.memory_space<vmem>>) target(%dma_start3A_251 : memref<10240x128xf32, #tpu.memory_space<vmem_shared>>) offsets(%arg6 : memref<80xi32, #tpu.memory_space<vmem>>) semaphore(%dma_start3A_253 : memref<!tpu.dma_semaphore, #tpu.memory_space<semaphore_mem>>) {add = true}
    %dma_wait3A_254 = arith.constant 1 : i32
    %dma_wait3A_255 = arith.constant 0 : i32
    %dma_wait3A_256 = arith.constant 0 : i32
    %dma_wait3A_257 = tpu.memref_slice %arg15[%dma_wait3A_255, %dma_wait3A_256] : memref<10240x128xf32, #tpu.memory_space<vmem_shared>> -> memref<10240x128xf32, #tpu.memory_space<vmem_shared>>
    %dma_wait3A_258 = tpu.memref_slice %arg16[%dma_wait3A_254] : memref<4x!tpu.dma_semaphore, #tpu.memory_space<semaphore_mem>> -> memref<1x!tpu.dma_semaphore, #tpu.memory_space<semaphore_mem>>
    %dma_wait3A_259 = tpu.memref_squeeze %dma_wait3A_258 : memref<1x!tpu.dma_semaphore, #tpu.memory_space<semaphore_mem>> -> memref<!tpu.dma_semaphore, #tpu.memory_space<semaphore_mem>>
    tpu.wait_indirect_dma semaphore(%dma_wait3A_259 : memref<!tpu.dma_semaphore, #tpu.memory_space<semaphore_mem>>) src(%arg14 : memref<80x128xf32, #tpu.memory_space<vmem>>) dst(%dma_wait3A_257 : memref<10240x128xf32, #tpu.memory_space<vmem_shared>>)
    %dma_wait3A_260 = arith.constant 1 : i32
    %dma_wait3A_261 = tpu.memref_slice %arg2[%mul3A_4] : memref<640000xi32, #tpu.memory_space<hbm>> -> memref<80xi32, #tpu.memory_space<hbm>>
    %dma_wait3A_262 = tpu.memref_slice %arg17[%dma_wait3A_260] : memref<8x!tpu.dma_semaphore, #tpu.memory_space<semaphore_mem>> -> memref<1x!tpu.dma_semaphore, #tpu.memory_space<semaphore_mem>>
    %dma_wait3A_263 = tpu.memref_squeeze %dma_wait3A_262 : memref<1x!tpu.dma_semaphore, #tpu.memory_space<semaphore_mem>> -> memref<!tpu.dma_semaphore, #tpu.memory_space<semaphore_mem>>
    %dma_wait3A_264 = tpu.memref_slice %arg2[%mul3A_4] : memref<640000xi32, #tpu.memory_space<hbm>> -> memref<80xi32, #tpu.memory_space<hbm>>
    tpu.wait_dma2 semaphore(%dma_wait3A_263 : memref<!tpu.dma_semaphore, #tpu.memory_space<semaphore_mem>>) src(%dma_wait3A_264 : memref<80xi32, #tpu.memory_space<hbm>>) dst(%arg7 : memref<80xi32, #tpu.memory_space<vmem>>)
    %dma_start3A_265 = arith.constant 1 : i32
    %dma_start3A_266 = arith.constant 0 : i32
    %dma_start3A_267 = arith.constant 0 : i32
    %dma_start3A_268 = tpu.memref_slice %arg15[%dma_start3A_266, %dma_start3A_267] : memref<10240x128xf32, #tpu.memory_space<vmem_shared>> -> memref<10240x128xf32, #tpu.memory_space<vmem_shared>>
    %dma_start3A_269 = tpu.memref_slice %arg16[%dma_start3A_265] : memref<4x!tpu.dma_semaphore, #tpu.memory_space<semaphore_mem>> -> memref<1x!tpu.dma_semaphore, #tpu.memory_space<semaphore_mem>>
    %dma_start3A_270 = tpu.memref_squeeze %dma_start3A_269 : memref<1x!tpu.dma_semaphore, #tpu.memory_space<semaphore_mem>> -> memref<!tpu.dma_semaphore, #tpu.memory_space<semaphore_mem>>
    tpu.enqueue_indirect_dma source(%arg14 : memref<80x128xf32, #tpu.memory_space<vmem>>) target(%dma_start3A_268 : memref<10240x128xf32, #tpu.memory_space<vmem_shared>>) offsets(%arg7 : memref<80xi32, #tpu.memory_space<vmem>>) semaphore(%dma_start3A_270 : memref<!tpu.dma_semaphore, #tpu.memory_space<semaphore_mem>>) {add = true}
    %dma_wait3A_271 = arith.constant 2 : i32
    %dma_wait3A_272 = arith.constant 0 : i32
    %dma_wait3A_273 = arith.constant 0 : i32
    %dma_wait3A_274 = tpu.memref_slice %arg15[%dma_wait3A_272, %dma_wait3A_273] : memref<10240x128xf32, #tpu.memory_space<vmem_shared>> -> memref<10240x128xf32, #tpu.memory_space<vmem_shared>>
    %dma_wait3A_275 = tpu.memref_slice %arg16[%dma_wait3A_271] : memref<4x!tpu.dma_semaphore, #tpu.memory_space<semaphore_mem>> -> memref<1x!tpu.dma_semaphore, #tpu.memory_space<semaphore_mem>>
    %dma_wait3A_276 = tpu.memref_squeeze %dma_wait3A_275 : memref<1x!tpu.dma_semaphore, #tpu.memory_space<semaphore_mem>> -> memref<!tpu.dma_semaphore, #tpu.memory_space<semaphore_mem>>
    tpu.wait_indirect_dma semaphore(%dma_wait3A_276 : memref<!tpu.dma_semaphore, #tpu.memory_space<semaphore_mem>>) src(%arg14 : memref<80x128xf32, #tpu.memory_space<vmem>>) dst(%dma_wait3A_274 : memref<10240x128xf32, #tpu.memory_space<vmem_shared>>)
    %dma_wait3A_277 = arith.constant 2 : i32
    %dma_wait3A_278 = tpu.memref_slice %arg2[%mul3A_4] : memref<640000xi32, #tpu.memory_space<hbm>> -> memref<80xi32, #tpu.memory_space<hbm>>
    %dma_wait3A_279 = tpu.memref_slice %arg17[%dma_wait3A_277] : memref<8x!tpu.dma_semaphore, #tpu.memory_space<semaphore_mem>> -> memref<1x!tpu.dma_semaphore, #tpu.memory_space<semaphore_mem>>
    %dma_wait3A_280 = tpu.memref_squeeze %dma_wait3A_279 : memref<1x!tpu.dma_semaphore, #tpu.memory_space<semaphore_mem>> -> memref<!tpu.dma_semaphore, #tpu.memory_space<semaphore_mem>>
    %dma_wait3A_281 = tpu.memref_slice %arg2[%mul3A_4] : memref<640000xi32, #tpu.memory_space<hbm>> -> memref<80xi32, #tpu.memory_space<hbm>>
    tpu.wait_dma2 semaphore(%dma_wait3A_280 : memref<!tpu.dma_semaphore, #tpu.memory_space<semaphore_mem>>) src(%dma_wait3A_281 : memref<80xi32, #tpu.memory_space<hbm>>) dst(%arg8 : memref<80xi32, #tpu.memory_space<vmem>>)
    %dma_start3A_282 = arith.constant 2 : i32
    %dma_start3A_283 = arith.constant 0 : i32
    %dma_start3A_284 = arith.constant 0 : i32
    %dma_start3A_285 = tpu.memref_slice %arg15[%dma_start3A_283, %dma_start3A_284] : memref<10240x128xf32, #tpu.memory_space<vmem_shared>> -> memref<10240x128xf32, #tpu.memory_space<vmem_shared>>
    %dma_start3A_286 = tpu.memref_slice %arg16[%dma_start3A_282] : memref<4x!tpu.dma_semaphore, #tpu.memory_space<semaphore_mem>> -> memref<1x!tpu.dma_semaphore, #tpu.memory_space<semaphore_mem>>
    %dma_start3A_287 = tpu.memref_squeeze %dma_start3A_286 : memref<1x!tpu.dma_semaphore, #tpu.memory_space<semaphore_mem>> -> memref<!tpu.dma_semaphore, #tpu.memory_space<semaphore_mem>>
    tpu.enqueue_indirect_dma source(%arg14 : memref<80x128xf32, #tpu.memory_space<vmem>>) target(%dma_start3A_285 : memref<10240x128xf32, #tpu.memory_space<vmem_shared>>) offsets(%arg8 : memref<80xi32, #tpu.memory_space<vmem>>) semaphore(%dma_start3A_287 : memref<!tpu.dma_semaphore, #tpu.memory_space<semaphore_mem>>) {add = true}
    %dma_wait3A_288 = arith.constant 3 : i32
    %dma_wait3A_289 = arith.constant 0 : i32
    %dma_wait3A_290 = arith.constant 0 : i32
    %dma_wait3A_291 = tpu.memref_slice %arg15[%dma_wait3A_289, %dma_wait3A_290] : memref<10240x128xf32, #tpu.memory_space<vmem_shared>> -> memref<10240x128xf32, #tpu.memory_space<vmem_shared>>
    %dma_wait3A_292 = tpu.memref_slice %arg16[%dma_wait3A_288] : memref<4x!tpu.dma_semaphore, #tpu.memory_space<semaphore_mem>> -> memref<1x!tpu.dma_semaphore, #tpu.memory_space<semaphore_mem>>
    %dma_wait3A_293 = tpu.memref_squeeze %dma_wait3A_292 : memref<1x!tpu.dma_semaphore, #tpu.memory_space<semaphore_mem>> -> memref<!tpu.dma_semaphore, #tpu.memory_space<semaphore_mem>>
    tpu.wait_indirect_dma semaphore(%dma_wait3A_293 : memref<!tpu.dma_semaphore, #tpu.memory_space<semaphore_mem>>) src(%arg14 : memref<80x128xf32, #tpu.memory_space<vmem>>) dst(%dma_wait3A_291 : memref<10240x128xf32, #tpu.memory_space<vmem_shared>>)
    %dma_wait3A_294 = arith.constant 3 : i32
    %dma_wait3A_295 = tpu.memref_slice %arg2[%mul3A_4] : memref<640000xi32, #tpu.memory_space<hbm>> -> memref<80xi32, #tpu.memory_space<hbm>>
    %dma_wait3A_296 = tpu.memref_slice %arg17[%dma_wait3A_294] : memref<8x!tpu.dma_semaphore, #tpu.memory_space<semaphore_mem>> -> memref<1x!tpu.dma_semaphore, #tpu.memory_space<semaphore_mem>>
    %dma_wait3A_297 = tpu.memref_squeeze %dma_wait3A_296 : memref<1x!tpu.dma_semaphore, #tpu.memory_space<semaphore_mem>> -> memref<!tpu.dma_semaphore, #tpu.memory_space<semaphore_mem>>
    %dma_wait3A_298 = tpu.memref_slice %arg2[%mul3A_4] : memref<640000xi32, #tpu.memory_space<hbm>> -> memref<80xi32, #tpu.memory_space<hbm>>
    tpu.wait_dma2 semaphore(%dma_wait3A_297 : memref<!tpu.dma_semaphore, #tpu.memory_space<semaphore_mem>>) src(%dma_wait3A_298 : memref<80xi32, #tpu.memory_space<hbm>>) dst(%arg9 : memref<80xi32, #tpu.memory_space<vmem>>)
    %dma_start3A_299 = arith.constant 3 : i32
    %dma_start3A_300 = arith.constant 0 : i32
    %dma_start3A_301 = arith.constant 0 : i32
    %dma_start3A_302 = tpu.memref_slice %arg15[%dma_start3A_300, %dma_start3A_301] : memref<10240x128xf32, #tpu.memory_space<vmem_shared>> -> memref<10240x128xf32, #tpu.memory_space<vmem_shared>>
    %dma_start3A_303 = tpu.memref_slice %arg16[%dma_start3A_299] : memref<4x!tpu.dma_semaphore, #tpu.memory_space<semaphore_mem>> -> memref<1x!tpu.dma_semaphore, #tpu.memory_space<semaphore_mem>>
    %dma_start3A_304 = tpu.memref_squeeze %dma_start3A_303 : memref<1x!tpu.dma_semaphore, #tpu.memory_space<semaphore_mem>> -> memref<!tpu.dma_semaphore, #tpu.memory_space<semaphore_mem>>
    tpu.enqueue_indirect_dma source(%arg14 : memref<80x128xf32, #tpu.memory_space<vmem>>) target(%dma_start3A_302 : memref<10240x128xf32, #tpu.memory_space<vmem_shared>>) offsets(%arg9 : memref<80xi32, #tpu.memory_space<vmem>>) semaphore(%dma_start3A_304 : memref<!tpu.dma_semaphore, #tpu.memory_space<semaphore_mem>>) {add = true}
    %dma_wait3A_305 = arith.constant 0 : i32
    %dma_wait3A_306 = arith.constant 0 : i32
    %dma_wait3A_307 = arith.constant 0 : i32
    %dma_wait3A_308 = tpu.memref_slice %arg15[%dma_wait3A_306, %dma_wait3A_307] : memref<10240x128xf32, #tpu.memory_space<vmem_shared>> -> memref<10240x128xf32, #tpu.memory_space<vmem_shared>>
    %dma_wait3A_309 = tpu.memref_slice %arg16[%dma_wait3A_305] : memref<4x!tpu.dma_semaphore, #tpu.memory_space<semaphore_mem>> -> memref<1x!tpu.dma_semaphore, #tpu.memory_space<semaphore_mem>>
    %dma_wait3A_310 = tpu.memref_squeeze %dma_wait3A_309 : memref<1x!tpu.dma_semaphore, #tpu.memory_space<semaphore_mem>> -> memref<!tpu.dma_semaphore, #tpu.memory_space<semaphore_mem>>
    tpu.wait_indirect_dma semaphore(%dma_wait3A_310 : memref<!tpu.dma_semaphore, #tpu.memory_space<semaphore_mem>>) src(%arg14 : memref<80x128xf32, #tpu.memory_space<vmem>>) dst(%dma_wait3A_308 : memref<10240x128xf32, #tpu.memory_space<vmem_shared>>)
    %dma_wait3A_311 = arith.constant 4 : i32
    %dma_wait3A_312 = tpu.memref_slice %arg2[%mul3A_4] : memref<640000xi32, #tpu.memory_space<hbm>> -> memref<80xi32, #tpu.memory_space<hbm>>
    %dma_wait3A_313 = tpu.memref_slice %arg17[%dma_wait3A_311] : memref<8x!tpu.dma_semaphore, #tpu.memory_space<semaphore_mem>> -> memref<1x!tpu.dma_semaphore, #tpu.memory_space<semaphore_mem>>
    %dma_wait3A_314 = tpu.memref_squeeze %dma_wait3A_313 : memref<1x!tpu.dma_semaphore, #tpu.memory_space<semaphore_mem>> -> memref<!tpu.dma_semaphore, #tpu.memory_space<semaphore_mem>>
    %dma_wait3A_315 = tpu.memref_slice %arg2[%mul3A_4] : memref<640000xi32, #tpu.memory_space<hbm>> -> memref<80xi32, #tpu.memory_space<hbm>>
    tpu.wait_dma2 semaphore(%dma_wait3A_314 : memref<!tpu.dma_semaphore, #tpu.memory_space<semaphore_mem>>) src(%dma_wait3A_315 : memref<80xi32, #tpu.memory_space<hbm>>) dst(%arg10 : memref<80xi32, #tpu.memory_space<vmem>>)
    %dma_start3A_316 = arith.constant 0 : i32
    %dma_start3A_317 = arith.constant 0 : i32
    %dma_start3A_318 = arith.constant 0 : i32
    %dma_start3A_319 = tpu.memref_slice %arg15[%dma_start3A_317, %dma_start3A_318] : memref<10240x128xf32, #tpu.memory_space<vmem_shared>> -> memref<10240x128xf32, #tpu.memory_space<vmem_shared>>
    %dma_start3A_320 = tpu.memref_slice %arg16[%dma_start3A_316] : memref<4x!tpu.dma_semaphore, #tpu.memory_space<semaphore_mem>> -> memref<1x!tpu.dma_semaphore, #tpu.memory_space<semaphore_mem>>
    %dma_start3A_321 = tpu.memref_squeeze %dma_start3A_320 : memref<1x!tpu.dma_semaphore, #tpu.memory_space<semaphore_mem>> -> memref<!tpu.dma_semaphore, #tpu.memory_space<semaphore_mem>>
    tpu.enqueue_indirect_dma source(%arg14 : memref<80x128xf32, #tpu.memory_space<vmem>>) target(%dma_start3A_319 : memref<10240x128xf32, #tpu.memory_space<vmem_shared>>) offsets(%arg10 : memref<80xi32, #tpu.memory_space<vmem>>) semaphore(%dma_start3A_321 : memref<!tpu.dma_semaphore, #tpu.memory_space<semaphore_mem>>) {add = true}
    %dma_wait3A_322 = arith.constant 1 : i32
    %dma_wait3A_323 = arith.constant 0 : i32
    %dma_wait3A_324 = arith.constant 0 : i32
    %dma_wait3A_325 = tpu.memref_slice %arg15[%dma_wait3A_323, %dma_wait3A_324] : memref<10240x128xf32, #tpu.memory_space<vmem_shared>> -> memref<10240x128xf32, #tpu.memory_space<vmem_shared>>
    %dma_wait3A_326 = tpu.memref_slice %arg16[%dma_wait3A_322] : memref<4x!tpu.dma_semaphore, #tpu.memory_space<semaphore_mem>> -> memref<1x!tpu.dma_semaphore, #tpu.memory_space<semaphore_mem>>
    %dma_wait3A_327 = tpu.memref_squeeze %dma_wait3A_326 : memref<1x!tpu.dma_semaphore, #tpu.memory_space<semaphore_mem>> -> memref<!tpu.dma_semaphore, #tpu.memory_space<semaphore_mem>>
    tpu.wait_indirect_dma semaphore(%dma_wait3A_327 : memref<!tpu.dma_semaphore, #tpu.memory_space<semaphore_mem>>) src(%arg14 : memref<80x128xf32, #tpu.memory_space<vmem>>) dst(%dma_wait3A_325 : memref<10240x128xf32, #tpu.memory_space<vmem_shared>>)
    %dma_wait3A_328 = arith.constant 2 : i32
    %dma_wait3A_329 = arith.constant 0 : i32
    %dma_wait3A_330 = arith.constant 0 : i32
    %dma_wait3A_331 = tpu.memref_slice %arg15[%dma_wait3A_329, %dma_wait3A_330] : memref<10240x128xf32, #tpu.memory_space<vmem_shared>> -> memref<10240x128xf32, #tpu.memory_space<vmem_shared>>
    %dma_wait3A_332 = tpu.memref_slice %arg16[%dma_wait3A_328] : memref<4x!tpu.dma_semaphore, #tpu.memory_space<semaphore_mem>> -> memref<1x!tpu.dma_semaphore, #tpu.memory_space<semaphore_mem>>
    %dma_wait3A_333 = tpu.memref_squeeze %dma_wait3A_332 : memref<1x!tpu.dma_semaphore, #tpu.memory_space<semaphore_mem>> -> memref<!tpu.dma_semaphore, #tpu.memory_space<semaphore_mem>>
    tpu.wait_indirect_dma semaphore(%dma_wait3A_333 : memref<!tpu.dma_semaphore, #tpu.memory_space<semaphore_mem>>) src(%arg14 : memref<80x128xf32, #tpu.memory_space<vmem>>) dst(%dma_wait3A_331 : memref<10240x128xf32, #tpu.memory_space<vmem_shared>>)
    %dma_wait3A_334 = arith.constant 3 : i32
    %dma_wait3A_335 = arith.constant 0 : i32
    %dma_wait3A_336 = arith.constant 0 : i32
    %dma_wait3A_337 = tpu.memref_slice %arg15[%dma_wait3A_335, %dma_wait3A_336] : memref<10240x128xf32, #tpu.memory_space<vmem_shared>> -> memref<10240x128xf32, #tpu.memory_space<vmem_shared>>
    %dma_wait3A_338 = tpu.memref_slice %arg16[%dma_wait3A_334] : memref<4x!tpu.dma_semaphore, #tpu.memory_space<semaphore_mem>> -> memref<1x!tpu.dma_semaphore, #tpu.memory_space<semaphore_mem>>
    %dma_wait3A_339 = tpu.memref_squeeze %dma_wait3A_338 : memref<1x!tpu.dma_semaphore, #tpu.memory_space<semaphore_mem>> -> memref<!tpu.dma_semaphore, #tpu.memory_space<semaphore_mem>>
    tpu.wait_indirect_dma semaphore(%dma_wait3A_339 : memref<!tpu.dma_semaphore, #tpu.memory_space<semaphore_mem>>) src(%arg14 : memref<80x128xf32, #tpu.memory_space<vmem>>) dst(%dma_wait3A_337 : memref<10240x128xf32, #tpu.memory_space<vmem_shared>>)
    %dma_wait3A_340 = arith.constant 0 : i32
    %dma_wait3A_341 = arith.constant 0 : i32
    %dma_wait3A_342 = arith.constant 0 : i32
    %dma_wait3A_343 = tpu.memref_slice %arg15[%dma_wait3A_341, %dma_wait3A_342] : memref<10240x128xf32, #tpu.memory_space<vmem_shared>> -> memref<10240x128xf32, #tpu.memory_space<vmem_shared>>
    %dma_wait3A_344 = tpu.memref_slice %arg16[%dma_wait3A_340] : memref<4x!tpu.dma_semaphore, #tpu.memory_space<semaphore_mem>> -> memref<1x!tpu.dma_semaphore, #tpu.memory_space<semaphore_mem>>
    %dma_wait3A_345 = tpu.memref_squeeze %dma_wait3A_344 : memref<1x!tpu.dma_semaphore, #tpu.memory_space<semaphore_mem>> -> memref<!tpu.dma_semaphore, #tpu.memory_space<semaphore_mem>>
    tpu.wait_indirect_dma semaphore(%dma_wait3A_345 : memref<!tpu.dma_semaphore, #tpu.memory_space<semaphore_mem>>) src(%arg14 : memref<80x128xf32, #tpu.memory_space<vmem>>) dst(%dma_wait3A_343 : memref<10240x128xf32, #tpu.memory_space<vmem_shared>>)
    %barrier3A_346 = arith.constant 0 : index
    tpu.barrier barrier_id(%barrier3A_346)
    %mul3A_347 = arith.constant 10240 : i32
    %mul3A_348 = arith.muli %arg0, %mul3A_347 : i32
    %add3A_349 = arith.addi %mul3A_348, %mul3A_0 : i32
    "tpu.region"() ({
      %run_scoped3A = tpu.sem_alloc : memref<!tpu.dma_semaphore, #tpu.memory_space<semaphore_mem>>
      %dma_start3A_350 = arith.constant 0 : i32
      %dma_start3A_351 = tpu.memref_slice %arg5[%add3A_349, %dma_start3A_350] : memref<20480x128xf32, #tpu.memory_space<hbm>> -> memref<640x128xf32, #tpu.memory_space<hbm>>
      %dma_start3A_352 = arith.constant 0 : i32
      %dma_start3A_353 = tpu.memref_slice %arg15[%mul3A_0, %dma_start3A_352] : memref<10240x128xf32, #tpu.memory_space<vmem_shared>> -> memref<640x128xf32, #tpu.memory_space<vmem_shared>>
      tpu.enqueue_dma source(%dma_start3A_353 : memref<640x128xf32, #tpu.memory_space<vmem_shared>>) target(%dma_start3A_351 : memref<640x128xf32, #tpu.memory_space<hbm>>) target_semaphore(%run_scoped3A : memref<!tpu.dma_semaphore, #tpu.memory_space<semaphore_mem>>)
      %dma_wait3A_354 = arith.constant 0 : i32
      %dma_wait3A_355 = tpu.memref_slice %arg5[%add3A_349, %dma_wait3A_354] : memref<20480x128xf32, #tpu.memory_space<hbm>> -> memref<640x128xf32, #tpu.memory_space<hbm>>
      %dma_wait3A_356 = arith.constant 0 : i32
      %dma_wait3A_357 = tpu.memref_slice %arg15[%mul3A_0, %dma_wait3A_356] : memref<10240x128xf32, #tpu.memory_space<vmem_shared>> -> memref<640x128xf32, #tpu.memory_space<vmem_shared>>
      tpu.wait_dma2 semaphore(%run_scoped3A : memref<!tpu.dma_semaphore, #tpu.memory_space<semaphore_mem>>) src(%dma_wait3A_357 : memref<640x128xf32, #tpu.memory_space<vmem_shared>>) dst(%dma_wait3A_355 : memref<640x128xf32, #tpu.memory_space<hbm>>)
      tpu.yield
    }) : () -> ()
    return
  }
}

module attributes {stable_mosaic.version = 14 : i64} {
  func.func @_tc2_body(%arg0: memref<20480x128xf32, #tpu.memory_space<vmem>>, %arg1: memref<10000x128xf32, #tpu.memory_space<vmem>>, %arg2: memref<10000x1xf32, #tpu.memory_space<vmem>>, %arg3: memref<1x128xf32, #tpu.memory_space<vmem>>, %arg4: memref<128x128xf32, #tpu.memory_space<vmem>>, %arg5: memref<10000x128xf32, #tpu.memory_space<vmem>>) attributes {dimension_semantics = [], scalar_prefetch = 0 : i64, scratch_operands = 0 : i64, tpu.core_type = #tpu.core_type<tc>} {
    %get3A = arith.constant 0 : index
    %get3A_0 = arith.constant 0 : index
    %get3A_1 = vector.load %arg2[%get3A, %get3A_0] : memref<10000x1xf32, #tpu.memory_space<vmem>>, vector<10000x1xf32>
    %get3A_2 = arith.constant 0 : index
    %get3A_3 = arith.constant 0 : index
    %get3A_4 = vector.load %arg0[%get3A_2, %get3A_3] : memref<20480x128xf32, #tpu.memory_space<vmem>>, vector<10000x128xf32>
    %get3A_5 = arith.constant 10240 : index
    %get3A_6 = arith.constant 0 : index
    %get3A_7 = vector.load %arg0[%get3A_5, %get3A_6] : memref<20480x128xf32, #tpu.memory_space<vmem>>, vector<10000x128xf32>
    %add3A = arith.addf %get3A_4, %get3A_7 : vector<10000x128xf32>
    %get3A_8 = arith.constant 0 : index
    %get3A_9 = arith.constant 0 : index
    %get3A_10 = vector.load %arg1[%get3A_8, %get3A_9] : memref<10000x128xf32, #tpu.memory_space<vmem>>, vector<10000x128xf32>
    %add3A_11 = arith.addf %add3A, %get3A_10 : vector<10000x128xf32>
    %mul3A = vector.broadcast %get3A_1 : vector<10000x1xf32> to vector<10000x128xf32>
    %mul3A_12 = arith.mulf %add3A_11, %mul3A : vector<10000x128xf32>
    %get3A_13 = arith.constant 0 : index
    %get3A_14 = arith.constant 0 : index
    %get3A_15 = vector.load %arg3[%get3A_13, %get3A_14] : memref<1x128xf32, #tpu.memory_space<vmem>>, vector<1x128xf32>
    %add3A_16 = vector.broadcast %get3A_15 : vector<1x128xf32> to vector<10000x128xf32>
    %add3A_17 = arith.addf %mul3A_12, %add3A_16 : vector<10000x128xf32>
    %max3A = arith.constant 0.000000e+00 : f32
    %max3A_18 = vector.broadcast %max3A : f32 to vector<10000x128xf32>
    %max3A_19 = arith.maximumf %add3A_17, %max3A_18 : vector<10000x128xf32>
    %get3A_20 = arith.constant 0 : index
    %get3A_21 = arith.constant 0 : index
    %get3A_22 = vector.load %arg4[%get3A_20, %get3A_21] : memref<128x128xf32, #tpu.memory_space<vmem>>, vector<128x128xf32>
    %dot_general3A = arith.constant dense<0.000000e+00> : vector<10000x128xf32>
    %dot_general3A_23 = tpu.matmul %max3A_19, %get3A_22, %dot_general3A {dimension_numbers = #tpu.dot_dimension_numbers<[1], [0], [0], [1], [0, 0, 1, 1], [], []>, transpose_lhs_hint = false} : vector<10000x128xf32>, vector<128x128xf32>, vector<10000x128xf32> -> vector<10000x128xf32>
    %mul3A_24 = vector.broadcast %get3A_1 : vector<10000x1xf32> to vector<10000x128xf32>
    %mul3A_25 = arith.mulf %dot_general3A_23, %mul3A_24 : vector<10000x128xf32>
    %swap3A = arith.constant 0 : index
    %swap3A_26 = arith.constant 0 : index
    %swap3A_27 = vector.load %arg5[%swap3A, %swap3A_26] : memref<10000x128xf32, #tpu.memory_space<vmem>>, vector<10000x128xf32>
    tpu.vector_store %arg5[%swap3A, %swap3A_26], %mul3A_25 {strides = array<i32>} : memref<10000x128xf32, #tpu.memory_space<vmem>>, vector<10000x128xf32>,
    return
  }
}

module attributes {stable_mosaic.version = 14 : i64} {
  func.func @_tc1_body(%arg0: memref<10000x128xf32, #tpu.memory_space<vmem>>, %arg1: memref<128x128xf32, #tpu.memory_space<vmem>>, %arg2: memref<20480x128xf32, #tpu.memory_space<vmem>>, %arg3: memref<10000x128xf32, #tpu.memory_space<vmem>>, %arg4: memref<10000x1xf32, #tpu.memory_space<vmem>>) attributes {dimension_semantics = [], scalar_prefetch = 0 : i64, scratch_operands = 0 : i64, tpu.core_type = #tpu.core_type<tc>} {
    %get3A = arith.constant 0 : index
    %get3A_0 = arith.constant 0 : index
    %get3A_1 = vector.load %arg2[%get3A, %get3A_0] : memref<20480x128xf32, #tpu.memory_space<vmem>>, vector<10000x128xf32>
    %get3A_2 = arith.constant 10240 : index
    %get3A_3 = arith.constant 0 : index
    %get3A_4 = vector.load %arg2[%get3A_2, %get3A_3] : memref<20480x128xf32, #tpu.memory_space<vmem>>, vector<10000x128xf32>
    %add3A = arith.addf %get3A_1, %get3A_4 : vector<10000x128xf32>
    %reduce_max3A = arith.constant dense<0xFF800000> : vector<10000xf32>
    %reduce_max3A_5 = vector.multi_reduction <maximumf>, %add3A, %reduce_max3A [1] : vector<10000x128xf32> to vector<10000xf32>
    %broadcast_in_dim3A = vector.shape_cast %reduce_max3A_5 : vector<10000xf32> to vector<10000x1xf32>
    %add3A_6 = arith.constant 1.000000e+00 : f32
    %add3A_7 = vector.broadcast %add3A_6 : f32 to vector<10000x1xf32>
    %add3A_8 = arith.addf %broadcast_in_dim3A, %add3A_7 : vector<10000x1xf32>
    %rsqrt3A = math.rsqrt %add3A_8 : vector<10000x1xf32>
    %get3A_9 = arith.constant 0 : index
    %get3A_10 = arith.constant 0 : index
    %get3A_11 = vector.load %arg0[%get3A_9, %get3A_10] : memref<10000x128xf32, #tpu.memory_space<vmem>>, vector<10000x128xf32>
    %get3A_12 = arith.constant 0 : index
    %get3A_13 = arith.constant 0 : index
    %get3A_14 = vector.load %arg1[%get3A_12, %get3A_13] : memref<128x128xf32, #tpu.memory_space<vmem>>, vector<128x128xf32>
    %dot_general3A = arith.constant dense<0.000000e+00> : vector<10000x128xf32>
    %dot_general3A_15 = tpu.matmul %get3A_11, %get3A_14, %dot_general3A {dimension_numbers = #tpu.dot_dimension_numbers<[1], [0], [0], [1], [0, 0, 1, 1], [], []>, transpose_lhs_hint = false} : vector<10000x128xf32>, vector<128x128xf32>, vector<10000x128xf32> -> vector<10000x128xf32>
    %mul3A = vector.broadcast %rsqrt3A : vector<10000x1xf32> to vector<10000x128xf32>
    %mul3A_16 = arith.mulf %dot_general3A_15, %mul3A : vector<10000x128xf32>
    %swap3A = arith.constant 0 : index
    %swap3A_17 = arith.constant 0 : index
    %swap3A_18 = vector.load %arg3[%swap3A, %swap3A_17] : memref<10000x128xf32, #tpu.memory_space<vmem>>, vector<10000x128xf32>
    tpu.vector_store %arg3[%swap3A, %swap3A_17], %mul3A_16 {strides = array<i32>} : memref<10000x128xf32, #tpu.memory_space<vmem>>, vector<10000x128xf32>,
    %swap3A_19 = arith.constant 0 : index
    %swap3A_20 = arith.constant 0 : index
    %swap3A_21 = vector.load %arg4[%swap3A_19, %swap3A_20] : memref<10000x1xf32, #tpu.memory_space<vmem>>, vector<10000x1xf32>
    tpu.vector_store %arg4[%swap3A_19, %swap3A_20], %rsqrt3A {strides = array<i32>} : memref<10000x1xf32, #tpu.memory_space<vmem>>, vector<10000x1xf32>,
    return
  }
}

module attributes {stable_mosaic.version = 14 : i64} {
  func.func @_tc3_body(%arg0: memref<20480x128xf32, #tpu.memory_space<vmem>>, %arg1: memref<10000x128xf32, #tpu.memory_space<vmem>>, %arg2: memref<10000x1xf32, #tpu.memory_space<vmem>>, %arg3: memref<1x128xf32, #tpu.memory_space<vmem>>, %arg4: memref<128x128xf32, #tpu.memory_space<vmem>>, %arg5: memref<1x128xf32, #tpu.memory_space<vmem>>, %arg6: memref<10000x128xf32, #tpu.memory_space<vmem>>) attributes {dimension_semantics = [], scalar_prefetch = 0 : i64, scratch_operands = 0 : i64, tpu.core_type = #tpu.core_type<tc>} {
    %get3A = arith.constant 0 : index
    %get3A_0 = arith.constant 0 : index
    %get3A_1 = vector.load %arg2[%get3A, %get3A_0] : memref<10000x1xf32, #tpu.memory_space<vmem>>, vector<10000x1xf32>
    %get3A_2 = arith.constant 0 : index
    %get3A_3 = arith.constant 0 : index
    %get3A_4 = vector.load %arg0[%get3A_2, %get3A_3] : memref<20480x128xf32, #tpu.memory_space<vmem>>, vector<10000x128xf32>
    %get3A_5 = arith.constant 10240 : index
    %get3A_6 = arith.constant 0 : index
    %get3A_7 = vector.load %arg0[%get3A_5, %get3A_6] : memref<20480x128xf32, #tpu.memory_space<vmem>>, vector<10000x128xf32>
    %add3A = arith.addf %get3A_4, %get3A_7 : vector<10000x128xf32>
    %get3A_8 = arith.constant 0 : index
    %get3A_9 = arith.constant 0 : index
    %get3A_10 = vector.load %arg1[%get3A_8, %get3A_9] : memref<10000x128xf32, #tpu.memory_space<vmem>>, vector<10000x128xf32>
    %add3A_11 = arith.addf %add3A, %get3A_10 : vector<10000x128xf32>
    %mul3A = vector.broadcast %get3A_1 : vector<10000x1xf32> to vector<10000x128xf32>
    %mul3A_12 = arith.mulf %add3A_11, %mul3A : vector<10000x128xf32>
    %get3A_13 = arith.constant 0 : index
    %get3A_14 = arith.constant 0 : index
    %get3A_15 = vector.load %arg3[%get3A_13, %get3A_14] : memref<1x128xf32, #tpu.memory_space<vmem>>, vector<1x128xf32>
    %add3A_16 = vector.broadcast %get3A_15 : vector<1x128xf32> to vector<10000x128xf32>
    %add3A_17 = arith.addf %mul3A_12, %add3A_16 : vector<10000x128xf32>
    %max3A = arith.constant 0.000000e+00 : f32
    %max3A_18 = vector.broadcast %max3A : f32 to vector<10000x128xf32>
    %max3A_19 = arith.maximumf %add3A_17, %max3A_18 : vector<10000x128xf32>
    %get3A_20 = arith.constant 0 : index
    %get3A_21 = arith.constant 0 : index
    %get3A_22 = vector.load %arg4[%get3A_20, %get3A_21] : memref<128x128xf32, #tpu.memory_space<vmem>>, vector<128x128xf32>
    %dot_general3A = arith.constant dense<0.000000e+00> : vector<10000x128xf32>
    %dot_general3A_23 = tpu.matmul %max3A_19, %get3A_22, %dot_general3A {dimension_numbers = #tpu.dot_dimension_numbers<[1], [0], [0], [1], [0, 0, 1, 1], [], []>, transpose_lhs_hint = false} : vector<10000x128xf32>, vector<128x128xf32>, vector<10000x128xf32> -> vector<10000x128xf32>
    %get3A_24 = arith.constant 0 : index
    %get3A_25 = arith.constant 0 : index
    %get3A_26 = vector.load %arg5[%get3A_24, %get3A_25] : memref<1x128xf32, #tpu.memory_space<vmem>>, vector<1x128xf32>
    %add3A_27 = vector.broadcast %get3A_26 : vector<1x128xf32> to vector<10000x128xf32>
    %add3A_28 = arith.addf %dot_general3A_23, %add3A_27 : vector<10000x128xf32>
    %logistic3A = arith.negf %add3A_28 : vector<10000x128xf32>
    %logistic3A_29 = math.exp %logistic3A : vector<10000x128xf32>
    %logistic3A_30 = arith.constant 1.000000e+00 : f32
    %logistic3A_31 = vector.broadcast %logistic3A_30 : f32 to vector<10000x128xf32>
    %logistic3A_32 = arith.addf %logistic3A_31, %logistic3A_29 : vector<10000x128xf32>
    %logistic3A_33 = arith.divf %logistic3A_31, %logistic3A_32 : vector<10000x128xf32>
    %mul3A_34 = arith.constant 8.000000e-01 : f32
    %mul3A_35 = vector.broadcast %mul3A_34 : f32 to vector<10000x128xf32>
    %mul3A_36 = arith.mulf %logistic3A_33, %mul3A_35 : vector<10000x128xf32>
    %add3A_37 = arith.constant 1.000000e-01 : f32
    %add3A_38 = vector.broadcast %add3A_37 : f32 to vector<10000x128xf32>
    %add3A_39 = arith.addf %mul3A_36, %add3A_38 : vector<10000x128xf32>
    %swap3A = arith.constant 0 : index
    %swap3A_40 = arith.constant 0 : index
    %swap3A_41 = vector.load %arg6[%swap3A, %swap3A_40] : memref<10000x128xf32, #tpu.memory_space<vmem>>, vector<10000x128xf32>
    tpu.vector_store %arg6[%swap3A, %swap3A_40], %add3A_39 {strides = array<i32>} : memref<10000x128xf32, #tpu.memory_space<vmem>>, vector<10000x128xf32>,
    return
  }
}

</mosaic_0001>

<sc_bundles>
// kernel: kernel.11.cloned.1.call-start
scs
__scs_entry_jumppad:
0x0: {  	(pc) =	sbr.rel $0x88, $3  }
0x1: {  	(tag) =	ssettag $0x0;
	lr =	simm.s32 $0x1  }
0x2: {  	[smem:$0x3F99] =	sst lr;
	_ =	strace $0xD0000000  }
0x3: {  	_ = 	snop  }
0x4: {  	_ = 	snop  }
0x5: {  	_ = 	snop  }
0x6: {  	_ = 	snop  }
0x7: {  	_ = 	snop  }
__scs_overlays_trampoline_lowered:
0x8: {  	[smem:$0x3FA8] =	sst s0  }
0x9: {  	[smem:$0x3FA9] =	sst s1  }
0xa: {  	[smem:$0x3FAA] =	sst s2  }
0xb: {  	[smem:$0x3FAB] =	sst s3  }
0xc: {  	[smem:$0x3FAC] =	sst s4  }
0xd: {  	[smem:$0x3FAD] =	sst s5  }
0xe: {  	[smem:$0x3FAE] =	sst s6  }
0xf: {  	[smem:$0x3FAF] =	sst s7  }
0x10: {  	[smem:$0x3FB0] =	sst s8  }
0x11: {  	[smem:$0x3FB1] =	sst s9;
	s0 =	simm.s32 @!p0 $0x0  }
0x12: {  	s1 =	sld [smem:$0x3F97];
	s0 =	simm.s32 @p0 $0x1  }
0x13: {  	[smem:$0x3FB2] =	sst s0;
	s0 =	simm.s32 @!p1 $0x0  }
0x14: {  	s2 =	sld [smem:$0x3F96];
	s0 =	simm.s32 @p1 $0x1  }
0x15: {  	[smem:$0x3FB3] =	sst s0;
	s0 =	simm.s32 @!p2 $0x0  }
0x16: {  	s3 =	sld [smem:$0x3FDB];
	s0 =	simm.s32 @p2 $0x1  }
0x17: {  	s4 =	simm.s32 $0x1BF5;
	[smem:$0x3FB5] =	sst s0  }
0x18: {  	s0 =	sld [smem:$0x3F98];
	_ =	swait.ge [sflag:s4], $0x0  }
0x19: {  	s7 =	sld [smem:$0x3F99]  }
0x1a: {  	s8 =	sadd.s32 $0xFFFFE003, lr  }
0x1b: {  	s9 =	sadd.s32 $0xFFFFFEF7, lr;
	s5 =	simm.s32 $0xFFFFFFFF;
	p2 =	slt.u32 s8, $0xFFFFF086  }
0x1c: {  	p1 =	slt.u32 s9, $0xF7A;
	s5 =	simm.s32 @!p2 $0x0  }
0x1d: {  	s5 =	simm.s32 @p1 $0x1;
	p0 =	seq.s32 s7, s2  }
0x1e: {  	s7 =	smul.u32 @!p0 $0xF7A, s2;
	p2 =	seq.s32 @!p0 s5, $0x0  }
0x1f: {  	s9 =	smul.u32 $0xF7A, s1;
	s8 =	simm.s32 @!p0 $0x1BF5;
	p2 =	por !p2, p0  }
0x20: {  	[sflag:s8] =	ssyncset.s32 @!p0 $0xFFFFF086;
	s6 =	sadd.s32 @!p0 s3, s7;
	s7 =	simm.s32 @!p0 $0x108  }
0x21: {  	s3 =	sadd.s32 s3, s9;
	s6 =	sadd.s32 @!p0 $0x88, s6;
	s7 =	simm.s32 @p2 $0x1082  }
0x22: {  	[simem:s7], [sflag:s8] =	dma.local @!p0 [hbm:s6], $0xF7A  }
0x23: {  	s9 =	sor.u32 $0xD0000000, s2;
	s6 =	simm.s32 $0x108;
	_ =	swait.ge @!p0 [sflag:s8], $0x0  }
0x24: {  	s3 =	sadd.s32 $0x88, s3;
	s6 =	simm.s32 @!p1 $0x1082;
	[sflag:s4] =	ssyncset.s32 $0xFFFFF086  }
0x25: {  	[simem:s6], [sflag:s4] =	dma.local [hbm:s3], $0xF7A  }
0x26: {  	[smem:$0x3F99] =	sst s1;
	(tag) =	ssettag s2;
	_ =	strace s9  }
0x27: {  	s1 =	sld [smem:$0x3FA9]  }
0x28: {  	s2 =	sld [smem:$0x3FAA]  }
0x29: {  	s4 =	sld [smem:$0x3FAC]  }
0x2a: {  	p0 =	seq.s32 s5, $0x0;
	s5 =	sld [smem:$0x3FAD]  }
0x2b: {  	s6 =	sld [smem:$0x3FAE]  }
0x2c: {  	s7 =	sld [smem:$0x3FAF]  }
0x2d: {  	s3 =	simm.s32 $0x108;
	s8 =	sld [smem:$0x3FB0]  }
0x2e: {  	s3 =	simm.s32 @!p0 $0x1082;
	s9 =	sld [smem:$0x3FB1]  }
0x2f: {  	lr =	sadd.s32 s0, s3;
	s0 =	sld [smem:$0x3FA8]  }
0x30: {  	s3 =	sld [smem:$0x3FAB]  }
0x31: {  	[smem:$0x3FB4] =	sst s10  }
0x32: {  	s10 =	sld [smem:$0x3FB2];
	_ =	sdelay $0x3  }
0x33: {  	p0 =	seq.s32 s10, $0x1;
	s10 =	sld [smem:$0x3FB4];
	_ =	sdelay $0x3  }
0x34: {  	[smem:$0x3FB4] =	sst s10  }
0x35: {  	s10 =	sld [smem:$0x3FB3];
	_ =	sdelay $0x3  }
0x36: {  	p1 =	seq.s32 s10, $0x1;
	s10 =	sld [smem:$0x3FB4];
	_ =	sdelay $0x3  }
0x37: {  	[smem:$0x3FB4] =	sst s10  }
0x38: {  	s10 =	sld [smem:$0x3FB5]  }
0x39: {  	_ = 	snop;
	(pc) =	sbr.ind lr, $3  }
0x3a: {  	_ = 	snop  }
0x3b: {  	_ = 	snop  }
0x3c: {  	p2 =	seq.s32 s10, $0x1;
	s10 =	sld [smem:$0x3FB4]  }
0x3d: {  	_ =	shalt  }
0x3e: {  	_ =	shalt  }
0x3f: {  	_ =	shalt  }
0x40: {  	_ =	shalt  }
0x41: {  	_ =	shalt  }
0x42: {  	_ =	shalt  }
0x43: {  	_ =	shalt  }
0x44: {  	_ =	shalt  }
0x45: {  	_ =	shalt  }
0x46: {  	_ =	shalt  }
0x47: {  	_ =	shalt  }
0x48: {  	_ =	shalt  }
0x49: {  	_ =	shalt  }
0x4a: {  	_ =	shalt  }
0x4b: {  	_ =	shalt  }
0x4c: {  	_ =	shalt  }
0x4d: {  	_ =	shalt  }
0x4e: {  	_ =	shalt  }
0x4f: {  	_ =	shalt  }
0x50: {  	_ =	shalt  }
0x51: {  	_ =	shalt  }
0x52: {  	_ =	shalt  }
0x53: {  	_ =	shalt  }
0x54: {  	_ =	shalt  }
0x55: {  	_ =	shalt  }
0x56: {  	_ =	shalt  }
0x57: {  	_ =	shalt  }
0x58: {  	_ =	shalt  }
0x59: {  	_ =	shalt  }
0x5a: {  	_ =	shalt  }
0x5b: {  	_ =	shalt  }
0x5c: {  	_ =	shalt  }
0x5d: {  	_ =	shalt  }
0x5e: {  	_ =	shalt  }
0x5f: {  	_ =	shalt  }
0x60: {  	_ =	shalt  }
0x61: {  	_ =	shalt  }
0x62: {  	_ =	shalt  }
0x63: {  	_ =	shalt  }
0x64: {  	_ =	shalt  }
0x65: {  	_ =	shalt  }
0x66: {  	_ =	shalt  }
0x67: {  	_ =	shalt  }
0x68: {  	_ =	shalt  }
0x69: {  	_ =	shalt  }
0x6a: {  	_ =	shalt  }
0x6b: {  	_ =	shalt  }
0x6c: {  	_ =	shalt  }
0x6d: {  	_ =	shalt  }
0x6e: {  	_ =	shalt  }
0x6f: {  	_ =	shalt  }
0x70: {  	_ =	shalt  }
0x71: {  	_ =	shalt  }
0x72: {  	_ =	shalt  }
0x73: {  	_ =	shalt  }
0x74: {  	_ =	shalt  }
0x75: {  	_ =	shalt  }
0x76: {  	_ =	shalt  }
0x77: {  	_ =	shalt  }
0x78: {  	_ =	shalt  }
0x79: {  	_ =	shalt  }
0x7a: {  	_ =	shalt  }
0x7b: {  	_ =	shalt  }
0x7c: {  	_ =	shalt  }
0x7d: {  	_ =	shalt  }
0x7e: {  	_ =	shalt  }
0x7f: {  	_ =	shalt  }
0x80: {  	_ =	shalt  }
0x81: {  	_ =	shalt  }
0x82: {  	_ =	shalt  }
0x83: {  	_ =	shalt  }
0x84: {  	_ =	shalt  }
0x85: {  	_ =	shalt  }
0x86: {  	_ =	shalt  }
0x87: {  	_ =	shalt  }
.Lfunc_end0:
.L_simem_size_0:
called_computation.1_lowered:
.L_overlay_start_0:
0x88: {  	s2 =	sld [smem:$0x3FD9]  }
0x89: {  	s3 =	sld [smem:$0x3FFE];
	_ =	sdelay $0x1  }
0x8a: {  	s1 =	srdreg.scid  }
0x8b: {  	s0 =	sand.u32 $0x1, s1  }
0x8c: {  	s17 =	sshll.u32 s0, $0xA;
	s2 =	sadd.s32 s3, s2  }
0x8d: {  	s2 =	sadd.s32 s2, s17  }
0x8e: {  	[smem:$0x3FC0] =	sst s2  }
0x8f: {  	_ = 	snop  }
0x90: {  	s2 =	sld [smem:$0x3FD0];
	(tm) =	ssettm $0x1  }
0x91: {  	s18 =	sld [smem:$0x3FFB];
	_ =	sdelay $0x3  }
0x92: {  	_ =	strace s18  }
0x93: {  	s3 =	sld [smem:$0x3FFC];
	_ =	sdelay $0x3  }
0x94: {  	_ =	strace s3  }
0x95: {  	s3 =	sld [smem:$0x3FFD];
	_ =	sdelay $0x3  }
0x96: {  	_ =	strace s3  }
0x97: {  	_ =	strace $0x8FFFFFFF  }
0x98: {  	s19 =	sld [smem:$0x3FDB];
	_ =	sdelay $0x1  }
0x99: {  	s4 =	simm.s32 $_scs_section_size  }
0x9a: {  	s5 =	simm.s32 $_size__tile_overlayer_lowered;
	s6 =	simm.s32 $_tile_overlayer_lowered  }
0x9b: {  	s22 =	simm.s32 $0x1BFF;
	s21 =	sshll.u32 s6, $0x1;
	s3 =	sadd.s32 s4, s19  }
0x9c: {  	s7 =	simm.s32 $0x0;
	s20 =	sshll.u32 s5, $0x1;
	s5 =	sadd.s32 s21, s3  }
0x9d: {  	[timem:s7], [sflag:s22] =	dma.local [hbm:s5], s20  }
0x9e: {  	_ =	swait.ge [sflag:s22], s20  }
0x9f: {  	s4 =	ssub.s32 $0x0, s20;
	[sflag:s22] =	ssyncset.done $0x0  }
0xa0: {  	[sflag:s22] =	ssyncadd.s32 s4;
	_ =	sdelay $0x1  }
0xa1: {  	s23 =	simm.s32 $0x1B8B  }
0xa2: {  	_ =	swait.ge [sflag:s23], $0x1  }
0xa3: {  	[sflag:s23] =	ssyncset.done $0x0  }
0xa4: {  	s25 =	simm.s32 $0x1B8E;
	s24 =	sld [smem:$0x3FFE];
	[sflag:s23] =	ssyncadd.s32 $0xFFFFFFFF  }
0xa5: {  	s26 =	simm.s32 $execute0_lowered;
	[smem:$0x3FD2] =	sst s25  }
0xa6: {  	s5 =	sshll.u32 s26, $0x1;
	_ =	strace $0x80000049;
	[dreg:$0x1] =	wrdreg $0xFFFFFFFF  }
0xa7: {  	s28 =	simm.s32 $_size_execute0_lowered;
	s3 =	sadd.s32 s3, s5;
	[dreg:$0x0] =	wrdreg $0x0  }
0xa8: {  	s5 =	sshll.u32 s28, $0x1;
	[dreg:$0x2] =	wrdreg s3  }
0xa9: {  	[dreg:$0x3] =	wrdreg s5  }
0xaa: {  	[dreg:$0x4] =	wrdreg $0xC0  }
0xab: {  	_ =	task [dreg:s7], $0x5FFFF  }
0xac: {  	[dreg:$0x1] =	wrdreg $0xFFFFFFFF  }
0xad: {  	[dreg:$0x0] =	wrdreg $0x60  }
0xae: {  	[dreg:$0x2] =	wrdreg s2  }
0xaf: {  	[dreg:$0x3] =	wrdreg s24  }
0xb0: {  	[dreg:$0x4] =	wrdreg $0xA4000  }
0xb1: {  	[dreg:$0x5] =	wrdreg $0x9  }
0xb2: {  	_ =	task.clear_ibuf [dreg:s7], $0x6FFFF;
	_ =	strace $0x90000049  }
0xb3: {  	s29 =	simm.s32 $0x9;
	_ =	strace $0x8000004B  }
0xb4: {  	_ =	swait.ge [sflag:s29], $0x1  }
0xb5: {  	[sflag:s29] =	ssyncadd.s32 $0xFFFFFFFF  }
0xb6: {  	_ =	strace $0x9000004B  }
0xb7: {  	_ =	sfence  }
0xb8: {  	s30 =	sld [smem:$0x0];
	_ =	sdelay $0x2  }
0xb9: {  	s31 =	sshll.u32 s1, $0xD;
	s1 =	sshrl.u32 s1, $0x2  }
0xba: {  	s3 =	sand.u32 $0x4000, s31;
	s1 =	sadd.s32 s1, s30  }
0xbb: {  	s0 =	sor.u32 s3, s0;
	s1 =	sshll.u32 s1, $0x11  }
0xbc: {  	s0 =	sor.u32 s1, s0  }
0xbd: {  	s0 =	sadd.s32 $0x8F2B, s0  }
0xbe: {  	[sflag:s0] =	ssyncadd.remote.s32 $0x1  }
0xbf: {  	_ =	sfence.sel $0xFFFF  }
0xc0: {  	[dreg:$0x0] =	wrdreg $0xFFFFFFFF;
	(pc) =	sbr.abs _section_cstart, $3  }
0xc1: {  	[dreg:$0x1] =	wrdreg $0xFFFFFFFF  }
0xc2: {  	_ =	task.clear_ibuf [dreg:s7], $0x2FFFF;
	_ =	strace $0x9FFFFFFF  }
0xc3: {  	(tm) =	ssettm $0x7FFFFFFF  }
tec
execute0_lowered:
.L_overlay_start_1:
0x0: {  	(tag) =	ssettag $0x1  }
0x1: {  	s1 =	rddreg [dreg:$0x0]  }
0x2: {  	s0 =	rddreg [dreg:$0x1]  }
0x3: {  	s3 =	rddreg [dreg:$0x2];
	s4 =	simm.s32 $0x0;
	s11 =	stileid.u32  }
0x4: {  	s2 =	srdreg.scid;
	s28 =	simm.s32 $0x50;
	s5 =	smul.u32 $0x2800, s11  }
0x5: {  	[smem:$0x7FF] =	sst s4;
	s2 =	sand.u32 $0x1, s2;
	s20 =	smul.u32 $0x50000, s11  }
0x6: {  	s6 =	sadd.s32 $0x2C00, s0;
	s8 =	sadd.s32 $0x16600, s0;
	s25 =	smul.u32 $0x2710, s11  }
0x7: {  	s23 =	sshll.u32 s11, $0x6;
	_ =	strace $0x8000004A;
	s7 =	smul.u32 $0x28000, s2  }
0x8: {  	[dreg:$0xc] =	wrdreg s8;
	s9 =	sshll.u32 s2, $0x4;
	s21 =	ssub.s32 $0x2, s2  }
0x9: {  	s2 =	smul.u32 $0x27100, s2;
	s23 =	sor.u32 $0x1C11, s23;
	s9 =	sor.u32 s11, s9  }
0xa: {  	s10 =	sshrl.u32 s21, $0x1;
	s8 =	sshrl.u32 s20, $0x2;
	[dreg:$0xe] =	wrdreg s23  }
0xb: {  	s5 =	sadd.s32 s5, s7;
	s9 =	smul.u32 $0x2710, s9;
	s22 =	sadd.s32 s8, s3  }
0xc: {  	s2 =	sadd.s32 s25, s2;
	s0 =	sadd.s32 s5, s0;
	s5 =	ssub.s32 s21, s10  }
0xd: {  	[dreg:$0xd] =	wrdreg s22;
	s11 =	sadd.s32 $0x2D0, s2;
	s13 =	sadd.s32 $0x280, s2  }
0xe: {  	s19 =	sadd.s32 $0x230, s2;
	s7 =	sshrl.u32 s11, $0x3;
	s0 =	sadd.s32 $0x18E00, s0  }
0xf: {  	s21 =	sshrl.u32 s19, $0x3;
	s7 =	sadd.s32 s7, s6;
	[dreg:$0x1a] =	wrdreg s0  }
0x10: {  	s24 =	sshrl.u32 s9, $0x3;
	s22 =	sadd.s32 s21, s6;
	[dreg:$0x4] =	wrdreg s7  }
0x11: {  	s16 =	sadd.s32 $0x4E390, s2;
	s10 =	sadd.s32 s6, s24;
	[dreg:$0x8] =	wrdreg s22  }
0x12: {  	s18 =	sadd.s32 $0x4E340, s2;
	s8 =	sadd.s32 $0xA, s10;
	[dreg:$0xf] =	wrdreg s10  }
0x13: {  	s17 =	sshrl.u32 s16, $0x3;
	s26 =	sadd.s32 $0x14, s10;
	[dreg:$0x10] =	wrdreg s8  }
0x14: {  	s16 =	simm.s32 $0x4;
	s29 =	sadd.s32 $0x1E, s10;
	[dreg:$0x11] =	wrdreg s26  }
0x15: {  	s19 =	simm.s32 $0xB;
	s30 =	sadd.s32 $0x9C40, s10;
	[dreg:$0x12] =	wrdreg s29  }
0x16: {  	s24 =	sadd.s32 $0x4E430, s2;
	s31 =	sadd.s32 $0x9C4A, s10;
	[dreg:$0x13] =	wrdreg s30  }
0x17: {  	s21 =	simm.s32 $0xE;
	s9 =	sadd.s32 $0x28, s10;
	[dreg:$0x14] =	wrdreg s31  }
0x18: {  	s0 =	simm.s32 $0x0;
	s12 =	sadd.s32 $0x9C5E, s10;
	[dreg:$0x16] =	wrdreg s9  }
0x19: {  	s14 =	sadd.s32 $0x32, s10;
	s7 =	sadd.s32 s17, s6;
	[dreg:$0x17] =	wrdreg s12  }
0x1a: {  	s25 =	sshrl.u32 s24, $0x3;
	s24 =	simm.s32 $0x11;
	[dreg:$0x18] =	wrdreg s14  }
0x1b: {  	s17 =	simm.s32 $0x10;
	s8 =	sadd.s32 $0x9C54, s10;
	[dreg:$0x6] =	wrdreg s7  }
0x1c: {  	s26 =	sadd.s32 $0x1E0, s2;
	s7 =	sadd.s32 s25, s6;
	s2 =	sadd.s32 $0x4E3E0, s2  }
0x1d: {  	s30 =	sadd.s32 $0xA118, s10;
	s31 =	smax.u32 s5, $0x1;
	[dreg:$0x15] =	wrdreg s8  }
0x1e: {  	s9 =	simm.s32 $0x2;
	s14 =	simm.s32 $0x6;
	[dreg:$0x9] =	wrdreg s7  }
0x1f: {  	s12 =	simm.s32 $0x180;
	s8 =	sshrl.u32 s13, $0x3;
	[dreg:$0x19] =	wrdreg s30  }
0x20: {  	s2 =	sshrl.u32 s2, $0x3;
	[dreg:$0x1b] =	wrdreg s31;
	s13 =	simm.s32 $0xF  }
0x21: {  	s7 =	simm.s32 $0xC;
	s15 =	sadd.s32 s8, s6;
	s8 =	sshrl.u32 s18, $0x3  }
0x22: {  	s2 =	sadd.s32 s2, s6;
	s18 =	simm.s32 $0x7;
	[dreg:$0x5] =	wrdreg s15  }
0x23: {  	s20 =	sadd.s32 s8, s6;
	s8 =	sshrl.u32 s26, $0x3;
	[dreg:$0xb] =	wrdreg s2  }
0x24: {  	s15 =	simm.s32 $0xA;
	[dreg:$0x7] =	wrdreg s20;
	s29 =	sadd.s32 s8, s6  }
0x25: {  	s20 =	simm.s32 $0xD;
	s8 =	simm.s32 $0x8;
	[dreg:$0xa] =	wrdreg s29  }
.LBB2_1:
0x26: {  	[dreg:$0x1c] =	wrdreg s0  }
0x27: {  	s22 =	rddreg [dreg:$0xd]  }
0x28: {  	s30 =	rddreg [dreg:$0xc];
	s29 =	sshrl.u32 s22, $0x3  }
0x29: {  	[dreg:$0x1d] =	wrdreg s29  }
0x2a: {  	[spmem:s29], [sflag:s23] =	dma.local [hbm:s30], $0x2800  }
0x2b: {  	_ =	swait.ge [sflag:s24], $0x2800  }
0x2c: {  	[sflag:s24] =	ssyncset.done $0x0  }
0x2d: {  	s31 =	rddreg [dreg:$0xf];
	[sflag:s24] =	ssyncadd.s32 $0xFFFFD800  }
0x2e: {  	[tilespmem:s4], [sflag:$0x11] =	stream.linear.gather [hbm4b:s31+s4], $0x50, $0x38;
	[tilespmem:$0x1E400] =	vst v63  }
0x2f: {  	_ =	swait.ge [sflag:s24], $0x50  }
0x30: {  	[sflag:s24] =	ssyncset.done $0x0  }
0x31: {  	s29 =	simm.s32 $0x80;
	s0 =	rddreg [dreg:$0x10];
	[sflag:s24] =	ssyncadd.s32 $0xFFFFFFB0  }
0x32: {  	[tilespmem:s29], [sflag:$0x11] =	stream.linear.gather [hbm4b:s0+s4], $0x50, $0x38;
	[tilespmem:$0x1E400] =	vst v63  }
0x33: {  	_ =	swait.ge [sflag:s24], $0x50  }
0x34: {  	[sflag:s24] =	ssyncset.done $0x0  }
0x35: {  	s31 =	simm.s32 $0x100;
	s2 =	rddreg [dreg:$0x11];
	[sflag:s24] =	ssyncadd.s32 $0xFFFFFFB0  }
0x36: {  	[tilespmem:s31], [sflag:$0x11] =	stream.linear.gather [hbm4b:s2+s4], $0x50, $0x38;
	[tilespmem:$0x1E400] =	vst v63  }
0x37: {  	_ =	swait.ge [sflag:s24], $0x50  }
0x38: {  	[sflag:s24] =	ssyncset.done $0x0  }
0x39: {  	s11 =	simm.s32 $0x180;
	s5 =	rddreg [dreg:$0x12];
	[sflag:s24] =	ssyncadd.s32 $0xFFFFFFB0  }
0x3a: {  	[tilespmem:s11], [sflag:$0x11] =	stream.linear.gather [hbm4b:s5+s4], $0x50, $0x38;
	[tilespmem:$0x1E400] =	vst v63  }
0x3b: {  	_ =	swait.ge [sflag:s24], $0x50  }
0x3c: {  	[sflag:s24] =	ssyncset.done $0x0  }
0x3d: {  	s23 =	simm.s32 $0x200;
	s6 =	rddreg [dreg:$0x13];
	[sflag:s24] =	ssyncadd.s32 $0xFFFFFFB0  }
0x3e: {  	[tilespmem:s23], [sflag:$0x11] =	stream.linear.gather [hbm4b:s6+s4], $0x50, $0x38;
	[tilespmem:$0x1E400] =	vst v63  }
0x3f: {  	_ =	swait.ge [sflag:s24], $0x50  }
0x40: {  	[sflag:s24] =	ssyncset.done $0x0  }
0x41: {  	s30 =	simm.s32 $0x280;
	s10 =	rddreg [dreg:$0x14];
	[sflag:s24] =	ssyncadd.s32 $0xFFFFFFB0  }
0x42: {  	[tilespmem:s30], [sflag:$0x11] =	stream.linear.gather [hbm4b:s10+s4], $0x50, $0x38;
	[tilespmem:$0x1E400] =	vst v63  }
0x43: {  	_ =	swait.ge [sflag:s24], $0x50  }
0x44: {  	[sflag:s24] =	ssyncset.done $0x0  }
0x45: {  	[sflag:s24] =	ssyncadd.s32 $0xFFFFFFB0  }
0x46: {  	s0 =	simm.s32 $0x400;
	[bflag:$0x0] =	sbarrier.arrive $0xFFFF  }
0x47: {  	[tilespmem:s0], [sflag:$0x1] =	stream.indirect.gather [hbm4b:s1+s28], $0x80, s4, s28, $0xb8;
	[tilespmem:$0x1E400] =	vst v63  }
0x48: {  	s5 =	simm.s32 $0x2C00  }
0x49: {  	[tilespmem:s5], [sflag:$0x2] =	stream.indirect.gather [hbm4b:s1+s28], $0x80, s29, s28, $0xb8;
	[tilespmem:$0x1E400] =	vst v63  }
0x4a: {  	s6 =	simm.s32 $0x300;
	s24 =	rddreg [dreg:$0x15]  }
0x4b: {  	[tilespmem:s6], [sflag:$0xF] =	stream.linear.gather [hbm4b:s24+s4], $0x50, $0x38;
	[tilespmem:$0x1E400] =	vst v63  }
0x4c: {  	s2 =	simm.s32 $0x1;
	s24 =	simm.s32 $0x5400  }
0x4d: {  	[tilespmem:s24], [sflag:$0x3] =	stream.indirect.gather [hbm4b:s1+s28], $0x80, s31, s28, $0xb8;
	[tilespmem:$0x1E400] =	vst v63  }
0x4e: {  	_ =	swait.ge [sflag:s2], $0x2800  }
0x4f: {  	[sflag:s2] =	ssyncset.done $0x0  }
0x50: {  	s25 =	rddreg [dreg:$0x16];
	[sflag:s2] =	ssyncadd.s32 $0xFFFFD800  }
0x51: {  	[tilespmem:s4], [sflag:$0x9] =	stream.linear.gather [hbm4b:s25+s4], $0x50, $0x38;
	[tilespmem:$0x1E400] =	vst v63  }
0x52: {  	_ = 	snop  }
0x53: {  	[spmem:s3] =	stream.indirect.scatter.add.f32 [tilespmem:s0], [sflag:$0x5], $0x80, s23, s28, $0xb8;
	[tilespmem:$0x1E400] =	vst v63  }
0x54: {  	s26 =	rddreg [dreg:$0x17];
	s25 =	simm.s32 $0x380  }
0x55: {  	[tilespmem:s25], [sflag:$0x10] =	stream.linear.gather [hbm4b:s26+s4], $0x50, $0x38;
	[tilespmem:$0x1E400] =	vst v63  }
0x56: {  	s26 =	simm.s32 $0x7C00  }
0x57: {  	[tilespmem:s26], [sflag:$0x4] =	stream.indirect.gather [hbm4b:s1+s28], $0x80, s11, s28, $0xb8;
	[tilespmem:$0x1E400] =	vst v63  }
0x58: {  	_ =	swait.ge [sflag:s9], $0x2800  }
0x59: {  	[sflag:s9] =	ssyncset.done $0x0  }
0x5a: {  	s10 =	rddreg [dreg:$0x18];
	[sflag:s9] =	ssyncadd.s32 $0xFFFFD800  }
0x5b: {  	[tilespmem:s29], [sflag:$0xA] =	stream.linear.gather [hbm4b:s10+s4], $0x50, $0x38;
	[tilespmem:$0x1E400] =	vst v63  }
0x5c: {  	s10 =	simm.s32 $0x5  }
0x5d: {  	[spmem:s3] =	stream.indirect.scatter.add.f32 [tilespmem:s5], [sflag:$0x6], $0x80, s30, s28, $0xb8;
	[tilespmem:$0x1E400] =	vst v63  }
0x5e: {  	_ =	swait.ge [sflag:s10], $0x2800  }
0x5f: {  	s22 =	rddreg [dreg:$0x7];
	[sflag:s10] =	ssyncset.done $0x0  }
0x60: {  	[sflag:s10] =	ssyncadd.s32 $0xFFFFD800;
	s22 =	sadd.s32 $0x0, s22  }
0x61: {  	[tilespmem:s23], [sflag:$0xD] =	stream.linear.gather [hbm4b:s22+s4], $0x50, $0x38;
	[tilespmem:$0x1E400] =	vst v63  }
0x62: {  	s22 =	simm.s32 $0x9  }
0x63: {  	_ =	swait.ge [sflag:s22], $0x50  }
0x64: {  	[sflag:s22] =	ssyncset.done $0x0  }
0x65: {  	s10 =	simm.s32 $0x3;
	[sflag:s22] =	ssyncadd.s32 $0xFFFFFFB0  }
0x66: {  	[tilespmem:s0], [sflag:$0x1] =	stream.indirect.gather [hbm4b:s1+s28], $0x80, s4, s28, $0xb8;
	[tilespmem:$0x1E400] =	vst v63  }
0x67: {  	_ =	swait.ge [sflag:s10], $0x2800  }
0x68: {  	s22 =	rddreg [dreg:$0xa];
	[sflag:s10] =	ssyncset.done $0x0  }
0x69: {  	[sflag:s10] =	ssyncadd.s32 $0xFFFFD800;
	s22 =	sadd.s32 $0x0, s22  }
0x6a: {  	[tilespmem:s31], [sflag:$0xB] =	stream.linear.gather [hbm4b:s22+s4], $0x50, $0x38;
	[tilespmem:$0x1E400] =	vst v63  }
0x6b: {  	_ =	swait.ge [sflag:s13], $0x50  }
0x6c: {  	[sflag:s13] =	ssyncset.done $0x0  }
0x6d: {  	[sflag:s13] =	ssyncadd.s32 $0xFFFFFFB0  }
0x6e: {  	[spmem:s3] =	stream.indirect.scatter.add.f32 [tilespmem:s24], [sflag:$0x7], $0x80, s6, s28, $0xb8;
	[tilespmem:$0x1E400] =	vst v63  }
0x6f: {  	_ =	swait.ge [sflag:s14], $0x2800  }
0x70: {  	s10 =	rddreg [dreg:$0x6];
	[sflag:s14] =	ssyncset.done $0x0  }
0x71: {  	[sflag:s14] =	ssyncadd.s32 $0xFFFFD800;
	s22 =	sadd.s32 $0x0, s10  }
0x72: {  	[tilespmem:s30], [sflag:$0xE] =	stream.linear.gather [hbm4b:s22+s4], $0x50, $0x38;
	[tilespmem:$0x1E400] =	vst v63  }
0x73: {  	_ =	swait.ge [sflag:s15], $0x50  }
0x74: {  	[sflag:s15] =	ssyncset.done $0x0  }
0x75: {  	[sflag:s15] =	ssyncadd.s32 $0xFFFFFFB0  }
0x76: {  	[tilespmem:s5], [sflag:$0x2] =	stream.indirect.gather [hbm4b:s1+s28], $0x80, s29, s28, $0xb8;
	[tilespmem:$0x1E400] =	vst v63  }
0x77: {  	_ =	swait.ge [sflag:s16], $0x2800  }
0x78: {  	s5 =	rddreg [dreg:$0x8];
	[sflag:s16] =	ssyncset.done $0x0  }
0x79: {  	[sflag:s16] =	ssyncadd.s32 $0xFFFFD800;
	s22 =	sadd.s32 $0x0, s5  }
0x7a: {  	[tilespmem:s11], [sflag:$0xC] =	stream.linear.gather [hbm4b:s22+s4], $0x50, $0x38;
	[tilespmem:$0x1E400] =	vst v63  }
0x7b: {  	_ =	swait.ge [sflag:s17], $0x50  }
0x7c: {  	[sflag:s17] =	ssyncset.done $0x0  }
0x7d: {  	[sflag:s17] =	ssyncadd.s32 $0xFFFFFFB0  }
0x7e: {  	[spmem:s3] =	stream.indirect.scatter.add.f32 [tilespmem:s26], [sflag:$0x8], $0x80, s25, s28, $0xb8;
	[tilespmem:$0x1E400] =	vst v63  }
0x7f: {  	_ =	swait.ge [sflag:s18], $0x2800  }
0x80: {  	s10 =	rddreg [dreg:$0xb];
	[sflag:s18] =	ssyncset.done $0x0  }
0x81: {  	[sflag:s18] =	ssyncadd.s32 $0xFFFFD800;
	s22 =	sadd.s32 $0x0, s10  }
0x82: {  	[tilespmem:s6], [sflag:$0xF] =	stream.linear.gather [hbm4b:s22+s4], $0x50, $0x38;
	[tilespmem:$0x1E400] =	vst v63  }
0x83: {  	_ =	swait.ge [sflag:s19], $0x50  }
0x84: {  	[sflag:s19] =	ssyncset.done $0x0  }
0x85: {  	[sflag:s19] =	ssyncadd.s32 $0xFFFFFFB0  }
0x86: {  	[tilespmem:s24], [sflag:$0x3] =	stream.indirect.gather [hbm4b:s1+s28], $0x80, s31, s28, $0xb8;
	[tilespmem:$0x1E400] =	vst v63  }
0x87: {  	_ =	swait.ge [sflag:s2], $0x2800  }
0x88: {  	s24 =	rddreg [dreg:$0x5];
	[sflag:s2] =	ssyncset.done $0x0  }
0x89: {  	[sflag:s2] =	ssyncadd.s32 $0xFFFFD800;
	s22 =	sadd.s32 $0x0, s24  }
0x8a: {  	[tilespmem:s4], [sflag:$0x9] =	stream.linear.gather [hbm4b:s22+s4], $0x50, $0x38;
	[tilespmem:$0x1E400] =	vst v63  }
0x8b: {  	_ =	swait.ge [sflag:s20], $0x50  }
0x8c: {  	[sflag:s20] =	ssyncset.done $0x0  }
0x8d: {  	[sflag:s20] =	ssyncadd.s32 $0xFFFFFFB0  }
0x8e: {  	[spmem:s3] =	stream.indirect.scatter.add.f32 [tilespmem:s0], [sflag:$0x5], $0x80, s23, s28, $0xb8;
	[tilespmem:$0x1E400] =	vst v63  }
0x8f: {  	_ =	swait.ge [sflag:s8], $0x2800  }
0x90: {  	s30 =	rddreg [dreg:$0x9];
	[sflag:s8] =	ssyncset.done $0x0  }
0x91: {  	[sflag:s8] =	ssyncadd.s32 $0xFFFFD800;
	s22 =	sadd.s32 $0x0, s30  }
0x92: {  	[tilespmem:s25], [sflag:$0x10] =	stream.linear.gather [hbm4b:s22+s4], $0x50, $0x38;
	[tilespmem:$0x1E400] =	vst v63  }
0x93: {  	_ =	swait.ge [sflag:s7], $0x50  }
0x94: {  	[sflag:s7] =	ssyncset.done $0x0  }
0x95: {  	[sflag:s7] =	ssyncadd.s32 $0xFFFFFFB0  }
0x96: {  	[tilespmem:s26], [sflag:$0x4] =	stream.indirect.gather [hbm4b:s1+s28], $0x80, s11, s28, $0xb8;
	[tilespmem:$0x1E400] =	vst v63  }
0x97: {  	_ =	swait.ge [sflag:s9], $0x2800  }
0x98: {  	s31 =	rddreg [dreg:$0x4];
	[sflag:s9] =	ssyncset.done $0x0  }
0x99: {  	[sflag:s9] =	ssyncadd.s32 $0xFFFFD800;
	s22 =	sadd.s32 $0x0, s31  }
0x9a: {  	[tilespmem:s29], [sflag:$0xA] =	stream.linear.gather [hbm4b:s22+s4], $0x50, $0x38;
	[tilespmem:$0x1E400] =	vst v63  }
0x9b: {  	_ =	swait.ge [sflag:s21], $0x50  }
0x9c: {  	[sflag:s21] =	ssyncset.done $0x0  }
0x9d: {  	s10 =	simm.s32 $0x2;
	s22 =	simm.s32 $0x28;
	[sflag:s21] =	ssyncadd.s32 $0xFFFFFFB0  }
.LBB2_2:
0x9e: {  	s0 =	simm.s32 $0x280;
	s6 =	simm.s32 $0x2C00;
	s2 =	simm.s32 $0x5  }
0x9f: {  	[spmem:s3] =	stream.indirect.scatter.add.f32 [tilespmem:s6], [sflag:$0x6], $0x80, s0, s28, $0xb8;
	[tilespmem:$0x1E400] =	vst v63  }
0xa0: {  	_ =	swait.ge [sflag:s2], $0x2800  }
0xa1: {  	s23 =	smov.u32 s22;
	s24 =	rddreg [dreg:$0x7];
	[sflag:s2] =	ssyncset.done $0x0  }
0xa2: {  	s30 =	simm.s32 $0x200;
	[sflag:s2] =	ssyncadd.s32 $0xFFFFD800;
	s24 =	sadd.s32 s23, s24  }
0xa3: {  	[tilespmem:s30], [sflag:$0xD] =	stream.linear.gather [hbm4b:s24+s4], $0x50, $0x38;
	[tilespmem:$0x1E400] =	vst v63  }
0xa4: {  	s24 =	simm.s32 $0x9  }
0xa5: {  	_ =	swait.ge [sflag:s24], $0x50  }
0xa6: {  	[sflag:s24] =	ssyncset.done $0x0  }
0xa7: {  	s5 =	simm.s32 $0x400;
	s25 =	simm.s32 $0x3;
	[sflag:s24] =	ssyncadd.s32 $0xFFFFFFB0  }
0xa8: {  	[tilespmem:s5], [sflag:$0x1] =	stream.indirect.gather [hbm4b:s1+s28], $0x80, s4, s28, $0xb8;
	[tilespmem:$0x1E400] =	vst v63  }
0xa9: {  	_ =	swait.ge [sflag:s25], $0x2800  }
0xaa: {  	s26 =	rddreg [dreg:$0xa];
	[sflag:s25] =	ssyncset.done $0x0  }
0xab: {  	s11 =	simm.s32 $0x100;
	[sflag:s25] =	ssyncadd.s32 $0xFFFFD800;
	s24 =	sadd.s32 s23, s26  }
0xac: {  	[tilespmem:s11], [sflag:$0xB] =	stream.linear.gather [hbm4b:s24+s4], $0x50, $0x38;
	[tilespmem:$0x1E400] =	vst v63  }
0xad: {  	_ =	swait.ge [sflag:s13], $0x50  }
0xae: {  	[sflag:s13] =	ssyncset.done $0x0  }
0xaf: {  	s25 =	simm.s32 $0x300;
	s26 =	simm.s32 $0x5400;
	[sflag:s13] =	ssyncadd.s32 $0xFFFFFFB0  }
0xb0: {  	[spmem:s3] =	stream.indirect.scatter.add.f32 [tilespmem:s26], [sflag:$0x7], $0x80, s25, s28, $0xb8;
	[tilespmem:$0x1E400] =	vst v63  }
0xb1: {  	_ =	swait.ge [sflag:s14], $0x2800  }
0xb2: {  	s29 =	rddreg [dreg:$0x6];
	[sflag:s14] =	ssyncset.done $0x0  }
0xb3: {  	[sflag:s14] =	ssyncadd.s32 $0xFFFFD800;
	s24 =	sadd.s32 s23, s29  }
0xb4: {  	[tilespmem:s0], [sflag:$0xE] =	stream.linear.gather [hbm4b:s24+s4], $0x50, $0x38;
	[tilespmem:$0x1E400] =	vst v63  }
0xb5: {  	_ =	swait.ge [sflag:s15], $0x50  }
0xb6: {  	[sflag:s15] =	ssyncset.done $0x0  }
0xb7: {  	s9 =	simm.s32 $0x80;
	[sflag:s15] =	ssyncadd.s32 $0xFFFFFFB0  }
0xb8: {  	[tilespmem:s6], [sflag:$0x2] =	stream.indirect.gather [hbm4b:s1+s28], $0x80, s9, s28, $0xb8;
	[tilespmem:$0x1E400] =	vst v63  }
0xb9: {  	_ =	swait.ge [sflag:s16], $0x2800  }
0xba: {  	s2 =	rddreg [dreg:$0x8];
	[sflag:s16] =	ssyncset.done $0x0  }
0xbb: {  	[sflag:s16] =	ssyncadd.s32 $0xFFFFD800;
	s24 =	sadd.s32 s23, s2  }
0xbc: {  	[tilespmem:s12], [sflag:$0xC] =	stream.linear.gather [hbm4b:s24+s4], $0x50, $0x38;
	[tilespmem:$0x1E400] =	vst v63  }
0xbd: {  	_ =	swait.ge [sflag:s17], $0x50  }
0xbe: {  	[sflag:s17] =	ssyncset.done $0x0  }
0xbf: {  	s29 =	simm.s32 $0x380;
	s2 =	simm.s32 $0x7C00;
	[sflag:s17] =	ssyncadd.s32 $0xFFFFFFB0  }
0xc0: {  	[spmem:s3] =	stream.indirect.scatter.add.f32 [tilespmem:s2], [sflag:$0x8], $0x80, s29, s28, $0xb8;
	[tilespmem:$0x1E400] =	vst v63  }
0xc1: {  	_ =	swait.ge [sflag:s18], $0x2800  }
0xc2: {  	s6 =	rddreg [dreg:$0xb];
	[sflag:s18] =	ssyncset.done $0x0  }
0xc3: {  	[sflag:s18] =	ssyncadd.s32 $0xFFFFD800;
	s24 =	sadd.s32 s23, s6  }
0xc4: {  	[tilespmem:s25], [sflag:$0xF] =	stream.linear.gather [hbm4b:s24+s4], $0x50, $0x38;
	[tilespmem:$0x1E400] =	vst v63  }
0xc5: {  	_ =	swait.ge [sflag:s19], $0x50  }
0xc6: {  	[sflag:s19] =	ssyncset.done $0x0  }
0xc7: {  	s24 =	simm.s32 $0x1;
	[sflag:s19] =	ssyncadd.s32 $0xFFFFFFB0  }
0xc8: {  	[tilespmem:s26], [sflag:$0x3] =	stream.indirect.gather [hbm4b:s1+s28], $0x80, s11, s28, $0xb8;
	[tilespmem:$0x1E400] =	vst v63  }
0xc9: {  	_ =	swait.ge [sflag:s24], $0x2800  }
0xca: {  	s11 =	rddreg [dreg:$0x5];
	[sflag:s24] =	ssyncset.done $0x0  }
0xcb: {  	[sflag:s24] =	ssyncadd.s32 $0xFFFFD800;
	s24 =	sadd.s32 s23, s11  }
0xcc: {  	[tilespmem:s4], [sflag:$0x9] =	stream.linear.gather [hbm4b:s24+s4], $0x50, $0x38;
	[tilespmem:$0x1E400] =	vst v63  }
0xcd: {  	_ =	swait.ge [sflag:s20], $0x50  }
0xce: {  	[sflag:s20] =	ssyncset.done $0x0  }
0xcf: {  	[sflag:s20] =	ssyncadd.s32 $0xFFFFFFB0  }
0xd0: {  	[spmem:s3] =	stream.indirect.scatter.add.f32 [tilespmem:s5], [sflag:$0x5], $0x80, s30, s28, $0xb8;
	[tilespmem:$0x1E400] =	vst v63  }
0xd1: {  	_ =	swait.ge [sflag:s8], $0x2800  }
0xd2: {  	s26 =	rddreg [dreg:$0x9];
	[sflag:s8] =	ssyncset.done $0x0  }
0xd3: {  	[sflag:s8] =	ssyncadd.s32 $0xFFFFD800;
	s24 =	sadd.s32 s23, s26  }
0xd4: {  	[tilespmem:s29], [sflag:$0x10] =	stream.linear.gather [hbm4b:s24+s4], $0x50, $0x38;
	[tilespmem:$0x1E400] =	vst v63  }
0xd5: {  	_ =	swait.ge [sflag:s7], $0x50  }
0xd6: {  	[sflag:s7] =	ssyncset.done $0x0  }
0xd7: {  	[sflag:s7] =	ssyncadd.s32 $0xFFFFFFB0  }
0xd8: {  	[tilespmem:s2], [sflag:$0x4] =	stream.indirect.gather [hbm4b:s1+s28], $0x80, s12, s28, $0xb8;
	[tilespmem:$0x1E400] =	vst v63  }
0xd9: {  	p0 =	sne.s32 s22, $0x488;
	_ =	swait.ge [sflag:s10], $0x2800  }
0xda: {  	s22 =	sadd.s32 $0x28, s22;
	s30 =	rddreg [dreg:$0x4];
	[sflag:s10] =	ssyncset.done $0x0  }
.Ltmp0:
0xdb: {  	[sflag:s10] =	ssyncadd.s32 $0xFFFFD800;
	s23 =	sadd.s32 s23, s30;
	(pc) =	sbr.rel @p0 .LBB2_2-.Ltmp0, $4  }
0xdc: {  	[tilespmem:s9], [sflag:$0xA] =	stream.linear.gather [hbm4b:s23+s4], $0x50, $0x38;
	[tilespmem:$0x1E400] =	vst v63  }
0xdd: {  	s31 =	simm.s32 $0x280;
	s0 =	simm.s32 $0x2C00;
	_ =	swait.ge [sflag:s21], $0x50  }
0xde: {  	s6 =	simm.s32 $0x300;
	s25 =	simm.s32 $0x5400;
	[sflag:s21] =	ssyncset.done $0x0  }
0xdf: {  	s5 =	simm.s32 $0x380;
	s26 =	simm.s32 $0x7C00;
	[sflag:s21] =	ssyncadd.s32 $0xFFFFFFB0  }
0xe0: {  	[spmem:s3] =	stream.indirect.scatter.add.f32 [tilespmem:s0], [sflag:$0x6], $0x80, s31, s28, $0xb8;
	[tilespmem:$0x1E400] =	vst v63  }
0xe1: {  	s9 =	simm.s32 $0x5  }
0xe2: {  	_ =	swait.ge [sflag:s9], $0x2800  }
0xe3: {  	[sflag:s9] =	ssyncset.done $0x0  }
0xe4: {  	s23 =	simm.s32 $0x200;
	s22 =	rddreg [dreg:$0x19];
	[sflag:s9] =	ssyncadd.s32 $0xFFFFD800  }
0xe5: {  	[tilespmem:s23], [sflag:$0xD] =	stream.linear.gather [hbm4b:s22+s4], $0x50, $0x38;
	[tilespmem:$0x1E400] =	vst v63  }
0xe6: {  	s22 =	simm.s32 $0x9  }
0xe7: {  	_ =	swait.ge [sflag:s22], $0x50  }
0xe8: {  	[sflag:s22] =	ssyncset.done $0x0  }
0xe9: {  	s24 =	simm.s32 $0x400;
	s2 =	simm.s32 $0x3;
	[sflag:s22] =	ssyncadd.s32 $0xFFFFFFB0  }
0xea: {  	[tilespmem:s24], [sflag:$0x1] =	stream.indirect.gather [hbm4b:s1+s28], $0x80, s4, s28, $0xb8;
	[tilespmem:$0x1E400] =	vst v63  }
0xeb: {  	_ =	swait.ge [sflag:s2], $0x2800  }
0xec: {  	[sflag:s2] =	ssyncset.done $0x0  }
0xed: {  	[sflag:s2] =	ssyncadd.s32 $0xFFFFD800  }
0xee: {  	_ =	swait.ge [sflag:s13], $0x50  }
0xef: {  	[sflag:s13] =	ssyncset.done $0x0  }
0xf0: {  	[sflag:s13] =	ssyncadd.s32 $0xFFFFFFB0  }
0xf1: {  	[spmem:s3] =	stream.indirect.scatter.add.f32 [tilespmem:s25], [sflag:$0x7], $0x80, s6, s28, $0xb8;
	[tilespmem:$0x1E400] =	vst v63  }
0xf2: {  	_ =	swait.ge [sflag:s16], $0x2800  }
0xf3: {  	[sflag:s16] =	ssyncset.done $0x0  }
0xf4: {  	[sflag:s16] =	ssyncadd.s32 $0xFFFFD800  }
0xf5: {  	_ =	swait.ge [sflag:s17], $0x50  }
0xf6: {  	[sflag:s17] =	ssyncset.done $0x0  }
0xf7: {  	s25 =	simm.s32 $0x1;
	[sflag:s17] =	ssyncadd.s32 $0xFFFFFFB0  }
0xf8: {  	[spmem:s3] =	stream.indirect.scatter.add.f32 [tilespmem:s26], [sflag:$0x8], $0x80, s5, s28, $0xb8;
	[tilespmem:$0x1E400] =	vst v63  }
0xf9: {  	_ =	swait.ge [sflag:s25], $0x2800  }
0xfa: {  	[sflag:s25] =	ssyncset.done $0x0  }
0xfb: {  	[sflag:s25] =	ssyncadd.s32 $0xFFFFD800  }
0xfc: {  	_ =	swait.ge [sflag:s20], $0x50  }
0xfd: {  	[sflag:s20] =	ssyncset.done $0x0  }
0xfe: {  	[sflag:s20] =	ssyncadd.s32 $0xFFFFFFB0  }
0xff: {  	[spmem:s3] =	stream.indirect.scatter.add.f32 [tilespmem:s24], [sflag:$0x5], $0x80, s23, s28, $0xb8;
	[tilespmem:$0x1E400] =	vst v63  }
0x100: {  	_ =	swait.ge [sflag:s15], $0x50  }
0x101: {  	[sflag:s15] =	ssyncset.done $0x0  }
0x102: {  	[sflag:s15] =	ssyncadd.s32 $0xFFFFFFB0  }
0x103: {  	_ =	swait.ge [sflag:s14], $0x2800  }
0x104: {  	[sflag:s14] =	ssyncset.done $0x0  }
0x105: {  	[sflag:s14] =	ssyncadd.s32 $0xFFFFD800  }
0x106: {  	_ =	swait.ge [sflag:s18], $0x2800  }
0x107: {  	[sflag:s18] =	ssyncset.done $0x0  }
0x108: {  	[sflag:s18] =	ssyncadd.s32 $0xFFFFD800  }
0x109: {  	_ =	swait.ge [sflag:s8], $0x2800  }
0x10a: {  	[sflag:s8] =	ssyncset.done $0x0  }
0x10b: {  	[sflag:s8] =	ssyncadd.s32 $0xFFFFD800  }
0x10c: {  	_ =	swait.ge [sflag:s9], $0x2800  }
0x10d: {  	[sflag:s9] =	ssyncset.done $0x0  }
0x10e: {  	[sflag:s9] =	ssyncadd.s32 $0xFFFFD800  }
0x10f: {  	[bflag:$0x0] =	sbarrier.arrive $0xFFFF  }
0x110: {  	s23 =	rddreg [dreg:$0xe]  }
0x111: {  	s26 =	rddreg [dreg:$0x1a]  }
0x112: {  	s24 =	simm.s32 $0x11;
	s29 =	rddreg [dreg:$0x1d]  }
0x113: {  	[hbm:s26], [sflag:s23] =	dma.local [spmem:s29], $0x2800  }
0x114: {  	_ =	swait.ge [sflag:s24], $0x2800  }
0x115: {  	s30 =	rddreg [dreg:$0x1c]  }
0x116: {  	s31 =	rddreg [dreg:$0x1b];
	s0 =	sadd.s32 $0x1, s30  }
0x117: {  	p0 =	sne.s32 s0, s31  }
.Ltmp1:
0x118: {  	_ = 	snop;
	(pc) =	sbr.rel @p0 .LBB2_1-.Ltmp1, $3  }
0x119: {  	_ =	sdelay $0x1  }
0x11a: {  	[sflag:s24] =	ssyncset.done $0x0  }
0x11b: {  	s9 =	simm.s32 $0x2;
	[sflag:s24] =	ssyncadd.s32 $0xFFFFD800  }
0x11c: {  	_ =	sfence.sel $0x180000  }
0x11d: {  	[bflag:$0x0] =	sbarrier.arrive $0xFFFF  }
0x11e: {  	_ =	strace $0x9000004A  }
0x11f: {  	s0 =	stileid.u32;
	[bflag:$0x2] =	sbarrier.arrive $0xFFFF  }
0x120: {  	p0 =	sne.s32 s0, $0x0;
	s0 =	rddreg [dreg:$0x3]  }
0x121: {  	s0 =	sadd.s32 @!p0 $0x100000, s0  }
0x122: {  	[sflag:s0] =	ssyncadd.tile.s32 @!p0 $0x1;
	_ =	shalt  }
.Lfunc_end2:
_tile_overlayer_lowered:
.L_overlay_start_2:
0x123: {  	(tag) =	ssettag $0x2  }
0x124: {  	s0 =	rddreg [dreg:$0x0];
	s2 =	stileid.u32  }
0x125: {  	s1 =	rddreg [dreg:$0x1];
	p0 =	sne.s32 s2, $0x0  }
0x126: {  	s3 =	rddreg [dreg:$0x2];
	[bflag:$0x3] =	sbarrier.arrive $0xFFFF;
	s2 =	simm.s32 @!p0 $0x1C11  }
0x127: {  	[timem:s3], [sflag:s2] =	dma.local @!p0 [hbm:s0], s1  }
0x128: {  	s0 =	simm.s32 @!p0 $0x11  }
0x129: {  	_ =	swait.ge @!p0 [sflag:s0], s1  }
0x12a: {  	s1 =	ssub.s32 @!p0 $0x0, s1;
	[sflag:s0] =	ssyncset.done @!p0 $0x0  }
0x12b: {  	[sflag:s0] =	ssyncadd.s32 @!p0 s1  }
0x12c: {  	[bflag:$0x3] =	sbarrier.arrive $0xFFFF  }
0x12d: {  	_ =	shalt  }

// kernel: kernel.14.cloned.1.call-start
scs
__scs_entry_jumppad:
0x0: {  	(pc) =	sbr.rel $0x88, $3  }
0x1: {  	(tag) =	ssettag $0x0;
	lr =	simm.s32 $0x1  }
0x2: {  	[smem:$0x3F99] =	sst lr;
	_ =	strace $0xD0000000  }
0x3: {  	_ = 	snop  }
0x4: {  	_ = 	snop  }
0x5: {  	_ = 	snop  }
0x6: {  	_ = 	snop  }
0x7: {  	_ = 	snop  }
__scs_overlays_trampoline_lowered:
0x8: {  	[smem:$0x3FA8] =	sst s0  }
0x9: {  	[smem:$0x3FA9] =	sst s1  }
0xa: {  	[smem:$0x3FAA] =	sst s2  }
0xb: {  	[smem:$0x3FAB] =	sst s3  }
0xc: {  	[smem:$0x3FAC] =	sst s4  }
0xd: {  	[smem:$0x3FAD] =	sst s5  }
0xe: {  	[smem:$0x3FAE] =	sst s6  }
0xf: {  	[smem:$0x3FAF] =	sst s7  }
0x10: {  	[smem:$0x3FB0] =	sst s8  }
0x11: {  	[smem:$0x3FB1] =	sst s9;
	s0 =	simm.s32 @!p0 $0x0  }
0x12: {  	s1 =	sld [smem:$0x3F97];
	s0 =	simm.s32 @p0 $0x1  }
0x13: {  	[smem:$0x3FB2] =	sst s0;
	s0 =	simm.s32 @!p1 $0x0  }
0x14: {  	s2 =	sld [smem:$0x3F96];
	s0 =	simm.s32 @p1 $0x1  }
0x15: {  	[smem:$0x3FB3] =	sst s0;
	s0 =	simm.s32 @!p2 $0x0  }
0x16: {  	s3 =	sld [smem:$0x3FDB];
	s0 =	simm.s32 @p2 $0x1  }
0x17: {  	s4 =	simm.s32 $0x1BF5;
	[smem:$0x3FB5] =	sst s0  }
0x18: {  	s0 =	sld [smem:$0x3F98];
	_ =	swait.ge [sflag:s4], $0x0  }
0x19: {  	s7 =	sld [smem:$0x3F99]  }
0x1a: {  	s8 =	sadd.s32 $0xFFFFE003, lr  }
0x1b: {  	s9 =	sadd.s32 $0xFFFFFEF7, lr;
	s5 =	simm.s32 $0xFFFFFFFF;
	p2 =	slt.u32 s8, $0xFFFFF086  }
0x1c: {  	p1 =	slt.u32 s9, $0xF7A;
	s5 =	simm.s32 @!p2 $0x0  }
0x1d: {  	s5 =	simm.s32 @p1 $0x1;
	p0 =	seq.s32 s7, s2  }
0x1e: {  	s7 =	smul.u32 @!p0 $0xF7A, s2;
	p2 =	seq.s32 @!p0 s5, $0x0  }
0x1f: {  	s9 =	smul.u32 $0xF7A, s1;
	s8 =	simm.s32 @!p0 $0x1BF5;
	p2 =	por !p2, p0  }
0x20: {  	[sflag:s8] =	ssyncset.s32 @!p0 $0xFFFFF086;
	s6 =	sadd.s32 @!p0 s3, s7;
	s7 =	simm.s32 @!p0 $0x108  }
0x21: {  	s3 =	sadd.s32 s3, s9;
	s6 =	sadd.s32 @!p0 $0x88, s6;
	s7 =	simm.s32 @p2 $0x1082  }
0x22: {  	[simem:s7], [sflag:s8] =	dma.local @!p0 [hbm:s6], $0xF7A  }
0x23: {  	s9 =	sor.u32 $0xD0000000, s2;
	s6 =	simm.s32 $0x108;
	_ =	swait.ge @!p0 [sflag:s8], $0x0  }
0x24: {  	s3 =	sadd.s32 $0x88, s3;
	s6 =	simm.s32 @!p1 $0x1082;
	[sflag:s4] =	ssyncset.s32 $0xFFFFF086  }
0x25: {  	[simem:s6], [sflag:s4] =	dma.local [hbm:s3], $0xF7A  }
0x26: {  	[smem:$0x3F99] =	sst s1;
	(tag) =	ssettag s2;
	_ =	strace s9  }
0x27: {  	s1 =	sld [smem:$0x3FA9]  }
0x28: {  	s2 =	sld [smem:$0x3FAA]  }
0x29: {  	s4 =	sld [smem:$0x3FAC]  }
0x2a: {  	p0 =	seq.s32 s5, $0x0;
	s5 =	sld [smem:$0x3FAD]  }
0x2b: {  	s6 =	sld [smem:$0x3FAE]  }
0x2c: {  	s7 =	sld [smem:$0x3FAF]  }
0x2d: {  	s3 =	simm.s32 $0x108;
	s8 =	sld [smem:$0x3FB0]  }
0x2e: {  	s3 =	simm.s32 @!p0 $0x1082;
	s9 =	sld [smem:$0x3FB1]  }
0x2f: {  	lr =	sadd.s32 s0, s3;
	s0 =	sld [smem:$0x3FA8]  }
0x30: {  	s3 =	sld [smem:$0x3FAB]  }
0x31: {  	[smem:$0x3FB4] =	sst s10  }
0x32: {  	s10 =	sld [smem:$0x3FB2];
	_ =	sdelay $0x3  }
0x33: {  	p0 =	seq.s32 s10, $0x1;
	s10 =	sld [smem:$0x3FB4];
	_ =	sdelay $0x3  }
0x34: {  	[smem:$0x3FB4] =	sst s10  }
0x35: {  	s10 =	sld [smem:$0x3FB3];
	_ =	sdelay $0x3  }
0x36: {  	p1 =	seq.s32 s10, $0x1;
	s10 =	sld [smem:$0x3FB4];
	_ =	sdelay $0x3  }
0x37: {  	[smem:$0x3FB4] =	sst s10  }
0x38: {  	s10 =	sld [smem:$0x3FB5]  }
0x39: {  	_ = 	snop;
	(pc) =	sbr.ind lr, $3  }
0x3a: {  	_ = 	snop  }
0x3b: {  	_ = 	snop  }
0x3c: {  	p2 =	seq.s32 s10, $0x1;
	s10 =	sld [smem:$0x3FB4]  }
0x3d: {  	_ =	shalt  }
0x3e: {  	_ =	shalt  }
0x3f: {  	_ =	shalt  }
0x40: {  	_ =	shalt  }
0x41: {  	_ =	shalt  }
0x42: {  	_ =	shalt  }
0x43: {  	_ =	shalt  }
0x44: {  	_ =	shalt  }
0x45: {  	_ =	shalt  }
0x46: {  	_ =	shalt  }
0x47: {  	_ =	shalt  }
0x48: {  	_ =	shalt  }
0x49: {  	_ =	shalt  }
0x4a: {  	_ =	shalt  }
0x4b: {  	_ =	shalt  }
0x4c: {  	_ =	shalt  }
0x4d: {  	_ =	shalt  }
0x4e: {  	_ =	shalt  }
0x4f: {  	_ =	shalt  }
0x50: {  	_ =	shalt  }
0x51: {  	_ =	shalt  }
0x52: {  	_ =	shalt  }
0x53: {  	_ =	shalt  }
0x54: {  	_ =	shalt  }
0x55: {  	_ =	shalt  }
0x56: {  	_ =	shalt  }
0x57: {  	_ =	shalt  }
0x58: {  	_ =	shalt  }
0x59: {  	_ =	shalt  }
0x5a: {  	_ =	shalt  }
0x5b: {  	_ =	shalt  }
0x5c: {  	_ =	shalt  }
0x5d: {  	_ =	shalt  }
0x5e: {  	_ =	shalt  }
0x5f: {  	_ =	shalt  }
0x60: {  	_ =	shalt  }
0x61: {  	_ =	shalt  }
0x62: {  	_ =	shalt  }
0x63: {  	_ =	shalt  }
0x64: {  	_ =	shalt  }
0x65: {  	_ =	shalt  }
0x66: {  	_ =	shalt  }
0x67: {  	_ =	shalt  }
0x68: {  	_ =	shalt  }
0x69: {  	_ =	shalt  }
0x6a: {  	_ =	shalt  }
0x6b: {  	_ =	shalt  }
0x6c: {  	_ =	shalt  }
0x6d: {  	_ =	shalt  }
0x6e: {  	_ =	shalt  }
0x6f: {  	_ =	shalt  }
0x70: {  	_ =	shalt  }
0x71: {  	_ =	shalt  }
0x72: {  	_ =	shalt  }
0x73: {  	_ =	shalt  }
0x74: {  	_ =	shalt  }
0x75: {  	_ =	shalt  }
0x76: {  	_ =	shalt  }
0x77: {  	_ =	shalt  }
0x78: {  	_ =	shalt  }
0x79: {  	_ =	shalt  }
0x7a: {  	_ =	shalt  }
0x7b: {  	_ =	shalt  }
0x7c: {  	_ =	shalt  }
0x7d: {  	_ =	shalt  }
0x7e: {  	_ =	shalt  }
0x7f: {  	_ =	shalt  }
0x80: {  	_ =	shalt  }
0x81: {  	_ =	shalt  }
0x82: {  	_ =	shalt  }
0x83: {  	_ =	shalt  }
0x84: {  	_ =	shalt  }
0x85: {  	_ =	shalt  }
0x86: {  	_ =	shalt  }
0x87: {  	_ =	shalt  }
.Lfunc_end0:
.L_simem_size_0:
called_computation.2_lowered:
.L_overlay_start_0:
0x88: {  	s2 =	sld [smem:$0x3FD9]  }
0x89: {  	s3 =	sld [smem:$0x3FFE];
	_ =	sdelay $0x1  }
0x8a: {  	s1 =	srdreg.scid  }
0x8b: {  	s0 =	sand.u32 $0x1, s1  }
0x8c: {  	s17 =	sshll.u32 s0, $0xA;
	s2 =	sadd.s32 s3, s2  }
0x8d: {  	s2 =	sadd.s32 s2, s17  }
0x8e: {  	[smem:$0x3FC0] =	sst s2  }
0x8f: {  	_ = 	snop  }
0x90: {  	s2 =	sld [smem:$0x3FD0];
	(tm) =	ssettm $0x1  }
0x91: {  	s18 =	sld [smem:$0x3FFB];
	_ =	sdelay $0x3  }
0x92: {  	_ =	strace s18  }
0x93: {  	s3 =	sld [smem:$0x3FFC];
	_ =	sdelay $0x3  }
0x94: {  	_ =	strace s3  }
0x95: {  	s3 =	sld [smem:$0x3FFD];
	_ =	sdelay $0x3  }
0x96: {  	_ =	strace s3  }
0x97: {  	_ =	strace $0x8FFFFFFF  }
0x98: {  	s19 =	sld [smem:$0x3FDB];
	_ =	sdelay $0x1  }
0x99: {  	s4 =	simm.s32 $_scs_section_size  }
0x9a: {  	s5 =	simm.s32 $_size__tile_overlayer_lowered;
	s6 =	simm.s32 $_tile_overlayer_lowered  }
0x9b: {  	s22 =	simm.s32 $0x1BFF;
	s21 =	sshll.u32 s6, $0x1;
	s3 =	sadd.s32 s4, s19  }
0x9c: {  	s7 =	simm.s32 $0x0;
	s20 =	sshll.u32 s5, $0x1;
	s5 =	sadd.s32 s21, s3  }
0x9d: {  	[timem:s7], [sflag:s22] =	dma.local [hbm:s5], s20  }
0x9e: {  	_ =	swait.ge [sflag:s22], s20  }
0x9f: {  	s4 =	ssub.s32 $0x0, s20;
	[sflag:s22] =	ssyncset.done $0x0  }
0xa0: {  	[sflag:s22] =	ssyncadd.s32 s4;
	_ =	sdelay $0x1  }
0xa1: {  	s23 =	simm.s32 $0x1B8B  }
0xa2: {  	_ =	swait.ge [sflag:s23], $0x1  }
0xa3: {  	[sflag:s23] =	ssyncset.done $0x0  }
0xa4: {  	s25 =	simm.s32 $0x1B8E;
	s24 =	sld [smem:$0x3FFE];
	[sflag:s23] =	ssyncadd.s32 $0xFFFFFFFF  }
0xa5: {  	s26 =	simm.s32 $execute0_lowered;
	[smem:$0x3FD2] =	sst s25  }
0xa6: {  	s5 =	sshll.u32 s26, $0x1;
	_ =	strace $0x8000004C;
	[dreg:$0x1] =	wrdreg $0xFFFFFFFF  }
0xa7: {  	s28 =	simm.s32 $_size_execute0_lowered;
	s3 =	sadd.s32 s3, s5;
	[dreg:$0x0] =	wrdreg $0x0  }
0xa8: {  	s5 =	sshll.u32 s28, $0x1;
	[dreg:$0x2] =	wrdreg s3  }
0xa9: {  	[dreg:$0x3] =	wrdreg s5  }
0xaa: {  	[dreg:$0x4] =	wrdreg $0xC0  }
0xab: {  	_ =	task [dreg:s7], $0x5FFFF  }
0xac: {  	[dreg:$0x1] =	wrdreg $0xFFFFFFFF  }
0xad: {  	[dreg:$0x0] =	wrdreg $0x60  }
0xae: {  	[dreg:$0x2] =	wrdreg s2  }
0xaf: {  	[dreg:$0x3] =	wrdreg s24  }
0xb0: {  	[dreg:$0x4] =	wrdreg $0xA4000  }
0xb1: {  	[dreg:$0x5] =	wrdreg $0x9  }
0xb2: {  	_ =	task.clear_ibuf [dreg:s7], $0x6FFFF;
	_ =	strace $0x9000004C  }
0xb3: {  	s29 =	simm.s32 $0x9;
	_ =	strace $0x8000004E  }
0xb4: {  	_ =	swait.ge [sflag:s29], $0x1  }
0xb5: {  	[sflag:s29] =	ssyncadd.s32 $0xFFFFFFFF  }
0xb6: {  	_ =	strace $0x9000004E  }
0xb7: {  	_ =	sfence  }
0xb8: {  	s30 =	sld [smem:$0x0];
	_ =	sdelay $0x2  }
0xb9: {  	s31 =	sshll.u32 s1, $0xD;
	s1 =	sshrl.u32 s1, $0x2  }
0xba: {  	s3 =	sand.u32 $0x4000, s31;
	s1 =	sadd.s32 s1, s30  }
0xbb: {  	s0 =	sor.u32 s3, s0;
	s1 =	sshll.u32 s1, $0x11  }
0xbc: {  	s0 =	sor.u32 s1, s0  }
0xbd: {  	s0 =	sadd.s32 $0x8F2B, s0  }
0xbe: {  	[sflag:s0] =	ssyncadd.remote.s32 $0x1  }
0xbf: {  	_ =	sfence.sel $0xFFFF  }
0xc0: {  	[dreg:$0x0] =	wrdreg $0xFFFFFFFF;
	(pc) =	sbr.abs _section_cstart, $3  }
0xc1: {  	[dreg:$0x1] =	wrdreg $0xFFFFFFFF  }
0xc2: {  	_ =	task.clear_ibuf [dreg:s7], $0x2FFFF;
	_ =	strace $0x9FFFFFFF  }
0xc3: {  	(tm) =	ssettm $0x7FFFFFFF  }
tec
execute0_lowered:
.L_overlay_start_1:
0x0: {  	(tag) =	ssettag $0x1  }
0x1: {  	s1 =	rddreg [dreg:$0x0]  }
0x2: {  	s0 =	rddreg [dreg:$0x1]  }
0x3: {  	s3 =	rddreg [dreg:$0x2];
	s4 =	simm.s32 $0x0;
	s11 =	stileid.u32  }
0x4: {  	s2 =	srdreg.scid;
	s28 =	simm.s32 $0x50;
	s5 =	smul.u32 $0x2800, s11  }
0x5: {  	[smem:$0x7FF] =	sst s4;
	s2 =	sand.u32 $0x1, s2;
	s20 =	smul.u32 $0x50000, s11  }
0x6: {  	s6 =	sadd.s32 $0x2C00, s0;
	s8 =	sadd.s32 $0x16600, s0;
	s25 =	smul.u32 $0x2710, s11  }
0x7: {  	s23 =	sshll.u32 s11, $0x6;
	_ =	strace $0x8000004D;
	s7 =	smul.u32 $0x28000, s2  }
0x8: {  	[dreg:$0xc] =	wrdreg s8;
	s9 =	sshll.u32 s2, $0x4;
	s21 =	ssub.s32 $0x2, s2  }
0x9: {  	s2 =	smul.u32 $0x27100, s2;
	s23 =	sor.u32 $0x1C11, s23;
	s9 =	sor.u32 s11, s9  }
0xa: {  	s10 =	sshrl.u32 s21, $0x1;
	s8 =	sshrl.u32 s20, $0x2;
	[dreg:$0xe] =	wrdreg s23  }
0xb: {  	s5 =	sadd.s32 s5, s7;
	s9 =	smul.u32 $0x2710, s9;
	s22 =	sadd.s32 s8, s3  }
0xc: {  	s2 =	sadd.s32 s25, s2;
	s0 =	sadd.s32 s5, s0;
	s5 =	ssub.s32 s21, s10  }
0xd: {  	[dreg:$0xd] =	wrdreg s22;
	s11 =	sadd.s32 $0x2D0, s2;
	s13 =	sadd.s32 $0x280, s2  }
0xe: {  	s19 =	sadd.s32 $0x230, s2;
	s7 =	sshrl.u32 s11, $0x3;
	s0 =	sadd.s32 $0x18E00, s0  }
0xf: {  	s21 =	sshrl.u32 s19, $0x3;
	s7 =	sadd.s32 s7, s6;
	[dreg:$0x1a] =	wrdreg s0  }
0x10: {  	s24 =	sshrl.u32 s9, $0x3;
	s22 =	sadd.s32 s21, s6;
	[dreg:$0x4] =	wrdreg s7  }
0x11: {  	s16 =	sadd.s32 $0x4E390, s2;
	s10 =	sadd.s32 s6, s24;
	[dreg:$0x8] =	wrdreg s22  }
0x12: {  	s18 =	sadd.s32 $0x4E340, s2;
	s8 =	sadd.s32 $0xA, s10;
	[dreg:$0xf] =	wrdreg s10  }
0x13: {  	s17 =	sshrl.u32 s16, $0x3;
	s26 =	sadd.s32 $0x14, s10;
	[dreg:$0x10] =	wrdreg s8  }
0x14: {  	s16 =	simm.s32 $0x4;
	s29 =	sadd.s32 $0x1E, s10;
	[dreg:$0x11] =	wrdreg s26  }
0x15: {  	s19 =	simm.s32 $0xB;
	s30 =	sadd.s32 $0x9C40, s10;
	[dreg:$0x12] =	wrdreg s29  }
0x16: {  	s24 =	sadd.s32 $0x4E430, s2;
	s31 =	sadd.s32 $0x9C4A, s10;
	[dreg:$0x13] =	wrdreg s30  }
0x17: {  	s21 =	simm.s32 $0xE;
	s9 =	sadd.s32 $0x28, s10;
	[dreg:$0x14] =	wrdreg s31  }
0x18: {  	s0 =	simm.s32 $0x0;
	s12 =	sadd.s32 $0x9C5E, s10;
	[dreg:$0x16] =	wrdreg s9  }
0x19: {  	s14 =	sadd.s32 $0x32, s10;
	s7 =	sadd.s32 s17, s6;
	[dreg:$0x17] =	wrdreg s12  }
0x1a: {  	s25 =	sshrl.u32 s24, $0x3;
	s24 =	simm.s32 $0x11;
	[dreg:$0x18] =	wrdreg s14  }
0x1b: {  	s17 =	simm.s32 $0x10;
	s8 =	sadd.s32 $0x9C54, s10;
	[dreg:$0x6] =	wrdreg s7  }
0x1c: {  	s26 =	sadd.s32 $0x1E0, s2;
	s7 =	sadd.s32 s25, s6;
	s2 =	sadd.s32 $0x4E3E0, s2  }
0x1d: {  	s30 =	sadd.s32 $0xA118, s10;
	s31 =	smax.u32 s5, $0x1;
	[dreg:$0x15] =	wrdreg s8  }
0x1e: {  	s9 =	simm.s32 $0x2;
	s14 =	simm.s32 $0x6;
	[dreg:$0x9] =	wrdreg s7  }
0x1f: {  	s12 =	simm.s32 $0x180;
	s8 =	sshrl.u32 s13, $0x3;
	[dreg:$0x19] =	wrdreg s30  }
0x20: {  	s2 =	sshrl.u32 s2, $0x3;
	[dreg:$0x1b] =	wrdreg s31;
	s13 =	simm.s32 $0xF  }
0x21: {  	s7 =	simm.s32 $0xC;
	s15 =	sadd.s32 s8, s6;
	s8 =	sshrl.u32 s18, $0x3  }
0x22: {  	s2 =	sadd.s32 s2, s6;
	s18 =	simm.s32 $0x7;
	[dreg:$0x5] =	wrdreg s15  }
0x23: {  	s20 =	sadd.s32 s8, s6;
	s8 =	sshrl.u32 s26, $0x3;
	[dreg:$0xb] =	wrdreg s2  }
0x24: {  	s15 =	simm.s32 $0xA;
	[dreg:$0x7] =	wrdreg s20;
	s29 =	sadd.s32 s8, s6  }
0x25: {  	s20 =	simm.s32 $0xD;
	s8 =	simm.s32 $0x8;
	[dreg:$0xa] =	wrdreg s29  }
.LBB2_1:
0x26: {  	[dreg:$0x1c] =	wrdreg s0  }
0x27: {  	s22 =	rddreg [dreg:$0xd]  }
0x28: {  	s30 =	rddreg [dreg:$0xc];
	s29 =	sshrl.u32 s22, $0x3  }
0x29: {  	[dreg:$0x1d] =	wrdreg s29  }
0x2a: {  	[spmem:s29], [sflag:s23] =	dma.local [hbm:s30], $0x2800  }
0x2b: {  	_ =	swait.ge [sflag:s24], $0x2800  }
0x2c: {  	[sflag:s24] =	ssyncset.done $0x0  }
0x2d: {  	s31 =	rddreg [dreg:$0xf];
	[sflag:s24] =	ssyncadd.s32 $0xFFFFD800  }
0x2e: {  	[tilespmem:s4], [sflag:$0x11] =	stream.linear.gather [hbm4b:s31+s4], $0x50, $0x38;
	[tilespmem:$0x1E400] =	vst v63  }
0x2f: {  	_ =	swait.ge [sflag:s24], $0x50  }
0x30: {  	[sflag:s24] =	ssyncset.done $0x0  }
0x31: {  	s29 =	simm.s32 $0x80;
	s0 =	rddreg [dreg:$0x10];
	[sflag:s24] =	ssyncadd.s32 $0xFFFFFFB0  }
0x32: {  	[tilespmem:s29], [sflag:$0x11] =	stream.linear.gather [hbm4b:s0+s4], $0x50, $0x38;
	[tilespmem:$0x1E400] =	vst v63  }
0x33: {  	_ =	swait.ge [sflag:s24], $0x50  }
0x34: {  	[sflag:s24] =	ssyncset.done $0x0  }
0x35: {  	s31 =	simm.s32 $0x100;
	s2 =	rddreg [dreg:$0x11];
	[sflag:s24] =	ssyncadd.s32 $0xFFFFFFB0  }
0x36: {  	[tilespmem:s31], [sflag:$0x11] =	stream.linear.gather [hbm4b:s2+s4], $0x50, $0x38;
	[tilespmem:$0x1E400] =	vst v63  }
0x37: {  	_ =	swait.ge [sflag:s24], $0x50  }
0x38: {  	[sflag:s24] =	ssyncset.done $0x0  }
0x39: {  	s11 =	simm.s32 $0x180;
	s5 =	rddreg [dreg:$0x12];
	[sflag:s24] =	ssyncadd.s32 $0xFFFFFFB0  }
0x3a: {  	[tilespmem:s11], [sflag:$0x11] =	stream.linear.gather [hbm4b:s5+s4], $0x50, $0x38;
	[tilespmem:$0x1E400] =	vst v63  }
0x3b: {  	_ =	swait.ge [sflag:s24], $0x50  }
0x3c: {  	[sflag:s24] =	ssyncset.done $0x0  }
0x3d: {  	s23 =	simm.s32 $0x200;
	s6 =	rddreg [dreg:$0x13];
	[sflag:s24] =	ssyncadd.s32 $0xFFFFFFB0  }
0x3e: {  	[tilespmem:s23], [sflag:$0x11] =	stream.linear.gather [hbm4b:s6+s4], $0x50, $0x38;
	[tilespmem:$0x1E400] =	vst v63  }
0x3f: {  	_ =	swait.ge [sflag:s24], $0x50  }
0x40: {  	[sflag:s24] =	ssyncset.done $0x0  }
0x41: {  	s30 =	simm.s32 $0x280;
	s10 =	rddreg [dreg:$0x14];
	[sflag:s24] =	ssyncadd.s32 $0xFFFFFFB0  }
0x42: {  	[tilespmem:s30], [sflag:$0x11] =	stream.linear.gather [hbm4b:s10+s4], $0x50, $0x38;
	[tilespmem:$0x1E400] =	vst v63  }
0x43: {  	_ =	swait.ge [sflag:s24], $0x50  }
0x44: {  	[sflag:s24] =	ssyncset.done $0x0  }
0x45: {  	[sflag:s24] =	ssyncadd.s32 $0xFFFFFFB0  }
0x46: {  	s0 =	simm.s32 $0x400;
	[bflag:$0x0] =	sbarrier.arrive $0xFFFF  }
0x47: {  	[tilespmem:s0], [sflag:$0x1] =	stream.indirect.gather [hbm4b:s1+s28], $0x80, s4, s28, $0xb8;
	[tilespmem:$0x1E400] =	vst v63  }
0x48: {  	s5 =	simm.s32 $0x2C00  }
0x49: {  	[tilespmem:s5], [sflag:$0x2] =	stream.indirect.gather [hbm4b:s1+s28], $0x80, s29, s28, $0xb8;
	[tilespmem:$0x1E400] =	vst v63  }
0x4a: {  	s6 =	simm.s32 $0x300;
	s24 =	rddreg [dreg:$0x15]  }
0x4b: {  	[tilespmem:s6], [sflag:$0xF] =	stream.linear.gather [hbm4b:s24+s4], $0x50, $0x38;
	[tilespmem:$0x1E400] =	vst v63  }
0x4c: {  	s2 =	simm.s32 $0x1;
	s24 =	simm.s32 $0x5400  }
0x4d: {  	[tilespmem:s24], [sflag:$0x3] =	stream.indirect.gather [hbm4b:s1+s28], $0x80, s31, s28, $0xb8;
	[tilespmem:$0x1E400] =	vst v63  }
0x4e: {  	_ =	swait.ge [sflag:s2], $0x2800  }
0x4f: {  	[sflag:s2] =	ssyncset.done $0x0  }
0x50: {  	s25 =	rddreg [dreg:$0x16];
	[sflag:s2] =	ssyncadd.s32 $0xFFFFD800  }
0x51: {  	[tilespmem:s4], [sflag:$0x9] =	stream.linear.gather [hbm4b:s25+s4], $0x50, $0x38;
	[tilespmem:$0x1E400] =	vst v63  }
0x52: {  	_ = 	snop  }
0x53: {  	[spmem:s3] =	stream.indirect.scatter.add.f32 [tilespmem:s0], [sflag:$0x5], $0x80, s23, s28, $0xb8;
	[tilespmem:$0x1E400] =	vst v63  }
0x54: {  	s26 =	rddreg [dreg:$0x17];
	s25 =	simm.s32 $0x380  }
0x55: {  	[tilespmem:s25], [sflag:$0x10] =	stream.linear.gather [hbm4b:s26+s4], $0x50, $0x38;
	[tilespmem:$0x1E400] =	vst v63  }
0x56: {  	s26 =	simm.s32 $0x7C00  }
0x57: {  	[tilespmem:s26], [sflag:$0x4] =	stream.indirect.gather [hbm4b:s1+s28], $0x80, s11, s28, $0xb8;
	[tilespmem:$0x1E400] =	vst v63  }
0x58: {  	_ =	swait.ge [sflag:s9], $0x2800  }
0x59: {  	[sflag:s9] =	ssyncset.done $0x0  }
0x5a: {  	s10 =	rddreg [dreg:$0x18];
	[sflag:s9] =	ssyncadd.s32 $0xFFFFD800  }
0x5b: {  	[tilespmem:s29], [sflag:$0xA] =	stream.linear.gather [hbm4b:s10+s4], $0x50, $0x38;
	[tilespmem:$0x1E400] =	vst v63  }
0x5c: {  	s10 =	simm.s32 $0x5  }
0x5d: {  	[spmem:s3] =	stream.indirect.scatter.add.f32 [tilespmem:s5], [sflag:$0x6], $0x80, s30, s28, $0xb8;
	[tilespmem:$0x1E400] =	vst v63  }
0x5e: {  	_ =	swait.ge [sflag:s10], $0x2800  }
0x5f: {  	s22 =	rddreg [dreg:$0x7];
	[sflag:s10] =	ssyncset.done $0x0  }
0x60: {  	[sflag:s10] =	ssyncadd.s32 $0xFFFFD800;
	s22 =	sadd.s32 $0x0, s22  }
0x61: {  	[tilespmem:s23], [sflag:$0xD] =	stream.linear.gather [hbm4b:s22+s4], $0x50, $0x38;
	[tilespmem:$0x1E400] =	vst v63  }
0x62: {  	s22 =	simm.s32 $0x9  }
0x63: {  	_ =	swait.ge [sflag:s22], $0x50  }
0x64: {  	[sflag:s22] =	ssyncset.done $0x0  }
0x65: {  	s10 =	simm.s32 $0x3;
	[sflag:s22] =	ssyncadd.s32 $0xFFFFFFB0  }
0x66: {  	[tilespmem:s0], [sflag:$0x1] =	stream.indirect.gather [hbm4b:s1+s28], $0x80, s4, s28, $0xb8;
	[tilespmem:$0x1E400] =	vst v63  }
0x67: {  	_ =	swait.ge [sflag:s10], $0x2800  }
0x68: {  	s22 =	rddreg [dreg:$0xa];
	[sflag:s10] =	ssyncset.done $0x0  }
0x69: {  	[sflag:s10] =	ssyncadd.s32 $0xFFFFD800;
	s22 =	sadd.s32 $0x0, s22  }
0x6a: {  	[tilespmem:s31], [sflag:$0xB] =	stream.linear.gather [hbm4b:s22+s4], $0x50, $0x38;
	[tilespmem:$0x1E400] =	vst v63  }
0x6b: {  	_ =	swait.ge [sflag:s13], $0x50  }
0x6c: {  	[sflag:s13] =	ssyncset.done $0x0  }
0x6d: {  	[sflag:s13] =	ssyncadd.s32 $0xFFFFFFB0  }
0x6e: {  	[spmem:s3] =	stream.indirect.scatter.add.f32 [tilespmem:s24], [sflag:$0x7], $0x80, s6, s28, $0xb8;
	[tilespmem:$0x1E400] =	vst v63  }
0x6f: {  	_ =	swait.ge [sflag:s14], $0x2800  }
0x70: {  	s10 =	rddreg [dreg:$0x6];
	[sflag:s14] =	ssyncset.done $0x0  }
0x71: {  	[sflag:s14] =	ssyncadd.s32 $0xFFFFD800;
	s22 =	sadd.s32 $0x0, s10  }
0x72: {  	[tilespmem:s30], [sflag:$0xE] =	stream.linear.gather [hbm4b:s22+s4], $0x50, $0x38;
	[tilespmem:$0x1E400] =	vst v63  }
0x73: {  	_ =	swait.ge [sflag:s15], $0x50  }
0x74: {  	[sflag:s15] =	ssyncset.done $0x0  }
0x75: {  	[sflag:s15] =	ssyncadd.s32 $0xFFFFFFB0  }
0x76: {  	[tilespmem:s5], [sflag:$0x2] =	stream.indirect.gather [hbm4b:s1+s28], $0x80, s29, s28, $0xb8;
	[tilespmem:$0x1E400] =	vst v63  }
0x77: {  	_ =	swait.ge [sflag:s16], $0x2800  }
0x78: {  	s5 =	rddreg [dreg:$0x8];
	[sflag:s16] =	ssyncset.done $0x0  }
0x79: {  	[sflag:s16] =	ssyncadd.s32 $0xFFFFD800;
	s22 =	sadd.s32 $0x0, s5  }
0x7a: {  	[tilespmem:s11], [sflag:$0xC] =	stream.linear.gather [hbm4b:s22+s4], $0x50, $0x38;
	[tilespmem:$0x1E400] =	vst v63  }
0x7b: {  	_ =	swait.ge [sflag:s17], $0x50  }
0x7c: {  	[sflag:s17] =	ssyncset.done $0x0  }
0x7d: {  	[sflag:s17] =	ssyncadd.s32 $0xFFFFFFB0  }
0x7e: {  	[spmem:s3] =	stream.indirect.scatter.add.f32 [tilespmem:s26], [sflag:$0x8], $0x80, s25, s28, $0xb8;
	[tilespmem:$0x1E400] =	vst v63  }
0x7f: {  	_ =	swait.ge [sflag:s18], $0x2800  }
0x80: {  	s10 =	rddreg [dreg:$0xb];
	[sflag:s18] =	ssyncset.done $0x0  }
0x81: {  	[sflag:s18] =	ssyncadd.s32 $0xFFFFD800;
	s22 =	sadd.s32 $0x0, s10  }
0x82: {  	[tilespmem:s6], [sflag:$0xF] =	stream.linear.gather [hbm4b:s22+s4], $0x50, $0x38;
	[tilespmem:$0x1E400] =	vst v63  }
0x83: {  	_ =	swait.ge [sflag:s19], $0x50  }
0x84: {  	[sflag:s19] =	ssyncset.done $0x0  }
0x85: {  	[sflag:s19] =	ssyncadd.s32 $0xFFFFFFB0  }
0x86: {  	[tilespmem:s24], [sflag:$0x3] =	stream.indirect.gather [hbm4b:s1+s28], $0x80, s31, s28, $0xb8;
	[tilespmem:$0x1E400] =	vst v63  }
0x87: {  	_ =	swait.ge [sflag:s2], $0x2800  }
0x88: {  	s24 =	rddreg [dreg:$0x5];
	[sflag:s2] =	ssyncset.done $0x0  }
0x89: {  	[sflag:s2] =	ssyncadd.s32 $0xFFFFD800;
	s22 =	sadd.s32 $0x0, s24  }
0x8a: {  	[tilespmem:s4], [sflag:$0x9] =	stream.linear.gather [hbm4b:s22+s4], $0x50, $0x38;
	[tilespmem:$0x1E400] =	vst v63  }
0x8b: {  	_ =	swait.ge [sflag:s20], $0x50  }
0x8c: {  	[sflag:s20] =	ssyncset.done $0x0  }
0x8d: {  	[sflag:s20] =	ssyncadd.s32 $0xFFFFFFB0  }
0x8e: {  	[spmem:s3] =	stream.indirect.scatter.add.f32 [tilespmem:s0], [sflag:$0x5], $0x80, s23, s28, $0xb8;
	[tilespmem:$0x1E400] =	vst v63  }
0x8f: {  	_ =	swait.ge [sflag:s8], $0x2800  }
0x90: {  	s30 =	rddreg [dreg:$0x9];
	[sflag:s8] =	ssyncset.done $0x0  }
0x91: {  	[sflag:s8] =	ssyncadd.s32 $0xFFFFD800;
	s22 =	sadd.s32 $0x0, s30  }
0x92: {  	[tilespmem:s25], [sflag:$0x10] =	stream.linear.gather [hbm4b:s22+s4], $0x50, $0x38;
	[tilespmem:$0x1E400] =	vst v63  }
0x93: {  	_ =	swait.ge [sflag:s7], $0x50  }
0x94: {  	[sflag:s7] =	ssyncset.done $0x0  }
0x95: {  	[sflag:s7] =	ssyncadd.s32 $0xFFFFFFB0  }
0x96: {  	[tilespmem:s26], [sflag:$0x4] =	stream.indirect.gather [hbm4b:s1+s28], $0x80, s11, s28, $0xb8;
	[tilespmem:$0x1E400] =	vst v63  }
0x97: {  	_ =	swait.ge [sflag:s9], $0x2800  }
0x98: {  	s31 =	rddreg [dreg:$0x4];
	[sflag:s9] =	ssyncset.done $0x0  }
0x99: {  	[sflag:s9] =	ssyncadd.s32 $0xFFFFD800;
	s22 =	sadd.s32 $0x0, s31  }
0x9a: {  	[tilespmem:s29], [sflag:$0xA] =	stream.linear.gather [hbm4b:s22+s4], $0x50, $0x38;
	[tilespmem:$0x1E400] =	vst v63  }
0x9b: {  	_ =	swait.ge [sflag:s21], $0x50  }
0x9c: {  	[sflag:s21] =	ssyncset.done $0x0  }
0x9d: {  	s10 =	simm.s32 $0x2;
	s22 =	simm.s32 $0x28;
	[sflag:s21] =	ssyncadd.s32 $0xFFFFFFB0  }
.LBB2_2:
0x9e: {  	s0 =	simm.s32 $0x280;
	s6 =	simm.s32 $0x2C00;
	s2 =	simm.s32 $0x5  }
0x9f: {  	[spmem:s3] =	stream.indirect.scatter.add.f32 [tilespmem:s6], [sflag:$0x6], $0x80, s0, s28, $0xb8;
	[tilespmem:$0x1E400] =	vst v63  }
0xa0: {  	_ =	swait.ge [sflag:s2], $0x2800  }
0xa1: {  	s23 =	smov.u32 s22;
	s24 =	rddreg [dreg:$0x7];
	[sflag:s2] =	ssyncset.done $0x0  }
0xa2: {  	s30 =	simm.s32 $0x200;
	[sflag:s2] =	ssyncadd.s32 $0xFFFFD800;
	s24 =	sadd.s32 s23, s24  }
0xa3: {  	[tilespmem:s30], [sflag:$0xD] =	stream.linear.gather [hbm4b:s24+s4], $0x50, $0x38;
	[tilespmem:$0x1E400] =	vst v63  }
0xa4: {  	s24 =	simm.s32 $0x9  }
0xa5: {  	_ =	swait.ge [sflag:s24], $0x50  }
0xa6: {  	[sflag:s24] =	ssyncset.done $0x0  }
0xa7: {  	s5 =	simm.s32 $0x400;
	s25 =	simm.s32 $0x3;
	[sflag:s24] =	ssyncadd.s32 $0xFFFFFFB0  }
0xa8: {  	[tilespmem:s5], [sflag:$0x1] =	stream.indirect.gather [hbm4b:s1+s28], $0x80, s4, s28, $0xb8;
	[tilespmem:$0x1E400] =	vst v63  }
0xa9: {  	_ =	swait.ge [sflag:s25], $0x2800  }
0xaa: {  	s26 =	rddreg [dreg:$0xa];
	[sflag:s25] =	ssyncset.done $0x0  }
0xab: {  	s11 =	simm.s32 $0x100;
	[sflag:s25] =	ssyncadd.s32 $0xFFFFD800;
	s24 =	sadd.s32 s23, s26  }
0xac: {  	[tilespmem:s11], [sflag:$0xB] =	stream.linear.gather [hbm4b:s24+s4], $0x50, $0x38;
	[tilespmem:$0x1E400] =	vst v63  }
0xad: {  	_ =	swait.ge [sflag:s13], $0x50  }
0xae: {  	[sflag:s13] =	ssyncset.done $0x0  }
0xaf: {  	s25 =	simm.s32 $0x300;
	s26 =	simm.s32 $0x5400;
	[sflag:s13] =	ssyncadd.s32 $0xFFFFFFB0  }
0xb0: {  	[spmem:s3] =	stream.indirect.scatter.add.f32 [tilespmem:s26], [sflag:$0x7], $0x80, s25, s28, $0xb8;
	[tilespmem:$0x1E400] =	vst v63  }
0xb1: {  	_ =	swait.ge [sflag:s14], $0x2800  }
0xb2: {  	s29 =	rddreg [dreg:$0x6];
	[sflag:s14] =	ssyncset.done $0x0  }
0xb3: {  	[sflag:s14] =	ssyncadd.s32 $0xFFFFD800;
	s24 =	sadd.s32 s23, s29  }
0xb4: {  	[tilespmem:s0], [sflag:$0xE] =	stream.linear.gather [hbm4b:s24+s4], $0x50, $0x38;
	[tilespmem:$0x1E400] =	vst v63  }
0xb5: {  	_ =	swait.ge [sflag:s15], $0x50  }
0xb6: {  	[sflag:s15] =	ssyncset.done $0x0  }
0xb7: {  	s9 =	simm.s32 $0x80;
	[sflag:s15] =	ssyncadd.s32 $0xFFFFFFB0  }
0xb8: {  	[tilespmem:s6], [sflag:$0x2] =	stream.indirect.gather [hbm4b:s1+s28], $0x80, s9, s28, $0xb8;
	[tilespmem:$0x1E400] =	vst v63  }
0xb9: {  	_ =	swait.ge [sflag:s16], $0x2800  }
0xba: {  	s2 =	rddreg [dreg:$0x8];
	[sflag:s16] =	ssyncset.done $0x0  }
0xbb: {  	[sflag:s16] =	ssyncadd.s32 $0xFFFFD800;
	s24 =	sadd.s32 s23, s2  }
0xbc: {  	[tilespmem:s12], [sflag:$0xC] =	stream.linear.gather [hbm4b:s24+s4], $0x50, $0x38;
	[tilespmem:$0x1E400] =	vst v63  }
0xbd: {  	_ =	swait.ge [sflag:s17], $0x50  }
0xbe: {  	[sflag:s17] =	ssyncset.done $0x0  }
0xbf: {  	s29 =	simm.s32 $0x380;
	s2 =	simm.s32 $0x7C00;
	[sflag:s17] =	ssyncadd.s32 $0xFFFFFFB0  }
0xc0: {  	[spmem:s3] =	stream.indirect.scatter.add.f32 [tilespmem:s2], [sflag:$0x8], $0x80, s29, s28, $0xb8;
	[tilespmem:$0x1E400] =	vst v63  }
0xc1: {  	_ =	swait.ge [sflag:s18], $0x2800  }
0xc2: {  	s6 =	rddreg [dreg:$0xb];
	[sflag:s18] =	ssyncset.done $0x0  }
0xc3: {  	[sflag:s18] =	ssyncadd.s32 $0xFFFFD800;
	s24 =	sadd.s32 s23, s6  }
0xc4: {  	[tilespmem:s25], [sflag:$0xF] =	stream.linear.gather [hbm4b:s24+s4], $0x50, $0x38;
	[tilespmem:$0x1E400] =	vst v63  }
0xc5: {  	_ =	swait.ge [sflag:s19], $0x50  }
0xc6: {  	[sflag:s19] =	ssyncset.done $0x0  }
0xc7: {  	s24 =	simm.s32 $0x1;
	[sflag:s19] =	ssyncadd.s32 $0xFFFFFFB0  }
0xc8: {  	[tilespmem:s26], [sflag:$0x3] =	stream.indirect.gather [hbm4b:s1+s28], $0x80, s11, s28, $0xb8;
	[tilespmem:$0x1E400] =	vst v63  }
0xc9: {  	_ =	swait.ge [sflag:s24], $0x2800  }
0xca: {  	s11 =	rddreg [dreg:$0x5];
	[sflag:s24] =	ssyncset.done $0x0  }
0xcb: {  	[sflag:s24] =	ssyncadd.s32 $0xFFFFD800;
	s24 =	sadd.s32 s23, s11  }
0xcc: {  	[tilespmem:s4], [sflag:$0x9] =	stream.linear.gather [hbm4b:s24+s4], $0x50, $0x38;
	[tilespmem:$0x1E400] =	vst v63  }
0xcd: {  	_ =	swait.ge [sflag:s20], $0x50  }
0xce: {  	[sflag:s20] =	ssyncset.done $0x0  }
0xcf: {  	[sflag:s20] =	ssyncadd.s32 $0xFFFFFFB0  }
0xd0: {  	[spmem:s3] =	stream.indirect.scatter.add.f32 [tilespmem:s5], [sflag:$0x5], $0x80, s30, s28, $0xb8;
	[tilespmem:$0x1E400] =	vst v63  }
0xd1: {  	_ =	swait.ge [sflag:s8], $0x2800  }
0xd2: {  	s26 =	rddreg [dreg:$0x9];
	[sflag:s8] =	ssyncset.done $0x0  }
0xd3: {  	[sflag:s8] =	ssyncadd.s32 $0xFFFFD800;
	s24 =	sadd.s32 s23, s26  }
0xd4: {  	[tilespmem:s29], [sflag:$0x10] =	stream.linear.gather [hbm4b:s24+s4], $0x50, $0x38;
	[tilespmem:$0x1E400] =	vst v63  }
0xd5: {  	_ =	swait.ge [sflag:s7], $0x50  }
0xd6: {  	[sflag:s7] =	ssyncset.done $0x0  }
0xd7: {  	[sflag:s7] =	ssyncadd.s32 $0xFFFFFFB0  }
0xd8: {  	[tilespmem:s2], [sflag:$0x4] =	stream.indirect.gather [hbm4b:s1+s28], $0x80, s12, s28, $0xb8;
	[tilespmem:$0x1E400] =	vst v63  }
0xd9: {  	p0 =	sne.s32 s22, $0x488;
	_ =	swait.ge [sflag:s10], $0x2800  }
0xda: {  	s22 =	sadd.s32 $0x28, s22;
	s30 =	rddreg [dreg:$0x4];
	[sflag:s10] =	ssyncset.done $0x0  }
.Ltmp0:
0xdb: {  	[sflag:s10] =	ssyncadd.s32 $0xFFFFD800;
	s23 =	sadd.s32 s23, s30;
	(pc) =	sbr.rel @p0 .LBB2_2-.Ltmp0, $4  }
0xdc: {  	[tilespmem:s9], [sflag:$0xA] =	stream.linear.gather [hbm4b:s23+s4], $0x50, $0x38;
	[tilespmem:$0x1E400] =	vst v63  }
0xdd: {  	s31 =	simm.s32 $0x280;
	s0 =	simm.s32 $0x2C00;
	_ =	swait.ge [sflag:s21], $0x50  }
0xde: {  	s6 =	simm.s32 $0x300;
	s25 =	simm.s32 $0x5400;
	[sflag:s21] =	ssyncset.done $0x0  }
0xdf: {  	s5 =	simm.s32 $0x380;
	s26 =	simm.s32 $0x7C00;
	[sflag:s21] =	ssyncadd.s32 $0xFFFFFFB0  }
0xe0: {  	[spmem:s3] =	stream.indirect.scatter.add.f32 [tilespmem:s0], [sflag:$0x6], $0x80, s31, s28, $0xb8;
	[tilespmem:$0x1E400] =	vst v63  }
0xe1: {  	s9 =	simm.s32 $0x5  }
0xe2: {  	_ =	swait.ge [sflag:s9], $0x2800  }
0xe3: {  	[sflag:s9] =	ssyncset.done $0x0  }
0xe4: {  	s23 =	simm.s32 $0x200;
	s22 =	rddreg [dreg:$0x19];
	[sflag:s9] =	ssyncadd.s32 $0xFFFFD800  }
0xe5: {  	[tilespmem:s23], [sflag:$0xD] =	stream.linear.gather [hbm4b:s22+s4], $0x50, $0x38;
	[tilespmem:$0x1E400] =	vst v63  }
0xe6: {  	s22 =	simm.s32 $0x9  }
0xe7: {  	_ =	swait.ge [sflag:s22], $0x50  }
0xe8: {  	[sflag:s22] =	ssyncset.done $0x0  }
0xe9: {  	s24 =	simm.s32 $0x400;
	s2 =	simm.s32 $0x3;
	[sflag:s22] =	ssyncadd.s32 $0xFFFFFFB0  }
0xea: {  	[tilespmem:s24], [sflag:$0x1] =	stream.indirect.gather [hbm4b:s1+s28], $0x80, s4, s28, $0xb8;
	[tilespmem:$0x1E400] =	vst v63  }
0xeb: {  	_ =	swait.ge [sflag:s2], $0x2800  }
0xec: {  	[sflag:s2] =	ssyncset.done $0x0  }
0xed: {  	[sflag:s2] =	ssyncadd.s32 $0xFFFFD800  }
0xee: {  	_ =	swait.ge [sflag:s13], $0x50  }
0xef: {  	[sflag:s13] =	ssyncset.done $0x0  }
0xf0: {  	[sflag:s13] =	ssyncadd.s32 $0xFFFFFFB0  }
0xf1: {  	[spmem:s3] =	stream.indirect.scatter.add.f32 [tilespmem:s25], [sflag:$0x7], $0x80, s6, s28, $0xb8;
	[tilespmem:$0x1E400] =	vst v63  }
0xf2: {  	_ =	swait.ge [sflag:s16], $0x2800  }
0xf3: {  	[sflag:s16] =	ssyncset.done $0x0  }
0xf4: {  	[sflag:s16] =	ssyncadd.s32 $0xFFFFD800  }
0xf5: {  	_ =	swait.ge [sflag:s17], $0x50  }
0xf6: {  	[sflag:s17] =	ssyncset.done $0x0  }
0xf7: {  	s25 =	simm.s32 $0x1;
	[sflag:s17] =	ssyncadd.s32 $0xFFFFFFB0  }
0xf8: {  	[spmem:s3] =	stream.indirect.scatter.add.f32 [tilespmem:s26], [sflag:$0x8], $0x80, s5, s28, $0xb8;
	[tilespmem:$0x1E400] =	vst v63  }
0xf9: {  	_ =	swait.ge [sflag:s25], $0x2800  }
0xfa: {  	[sflag:s25] =	ssyncset.done $0x0  }
0xfb: {  	[sflag:s25] =	ssyncadd.s32 $0xFFFFD800  }
0xfc: {  	_ =	swait.ge [sflag:s20], $0x50  }
0xfd: {  	[sflag:s20] =	ssyncset.done $0x0  }
0xfe: {  	[sflag:s20] =	ssyncadd.s32 $0xFFFFFFB0  }
0xff: {  	[spmem:s3] =	stream.indirect.scatter.add.f32 [tilespmem:s24], [sflag:$0x5], $0x80, s23, s28, $0xb8;
	[tilespmem:$0x1E400] =	vst v63  }
0x100: {  	_ =	swait.ge [sflag:s15], $0x50  }
0x101: {  	[sflag:s15] =	ssyncset.done $0x0  }
0x102: {  	[sflag:s15] =	ssyncadd.s32 $0xFFFFFFB0  }
0x103: {  	_ =	swait.ge [sflag:s14], $0x2800  }
0x104: {  	[sflag:s14] =	ssyncset.done $0x0  }
0x105: {  	[sflag:s14] =	ssyncadd.s32 $0xFFFFD800  }
0x106: {  	_ =	swait.ge [sflag:s18], $0x2800  }
0x107: {  	[sflag:s18] =	ssyncset.done $0x0  }
0x108: {  	[sflag:s18] =	ssyncadd.s32 $0xFFFFD800  }
0x109: {  	_ =	swait.ge [sflag:s8], $0x2800  }
0x10a: {  	[sflag:s8] =	ssyncset.done $0x0  }
0x10b: {  	[sflag:s8] =	ssyncadd.s32 $0xFFFFD800  }
0x10c: {  	_ =	swait.ge [sflag:s9], $0x2800  }
0x10d: {  	[sflag:s9] =	ssyncset.done $0x0  }
0x10e: {  	[sflag:s9] =	ssyncadd.s32 $0xFFFFD800  }
0x10f: {  	[bflag:$0x0] =	sbarrier.arrive $0xFFFF  }
0x110: {  	s23 =	rddreg [dreg:$0xe]  }
0x111: {  	s26 =	rddreg [dreg:$0x1a]  }
0x112: {  	s24 =	simm.s32 $0x11;
	s29 =	rddreg [dreg:$0x1d]  }
0x113: {  	[hbm:s26], [sflag:s23] =	dma.local [spmem:s29], $0x2800  }
0x114: {  	_ =	swait.ge [sflag:s24], $0x2800  }
0x115: {  	s30 =	rddreg [dreg:$0x1c]  }
0x116: {  	s31 =	rddreg [dreg:$0x1b];
	s0 =	sadd.s32 $0x1, s30  }
0x117: {  	p0 =	sne.s32 s0, s31  }
.Ltmp1:
0x118: {  	_ = 	snop;
	(pc) =	sbr.rel @p0 .LBB2_1-.Ltmp1, $3  }
0x119: {  	_ =	sdelay $0x1  }
0x11a: {  	[sflag:s24] =	ssyncset.done $0x0  }
0x11b: {  	s9 =	simm.s32 $0x2;
	[sflag:s24] =	ssyncadd.s32 $0xFFFFD800  }
0x11c: {  	_ =	sfence.sel $0x180000  }
0x11d: {  	[bflag:$0x0] =	sbarrier.arrive $0xFFFF  }
0x11e: {  	_ =	strace $0x9000004D  }
0x11f: {  	s0 =	stileid.u32;
	[bflag:$0x2] =	sbarrier.arrive $0xFFFF  }
0x120: {  	p0 =	sne.s32 s0, $0x0;
	s0 =	rddreg [dreg:$0x3]  }
0x121: {  	s0 =	sadd.s32 @!p0 $0x100000, s0  }
0x122: {  	[sflag:s0] =	ssyncadd.tile.s32 @!p0 $0x1;
	_ =	shalt  }
.Lfunc_end2:
_tile_overlayer_lowered:
.L_overlay_start_2:
0x123: {  	(tag) =	ssettag $0x2  }
0x124: {  	s0 =	rddreg [dreg:$0x0];
	s2 =	stileid.u32  }
0x125: {  	s1 =	rddreg [dreg:$0x1];
	p0 =	sne.s32 s2, $0x0  }
0x126: {  	s3 =	rddreg [dreg:$0x2];
	[bflag:$0x3] =	sbarrier.arrive $0xFFFF;
	s2 =	simm.s32 @!p0 $0x1C11  }
0x127: {  	[timem:s3], [sflag:s2] =	dma.local @!p0 [hbm:s0], s1  }
0x128: {  	s0 =	simm.s32 @!p0 $0x11  }
0x129: {  	_ =	swait.ge @!p0 [sflag:s0], s1  }
0x12a: {  	s1 =	ssub.s32 @!p0 $0x0, s1;
	[sflag:s0] =	ssyncset.done @!p0 $0x0  }
0x12b: {  	[sflag:s0] =	ssyncadd.s32 @!p0 s1  }
0x12c: {  	[bflag:$0x3] =	sbarrier.arrive $0xFFFF  }
0x12d: {  	_ =	shalt  }

// kernel: kernel.8.cloned.1.call-start
scs
__scs_entry_jumppad:
0x0: {  	(pc) =	sbr.rel $0x88, $3  }
0x1: {  	(tag) =	ssettag $0x0;
	lr =	simm.s32 $0x1  }
0x2: {  	[smem:$0x3F99] =	sst lr;
	_ =	strace $0xD0000000  }
0x3: {  	_ = 	snop  }
0x4: {  	_ = 	snop  }
0x5: {  	_ = 	snop  }
0x6: {  	_ = 	snop  }
0x7: {  	_ = 	snop  }
__scs_overlays_trampoline_lowered:
0x8: {  	[smem:$0x3FA8] =	sst s0  }
0x9: {  	[smem:$0x3FA9] =	sst s1  }
0xa: {  	[smem:$0x3FAA] =	sst s2  }
0xb: {  	[smem:$0x3FAB] =	sst s3  }
0xc: {  	[smem:$0x3FAC] =	sst s4  }
0xd: {  	[smem:$0x3FAD] =	sst s5  }
0xe: {  	[smem:$0x3FAE] =	sst s6  }
0xf: {  	[smem:$0x3FAF] =	sst s7  }
0x10: {  	[smem:$0x3FB0] =	sst s8  }
0x11: {  	[smem:$0x3FB1] =	sst s9;
	s0 =	simm.s32 @!p0 $0x0  }
0x12: {  	s1 =	sld [smem:$0x3F97];
	s0 =	simm.s32 @p0 $0x1  }
0x13: {  	[smem:$0x3FB2] =	sst s0;
	s0 =	simm.s32 @!p1 $0x0  }
0x14: {  	s2 =	sld [smem:$0x3F96];
	s0 =	simm.s32 @p1 $0x1  }
0x15: {  	[smem:$0x3FB3] =	sst s0;
	s0 =	simm.s32 @!p2 $0x0  }
0x16: {  	s3 =	sld [smem:$0x3FDB];
	s0 =	simm.s32 @p2 $0x1  }
0x17: {  	s4 =	simm.s32 $0x1BF5;
	[smem:$0x3FB5] =	sst s0  }
0x18: {  	s0 =	sld [smem:$0x3F98];
	_ =	swait.ge [sflag:s4], $0x0  }
0x19: {  	s7 =	sld [smem:$0x3F99]  }
0x1a: {  	s8 =	sadd.s32 $0xFFFFE003, lr  }
0x1b: {  	s9 =	sadd.s32 $0xFFFFFEF7, lr;
	s5 =	simm.s32 $0xFFFFFFFF;
	p2 =	slt.u32 s8, $0xFFFFF086  }
0x1c: {  	p1 =	slt.u32 s9, $0xF7A;
	s5 =	simm.s32 @!p2 $0x0  }
0x1d: {  	s5 =	simm.s32 @p1 $0x1;
	p0 =	seq.s32 s7, s2  }
0x1e: {  	s7 =	smul.u32 @!p0 $0xF7A, s2;
	p2 =	seq.s32 @!p0 s5, $0x0  }
0x1f: {  	s9 =	smul.u32 $0xF7A, s1;
	s8 =	simm.s32 @!p0 $0x1BF5;
	p2 =	por !p2, p0  }
0x20: {  	[sflag:s8] =	ssyncset.s32 @!p0 $0xFFFFF086;
	s6 =	sadd.s32 @!p0 s3, s7;
	s7 =	simm.s32 @!p0 $0x108  }
0x21: {  	s3 =	sadd.s32 s3, s9;
	s6 =	sadd.s32 @!p0 $0x88, s6;
	s7 =	simm.s32 @p2 $0x1082  }
0x22: {  	[simem:s7], [sflag:s8] =	dma.local @!p0 [hbm:s6], $0xF7A  }
0x23: {  	s9 =	sor.u32 $0xD0000000, s2;
	s6 =	simm.s32 $0x108;
	_ =	swait.ge @!p0 [sflag:s8], $0x0  }
0x24: {  	s3 =	sadd.s32 $0x88, s3;
	s6 =	simm.s32 @!p1 $0x1082;
	[sflag:s4] =	ssyncset.s32 $0xFFFFF086  }
0x25: {  	[simem:s6], [sflag:s4] =	dma.local [hbm:s3], $0xF7A  }
0x26: {  	[smem:$0x3F99] =	sst s1;
	(tag) =	ssettag s2;
	_ =	strace s9  }
0x27: {  	s1 =	sld [smem:$0x3FA9]  }
0x28: {  	s2 =	sld [smem:$0x3FAA]  }
0x29: {  	s4 =	sld [smem:$0x3FAC]  }
0x2a: {  	p0 =	seq.s32 s5, $0x0;
	s5 =	sld [smem:$0x3FAD]  }
0x2b: {  	s6 =	sld [smem:$0x3FAE]  }
0x2c: {  	s7 =	sld [smem:$0x3FAF]  }
0x2d: {  	s3 =	simm.s32 $0x108;
	s8 =	sld [smem:$0x3FB0]  }
0x2e: {  	s3 =	simm.s32 @!p0 $0x1082;
	s9 =	sld [smem:$0x3FB1]  }
0x2f: {  	lr =	sadd.s32 s0, s3;
	s0 =	sld [smem:$0x3FA8]  }
0x30: {  	s3 =	sld [smem:$0x3FAB]  }
0x31: {  	[smem:$0x3FB4] =	sst s10  }
0x32: {  	s10 =	sld [smem:$0x3FB2];
	_ =	sdelay $0x3  }
0x33: {  	p0 =	seq.s32 s10, $0x1;
	s10 =	sld [smem:$0x3FB4];
	_ =	sdelay $0x3  }
0x34: {  	[smem:$0x3FB4] =	sst s10  }
0x35: {  	s10 =	sld [smem:$0x3FB3];
	_ =	sdelay $0x3  }
0x36: {  	p1 =	seq.s32 s10, $0x1;
	s10 =	sld [smem:$0x3FB4];
	_ =	sdelay $0x3  }
0x37: {  	[smem:$0x3FB4] =	sst s10  }
0x38: {  	s10 =	sld [smem:$0x3FB5]  }
0x39: {  	_ = 	snop;
	(pc) =	sbr.ind lr, $3  }
0x3a: {  	_ = 	snop  }
0x3b: {  	_ = 	snop  }
0x3c: {  	p2 =	seq.s32 s10, $0x1;
	s10 =	sld [smem:$0x3FB4]  }
0x3d: {  	_ =	shalt  }
0x3e: {  	_ =	shalt  }
0x3f: {  	_ =	shalt  }
0x40: {  	_ =	shalt  }
0x41: {  	_ =	shalt  }
0x42: {  	_ =	shalt  }
0x43: {  	_ =	shalt  }
0x44: {  	_ =	shalt  }
0x45: {  	_ =	shalt  }
0x46: {  	_ =	shalt  }
0x47: {  	_ =	shalt  }
0x48: {  	_ =	shalt  }
0x49: {  	_ =	shalt  }
0x4a: {  	_ =	shalt  }
0x4b: {  	_ =	shalt  }
0x4c: {  	_ =	shalt  }
0x4d: {  	_ =	shalt  }
0x4e: {  	_ =	shalt  }
0x4f: {  	_ =	shalt  }
0x50: {  	_ =	shalt  }
0x51: {  	_ =	shalt  }
0x52: {  	_ =	shalt  }
0x53: {  	_ =	shalt  }
0x54: {  	_ =	shalt  }
0x55: {  	_ =	shalt  }
0x56: {  	_ =	shalt  }
0x57: {  	_ =	shalt  }
0x58: {  	_ =	shalt  }
0x59: {  	_ =	shalt  }
0x5a: {  	_ =	shalt  }
0x5b: {  	_ =	shalt  }
0x5c: {  	_ =	shalt  }
0x5d: {  	_ =	shalt  }
0x5e: {  	_ =	shalt  }
0x5f: {  	_ =	shalt  }
0x60: {  	_ =	shalt  }
0x61: {  	_ =	shalt  }
0x62: {  	_ =	shalt  }
0x63: {  	_ =	shalt  }
0x64: {  	_ =	shalt  }
0x65: {  	_ =	shalt  }
0x66: {  	_ =	shalt  }
0x67: {  	_ =	shalt  }
0x68: {  	_ =	shalt  }
0x69: {  	_ =	shalt  }
0x6a: {  	_ =	shalt  }
0x6b: {  	_ =	shalt  }
0x6c: {  	_ =	shalt  }
0x6d: {  	_ =	shalt  }
0x6e: {  	_ =	shalt  }
0x6f: {  	_ =	shalt  }
0x70: {  	_ =	shalt  }
0x71: {  	_ =	shalt  }
0x72: {  	_ =	shalt  }
0x73: {  	_ =	shalt  }
0x74: {  	_ =	shalt  }
0x75: {  	_ =	shalt  }
0x76: {  	_ =	shalt  }
0x77: {  	_ =	shalt  }
0x78: {  	_ =	shalt  }
0x79: {  	_ =	shalt  }
0x7a: {  	_ =	shalt  }
0x7b: {  	_ =	shalt  }
0x7c: {  	_ =	shalt  }
0x7d: {  	_ =	shalt  }
0x7e: {  	_ =	shalt  }
0x7f: {  	_ =	shalt  }
0x80: {  	_ =	shalt  }
0x81: {  	_ =	shalt  }
0x82: {  	_ =	shalt  }
0x83: {  	_ =	shalt  }
0x84: {  	_ =	shalt  }
0x85: {  	_ =	shalt  }
0x86: {  	_ =	shalt  }
0x87: {  	_ =	shalt  }
.Lfunc_end0:
.L_simem_size_0:
called_computation_lowered:
.L_overlay_start_0:
0x88: {  	s2 =	sld [smem:$0x3FD9]  }
0x89: {  	s3 =	sld [smem:$0x3FFE];
	_ =	sdelay $0x1  }
0x8a: {  	s1 =	srdreg.scid  }
0x8b: {  	s0 =	sand.u32 $0x1, s1  }
0x8c: {  	s17 =	sshll.u32 s0, $0xA;
	s2 =	sadd.s32 s3, s2  }
0x8d: {  	s2 =	sadd.s32 s2, s17  }
0x8e: {  	[smem:$0x3FC0] =	sst s2  }
0x8f: {  	_ = 	snop  }
0x90: {  	s2 =	sld [smem:$0x3FD0];
	(tm) =	ssettm $0x1  }
0x91: {  	s18 =	sld [smem:$0x3FFB];
	_ =	sdelay $0x3  }
0x92: {  	_ =	strace s18  }
0x93: {  	s3 =	sld [smem:$0x3FFC];
	_ =	sdelay $0x3  }
0x94: {  	_ =	strace s3  }
0x95: {  	s3 =	sld [smem:$0x3FFD];
	_ =	sdelay $0x3  }
0x96: {  	_ =	strace s3  }
0x97: {  	_ =	strace $0x8FFFFFFF  }
0x98: {  	s19 =	sld [smem:$0x3FDB];
	_ =	sdelay $0x1  }
0x99: {  	s4 =	simm.s32 $_scs_section_size  }
0x9a: {  	s5 =	simm.s32 $_size__tile_overlayer_lowered;
	s6 =	simm.s32 $_tile_overlayer_lowered  }
0x9b: {  	s22 =	simm.s32 $0x1BFF;
	s21 =	sshll.u32 s6, $0x1;
	s3 =	sadd.s32 s4, s19  }
0x9c: {  	s7 =	simm.s32 $0x0;
	s20 =	sshll.u32 s5, $0x1;
	s5 =	sadd.s32 s21, s3  }
0x9d: {  	[timem:s7], [sflag:s22] =	dma.local [hbm:s5], s20  }
0x9e: {  	_ =	swait.ge [sflag:s22], s20  }
0x9f: {  	s4 =	ssub.s32 $0x0, s20;
	[sflag:s22] =	ssyncset.done $0x0  }
0xa0: {  	[sflag:s22] =	ssyncadd.s32 s4;
	_ =	sdelay $0x1  }
0xa1: {  	s23 =	simm.s32 $0x1B8B  }
0xa2: {  	_ =	swait.ge [sflag:s23], $0x1  }
0xa3: {  	[sflag:s23] =	ssyncset.done $0x0  }
0xa4: {  	s25 =	simm.s32 $0x1B8E;
	s24 =	sld [smem:$0x3FFE];
	[sflag:s23] =	ssyncadd.s32 $0xFFFFFFFF  }
0xa5: {  	s26 =	simm.s32 $execute0_lowered;
	[smem:$0x3FD2] =	sst s25  }
0xa6: {  	s5 =	sshll.u32 s26, $0x1;
	_ =	strace $0x80000046;
	[dreg:$0x1] =	wrdreg $0xFFFFFFFF  }
0xa7: {  	s28 =	simm.s32 $_size_execute0_lowered;
	s3 =	sadd.s32 s3, s5;
	[dreg:$0x0] =	wrdreg $0x0  }
0xa8: {  	s5 =	sshll.u32 s28, $0x1;
	[dreg:$0x2] =	wrdreg s3  }
0xa9: {  	[dreg:$0x3] =	wrdreg s5  }
0xaa: {  	[dreg:$0x4] =	wrdreg $0xC0  }
0xab: {  	_ =	task [dreg:s7], $0x5FFFF  }
0xac: {  	[dreg:$0x1] =	wrdreg $0xFFFFFFFF  }
0xad: {  	[dreg:$0x0] =	wrdreg $0x60  }
0xae: {  	[dreg:$0x2] =	wrdreg s24  }
0xaf: {  	[dreg:$0x3] =	wrdreg s2  }
0xb0: {  	[dreg:$0x4] =	wrdreg $0x2C000  }
0xb1: {  	[dreg:$0x5] =	wrdreg $0x9  }
0xb2: {  	_ =	task.clear_ibuf [dreg:s7], $0x6FFFF;
	_ =	strace $0x90000046  }
0xb3: {  	s29 =	simm.s32 $0x9;
	_ =	strace $0x80000048  }
0xb4: {  	_ =	swait.ge [sflag:s29], $0x1  }
0xb5: {  	[sflag:s29] =	ssyncadd.s32 $0xFFFFFFFF  }
0xb6: {  	_ =	strace $0x90000048  }
0xb7: {  	_ =	sfence  }
0xb8: {  	s30 =	sld [smem:$0x0];
	_ =	sdelay $0x2  }
0xb9: {  	s31 =	sshll.u32 s1, $0xD;
	s1 =	sshrl.u32 s1, $0x2  }
0xba: {  	s3 =	sand.u32 $0x4000, s31;
	s1 =	sadd.s32 s1, s30  }
0xbb: {  	s0 =	sor.u32 s3, s0;
	s1 =	sshll.u32 s1, $0x11  }
0xbc: {  	s0 =	sor.u32 s1, s0  }
0xbd: {  	s0 =	sadd.s32 $0x8F2B, s0  }
0xbe: {  	[sflag:s0] =	ssyncadd.remote.s32 $0x1  }
0xbf: {  	_ =	sfence.sel $0xFFFF  }
0xc0: {  	[dreg:$0x0] =	wrdreg $0xFFFFFFFF;
	(pc) =	sbr.abs _section_cstart, $3  }
0xc1: {  	[dreg:$0x1] =	wrdreg $0xFFFFFFFF  }
0xc2: {  	_ =	task.clear_ibuf [dreg:s7], $0x2FFFF;
	_ =	strace $0x9FFFFFFF  }
0xc3: {  	(tm) =	ssettm $0x7FFFFFFF  }
tec
execute0_lowered:
.L_overlay_start_1:
0x0: {  	(tag) =	ssettag $0x1  }
0x1: {  	s1 =	rddreg [dreg:$0x0]  }
0x2: {  	s2 =	rddreg [dreg:$0x2]  }
0x3: {  	s4 =	simm.s32 $0x0;
	s3 =	srdreg.scid;
	s10 =	stileid.u32  }
0x4: {  	s28 =	simm.s32 $0x180;
	s29 =	simm.s32 $0x200;
	s30 =	simm.s32 $0x5  }
0x5: {  	[smem:$0x7FF] =	sst s4;
	s0 =	sadd.s32 $0x2C00, s1;
	s5 =	smul.u32 $0x2800, s10  }
0x6: {  	s3 =	sand.u32 $0x1, s3;
	s6 =	sadd.s32 $0x16600, s1;
	s9 =	smul.u32 $0x50000, s10  }
0x7: {  	s14 =	sshll.u32 s10, $0x6;
	s17 =	smul.u32 $0x2710, s10;
	_ =	strace $0x80000047  }
0x8: {  	[dreg:$0xc] =	wrdreg s6;
	s11 =	smul.u32 $0x28000, s3;
	s7 =	sshll.u32 s3, $0x4  }
0x9: {  	s8 =	ssub.s32 $0x2, s3;
	s3 =	smul.u32 $0x27100, s3;
	s7 =	sor.u32 s10, s7  }
0xa: {  	s12 =	sshrl.u32 s8, $0x1;
	s13 =	sshrl.u32 s9, $0x2;
	s5 =	sadd.s32 s5, s11  }
0xb: {  	s7 =	smul.u32 $0x2710, s7;
	s6 =	sadd.s32 s13, s2;
	s3 =	sadd.s32 s17, s3  }
0xc: {  	s1 =	sadd.s32 s5, s1;
	s5 =	ssub.s32 s8, s12;
	[dreg:$0xd] =	wrdreg s6  }
0xd: {  	s10 =	sadd.s32 $0x4E660, s3;
	s11 =	sadd.s32 $0x4E610, s3;
	s15 =	sshrl.u32 s7, $0x3  }
0xe: {  	s7 =	sor.u32 $0x1C0D, s14;
	s9 =	sshrl.u32 s10, $0x3;
	s1 =	sadd.s32 $0x18E00, s1  }
0xf: {  	s13 =	sshrl.u32 s11, $0x3;
	s12 =	sadd.s32 s9, s0;
	[dreg:$0x1b] =	wrdreg s1  }
0x10: {  	s6 =	sadd.s32 s0, s15;
	s14 =	sadd.s32 s13, s0;
	[dreg:$0x5] =	wrdreg s12  }
0x11: {  	s31 =	simm.s32 $0x50;
	s8 =	sadd.s32 $0x9C40, s6;
	[dreg:$0x6] =	wrdreg s14  }
0x12: {  	s25 =	sadd.s32 $0x4E6B0, s3;
	s16 =	sadd.s32 $0x9C4A, s6;
	[dreg:$0xe] =	wrdreg s8  }
0x13: {  	s17 =	sadd.s32 $0x4E570, s3;
	s18 =	sadd.s32 $0x9C54, s6;
	[dreg:$0xf] =	wrdreg s16  }
0x14: {  	s10 =	simm.s32 $0x9;
	s19 =	sadd.s32 $0x9C5E, s6;
	[dreg:$0x10] =	wrdreg s18  }
0x15: {  	s11 =	simm.s32 $0x2;
	s20 =	sadd.s32 $0x9C68, s6;
	[dreg:$0x11] =	wrdreg s19  }
0x16: {  	s15 =	sadd.s32 $0x4E5C0, s3;
	s21 =	sadd.s32 $0x9C72, s6;
	[dreg:$0x12] =	wrdreg s20  }
0x17: {  	s9 =	sshrl.u32 s17, $0x3;
	s22 =	sadd.s32 $0x9C7C, s6;
	[dreg:$0x13] =	wrdreg s21  }
0x18: {  	s1 =	simm.s32 $0x300;
	s23 =	sadd.s32 $0x9C86, s6;
	[dreg:$0x14] =	wrdreg s22  }
0x19: {  	s13 =	simm.s32 $0x3;
	s24 =	sadd.s32 $0xA0F0, s6;
	[dreg:$0x15] =	wrdreg s23  }
0x1a: {  	s17 =	simm.s32 $0x0;
	s26 =	sadd.s32 $0xA0FA, s6;
	[dreg:$0x16] =	wrdreg s24  }
0x1b: {  	s12 =	simm.s32 $0xA;
	s14 =	simm.s32 $0xB;
	[dreg:$0x17] =	wrdreg s26  }
0x1c: {  	s8 =	sshrl.u32 s25, $0x3;
	s16 =	sshrl.u32 s15, $0x3;
	s18 =	sadd.s32 $0x4E520, s3  }
0x1d: {  	s19 =	sadd.s32 s9, s0;
	s21 =	sadd.s32 $0xA104, s6;
	s23 =	sadd.s32 $0xA10E, s6  }
0x1e: {  	s24 =	sadd.s32 $0x4E4D0, s3;
	s6 =	sadd.s32 $0xA118, s6;
	[dreg:$0x18] =	wrdreg s21  }
0x1f: {  	s3 =	sadd.s32 $0x4E480, s3;
	s9 =	simm.s32 $0x1;
	[dreg:$0x8] =	wrdreg s19  }
0x20: {  	s15 =	simm.s32 $0x4;
	s8 =	sadd.s32 s8, s0;
	[dreg:$0x19] =	wrdreg s23  }
0x21: {  	s20 =	sshrl.u32 s18, $0x3;
	[dreg:$0x1a] =	wrdreg s6;
	s25 =	sshrl.u32 s24, $0x3  }
0x22: {  	s3 =	sshrl.u32 s3, $0x3;
	s23 =	simm.s32 $0xD;
	s24 =	simm.s32 $0x400  }
0x23: {  	s6 =	simm.s32 $0x380;
	[dreg:$0x4] =	wrdreg s8;
	s8 =	sadd.s32 s16, s0  }
0x24: {  	s22 =	sadd.s32 s20, s0;
	s26 =	sadd.s32 s25, s0;
	[dreg:$0x7] =	wrdreg s8  }
0x25: {  	s0 =	sadd.s32 s3, s0;
	s25 =	simm.s32 $0x80;
	[dreg:$0x9] =	wrdreg s22  }
0x26: {  	s3 =	simm.s32 $0x6;
	s16 =	simm.s32 $0xC;
	[dreg:$0xa] =	wrdreg s26  }
0x27: {  	s22 =	smax.u32 s5, $0x1;
	[dreg:$0xb] =	wrdreg s0;
	s26 =	simm.s32 $0x100  }
0x28: {  	s0 =	simm.s32 $0x280;
	s5 =	simm.s32 $0x7;
	s8 =	simm.s32 $0x8  }
.LBB2_1:
0x29: {  	s18 =	rddreg [dreg:$0xd]  }
0x2a: {  	s19 =	rddreg [dreg:$0xc];
	s18 =	sshrl.u32 s18, $0x3  }
0x2b: {  	[spmem:s18], [sflag:s7] =	dma.local [hbm:s19], $0x2800  }
0x2c: {  	_ =	swait.ge [sflag:s23], $0x2800  }
0x2d: {  	[sflag:s23] =	ssyncset.done $0x0  }
0x2e: {  	[sflag:s23] =	ssyncadd.s32 $0xFFFFD800  }
0x2f: {  	s21 =	rddreg [dreg:$0x1]  }
0x30: {  	[tilespmem:s24], [sflag:$0xD] =	stream.linear.gather [hbm4b:s21+s4], $0x2800, $0x38;
	[tilespmem:$0x16C00] =	vst v63  }
0x31: {  	_ =	swait.ge [sflag:s23], $0x2800  }
0x32: {  	[sflag:s23] =	ssyncset.done $0x0  }
0x33: {  	[sflag:s23] =	ssyncadd.s32 $0xFFFFD800  }
0x34: {  	[bflag:$0x0] =	sbarrier.arrive $0xFFFF  }
0x35: {  	s20 =	rddreg [dreg:$0xe]  }
0x36: {  	[tilespmem:s4], [sflag:$0x5] =	stream.linear.gather [hbm4b:s20+s4], $0x50, $0x38;
	[tilespmem:$0x16C00] =	vst v63  }
0x37: {  	s21 =	rddreg [dreg:$0xf]  }
0x38: {  	[tilespmem:s25], [sflag:$0x6] =	stream.linear.gather [hbm4b:s21+s4], $0x50, $0x38;
	[tilespmem:$0x16C00] =	vst v63  }
0x39: {  	s20 =	rddreg [dreg:$0x10]  }
0x3a: {  	[tilespmem:s26], [sflag:$0x7] =	stream.linear.gather [hbm4b:s20+s4], $0x50, $0x38;
	[tilespmem:$0x16C00] =	vst v63  }
0x3b: {  	s21 =	rddreg [dreg:$0x11]  }
0x3c: {  	[tilespmem:s28], [sflag:$0x8] =	stream.linear.gather [hbm4b:s21+s4], $0x50, $0x38;
	[tilespmem:$0x16C00] =	vst v63  }
0x3d: {  	s20 =	rddreg [dreg:$0x12]  }
0x3e: {  	[tilespmem:s29], [sflag:$0x9] =	stream.linear.gather [hbm4b:s20+s4], $0x50, $0x38;
	[tilespmem:$0x16C00] =	vst v63  }
0x3f: {  	_ =	swait.ge [sflag:s30], $0x50  }
0x40: {  	[sflag:s30] =	ssyncset.done $0x0  }
0x41: {  	[sflag:s30] =	ssyncadd.s32 $0xFFFFFFB0  }
0x42: {  	[spmem:s2] =	stream.indirect.scatter.add.f32 [tilespmem:s24], [sflag:$0x1], $0x80, s4, s31, $0xb8;
	[tilespmem:$0x16C00] =	vst v63  }
0x43: {  	s21 =	rddreg [dreg:$0x13]  }
0x44: {  	[tilespmem:s0], [sflag:$0xA] =	stream.linear.gather [hbm4b:s21+s4], $0x50, $0x38;
	[tilespmem:$0x16C00] =	vst v63  }
0x45: {  	_ =	swait.ge [sflag:s3], $0x50  }
0x46: {  	[sflag:s3] =	ssyncset.done $0x0  }
0x47: {  	[sflag:s3] =	ssyncadd.s32 $0xFFFFFFB0  }
0x48: {  	[spmem:s2] =	stream.indirect.scatter.add.f32 [tilespmem:s24], [sflag:$0x2], $0x80, s25, s31, $0xb8;
	[tilespmem:$0x16C00] =	vst v63  }
0x49: {  	s20 =	rddreg [dreg:$0x14]  }
0x4a: {  	[tilespmem:s1], [sflag:$0xB] =	stream.linear.gather [hbm4b:s20+s4], $0x50, $0x38;
	[tilespmem:$0x16C00] =	vst v63  }
0x4b: {  	_ =	swait.ge [sflag:s5], $0x50  }
0x4c: {  	[sflag:s5] =	ssyncset.done $0x0  }
0x4d: {  	[sflag:s5] =	ssyncadd.s32 $0xFFFFFFB0  }
0x4e: {  	[spmem:s2] =	stream.indirect.scatter.add.f32 [tilespmem:s24], [sflag:$0x3], $0x80, s26, s31, $0xb8;
	[tilespmem:$0x16C00] =	vst v63  }
0x4f: {  	s21 =	rddreg [dreg:$0x15]  }
0x50: {  	[tilespmem:s6], [sflag:$0xC] =	stream.linear.gather [hbm4b:s21+s4], $0x50, $0x38;
	[tilespmem:$0x16C00] =	vst v63  }
0x51: {  	_ =	swait.ge [sflag:s8], $0x50  }
0x52: {  	[sflag:s8] =	ssyncset.done $0x0  }
0x53: {  	[sflag:s8] =	ssyncadd.s32 $0xFFFFFFB0  }
0x54: {  	[spmem:s2] =	stream.indirect.scatter.add.f32 [tilespmem:s24], [sflag:$0x4], $0x80, s28, s31, $0xb8;
	[tilespmem:$0x16C00] =	vst v63  }
0x55: {  	_ =	swait.ge [sflag:s9], $0x2800  }
0x56: {  	s20 =	rddreg [dreg:$0xb];
	[sflag:s9] =	ssyncset.done $0x0  }
0x57: {  	[sflag:s9] =	ssyncadd.s32 $0xFFFFD800;
	s19 =	sadd.s32 $0x0, s20  }
0x58: {  	[tilespmem:s4], [sflag:$0x5] =	stream.linear.gather [hbm4b:s19+s4], $0x50, $0x38;
	[tilespmem:$0x16C00] =	vst v63  }
0x59: {  	_ =	swait.ge [sflag:s10], $0x50  }
0x5a: {  	[sflag:s10] =	ssyncset.done $0x0  }
0x5b: {  	[sflag:s10] =	ssyncadd.s32 $0xFFFFFFB0  }
0x5c: {  	[spmem:s2] =	stream.indirect.scatter.add.f32 [tilespmem:s24], [sflag:$0x1], $0x80, s29, s31, $0xb8;
	[tilespmem:$0x16C00] =	vst v63  }
0x5d: {  	_ =	swait.ge [sflag:s11], $0x2800  }
0x5e: {  	s21 =	rddreg [dreg:$0xa];
	[sflag:s11] =	ssyncset.done $0x0  }
0x5f: {  	[sflag:s11] =	ssyncadd.s32 $0xFFFFD800;
	s19 =	sadd.s32 $0x0, s21  }
0x60: {  	[tilespmem:s25], [sflag:$0x6] =	stream.linear.gather [hbm4b:s19+s4], $0x50, $0x38;
	[tilespmem:$0x16C00] =	vst v63  }
0x61: {  	_ =	swait.ge [sflag:s12], $0x50  }
0x62: {  	[sflag:s12] =	ssyncset.done $0x0  }
0x63: {  	[sflag:s12] =	ssyncadd.s32 $0xFFFFFFB0  }
0x64: {  	[spmem:s2] =	stream.indirect.scatter.add.f32 [tilespmem:s24], [sflag:$0x2], $0x80, s0, s31, $0xb8;
	[tilespmem:$0x16C00] =	vst v63  }
0x65: {  	_ =	swait.ge [sflag:s13], $0x2800  }
0x66: {  	s20 =	rddreg [dreg:$0x9];
	[sflag:s13] =	ssyncset.done $0x0  }
0x67: {  	[sflag:s13] =	ssyncadd.s32 $0xFFFFD800;
	s19 =	sadd.s32 $0x0, s20  }
0x68: {  	[tilespmem:s26], [sflag:$0x7] =	stream.linear.gather [hbm4b:s19+s4], $0x50, $0x38;
	[tilespmem:$0x16C00] =	vst v63  }
0x69: {  	_ =	swait.ge [sflag:s14], $0x50  }
0x6a: {  	[sflag:s14] =	ssyncset.done $0x0  }
0x6b: {  	[sflag:s14] =	ssyncadd.s32 $0xFFFFFFB0  }
0x6c: {  	[spmem:s2] =	stream.indirect.scatter.add.f32 [tilespmem:s24], [sflag:$0x3], $0x80, s1, s31, $0xb8;
	[tilespmem:$0x16C00] =	vst v63  }
0x6d: {  	_ =	swait.ge [sflag:s15], $0x2800  }
0x6e: {  	s21 =	rddreg [dreg:$0x8];
	[sflag:s15] =	ssyncset.done $0x0  }
0x6f: {  	[sflag:s15] =	ssyncadd.s32 $0xFFFFD800;
	s19 =	sadd.s32 $0x0, s21  }
0x70: {  	[tilespmem:s28], [sflag:$0x8] =	stream.linear.gather [hbm4b:s19+s4], $0x50, $0x38;
	[tilespmem:$0x16C00] =	vst v63  }
0x71: {  	_ =	swait.ge [sflag:s16], $0x50  }
0x72: {  	[sflag:s16] =	ssyncset.done $0x0  }
0x73: {  	[sflag:s16] =	ssyncadd.s32 $0xFFFFFFB0  }
0x74: {  	[spmem:s2] =	stream.indirect.scatter.add.f32 [tilespmem:s24], [sflag:$0x4], $0x80, s6, s31, $0xb8;
	[tilespmem:$0x16C00] =	vst v63  }
0x75: {  	_ =	swait.ge [sflag:s9], $0x2800  }
0x76: {  	s20 =	rddreg [dreg:$0x7];
	[sflag:s9] =	ssyncset.done $0x0  }
0x77: {  	[sflag:s9] =	ssyncadd.s32 $0xFFFFD800;
	s19 =	sadd.s32 $0x0, s20  }
0x78: {  	[tilespmem:s29], [sflag:$0x9] =	stream.linear.gather [hbm4b:s19+s4], $0x50, $0x38;
	[tilespmem:$0x16C00] =	vst v63  }
0x79: {  	_ =	swait.ge [sflag:s30], $0x50  }
0x7a: {  	[sflag:s30] =	ssyncset.done $0x0  }
0x7b: {  	[sflag:s30] =	ssyncadd.s32 $0xFFFFFFB0  }
0x7c: {  	[spmem:s2] =	stream.indirect.scatter.add.f32 [tilespmem:s24], [sflag:$0x1], $0x80, s4, s31, $0xb8;
	[tilespmem:$0x16C00] =	vst v63  }
0x7d: {  	_ =	swait.ge [sflag:s11], $0x2800  }
0x7e: {  	s21 =	rddreg [dreg:$0x6];
	[sflag:s11] =	ssyncset.done $0x0  }
0x7f: {  	[sflag:s11] =	ssyncadd.s32 $0xFFFFD800;
	s19 =	sadd.s32 $0x0, s21  }
0x80: {  	[tilespmem:s0], [sflag:$0xA] =	stream.linear.gather [hbm4b:s19+s4], $0x50, $0x38;
	[tilespmem:$0x16C00] =	vst v63  }
0x81: {  	_ =	swait.ge [sflag:s3], $0x50  }
0x82: {  	[sflag:s3] =	ssyncset.done $0x0  }
0x83: {  	[sflag:s3] =	ssyncadd.s32 $0xFFFFFFB0  }
0x84: {  	[spmem:s2] =	stream.indirect.scatter.add.f32 [tilespmem:s24], [sflag:$0x2], $0x80, s25, s31, $0xb8;
	[tilespmem:$0x16C00] =	vst v63  }
0x85: {  	_ =	swait.ge [sflag:s13], $0x2800  }
0x86: {  	s20 =	rddreg [dreg:$0x5];
	[sflag:s13] =	ssyncset.done $0x0  }
0x87: {  	[sflag:s13] =	ssyncadd.s32 $0xFFFFD800;
	s19 =	sadd.s32 $0x0, s20  }
0x88: {  	[tilespmem:s1], [sflag:$0xB] =	stream.linear.gather [hbm4b:s19+s4], $0x50, $0x38;
	[tilespmem:$0x16C00] =	vst v63  }
0x89: {  	_ =	swait.ge [sflag:s5], $0x50  }
0x8a: {  	[sflag:s5] =	ssyncset.done $0x0  }
0x8b: {  	[sflag:s5] =	ssyncadd.s32 $0xFFFFFFB0  }
0x8c: {  	[spmem:s2] =	stream.indirect.scatter.add.f32 [tilespmem:s24], [sflag:$0x3], $0x80, s26, s31, $0xb8;
	[tilespmem:$0x16C00] =	vst v63  }
0x8d: {  	_ =	swait.ge [sflag:s15], $0x2800  }
0x8e: {  	s21 =	rddreg [dreg:$0x4];
	[sflag:s15] =	ssyncset.done $0x0  }
0x8f: {  	[sflag:s15] =	ssyncadd.s32 $0xFFFFD800;
	s19 =	sadd.s32 $0x0, s21  }
0x90: {  	[tilespmem:s6], [sflag:$0xC] =	stream.linear.gather [hbm4b:s19+s4], $0x50, $0x38;
	[tilespmem:$0x16C00] =	vst v63  }
0x91: {  	_ =	swait.ge [sflag:s8], $0x50  }
0x92: {  	[sflag:s8] =	ssyncset.done $0x0  }
0x93: {  	s19 =	simm.s32 $0x50;
	[sflag:s8] =	ssyncadd.s32 $0xFFFFFFB0  }
.LBB2_2:
0x94: {  	[spmem:s2] =	stream.indirect.scatter.add.f32 [tilespmem:s24], [sflag:$0x4], $0x80, s28, s31, $0xb8;
	[tilespmem:$0x16C00] =	vst v63  }
0x95: {  	_ =	swait.ge [sflag:s9], $0x2800  }
0x96: {  	s20 =	smov.u32 s19;
	s21 =	rddreg [dreg:$0xb];
	[sflag:s9] =	ssyncset.done $0x0  }
0x97: {  	[sflag:s9] =	ssyncadd.s32 $0xFFFFD800;
	s21 =	sadd.s32 s20, s21  }
0x98: {  	[tilespmem:s4], [sflag:$0x5] =	stream.linear.gather [hbm4b:s21+s4], $0x50, $0x38;
	[tilespmem:$0x16C00] =	vst v63  }
0x99: {  	_ =	swait.ge [sflag:s10], $0x50  }
0x9a: {  	[sflag:s10] =	ssyncset.done $0x0  }
0x9b: {  	[sflag:s10] =	ssyncadd.s32 $0xFFFFFFB0  }
0x9c: {  	[spmem:s2] =	stream.indirect.scatter.add.f32 [tilespmem:s24], [sflag:$0x1], $0x80, s29, s31, $0xb8;
	[tilespmem:$0x16C00] =	vst v63  }
0x9d: {  	_ =	swait.ge [sflag:s11], $0x2800  }
0x9e: {  	s21 =	rddreg [dreg:$0xa];
	[sflag:s11] =	ssyncset.done $0x0  }
0x9f: {  	[sflag:s11] =	ssyncadd.s32 $0xFFFFD800;
	s21 =	sadd.s32 s20, s21  }
0xa0: {  	[tilespmem:s25], [sflag:$0x6] =	stream.linear.gather [hbm4b:s21+s4], $0x50, $0x38;
	[tilespmem:$0x16C00] =	vst v63  }
0xa1: {  	_ =	swait.ge [sflag:s12], $0x50  }
0xa2: {  	[sflag:s12] =	ssyncset.done $0x0  }
0xa3: {  	[sflag:s12] =	ssyncadd.s32 $0xFFFFFFB0  }
0xa4: {  	[spmem:s2] =	stream.indirect.scatter.add.f32 [tilespmem:s24], [sflag:$0x2], $0x80, s0, s31, $0xb8;
	[tilespmem:$0x16C00] =	vst v63  }
0xa5: {  	_ =	swait.ge [sflag:s13], $0x2800  }
0xa6: {  	s21 =	rddreg [dreg:$0x9];
	[sflag:s13] =	ssyncset.done $0x0  }
0xa7: {  	[sflag:s13] =	ssyncadd.s32 $0xFFFFD800;
	s21 =	sadd.s32 s20, s21  }
0xa8: {  	[tilespmem:s26], [sflag:$0x7] =	stream.linear.gather [hbm4b:s21+s4], $0x50, $0x38;
	[tilespmem:$0x16C00] =	vst v63  }
0xa9: {  	_ =	swait.ge [sflag:s14], $0x50  }
0xaa: {  	[sflag:s14] =	ssyncset.done $0x0  }
0xab: {  	[sflag:s14] =	ssyncadd.s32 $0xFFFFFFB0  }
0xac: {  	[spmem:s2] =	stream.indirect.scatter.add.f32 [tilespmem:s24], [sflag:$0x3], $0x80, s1, s31, $0xb8;
	[tilespmem:$0x16C00] =	vst v63  }
0xad: {  	_ =	swait.ge [sflag:s15], $0x2800  }
0xae: {  	s21 =	rddreg [dreg:$0x8];
	[sflag:s15] =	ssyncset.done $0x0  }
0xaf: {  	[sflag:s15] =	ssyncadd.s32 $0xFFFFD800;
	s21 =	sadd.s32 s20, s21  }
0xb0: {  	[tilespmem:s28], [sflag:$0x8] =	stream.linear.gather [hbm4b:s21+s4], $0x50, $0x38;
	[tilespmem:$0x16C00] =	vst v63  }
0xb1: {  	_ =	swait.ge [sflag:s16], $0x50  }
0xb2: {  	[sflag:s16] =	ssyncset.done $0x0  }
0xb3: {  	[sflag:s16] =	ssyncadd.s32 $0xFFFFFFB0  }
0xb4: {  	[spmem:s2] =	stream.indirect.scatter.add.f32 [tilespmem:s24], [sflag:$0x4], $0x80, s6, s31, $0xb8;
	[tilespmem:$0x16C00] =	vst v63  }
0xb5: {  	_ =	swait.ge [sflag:s9], $0x2800  }
0xb6: {  	s21 =	rddreg [dreg:$0x7];
	[sflag:s9] =	ssyncset.done $0x0  }
0xb7: {  	[sflag:s9] =	ssyncadd.s32 $0xFFFFD800;
	s21 =	sadd.s32 s20, s21  }
0xb8: {  	[tilespmem:s29], [sflag:$0x9] =	stream.linear.gather [hbm4b:s21+s4], $0x50, $0x38;
	[tilespmem:$0x16C00] =	vst v63  }
0xb9: {  	_ =	swait.ge [sflag:s30], $0x50  }
0xba: {  	[sflag:s30] =	ssyncset.done $0x0  }
0xbb: {  	[sflag:s30] =	ssyncadd.s32 $0xFFFFFFB0  }
0xbc: {  	[spmem:s2] =	stream.indirect.scatter.add.f32 [tilespmem:s24], [sflag:$0x1], $0x80, s4, s31, $0xb8;
	[tilespmem:$0x16C00] =	vst v63  }
0xbd: {  	_ =	swait.ge [sflag:s11], $0x2800  }
0xbe: {  	s21 =	rddreg [dreg:$0x6];
	[sflag:s11] =	ssyncset.done $0x0  }
0xbf: {  	[sflag:s11] =	ssyncadd.s32 $0xFFFFD800;
	s21 =	sadd.s32 s20, s21  }
0xc0: {  	[tilespmem:s0], [sflag:$0xA] =	stream.linear.gather [hbm4b:s21+s4], $0x50, $0x38;
	[tilespmem:$0x16C00] =	vst v63  }
0xc1: {  	_ =	swait.ge [sflag:s3], $0x50  }
0xc2: {  	[sflag:s3] =	ssyncset.done $0x0  }
0xc3: {  	[sflag:s3] =	ssyncadd.s32 $0xFFFFFFB0  }
0xc4: {  	[spmem:s2] =	stream.indirect.scatter.add.f32 [tilespmem:s24], [sflag:$0x2], $0x80, s25, s31, $0xb8;
	[tilespmem:$0x16C00] =	vst v63  }
0xc5: {  	_ =	swait.ge [sflag:s13], $0x2800  }
0xc6: {  	s21 =	rddreg [dreg:$0x5];
	[sflag:s13] =	ssyncset.done $0x0  }
0xc7: {  	[sflag:s13] =	ssyncadd.s32 $0xFFFFD800;
	s21 =	sadd.s32 s20, s21  }
0xc8: {  	[tilespmem:s1], [sflag:$0xB] =	stream.linear.gather [hbm4b:s21+s4], $0x50, $0x38;
	[tilespmem:$0x16C00] =	vst v63  }
0xc9: {  	_ =	swait.ge [sflag:s5], $0x50  }
0xca: {  	[sflag:s5] =	ssyncset.done $0x0  }
0xcb: {  	[sflag:s5] =	ssyncadd.s32 $0xFFFFFFB0  }
0xcc: {  	[spmem:s2] =	stream.indirect.scatter.add.f32 [tilespmem:s24], [sflag:$0x3], $0x80, s26, s31, $0xb8;
	[tilespmem:$0x16C00] =	vst v63  }
0xcd: {  	_ =	swait.ge [sflag:s15], $0x2800  }
0xce: {  	p0 =	sne.s32 s19, $0x410;
	s21 =	rddreg [dreg:$0x4];
	[sflag:s15] =	ssyncset.done $0x0  }
.Ltmp0:
0xcf: {  	[sflag:s15] =	ssyncadd.s32 $0xFFFFD800;
	s20 =	sadd.s32 s20, s21;
	(pc) =	sbr.rel @p0 .LBB2_2-.Ltmp0, $4  }
0xd0: {  	[tilespmem:s6], [sflag:$0xC] =	stream.linear.gather [hbm4b:s20+s4], $0x50, $0x38;
	[tilespmem:$0x16C00] =	vst v63  }
0xd1: {  	_ =	swait.ge [sflag:s8], $0x50  }
0xd2: {  	[sflag:s8] =	ssyncset.done $0x0  }
0xd3: {  	s19 =	sadd.s32 $0x50, s19;
	[sflag:s8] =	ssyncadd.s32 $0xFFFFFFB0  }
0xd4: {  	[spmem:s2] =	stream.indirect.scatter.add.f32 [tilespmem:s24], [sflag:$0x4], $0x80, s28, s31, $0xb8;
	[tilespmem:$0x16C00] =	vst v63  }
0xd5: {  	_ =	swait.ge [sflag:s9], $0x2800  }
0xd6: {  	[sflag:s9] =	ssyncset.done $0x0  }
0xd7: {  	s19 =	rddreg [dreg:$0x16];
	[sflag:s9] =	ssyncadd.s32 $0xFFFFD800  }
0xd8: {  	[tilespmem:s4], [sflag:$0x5] =	stream.linear.gather [hbm4b:s19+s4], $0x50, $0x38;
	[tilespmem:$0x16C00] =	vst v63  }
0xd9: {  	_ =	swait.ge [sflag:s10], $0x50  }
0xda: {  	[sflag:s10] =	ssyncset.done $0x0  }
0xdb: {  	[sflag:s10] =	ssyncadd.s32 $0xFFFFFFB0  }
0xdc: {  	[spmem:s2] =	stream.indirect.scatter.add.f32 [tilespmem:s24], [sflag:$0x1], $0x80, s29, s31, $0xb8;
	[tilespmem:$0x16C00] =	vst v63  }
0xdd: {  	_ =	swait.ge [sflag:s11], $0x2800  }
0xde: {  	[sflag:s11] =	ssyncset.done $0x0  }
0xdf: {  	s21 =	rddreg [dreg:$0x17];
	[sflag:s11] =	ssyncadd.s32 $0xFFFFD800  }
0xe0: {  	[tilespmem:s25], [sflag:$0x6] =	stream.linear.gather [hbm4b:s21+s4], $0x50, $0x38;
	[tilespmem:$0x16C00] =	vst v63  }
0xe1: {  	_ =	swait.ge [sflag:s12], $0x50  }
0xe2: {  	[sflag:s12] =	ssyncset.done $0x0  }
0xe3: {  	[sflag:s12] =	ssyncadd.s32 $0xFFFFFFB0  }
0xe4: {  	[spmem:s2] =	stream.indirect.scatter.add.f32 [tilespmem:s24], [sflag:$0x2], $0x80, s0, s31, $0xb8;
	[tilespmem:$0x16C00] =	vst v63  }
0xe5: {  	_ =	swait.ge [sflag:s13], $0x2800  }
0xe6: {  	[sflag:s13] =	ssyncset.done $0x0  }
0xe7: {  	s20 =	rddreg [dreg:$0x18];
	[sflag:s13] =	ssyncadd.s32 $0xFFFFD800  }
0xe8: {  	[tilespmem:s26], [sflag:$0x7] =	stream.linear.gather [hbm4b:s20+s4], $0x50, $0x38;
	[tilespmem:$0x16C00] =	vst v63  }
0xe9: {  	_ =	swait.ge [sflag:s14], $0x50  }
0xea: {  	[sflag:s14] =	ssyncset.done $0x0  }
0xeb: {  	[sflag:s14] =	ssyncadd.s32 $0xFFFFFFB0  }
0xec: {  	[spmem:s2] =	stream.indirect.scatter.add.f32 [tilespmem:s24], [sflag:$0x3], $0x80, s1, s31, $0xb8;
	[tilespmem:$0x16C00] =	vst v63  }
0xed: {  	_ =	swait.ge [sflag:s15], $0x2800  }
0xee: {  	[sflag:s15] =	ssyncset.done $0x0  }
0xef: {  	s21 =	rddreg [dreg:$0x19];
	[sflag:s15] =	ssyncadd.s32 $0xFFFFD800  }
0xf0: {  	[tilespmem:s28], [sflag:$0x8] =	stream.linear.gather [hbm4b:s21+s4], $0x50, $0x38;
	[tilespmem:$0x16C00] =	vst v63  }
0xf1: {  	_ =	swait.ge [sflag:s16], $0x50  }
0xf2: {  	[sflag:s16] =	ssyncset.done $0x0  }
0xf3: {  	[sflag:s16] =	ssyncadd.s32 $0xFFFFFFB0  }
0xf4: {  	[spmem:s2] =	stream.indirect.scatter.add.f32 [tilespmem:s24], [sflag:$0x4], $0x80, s6, s31, $0xb8;
	[tilespmem:$0x16C00] =	vst v63  }
0xf5: {  	_ =	swait.ge [sflag:s9], $0x2800  }
0xf6: {  	[sflag:s9] =	ssyncset.done $0x0  }
0xf7: {  	s20 =	rddreg [dreg:$0x1a];
	[sflag:s9] =	ssyncadd.s32 $0xFFFFD800  }
0xf8: {  	[tilespmem:s29], [sflag:$0x9] =	stream.linear.gather [hbm4b:s20+s4], $0x50, $0x38;
	[tilespmem:$0x16C00] =	vst v63  }
0xf9: {  	_ =	swait.ge [sflag:s30], $0x50  }
0xfa: {  	[sflag:s30] =	ssyncset.done $0x0  }
0xfb: {  	[sflag:s30] =	ssyncadd.s32 $0xFFFFFFB0  }
0xfc: {  	[spmem:s2] =	stream.indirect.scatter.add.f32 [tilespmem:s24], [sflag:$0x1], $0x80, s4, s31, $0xb8;
	[tilespmem:$0x16C00] =	vst v63  }
0xfd: {  	_ =	swait.ge [sflag:s11], $0x2800  }
0xfe: {  	[sflag:s11] =	ssyncset.done $0x0  }
0xff: {  	[sflag:s11] =	ssyncadd.s32 $0xFFFFD800  }
0x100: {  	_ =	swait.ge [sflag:s3], $0x50  }
0x101: {  	[sflag:s3] =	ssyncset.done $0x0  }
0x102: {  	[sflag:s3] =	ssyncadd.s32 $0xFFFFFFB0  }
0x103: {  	[spmem:s2] =	stream.indirect.scatter.add.f32 [tilespmem:s24], [sflag:$0x2], $0x80, s25, s31, $0xb8;
	[tilespmem:$0x16C00] =	vst v63  }
0x104: {  	_ =	swait.ge [sflag:s13], $0x2800  }
0x105: {  	[sflag:s13] =	ssyncset.done $0x0  }
0x106: {  	[sflag:s13] =	ssyncadd.s32 $0xFFFFD800  }
0x107: {  	_ =	swait.ge [sflag:s5], $0x50  }
0x108: {  	[sflag:s5] =	ssyncset.done $0x0  }
0x109: {  	[sflag:s5] =	ssyncadd.s32 $0xFFFFFFB0  }
0x10a: {  	[spmem:s2] =	stream.indirect.scatter.add.f32 [tilespmem:s24], [sflag:$0x3], $0x80, s26, s31, $0xb8;
	[tilespmem:$0x16C00] =	vst v63  }
0x10b: {  	_ =	swait.ge [sflag:s15], $0x2800  }
0x10c: {  	[sflag:s15] =	ssyncset.done $0x0  }
0x10d: {  	[sflag:s15] =	ssyncadd.s32 $0xFFFFD800  }
0x10e: {  	_ =	swait.ge [sflag:s8], $0x50  }
0x10f: {  	[sflag:s8] =	ssyncset.done $0x0  }
0x110: {  	[sflag:s8] =	ssyncadd.s32 $0xFFFFFFB0  }
0x111: {  	[spmem:s2] =	stream.indirect.scatter.add.f32 [tilespmem:s24], [sflag:$0x4], $0x80, s28, s31, $0xb8;
	[tilespmem:$0x16C00] =	vst v63  }
0x112: {  	_ =	swait.ge [sflag:s9], $0x2800  }
0x113: {  	[sflag:s9] =	ssyncset.done $0x0  }
0x114: {  	[sflag:s9] =	ssyncadd.s32 $0xFFFFD800  }
0x115: {  	_ =	swait.ge [sflag:s10], $0x50  }
0x116: {  	[sflag:s10] =	ssyncset.done $0x0  }
0x117: {  	[sflag:s10] =	ssyncadd.s32 $0xFFFFFFB0  }
0x118: {  	[spmem:s2] =	stream.indirect.scatter.add.f32 [tilespmem:s24], [sflag:$0x1], $0x80, s29, s31, $0xb8;
	[tilespmem:$0x16C00] =	vst v63  }
0x119: {  	_ =	swait.ge [sflag:s11], $0x2800  }
0x11a: {  	[sflag:s11] =	ssyncset.done $0x0  }
0x11b: {  	[sflag:s11] =	ssyncadd.s32 $0xFFFFD800  }
0x11c: {  	_ =	swait.ge [sflag:s13], $0x2800  }
0x11d: {  	[sflag:s13] =	ssyncset.done $0x0  }
0x11e: {  	[sflag:s13] =	ssyncadd.s32 $0xFFFFD800  }
0x11f: {  	_ =	swait.ge [sflag:s15], $0x2800  }
0x120: {  	[sflag:s15] =	ssyncset.done $0x0  }
0x121: {  	[sflag:s15] =	ssyncadd.s32 $0xFFFFD800  }
0x122: {  	_ =	swait.ge [sflag:s9], $0x2800  }
0x123: {  	[sflag:s9] =	ssyncset.done $0x0  }
0x124: {  	s17 =	sadd.s32 $0x1, s17;
	[sflag:s9] =	ssyncadd.s32 $0xFFFFD800  }
0x125: {  	p0 =	sne.s32 s17, s22;
	[bflag:$0x0] =	sbarrier.arrive $0xFFFF  }
.Ltmp1:
0x126: {  	s21 =	rddreg [dreg:$0x1b];
	(pc) =	sbr.rel @p0 .LBB2_1-.Ltmp1, $4  }
0x127: {  	[hbm:s21], [sflag:s7] =	dma.local [spmem:s18], $0x2800  }
0x128: {  	_ =	swait.ge [sflag:s23], $0x2800  }
0x129: {  	[sflag:s23] =	ssyncset.done $0x0  }
0x12a: {  	[sflag:s23] =	ssyncadd.s32 $0xFFFFD800  }
0x12b: {  	_ =	sfence.sel $0x180000  }
0x12c: {  	[bflag:$0x0] =	sbarrier.arrive $0xFFFF  }
0x12d: {  	_ =	strace $0x90000047  }
0x12e: {  	s0 =	stileid.u32;
	[bflag:$0x2] =	sbarrier.arrive $0xFFFF  }
0x12f: {  	p0 =	sne.s32 s0, $0x0;
	s0 =	rddreg [dreg:$0x3]  }
0x130: {  	s0 =	sadd.s32 @!p0 $0x100000, s0  }
0x131: {  	[sflag:s0] =	ssyncadd.tile.s32 @!p0 $0x1;
	_ =	shalt  }
.Lfunc_end2:
_tile_overlayer_lowered:
.L_overlay_start_2:
0x132: {  	(tag) =	ssettag $0x2  }
0x133: {  	s0 =	rddreg [dreg:$0x0];
	s2 =	stileid.u32  }
0x134: {  	s1 =	rddreg [dreg:$0x1];
	p0 =	sne.s32 s2, $0x0  }
0x135: {  	s3 =	rddreg [dreg:$0x2];
	[bflag:$0x3] =	sbarrier.arrive $0xFFFF;
	s2 =	simm.s32 @!p0 $0x1C0D  }
0x136: {  	[timem:s3], [sflag:s2] =	dma.local @!p0 [hbm:s0], s1  }
0x137: {  	s0 =	simm.s32 @!p0 $0xD  }
0x138: {  	_ =	swait.ge @!p0 [sflag:s0], s1  }
0x139: {  	s1 =	ssub.s32 @!p0 $0x0, s1;
	[sflag:s0] =	ssyncset.done @!p0 $0x0  }
0x13a: {  	[sflag:s0] =	ssyncadd.s32 @!p0 s1  }
0x13b: {  	[bflag:$0x3] =	sbarrier.arrive $0xFFFF  }
0x13c: {  	_ =	shalt  }

</sc_bundles>
